<compile_context>
chip_gen: v7x
topology: tpu7x:2x2x1
jax: 0.10.2.dev20260603
libtpu: 0.0.44.dev20260713+nightly
codegen_flags: <defaults>
</compile_context>

<pallas_src>
import jax
import jax.numpy as jnp
from jax import lax
from jax.experimental import pallas as pl
from jax.experimental.pallas import tpu as pltpu
from jax.experimental.pallas import tpu_sc as plsc

_N = 10000
_E = 320000
_D = 128
_DE = 16
_H = 128

_NC = 2
_NS = 16
_NW = _NC * _NS
_EW = _E // _NW
_CH = 80
_NCH = _EW // _CH
_RPT = 624
_RREM = _N - _NS * _RPT
_SS = 25
_NSS = _NCH // _SS

_mesh = plsc.VectorSubcoreMesh(core_axis_name="c", subcore_axis_name="s")



def _deg_body(dst_hbm, out_hbm, idx_v, acc_v):
    w = lax.axis_index("s") * _NC + lax.axis_index("c")
    zeros = jnp.zeros((16,), jnp.float32)

    def zero(i, c):
        acc_v[pl.ds(i * 16, 16)] = zeros
        return c

    lax.fori_loop(0, _N // 16, zero, 0)
    pltpu.sync_copy(dst_hbm.at[w], idx_v)
    ones = jnp.ones((16,), jnp.float32)

    def body(i, c):
        idx = idx_v[pl.ds(i * 16, 16)]
        plsc.addupdate_scatter(acc_v, [idx], ones)
        return c

    lax.fori_loop(0, _EW // 16, body, 0)
    pltpu.sync_copy(acc_v, out_hbm.at[w])


_deg_call = pl.kernel(
    _deg_body,
    out_type=jax.ShapeDtypeStruct((_NW, _N), jnp.float32),
    mesh=_mesh,
    compiler_params=pltpu.CompilerParams(needs_layout_passes=False),
    scratch_types=[
        pltpu.VMEM((_EW,), jnp.int32),
        pltpu.VMEM((_N,), jnp.float32),
    ],
)



def _seg_body(y_hbm, z_hbm, sidx_hbm, didx_hbm, out_hbm,
              sidx_v, didx_v, b0, b1, b2, b3, acc_sh, sm0, sm1, sm2, sm3):
    c = lax.axis_index("c")
    s = lax.axis_index("s")
    w = s * _NC + c
    r0 = s * _RPT

    @pl.when(c == 0)
    def _():
        pltpu.sync_copy(y_hbm.at[pl.ds(r0, _RPT)], acc_sh.at[pl.ds(r0, _RPT)])

    @pl.when(c != 0)
    def _():
        pltpu.sync_copy(z_hbm.at[pl.ds(r0, _RPT)], acc_sh.at[pl.ds(r0, _RPT)])

    rtail = _NS * _RPT

    @pl.when((c == 0) & (s == 0))
    def _():
        pltpu.sync_copy(y_hbm.at[pl.ds(rtail, _RREM)],
                        acc_sh.at[pl.ds(rtail, _RREM)])

    @pl.when((c != 0) & (s == 0))
    def _():
        pltpu.sync_copy(z_hbm.at[pl.ds(rtail, _RREM)],
                        acc_sh.at[pl.ds(rtail, _RREM)])

    plsc.subcore_barrier()

    bufs = (b0, b1, b2, b3)
    sems = (sm0, sm1, sm2, sm3)

    def gath(j, i):
        pltpu.async_copy(y_hbm.at[sidx_v.at[j]], bufs[i], sems[i])

    def wait(j, i):
        pltpu.make_async_copy(y_hbm.at[sidx_v.at[j]], bufs[i], sems[i]).wait()

    def scat(j, i):
        pltpu.sync_copy(bufs[i], acc_sh.at[didx_v.at[j]], add=True)

    def super_body(ss, carry):
        pltpu.sync_copy(sidx_hbm.at[w, ss], sidx_v)
        pltpu.sync_copy(didx_hbm.at[w, ss], didx_v)
        for o in range(4):
            gath(o, o)

        def body(k, c2):
            for o in range(4):
                j = 4 * k + o
                wait(j, o)
                scat(j, o)
                gath(j + 4, o)
            return c2

        lax.fori_loop(0, _SS // 4 - 1, body, 0)
        wait(_SS - 5, 0)
        scat(_SS - 5, 0)
        gath(_SS - 1, 0)
        wait(_SS - 4, 1)
        scat(_SS - 4, 1)
        wait(_SS - 3, 2)
        scat(_SS - 3, 2)
        wait(_SS - 2, 3)
        scat(_SS - 2, 3)
        wait(_SS - 1, 0)
        scat(_SS - 1, 0)
        return carry

    lax.fori_loop(0, _NSS, super_body, 0)
    plsc.subcore_barrier()
    pltpu.sync_copy(acc_sh.at[pl.ds(r0, _RPT)], out_hbm.at[c, pl.ds(r0, _RPT)])

    @pl.when(s == 0)
    def _():
        pltpu.sync_copy(acc_sh.at[pl.ds(rtail, _RREM)],
                        out_hbm.at[c, pl.ds(rtail, _RREM)])


_seg_call = pl.kernel(
    _seg_body,
    out_type=jax.ShapeDtypeStruct((_NC, _N, _H), jnp.float32),
    mesh=_mesh,
    scratch_types=[
        pltpu.VMEM((_SS, _CH), jnp.int32),
        pltpu.VMEM((_SS, _CH), jnp.int32),
        pltpu.VMEM((_CH, _H), jnp.float32),
        pltpu.VMEM((_CH, _H), jnp.float32),
        pltpu.VMEM((_CH, _H), jnp.float32),
        pltpu.VMEM((_CH, _H), jnp.float32),
        pltpu.VMEM_SHARED((_N, _H), jnp.float32),
        pltpu.SemaphoreType.DMA,
        pltpu.SemaphoreType.DMA,
        pltpu.SemaphoreType.DMA,
        pltpu.SemaphoreType.DMA,
    ],
)



def _edge_body(a_hbm, b_hbm, sidx_hbm, didx_hbm, out_hbm,
               sidx_v, didx_v, b0, b1, b2, b3,
               sa0, sa1, sa2, sa3, sb0, sb1, sb2, sb3):
    w = lax.axis_index("s") * _NC + lax.axis_index("c")
    pltpu.sync_copy(sidx_hbm.at[w], sidx_v)
    pltpu.sync_copy(didx_hbm.at[w], didx_v)
    base = w * _NCH
    bufs = (b0, b1, b2, b3)
    sas = (sa0, sa1, sa2, sa3)
    sbs = (sb0, sb1, sb2, sb3)

    def ga(j, i, sem=None):
        pltpu.async_copy(a_hbm.at[sidx_v.at[j]], bufs[i], sas[i])

    def wa(j, i):
        pltpu.make_async_copy(a_hbm.at[sidx_v.at[j]], bufs[i], sas[i]).wait()

    def gb(j, i):
        pltpu.async_copy(b_hbm.at[didx_v.at[j]], bufs[i], sbs[i], add=True)

    def wb(j, i):
        pltpu.make_async_copy(b_hbm.at[didx_v.at[j]], bufs[i], sbs[i]).wait()

    def wr(j, i):
        pltpu.sync_copy(bufs[i], out_hbm.at[base + j])

    ga(0, 0)
    ga(1, 1)
    wa(0, 0)
    gb(0, 0)
    ga(2, 2)
    wa(1, 1)
    gb(1, 1)
    ga(3, 3)

    def body(k, carry):
        jb = 4 * k + 2
        for o in range(4):
            j = jb + o
            y = (o + 2) % 4
            wb(j - 2, o)
            wr(j - 2, o)
            ga(j + 2, o)
            wa(j, y)
            gb(j, y)
        return carry

    lax.fori_loop(0, (_NCH - 5) // 4, body, 0)
    j = _NCH - 3
    wb(j - 2, 0)
    wr(j - 2, 0)
    ga(j + 2, 0)
    wa(j, 2)
    gb(j, 2)
    j = _NCH - 2
    wb(j - 2, 1)
    wr(j - 2, 1)
    wa(j, 3)
    gb(j, 3)
    j = _NCH - 1
    wb(j - 2, 2)
    wr(j - 2, 2)
    wa(j, 0)
    gb(j, 0)
    wb(_NCH - 2, 3)
    wr(_NCH - 2, 3)
    wb(_NCH - 1, 0)
    wr(_NCH - 1, 0)


_edge_call = pl.kernel(
    _edge_body,
    out_type=jax.ShapeDtypeStruct((_NW * _NCH, _CH, _H), jnp.float32),
    mesh=_mesh,
    scratch_types=[
        pltpu.VMEM((_NCH, _CH), jnp.int32),
        pltpu.VMEM((_NCH, _CH), jnp.int32),
        pltpu.VMEM((_CH, _H), jnp.float32),
        pltpu.VMEM((_CH, _H), jnp.float32),
        pltpu.VMEM((_CH, _H), jnp.float32),
        pltpu.VMEM((_CH, _H), jnp.float32),
        pltpu.SemaphoreType.DMA,
        pltpu.SemaphoreType.DMA,
        pltpu.SemaphoreType.DMA,
        pltpu.SemaphoreType.DMA,
        pltpu.SemaphoreType.DMA,
        pltpu.SemaphoreType.DMA,
        pltpu.SemaphoreType.DMA,
        pltpu.SemaphoreType.DMA,
    ],
)



_RB = 2000
_RBE = 8192


def _tc1_body(x_ref, w_ref, degt_ref, y_ref, dinv_ref):
    deg = jnp.sum(degt_ref[...], axis=1) + 1.0
    dinv = lax.rsqrt(deg)[:, None]
    dinv_ref[...] = dinv
    xw = jnp.dot(x_ref[...], w_ref[...], preferred_element_type=jnp.float32)
    y_ref[...] = xw * dinv


_tc1 = pl.pallas_call(
    _tc1_body,
    grid=(_N // _RB,),
    in_specs=[
        pl.BlockSpec((_RB, _D), lambda i: (i, 0)),
        pl.BlockSpec((_D, _H), lambda i: (0, 0)),
        pl.BlockSpec((_RB, _NW), lambda i: (i, 0)),
    ],
    out_specs=[
        pl.BlockSpec((_RB, _H), lambda i: (i, 0)),
        pl.BlockSpec((_RB, 1), lambda i: (i, 0)),
    ],
    out_shape=[
        jax.ShapeDtypeStruct((_N, _H), jnp.float32),
        jax.ShapeDtypeStruct((_N, 1), jnp.float32),
    ],
)


def _tc2_body(p_ref, dinv_ref, b1_ref, w2_ref, y2_ref):
    dinv = dinv_ref[...]
    h1 = jnp.maximum((p_ref[0] + p_ref[1]) * dinv + b1_ref[...], 0.0)
    y2_ref[...] = jnp.dot(h1, w2_ref[...],
                          preferred_element_type=jnp.float32) * dinv


_tc2 = pl.pallas_call(
    _tc2_body,
    grid=(_N // _RB,),
    in_specs=[
        pl.BlockSpec((_NC, _RB, _H), lambda i: (0, i, 0)),
        pl.BlockSpec((_RB, 1), lambda i: (i, 0)),
        pl.BlockSpec((_H,), lambda i: (0,)),
        pl.BlockSpec((_H, _H), lambda i: (0, 0)),
    ],
    out_specs=pl.BlockSpec((_RB, _H), lambda i: (i, 0)),
    out_shape=jax.ShapeDtypeStruct((_N, _H), jnp.float32),
)


def _tc3_body(q_ref, dinv_ref, b2_ref, wa_ref, wb_ref, bm1_ref, a_ref, b_ref):
    dinv = dinv_ref[...]
    h = (q_ref[0] + q_ref[1]) * dinv + b2_ref[...]
    a_ref[...] = jnp.dot(h, wa_ref[...], preferred_element_type=jnp.float32)
    b_ref[...] = jnp.dot(h, wb_ref[...],
                         preferred_element_type=jnp.float32) + bm1_ref[...]


_tc3 = pl.pallas_call(
    _tc3_body,
    grid=(_N // _RB,),
    in_specs=[
        pl.BlockSpec((_NC, _RB, _H), lambda i: (0, i, 0)),
        pl.BlockSpec((_RB, 1), lambda i: (i, 0)),
        pl.BlockSpec((_H,), lambda i: (0,)),
        pl.BlockSpec((_H, _H), lambda i: (0, 0)),
        pl.BlockSpec((_H, _H), lambda i: (0, 0)),
        pl.BlockSpec((_H,), lambda i: (0,)),
    ],
    out_specs=[
        pl.BlockSpec((_RB, _H), lambda i: (i, 0)),
        pl.BlockSpec((_RB, _H), lambda i: (i, 0)),
    ],
    out_shape=[
        jax.ShapeDtypeStruct((_N, _H), jnp.float32),
        jax.ShapeDtypeStruct((_N, _H), jnp.float32),
    ],
)


def _tc4_body(t_ref, ea_ref, wc_ref, w2_ref, bm2_ref, o_ref):
    ea = ea_ref[...].astype(jnp.float32)
    c = jnp.dot(ea, wc_ref[...], preferred_element_type=jnp.float32)
    z = jnp.maximum(t_ref[...] + c, 0.0)
    sgn = jnp.sum(z * w2_ref[...], axis=1) + bm2_ref[...]
    o_ref[...] = 1.0 / (1.0 + jnp.exp(-sgn))


_tc4 = pl.pallas_call(
    _tc4_body,
    grid=(pl.cdiv(_E, _RBE),),
    in_specs=[
        pl.BlockSpec((_RBE, _H), lambda i: (i, 0)),
        pl.BlockSpec((_RBE, _DE), lambda i: (i, 0)),
        pl.BlockSpec((_DE, _H), lambda i: (0, 0)),
        pl.BlockSpec((1, _H), lambda i: (0, 0)),
        pl.BlockSpec((1,), lambda i: (0,)),
    ],
    out_specs=pl.BlockSpec((_RBE,), lambda i: (i,)),
    out_shape=jax.ShapeDtypeStruct((_E,), jnp.float32),
)


def kernel(x, edge_index, edge_attr, W1, b1, W2, b2, Wm1, bm1, Wm2, bm2):
    src = edge_index[0]
    dst = edge_index[1]
    src3 = src.reshape(_NW, _NCH, _CH)
    dst3 = dst.reshape(_NW, _NCH, _CH)
    src4 = src.reshape(_NW, _NSS, _SS, _CH)
    dst4 = dst.reshape(_NW, _NSS, _SS, _CH)
    dst2 = dst.reshape(_NW, _EW)
    zeros_nh = jnp.zeros((_N, _H), jnp.float32)

    degp = _deg_call(dst2)
    y1, dinv = _tc1(x, W1, degp.T)
    p1 = _seg_call(y1, zeros_nh, src4, dst4)
    y2 = _tc2(p1, dinv, b1, W2)
    p2 = _seg_call(y2, zeros_nh, src4, dst4)
    a_t, b_t = _tc3(p2, dinv, b2, Wm1[:_H], Wm1[_H:2 * _H], bm1)
    t = _edge_call(a_t, b_t, src3, dst3).reshape(_E, _H)
    return _tc4(t, edge_attr.astype(jnp.bfloat16),
                Wm1[2 * _H:], Wm2.reshape(1, _H), bm2)

# --- scband reference (transcript-rebuilt; emitter-appended) ---
"""Pipeline reference for scband-edge-classifier-41815801594236 (READ-ONLY COPY).

The authoritative reference and input builder live on the scoring server;
editing this copy changes nothing except your own understanding.
"""

import jax, jax.numpy as jnp
import numpy as np

N = 10000
E = 320000
D = 128
DE = 16
H = 128


def _gcn_conv(x, src, dst, W, b, n):
    # PyG GCNConv: x' = D^{-1/2} A_hat D^{-1/2} (X W) + b, with self-loops already in (src, dst)
    xw = x @ W
    deg = jnp.zeros((n,), x.dtype).at[dst].add(1.0)
    dinv = jnp.where(deg > 0, deg ** -0.5, 0.0)
    norm = dinv[src] * dinv[dst]
    msg = xw[src] * norm[:, None]
    out = jnp.zeros((n, W.shape[1]), x.dtype).at[dst].add(msg)
    return out + b


def setup_inputs(seed: int = 0) -> dict:
    key = jax.random.key(seed)
    ks = jax.random.split(key, 12)
    x = jax.random.normal(ks[0], (N, D), jnp.float32)
    edge_index = jax.random.randint(ks[1], (2, E), 0, N, jnp.int32)
    edge_attr = jax.random.normal(ks[2], (E, DE), jnp.float32)
    def lin(k, fan_in, fan_out):
        s = 1.0 / np.sqrt(fan_in)
        return jax.random.uniform(k, (fan_in, fan_out), jnp.float32, -s, s)
    W1 = lin(ks[3], D, H)
    b1 = jnp.zeros((H,), jnp.float32)
    W2 = lin(ks[4], H, H)
    b2 = jnp.zeros((H,), jnp.float32)
    Wm1 = lin(ks[5], 2 * H + DE, H)
    bm1 = jax.random.uniform(ks[6], (H,), jnp.float32, -1.0 / np.sqrt(2 * H + DE), 1.0 / np.sqrt(2 * H + DE))
    Wm2 = lin(ks[7], H, 1)
    bm2 = jax.random.uniform(ks[8], (1,), jnp.float32, -1.0 / np.sqrt(H), 1.0 / np.sqrt(H))
    return {"x": x, "edge_index": edge_index, "edge_attr": edge_attr,
            "W1": W1, "b1": b1, "W2": W2, "b2": b2,
            "Wm1": Wm1, "bm1": bm1, "Wm2": Wm2, "bm2": bm2}


def reference(x, edge_index, edge_attr, W1, b1, W2, b2, Wm1, bm1, Wm2, bm2):
    src0 = edge_index[0]
    dst0 = edge_index[1]
    loop = jnp.arange(N, dtype=src0.dtype)
    src = jnp.concatenate([src0, loop])
    dst = jnp.concatenate([dst0, loop])
    h = jax.nn.relu(_gcn_conv(x, src, dst, W1, b1, N))
    h = _gcn_conv(h, src, dst, W2, b2, N)
    edge_emb = jnp.concatenate([h[src0], h[dst0], edge_attr], axis=1)
    hm = jax.nn.relu(edge_emb @ Wm1 + bm1)
    out = (hm @ Wm2 + bm2)[:, 0]
    return jax.nn.sigmoid(out)

if __name__ == "__main__":
    import jax
    _d = setup_inputs()
    print(jax.jit(kernel)(*tuple(_d.values())))

</pallas_src>

<mosaic_0001>
#map = affine_map<(d0, d1) -> (0, 0)>
#map1 = affine_map<(d0, d1) -> (0, 0, 0, 0)>
#map2 = affine_map<(d0, d1) -> (0, 0, 0)>
module attributes {stable_mosaic.version = 14 : i64} {
  func.func @_seg_body(%arg0: i32, %arg1: i32, %arg2: memref<10000x128xf32, #tpu.memory_space<hbm>>, %arg3: memref<10000x128xf32, #tpu.memory_space<hbm>>, %arg4: memref<32x5x25x80xi32, #tpu.memory_space<hbm>>, %arg5: memref<32x5x25x80xi32, #tpu.memory_space<hbm>>, %arg6: memref<2x10000x128xf32, #tpu.memory_space<hbm>>, %arg7: memref<25x80xi32, #tpu.memory_space<vmem>>, %arg8: memref<25x80xi32, #tpu.memory_space<vmem>>, %arg9: memref<80x128xf32, #tpu.memory_space<vmem>>, %arg10: memref<80x128xf32, #tpu.memory_space<vmem>>, %arg11: memref<80x128xf32, #tpu.memory_space<vmem>>, %arg12: memref<80x128xf32, #tpu.memory_space<vmem>>, %arg13: memref<10000x128xf32, #tpu.memory_space<vmem_shared>>, %arg14: memref<!tpu.dma_semaphore, #tpu.memory_space<semaphore_mem>>, %arg15: memref<!tpu.dma_semaphore, #tpu.memory_space<semaphore_mem>>, %arg16: memref<!tpu.dma_semaphore, #tpu.memory_space<semaphore_mem>>, %arg17: memref<!tpu.dma_semaphore, #tpu.memory_space<semaphore_mem>>) attributes {dimension_semantics = [#tpu.dimension_semantics<core_parallel>, #tpu.dimension_semantics<subcore_parallel>], iteration_bounds = array<i64: 2, 16>, scalar_prefetch = 0 : i64, scratch_operands = 11 : i64, tpu.core_type = #tpu.core_type<sc_vector_subcore>, window_params = [{transform_indices = #map}, {transform_indices = #map}, {transform_indices = #map1}, {transform_indices = #map1}, {transform_indices = #map2}]} {
    %mul3A = arith.constant 2 : i32
    %mul3A_0 = arith.muli %arg1, %mul3A : i32
    %add3A = arith.addi %mul3A_0, %arg0 : i32
    %mul3A_1 = arith.constant 624 : i32
    %mul3A_2 = arith.muli %arg1, %mul3A_1 : i32
    %eq3A = arith.constant 0 : i32
    %eq3A_3 = arith.cmpi eq, %arg0, %eq3A : i32
    %convert_element_type3A = arith.extui %eq3A_3 : i1 to i32
    %cond3A = arith.constant 0 : i32
    %cond3A_4 = arith.cmpi ne, %convert_element_type3A, %cond3A : i32
    scf.if %cond3A_4 {
      "tpu.region"() ({
        %run_scoped3A = tpu.sem_alloc : memref<!tpu.dma_semaphore, #tpu.memory_space<semaphore_mem>>
        %dma_start3A = arith.constant 0 : i32
        %dma_start3A_35 = tpu.memref_slice %arg13[%mul3A_2, %dma_start3A] : memref<10000x128xf32, #tpu.memory_space<vmem_shared>> -> memref<624x128xf32, #tpu.memory_space<vmem_shared>>
        %dma_start3A_36 = arith.constant 0 : i32
        %dma_start3A_37 = tpu.memref_slice %arg2[%mul3A_2, %dma_start3A_36] : memref<10000x128xf32, #tpu.memory_space<hbm>> -> memref<624x128xf32, #tpu.memory_space<hbm>>
        tpu.enqueue_dma source(%dma_start3A_37 : memref<624x128xf32, #tpu.memory_space<hbm>>) target(%dma_start3A_35 : memref<624x128xf32, #tpu.memory_space<vmem_shared>>) target_semaphore(%run_scoped3A : memref<!tpu.dma_semaphore, #tpu.memory_space<semaphore_mem>>)
        %dma_wait3A = arith.constant 0 : i32
        %dma_wait3A_38 = tpu.memref_slice %arg13[%mul3A_2, %dma_wait3A] : memref<10000x128xf32, #tpu.memory_space<vmem_shared>> -> memref<624x128xf32, #tpu.memory_space<vmem_shared>>
        %dma_wait3A_39 = arith.constant 0 : i32
        %dma_wait3A_40 = tpu.memref_slice %arg2[%mul3A_2, %dma_wait3A_39] : memref<10000x128xf32, #tpu.memory_space<hbm>> -> memref<624x128xf32, #tpu.memory_space<hbm>>
        tpu.wait_dma2 semaphore(%run_scoped3A : memref<!tpu.dma_semaphore, #tpu.memory_space<semaphore_mem>>) src(%dma_wait3A_40 : memref<624x128xf32, #tpu.memory_space<hbm>>) dst(%dma_wait3A_38 : memref<624x128xf32, #tpu.memory_space<vmem_shared>>)
        tpu.yield
      }) : () -> ()
    } else {
    }
    %ne3A = arith.constant 0 : i32
    %ne3A_5 = arith.cmpi ne, %arg0, %ne3A : i32
    %convert_element_type3A_6 = arith.extui %ne3A_5 : i1 to i32
    %cond3A_7 = arith.constant 0 : i32
    %cond3A_8 = arith.cmpi ne, %convert_element_type3A_6, %cond3A_7 : i32
    scf.if %cond3A_8 {
      "tpu.region"() ({
        %run_scoped3A = tpu.sem_alloc : memref<!tpu.dma_semaphore, #tpu.memory_space<semaphore_mem>>
        %dma_start3A = arith.constant 0 : i32
        %dma_start3A_35 = tpu.memref_slice %arg13[%mul3A_2, %dma_start3A] : memref<10000x128xf32, #tpu.memory_space<vmem_shared>> -> memref<624x128xf32, #tpu.memory_space<vmem_shared>>
        %dma_start3A_36 = arith.constant 0 : i32
        %dma_start3A_37 = tpu.memref_slice %arg3[%mul3A_2, %dma_start3A_36] : memref<10000x128xf32, #tpu.memory_space<hbm>> -> memref<624x128xf32, #tpu.memory_space<hbm>>
        tpu.enqueue_dma source(%dma_start3A_37 : memref<624x128xf32, #tpu.memory_space<hbm>>) target(%dma_start3A_35 : memref<624x128xf32, #tpu.memory_space<vmem_shared>>) target_semaphore(%run_scoped3A : memref<!tpu.dma_semaphore, #tpu.memory_space<semaphore_mem>>)
        %dma_wait3A = arith.constant 0 : i32
        %dma_wait3A_38 = tpu.memref_slice %arg13[%mul3A_2, %dma_wait3A] : memref<10000x128xf32, #tpu.memory_space<vmem_shared>> -> memref<624x128xf32, #tpu.memory_space<vmem_shared>>
        %dma_wait3A_39 = arith.constant 0 : i32
        %dma_wait3A_40 = tpu.memref_slice %arg3[%mul3A_2, %dma_wait3A_39] : memref<10000x128xf32, #tpu.memory_space<hbm>> -> memref<624x128xf32, #tpu.memory_space<hbm>>
        tpu.wait_dma2 semaphore(%run_scoped3A : memref<!tpu.dma_semaphore, #tpu.memory_space<semaphore_mem>>) src(%dma_wait3A_40 : memref<624x128xf32, #tpu.memory_space<hbm>>) dst(%dma_wait3A_38 : memref<624x128xf32, #tpu.memory_space<vmem_shared>>)
        tpu.yield
      }) : () -> ()
    } else {
    }
    %eq3A_9 = arith.constant 0 : i32
    %eq3A_10 = arith.cmpi eq, %arg0, %eq3A_9 : i32
    %eq3A_11 = arith.constant 0 : i32
    %eq3A_12 = arith.cmpi eq, %arg1, %eq3A_11 : i32
    %and3A = arith.andi %eq3A_10, %eq3A_12 : i1
    %convert_element_type3A_13 = arith.extui %and3A : i1 to i32
    %cond3A_14 = arith.constant 0 : i32
    %cond3A_15 = arith.cmpi ne, %convert_element_type3A_13, %cond3A_14 : i32
    scf.if %cond3A_15 {
      "tpu.region"() ({
        %run_scoped3A = tpu.sem_alloc : memref<!tpu.dma_semaphore, #tpu.memory_space<semaphore_mem>>
        %dma_start3A = arith.constant 9984 : i32
        %dma_start3A_35 = arith.constant 0 : i32
        %dma_start3A_36 = tpu.memref_slice %arg13[%dma_start3A, %dma_start3A_35] : memref<10000x128xf32, #tpu.memory_space<vmem_shared>> -> memref<16x128xf32, #tpu.memory_space<vmem_shared>>
        %dma_start3A_37 = arith.constant 9984 : i32
        %dma_start3A_38 = arith.constant 0 : i32
        %dma_start3A_39 = tpu.memref_slice %arg2[%dma_start3A_37, %dma_start3A_38] : memref<10000x128xf32, #tpu.memory_space<hbm>> -> memref<16x128xf32, #tpu.memory_space<hbm>>
        tpu.enqueue_dma source(%dma_start3A_39 : memref<16x128xf32, #tpu.memory_space<hbm>>) target(%dma_start3A_36 : memref<16x128xf32, #tpu.memory_space<vmem_shared>>) target_semaphore(%run_scoped3A : memref<!tpu.dma_semaphore, #tpu.memory_space<semaphore_mem>>)
        %dma_wait3A = arith.constant 9984 : i32
        %dma_wait3A_40 = arith.constant 0 : i32
        %dma_wait3A_41 = tpu.memref_slice %arg13[%dma_wait3A, %dma_wait3A_40] : memref<10000x128xf32, #tpu.memory_space<vmem_shared>> -> memref<16x128xf32, #tpu.memory_space<vmem_shared>>
        %dma_wait3A_42 = arith.constant 9984 : i32
        %dma_wait3A_43 = arith.constant 0 : i32
        %dma_wait3A_44 = tpu.memref_slice %arg2[%dma_wait3A_42, %dma_wait3A_43] : memref<10000x128xf32, #tpu.memory_space<hbm>> -> memref<16x128xf32, #tpu.memory_space<hbm>>
        tpu.wait_dma2 semaphore(%run_scoped3A : memref<!tpu.dma_semaphore, #tpu.memory_space<semaphore_mem>>) src(%dma_wait3A_44 : memref<16x128xf32, #tpu.memory_space<hbm>>) dst(%dma_wait3A_41 : memref<16x128xf32, #tpu.memory_space<vmem_shared>>)
        tpu.yield
      }) : () -> ()
    } else {
    }
    %ne3A_16 = arith.constant 0 : i32
    %ne3A_17 = arith.cmpi ne, %arg0, %ne3A_16 : i32
    %eq3A_18 = arith.constant 0 : i32
    %eq3A_19 = arith.cmpi eq, %arg1, %eq3A_18 : i32
    %and3A_20 = arith.andi %ne3A_17, %eq3A_19 : i1
    %convert_element_type3A_21 = arith.extui %and3A_20 : i1 to i32
    %cond3A_22 = arith.constant 0 : i32
    %cond3A_23 = arith.cmpi ne, %convert_element_type3A_21, %cond3A_22 : i32
    scf.if %cond3A_23 {
      "tpu.region"() ({
        %run_scoped3A = tpu.sem_alloc : memref<!tpu.dma_semaphore, #tpu.memory_space<semaphore_mem>>
        %dma_start3A = arith.constant 9984 : i32
        %dma_start3A_35 = arith.constant 0 : i32
        %dma_start3A_36 = tpu.memref_slice %arg13[%dma_start3A, %dma_start3A_35] : memref<10000x128xf32, #tpu.memory_space<vmem_shared>> -> memref<16x128xf32, #tpu.memory_space<vmem_shared>>
        %dma_start3A_37 = arith.constant 9984 : i32
        %dma_start3A_38 = arith.constant 0 : i32
        %dma_start3A_39 = tpu.memref_slice %arg3[%dma_start3A_37, %dma_start3A_38] : memref<10000x128xf32, #tpu.memory_space<hbm>> -> memref<16x128xf32, #tpu.memory_space<hbm>>
        tpu.enqueue_dma source(%dma_start3A_39 : memref<16x128xf32, #tpu.memory_space<hbm>>) target(%dma_start3A_36 : memref<16x128xf32, #tpu.memory_space<vmem_shared>>) target_semaphore(%run_scoped3A : memref<!tpu.dma_semaphore, #tpu.memory_space<semaphore_mem>>)
        %dma_wait3A = arith.constant 9984 : i32
        %dma_wait3A_40 = arith.constant 0 : i32
        %dma_wait3A_41 = tpu.memref_slice %arg13[%dma_wait3A, %dma_wait3A_40] : memref<10000x128xf32, #tpu.memory_space<vmem_shared>> -> memref<16x128xf32, #tpu.memory_space<vmem_shared>>
        %dma_wait3A_42 = arith.constant 9984 : i32
        %dma_wait3A_43 = arith.constant 0 : i32
        %dma_wait3A_44 = tpu.memref_slice %arg3[%dma_wait3A_42, %dma_wait3A_43] : memref<10000x128xf32, #tpu.memory_space<hbm>> -> memref<16x128xf32, #tpu.memory_space<hbm>>
        tpu.wait_dma2 semaphore(%run_scoped3A : memref<!tpu.dma_semaphore, #tpu.memory_space<semaphore_mem>>) src(%dma_wait3A_44 : memref<16x128xf32, #tpu.memory_space<hbm>>) dst(%dma_wait3A_41 : memref<16x128xf32, #tpu.memory_space<vmem_shared>>)
        tpu.yield
      }) : () -> ()
    } else {
    }
    %barrier3A = arith.constant 0 : index
    tpu.barrier barrier_id(%barrier3A)
    %scan3A = arith.constant 0 : i32
    %scan3A_24 = arith.constant 0 : i32
    %scan3A_25 = arith.constant 5 : i32
    %scan3A_26 = arith.addi %scan3A_24, %scan3A_25 : i32
    %scan3A_27 = arith.constant 1 : i32
    scf.for %scan3A_35 = %scan3A_24 to %scan3A_26 step %scan3A_27  : i32 {
      "tpu.region"() ({
        %run_scoped3A_114 = tpu.sem_alloc : memref<!tpu.dma_semaphore, #tpu.memory_space<semaphore_mem>>
        %dma_start3A_115 = arith.constant 0 : i32
        %dma_start3A_116 = arith.constant 0 : i32
        %dma_start3A_117 = tpu.memref_slice %arg4[%add3A, %scan3A_35, %dma_start3A_115, %dma_start3A_116] : memref<32x5x25x80xi32, #tpu.memory_space<hbm>> -> memref<1x1x25x80xi32, #tpu.memory_space<hbm>>
        %dma_start3A_118 = tpu.memref_squeeze %dma_start3A_117 : memref<1x1x25x80xi32, #tpu.memory_space<hbm>> -> memref<25x80xi32, #tpu.memory_space<hbm>>
        %dma_start3A_119 = arith.constant 0 : i32
        %dma_start3A_120 = arith.constant 0 : i32
        %dma_start3A_121 = tpu.memref_slice %arg4[%add3A, %scan3A_35, %dma_start3A_119, %dma_start3A_120] : memref<32x5x25x80xi32, #tpu.memory_space<hbm>> -> memref<1x1x25x80xi32, #tpu.memory_space<hbm>>
        %dma_start3A_122 = tpu.memref_squeeze %dma_start3A_121 : memref<1x1x25x80xi32, #tpu.memory_space<hbm>> -> memref<25x80xi32, #tpu.memory_space<hbm>>
        tpu.enqueue_dma source(%dma_start3A_122 : memref<25x80xi32, #tpu.memory_space<hbm>>) target(%arg7 : memref<25x80xi32, #tpu.memory_space<vmem>>) target_semaphore(%run_scoped3A_114 : memref<!tpu.dma_semaphore, #tpu.memory_space<semaphore_mem>>)
        %dma_wait3A_123 = arith.constant 0 : i32
        %dma_wait3A_124 = arith.constant 0 : i32
        %dma_wait3A_125 = tpu.memref_slice %arg4[%add3A, %scan3A_35, %dma_wait3A_123, %dma_wait3A_124] : memref<32x5x25x80xi32, #tpu.memory_space<hbm>> -> memref<1x1x25x80xi32, #tpu.memory_space<hbm>>
        %dma_wait3A_126 = tpu.memref_squeeze %dma_wait3A_125 : memref<1x1x25x80xi32, #tpu.memory_space<hbm>> -> memref<25x80xi32, #tpu.memory_space<hbm>>
        %dma_wait3A_127 = arith.constant 0 : i32
        %dma_wait3A_128 = arith.constant 0 : i32
        %dma_wait3A_129 = tpu.memref_slice %arg4[%add3A, %scan3A_35, %dma_wait3A_127, %dma_wait3A_128] : memref<32x5x25x80xi32, #tpu.memory_space<hbm>> -> memref<1x1x25x80xi32, #tpu.memory_space<hbm>>
        %dma_wait3A_130 = tpu.memref_squeeze %dma_wait3A_129 : memref<1x1x25x80xi32, #tpu.memory_space<hbm>> -> memref<25x80xi32, #tpu.memory_space<hbm>>
        tpu.wait_dma2 semaphore(%run_scoped3A_114 : memref<!tpu.dma_semaphore, #tpu.memory_space<semaphore_mem>>) src(%dma_wait3A_130 : memref<25x80xi32, #tpu.memory_space<hbm>>) dst(%arg7 : memref<25x80xi32, #tpu.memory_space<vmem>>)
        tpu.yield
      }) : () -> ()
      "tpu.region"() ({
        %run_scoped3A_114 = tpu.sem_alloc : memref<!tpu.dma_semaphore, #tpu.memory_space<semaphore_mem>>
        %dma_start3A_115 = arith.constant 0 : i32
        %dma_start3A_116 = arith.constant 0 : i32
        %dma_start3A_117 = tpu.memref_slice %arg5[%add3A, %scan3A_35, %dma_start3A_115, %dma_start3A_116] : memref<32x5x25x80xi32, #tpu.memory_space<hbm>> -> memref<1x1x25x80xi32, #tpu.memory_space<hbm>>
        %dma_start3A_118 = tpu.memref_squeeze %dma_start3A_117 : memref<1x1x25x80xi32, #tpu.memory_space<hbm>> -> memref<25x80xi32, #tpu.memory_space<hbm>>
        %dma_start3A_119 = arith.constant 0 : i32
        %dma_start3A_120 = arith.constant 0 : i32
        %dma_start3A_121 = tpu.memref_slice %arg5[%add3A, %scan3A_35, %dma_start3A_119, %dma_start3A_120] : memref<32x5x25x80xi32, #tpu.memory_space<hbm>> -> memref<1x1x25x80xi32, #tpu.memory_space<hbm>>
        %dma_start3A_122 = tpu.memref_squeeze %dma_start3A_121 : memref<1x1x25x80xi32, #tpu.memory_space<hbm>> -> memref<25x80xi32, #tpu.memory_space<hbm>>
        tpu.enqueue_dma source(%dma_start3A_122 : memref<25x80xi32, #tpu.memory_space<hbm>>) target(%arg8 : memref<25x80xi32, #tpu.memory_space<vmem>>) target_semaphore(%run_scoped3A_114 : memref<!tpu.dma_semaphore, #tpu.memory_space<semaphore_mem>>)
        %dma_wait3A_123 = arith.constant 0 : i32
        %dma_wait3A_124 = arith.constant 0 : i32
        %dma_wait3A_125 = tpu.memref_slice %arg5[%add3A, %scan3A_35, %dma_wait3A_123, %dma_wait3A_124] : memref<32x5x25x80xi32, #tpu.memory_space<hbm>> -> memref<1x1x25x80xi32, #tpu.memory_space<hbm>>
        %dma_wait3A_126 = tpu.memref_squeeze %dma_wait3A_125 : memref<1x1x25x80xi32, #tpu.memory_space<hbm>> -> memref<25x80xi32, #tpu.memory_space<hbm>>
        %dma_wait3A_127 = arith.constant 0 : i32
        %dma_wait3A_128 = arith.constant 0 : i32
        %dma_wait3A_129 = tpu.memref_slice %arg5[%add3A, %scan3A_35, %dma_wait3A_127, %dma_wait3A_128] : memref<32x5x25x80xi32, #tpu.memory_space<hbm>> -> memref<1x1x25x80xi32, #tpu.memory_space<hbm>>
        %dma_wait3A_130 = tpu.memref_squeeze %dma_wait3A_129 : memref<1x1x25x80xi32, #tpu.memory_space<hbm>> -> memref<25x80xi32, #tpu.memory_space<hbm>>
        tpu.wait_dma2 semaphore(%run_scoped3A_114 : memref<!tpu.dma_semaphore, #tpu.memory_space<semaphore_mem>>) src(%dma_wait3A_130 : memref<25x80xi32, #tpu.memory_space<hbm>>) dst(%arg8 : memref<25x80xi32, #tpu.memory_space<vmem>>)
        tpu.yield
      }) : () -> ()
      %dma_start3A = arith.constant 0 : i32
      %dma_start3A_36 = arith.constant 0 : i32
      %dma_start3A_37 = tpu.memref_slice %arg7[%dma_start3A, %dma_start3A_36] : memref<25x80xi32, #tpu.memory_space<vmem>> -> memref<1x80xi32, #tpu.memory_space<vmem>>
      %dma_start3A_38 = tpu.memref_squeeze %dma_start3A_37 : memref<1x80xi32, #tpu.memory_space<vmem>> -> memref<80xi32, #tpu.memory_space<vmem>>
      %dma_start3A_39 = arith.constant 0 : i32
      %dma_start3A_40 = arith.constant 0 : i32
      %dma_start3A_41 = tpu.memref_slice %arg2[%dma_start3A_39, %dma_start3A_40] : memref<10000x128xf32, #tpu.memory_space<hbm>> -> memref<10000x128xf32, #tpu.memory_space<hbm>>
      tpu.enqueue_indirect_dma source(%dma_start3A_41 : memref<10000x128xf32, #tpu.memory_space<hbm>>) target(%arg9 : memref<80x128xf32, #tpu.memory_space<vmem>>) offsets(%dma_start3A_38 : memref<80xi32, #tpu.memory_space<vmem>>) semaphore(%arg14 : memref<!tpu.dma_semaphore, #tpu.memory_space<semaphore_mem>>)
      %dma_start3A_42 = arith.constant 1 : i32
      %dma_start3A_43 = arith.constant 0 : i32
      %dma_start3A_44 = tpu.memref_slice %arg7[%dma_start3A_42, %dma_start3A_43] : memref<25x80xi32, #tpu.memory_space<vmem>> -> memref<1x80xi32, #tpu.memory_space<vmem>>
      %dma_start3A_45 = tpu.memref_squeeze %dma_start3A_44 : memref<1x80xi32, #tpu.memory_space<vmem>> -> memref<80xi32, #tpu.memory_space<vmem>>
      %dma_start3A_46 = arith.constant 0 : i32
      %dma_start3A_47 = arith.constant 0 : i32
      %dma_start3A_48 = tpu.memref_slice %arg2[%dma_start3A_46, %dma_start3A_47] : memref<10000x128xf32, #tpu.memory_space<hbm>> -> memref<10000x128xf32, #tpu.memory_space<hbm>>
      tpu.enqueue_indirect_dma source(%dma_start3A_48 : memref<10000x128xf32, #tpu.memory_space<hbm>>) target(%arg10 : memref<80x128xf32, #tpu.memory_space<vmem>>) offsets(%dma_start3A_45 : memref<80xi32, #tpu.memory_space<vmem>>) semaphore(%arg15 : memref<!tpu.dma_semaphore, #tpu.memory_space<semaphore_mem>>)
      %dma_start3A_49 = arith.constant 2 : i32
      %dma_start3A_50 = arith.constant 0 : i32
      %dma_start3A_51 = tpu.memref_slice %arg7[%dma_start3A_49, %dma_start3A_50] : memref<25x80xi32, #tpu.memory_space<vmem>> -> memref<1x80xi32, #tpu.memory_space<vmem>>
      %dma_start3A_52 = tpu.memref_squeeze %dma_start3A_51 : memref<1x80xi32, #tpu.memory_space<vmem>> -> memref<80xi32, #tpu.memory_space<vmem>>
      %dma_start3A_53 = arith.constant 0 : i32
      %dma_start3A_54 = arith.constant 0 : i32
      %dma_start3A_55 = tpu.memref_slice %arg2[%dma_start3A_53, %dma_start3A_54] : memref<10000x128xf32, #tpu.memory_space<hbm>> -> memref<10000x128xf32, #tpu.memory_space<hbm>>
      tpu.enqueue_indirect_dma source(%dma_start3A_55 : memref<10000x128xf32, #tpu.memory_space<hbm>>) target(%arg11 : memref<80x128xf32, #tpu.memory_space<vmem>>) offsets(%dma_start3A_52 : memref<80xi32, #tpu.memory_space<vmem>>) semaphore(%arg16 : memref<!tpu.dma_semaphore, #tpu.memory_space<semaphore_mem>>)
      %dma_start3A_56 = arith.constant 3 : i32
      %dma_start3A_57 = arith.constant 0 : i32
      %dma_start3A_58 = tpu.memref_slice %arg7[%dma_start3A_56, %dma_start3A_57] : memref<25x80xi32, #tpu.memory_space<vmem>> -> memref<1x80xi32, #tpu.memory_space<vmem>>
      %dma_start3A_59 = tpu.memref_squeeze %dma_start3A_58 : memref<1x80xi32, #tpu.memory_space<vmem>> -> memref<80xi32, #tpu.memory_space<vmem>>
      %dma_start3A_60 = arith.constant 0 : i32
      %dma_start3A_61 = arith.constant 0 : i32
      %dma_start3A_62 = tpu.memref_slice %arg2[%dma_start3A_60, %dma_start3A_61] : memref<10000x128xf32, #tpu.memory_space<hbm>> -> memref<10000x128xf32, #tpu.memory_space<hbm>>
      tpu.enqueue_indirect_dma source(%dma_start3A_62 : memref<10000x128xf32, #tpu.memory_space<hbm>>) target(%arg12 : memref<80x128xf32, #tpu.memory_space<vmem>>) offsets(%dma_start3A_59 : memref<80xi32, #tpu.memory_space<vmem>>) semaphore(%arg17 : memref<!tpu.dma_semaphore, #tpu.memory_space<semaphore_mem>>)
      %scan3A_63 = arith.constant 0 : i32
      %scan3A_64 = arith.constant 0 : i32
      %scan3A_65 = arith.constant 5 : i32
      %scan3A_66 = arith.addi %scan3A_64, %scan3A_65 : i32
      %scan3A_67 = arith.constant 1 : i32
      scf.for %scan3A_114 = %scan3A_64 to %scan3A_66 step %scan3A_67  : i32 {
        %mul3A_115 = arith.constant 4 : i32
        %mul3A_116 = arith.muli %mul3A_115, %scan3A_114 : i32
        %add3A_117 = arith.constant 0 : i32
        %add3A_118 = arith.addi %mul3A_116, %add3A_117 : i32
        %dma_wait3A_119 = arith.constant 0 : i32
        %dma_wait3A_120 = tpu.memref_slice %arg7[%add3A_118, %dma_wait3A_119] : memref<25x80xi32, #tpu.memory_space<vmem>> -> memref<1x80xi32, #tpu.memory_space<vmem>>
        %dma_wait3A_121 = tpu.memref_squeeze %dma_wait3A_120 : memref<1x80xi32, #tpu.memory_space<vmem>> -> memref<80xi32, #tpu.memory_space<vmem>>
        %dma_wait3A_122 = arith.constant 0 : i32
        %dma_wait3A_123 = arith.constant 0 : i32
        %dma_wait3A_124 = tpu.memref_slice %arg2[%dma_wait3A_122, %dma_wait3A_123] : memref<10000x128xf32, #tpu.memory_space<hbm>> -> memref<10000x128xf32, #tpu.memory_space<hbm>>
        tpu.wait_indirect_dma semaphore(%arg14 : memref<!tpu.dma_semaphore, #tpu.memory_space<semaphore_mem>>) src(%dma_wait3A_124 : memref<10000x128xf32, #tpu.memory_space<hbm>>) dst(%arg9 : memref<80x128xf32, #tpu.memory_space<vmem>>)
        "tpu.region"() ({
          %run_scoped3A_187 = tpu.sem_alloc : memref<!tpu.dma_semaphore, #tpu.memory_space<semaphore_mem>>
          %dma_start3A_188 = arith.constant 0 : i32
          %dma_start3A_189 = tpu.memref_slice %arg8[%add3A_118, %dma_start3A_188] : memref<25x80xi32, #tpu.memory_space<vmem>> -> memref<1x80xi32, #tpu.memory_space<vmem>>
          %dma_start3A_190 = tpu.memref_squeeze %dma_start3A_189 : memref<1x80xi32, #tpu.memory_space<vmem>> -> memref<80xi32, #tpu.memory_space<vmem>>
          %dma_start3A_191 = arith.constant 0 : i32
          %dma_start3A_192 = arith.constant 0 : i32
          %dma_start3A_193 = tpu.memref_slice %arg13[%dma_start3A_191, %dma_start3A_192] : memref<10000x128xf32, #tpu.memory_space<vmem_shared>> -> memref<10000x128xf32, #tpu.memory_space<vmem_shared>>
          tpu.enqueue_indirect_dma source(%arg9 : memref<80x128xf32, #tpu.memory_space<vmem>>) target(%dma_start3A_193 : memref<10000x128xf32, #tpu.memory_space<vmem_shared>>) offsets(%dma_start3A_190 : memref<80xi32, #tpu.memory_space<vmem>>) semaphore(%run_scoped3A_187 : memref<!tpu.dma_semaphore, #tpu.memory_space<semaphore_mem>>) {add = true}
          %dma_wait3A_194 = arith.constant 0 : i32
          %dma_wait3A_195 = tpu.memref_slice %arg8[%add3A_118, %dma_wait3A_194] : memref<25x80xi32, #tpu.memory_space<vmem>> -> memref<1x80xi32, #tpu.memory_space<vmem>>
          %dma_wait3A_196 = tpu.memref_squeeze %dma_wait3A_195 : memref<1x80xi32, #tpu.memory_space<vmem>> -> memref<80xi32, #tpu.memory_space<vmem>>
          %dma_wait3A_197 = arith.constant 0 : i32
          %dma_wait3A_198 = arith.constant 0 : i32
          %dma_wait3A_199 = tpu.memref_slice %arg13[%dma_wait3A_197, %dma_wait3A_198] : memref<10000x128xf32, #tpu.memory_space<vmem_shared>> -> memref<10000x128xf32, #tpu.memory_space<vmem_shared>>
          tpu.wait_indirect_dma semaphore(%run_scoped3A_187 : memref<!tpu.dma_semaphore, #tpu.memory_space<semaphore_mem>>) src(%arg9 : memref<80x128xf32, #tpu.memory_space<vmem>>) dst(%dma_wait3A_199 : memref<10000x128xf32, #tpu.memory_space<vmem_shared>>)
          tpu.yield
        }) : () -> ()
        %add3A_125 = arith.constant 4 : i32
        %add3A_126 = arith.addi %add3A_118, %add3A_125 : i32
        %dma_start3A_127 = arith.constant 0 : i32
        %dma_start3A_128 = tpu.memref_slice %arg7[%add3A_126, %dma_start3A_127] : memref<25x80xi32, #tpu.memory_space<vmem>> -> memref<1x80xi32, #tpu.memory_space<vmem>>
        %dma_start3A_129 = tpu.memref_squeeze %dma_start3A_128 : memref<1x80xi32, #tpu.memory_space<vmem>> -> memref<80xi32, #tpu.memory_space<vmem>>
        %dma_start3A_130 = arith.constant 0 : i32
        %dma_start3A_131 = arith.constant 0 : i32
        %dma_start3A_132 = tpu.memref_slice %arg2[%dma_start3A_130, %dma_start3A_131] : memref<10000x128xf32, #tpu.memory_space<hbm>> -> memref<10000x128xf32, #tpu.memory_space<hbm>>
        tpu.enqueue_indirect_dma source(%dma_start3A_132 : memref<10000x128xf32, #tpu.memory_space<hbm>>) target(%arg9 : memref<80x128xf32, #tpu.memory_space<vmem>>) offsets(%dma_start3A_129 : memref<80xi32, #tpu.memory_space<vmem>>) semaphore(%arg14 : memref<!tpu.dma_semaphore, #tpu.memory_space<semaphore_mem>>)
        %mul3A_133 = arith.constant 4 : i32
        %mul3A_134 = arith.muli %mul3A_133, %scan3A_114 : i32
        %add3A_135 = arith.constant 1 : i32
        %add3A_136 = arith.addi %mul3A_134, %add3A_135 : i32
        %dma_wait3A_137 = arith.constant 0 : i32
        %dma_wait3A_138 = tpu.memref_slice %arg7[%add3A_136, %dma_wait3A_137] : memref<25x80xi32, #tpu.memory_space<vmem>> -> memref<1x80xi32, #tpu.memory_space<vmem>>
        %dma_wait3A_139 = tpu.memref_squeeze %dma_wait3A_138 : memref<1x80xi32, #tpu.memory_space<vmem>> -> memref<80xi32, #tpu.memory_space<vmem>>
        %dma_wait3A_140 = arith.constant 0 : i32
        %dma_wait3A_141 = arith.constant 0 : i32
        %dma_wait3A_142 = tpu.memref_slice %arg2[%dma_wait3A_140, %dma_wait3A_141] : memref<10000x128xf32, #tpu.memory_space<hbm>> -> memref<10000x128xf32, #tpu.memory_space<hbm>>
        tpu.wait_indirect_dma semaphore(%arg15 : memref<!tpu.dma_semaphore, #tpu.memory_space<semaphore_mem>>) src(%dma_wait3A_142 : memref<10000x128xf32, #tpu.memory_space<hbm>>) dst(%arg10 : memref<80x128xf32, #tpu.memory_space<vmem>>)
        "tpu.region"() ({
          %run_scoped3A_187 = tpu.sem_alloc : memref<!tpu.dma_semaphore, #tpu.memory_space<semaphore_mem>>
          %dma_start3A_188 = arith.constant 0 : i32
          %dma_start3A_189 = tpu.memref_slice %arg8[%add3A_136, %dma_start3A_188] : memref<25x80xi32, #tpu.memory_space<vmem>> -> memref<1x80xi32, #tpu.memory_space<vmem>>
          %dma_start3A_190 = tpu.memref_squeeze %dma_start3A_189 : memref<1x80xi32, #tpu.memory_space<vmem>> -> memref<80xi32, #tpu.memory_space<vmem>>
          %dma_start3A_191 = arith.constant 0 : i32
          %dma_start3A_192 = arith.constant 0 : i32
          %dma_start3A_193 = tpu.memref_slice %arg13[%dma_start3A_191, %dma_start3A_192] : memref<10000x128xf32, #tpu.memory_space<vmem_shared>> -> memref<10000x128xf32, #tpu.memory_space<vmem_shared>>
          tpu.enqueue_indirect_dma source(%arg10 : memref<80x128xf32, #tpu.memory_space<vmem>>) target(%dma_start3A_193 : memref<10000x128xf32, #tpu.memory_space<vmem_shared>>) offsets(%dma_start3A_190 : memref<80xi32, #tpu.memory_space<vmem>>) semaphore(%run_scoped3A_187 : memref<!tpu.dma_semaphore, #tpu.memory_space<semaphore_mem>>) {add = true}
          %dma_wait3A_194 = arith.constant 0 : i32
          %dma_wait3A_195 = tpu.memref_slice %arg8[%add3A_136, %dma_wait3A_194] : memref<25x80xi32, #tpu.memory_space<vmem>> -> memref<1x80xi32, #tpu.memory_space<vmem>>
          %dma_wait3A_196 = tpu.memref_squeeze %dma_wait3A_195 : memref<1x80xi32, #tpu.memory_space<vmem>> -> memref<80xi32, #tpu.memory_space<vmem>>
          %dma_wait3A_197 = arith.constant 0 : i32
          %dma_wait3A_198 = arith.constant 0 : i32
          %dma_wait3A_199 = tpu.memref_slice %arg13[%dma_wait3A_197, %dma_wait3A_198] : memref<10000x128xf32, #tpu.memory_space<vmem_shared>> -> memref<10000x128xf32, #tpu.memory_space<vmem_shared>>
          tpu.wait_indirect_dma semaphore(%run_scoped3A_187 : memref<!tpu.dma_semaphore, #tpu.memory_space<semaphore_mem>>) src(%arg10 : memref<80x128xf32, #tpu.memory_space<vmem>>) dst(%dma_wait3A_199 : memref<10000x128xf32, #tpu.memory_space<vmem_shared>>)
          tpu.yield
        }) : () -> ()
        %add3A_143 = arith.constant 4 : i32
        %add3A_144 = arith.addi %add3A_136, %add3A_143 : i32
        %dma_start3A_145 = arith.constant 0 : i32
        %dma_start3A_146 = tpu.memref_slice %arg7[%add3A_144, %dma_start3A_145] : memref<25x80xi32, #tpu.memory_space<vmem>> -> memref<1x80xi32, #tpu.memory_space<vmem>>
        %dma_start3A_147 = tpu.memref_squeeze %dma_start3A_146 : memref<1x80xi32, #tpu.memory_space<vmem>> -> memref<80xi32, #tpu.memory_space<vmem>>
        %dma_start3A_148 = arith.constant 0 : i32
        %dma_start3A_149 = arith.constant 0 : i32
        %dma_start3A_150 = tpu.memref_slice %arg2[%dma_start3A_148, %dma_start3A_149] : memref<10000x128xf32, #tpu.memory_space<hbm>> -> memref<10000x128xf32, #tpu.memory_space<hbm>>
        tpu.enqueue_indirect_dma source(%dma_start3A_150 : memref<10000x128xf32, #tpu.memory_space<hbm>>) target(%arg10 : memref<80x128xf32, #tpu.memory_space<vmem>>) offsets(%dma_start3A_147 : memref<80xi32, #tpu.memory_space<vmem>>) semaphore(%arg15 : memref<!tpu.dma_semaphore, #tpu.memory_space<semaphore_mem>>)
        %mul3A_151 = arith.constant 4 : i32
        %mul3A_152 = arith.muli %mul3A_151, %scan3A_114 : i32
        %add3A_153 = arith.constant 2 : i32
        %add3A_154 = arith.addi %mul3A_152, %add3A_153 : i32
        %dma_wait3A_155 = arith.constant 0 : i32
        %dma_wait3A_156 = tpu.memref_slice %arg7[%add3A_154, %dma_wait3A_155] : memref<25x80xi32, #tpu.memory_space<vmem>> -> memref<1x80xi32, #tpu.memory_space<vmem>>
        %dma_wait3A_157 = tpu.memref_squeeze %dma_wait3A_156 : memref<1x80xi32, #tpu.memory_space<vmem>> -> memref<80xi32, #tpu.memory_space<vmem>>
        %dma_wait3A_158 = arith.constant 0 : i32
        %dma_wait3A_159 = arith.constant 0 : i32
        %dma_wait3A_160 = tpu.memref_slice %arg2[%dma_wait3A_158, %dma_wait3A_159] : memref<10000x128xf32, #tpu.memory_space<hbm>> -> memref<10000x128xf32, #tpu.memory_space<hbm>>
        tpu.wait_indirect_dma semaphore(%arg16 : memref<!tpu.dma_semaphore, #tpu.memory_space<semaphore_mem>>) src(%dma_wait3A_160 : memref<10000x128xf32, #tpu.memory_space<hbm>>) dst(%arg11 : memref<80x128xf32, #tpu.memory_space<vmem>>)
        "tpu.region"() ({
          %run_scoped3A_187 = tpu.sem_alloc : memref<!tpu.dma_semaphore, #tpu.memory_space<semaphore_mem>>
          %dma_start3A_188 = arith.constant 0 : i32
          %dma_start3A_189 = tpu.memref_slice %arg8[%add3A_154, %dma_start3A_188] : memref<25x80xi32, #tpu.memory_space<vmem>> -> memref<1x80xi32, #tpu.memory_space<vmem>>
          %dma_start3A_190 = tpu.memref_squeeze %dma_start3A_189 : memref<1x80xi32, #tpu.memory_space<vmem>> -> memref<80xi32, #tpu.memory_space<vmem>>
          %dma_start3A_191 = arith.constant 0 : i32
          %dma_start3A_192 = arith.constant 0 : i32
          %dma_start3A_193 = tpu.memref_slice %arg13[%dma_start3A_191, %dma_start3A_192] : memref<10000x128xf32, #tpu.memory_space<vmem_shared>> -> memref<10000x128xf32, #tpu.memory_space<vmem_shared>>
          tpu.enqueue_indirect_dma source(%arg11 : memref<80x128xf32, #tpu.memory_space<vmem>>) target(%dma_start3A_193 : memref<10000x128xf32, #tpu.memory_space<vmem_shared>>) offsets(%dma_start3A_190 : memref<80xi32, #tpu.memory_space<vmem>>) semaphore(%run_scoped3A_187 : memref<!tpu.dma_semaphore, #tpu.memory_space<semaphore_mem>>) {add = true}
          %dma_wait3A_194 = arith.constant 0 : i32
          %dma_wait3A_195 = tpu.memref_slice %arg8[%add3A_154, %dma_wait3A_194] : memref<25x80xi32, #tpu.memory_space<vmem>> -> memref<1x80xi32, #tpu.memory_space<vmem>>
          %dma_wait3A_196 = tpu.memref_squeeze %dma_wait3A_195 : memref<1x80xi32, #tpu.memory_space<vmem>> -> memref<80xi32, #tpu.memory_space<vmem>>
          %dma_wait3A_197 = arith.constant 0 : i32
          %dma_wait3A_198 = arith.constant 0 : i32
          %dma_wait3A_199 = tpu.memref_slice %arg13[%dma_wait3A_197, %dma_wait3A_198] : memref<10000x128xf32, #tpu.memory_space<vmem_shared>> -> memref<10000x128xf32, #tpu.memory_space<vmem_shared>>
          tpu.wait_indirect_dma semaphore(%run_scoped3A_187 : memref<!tpu.dma_semaphore, #tpu.memory_space<semaphore_mem>>) src(%arg11 : memref<80x128xf32, #tpu.memory_space<vmem>>) dst(%dma_wait3A_199 : memref<10000x128xf32, #tpu.memory_space<vmem_shared>>)
          tpu.yield
        }) : () -> ()
        %add3A_161 = arith.constant 4 : i32
        %add3A_162 = arith.addi %add3A_154, %add3A_161 : i32
        %dma_start3A_163 = arith.constant 0 : i32
        %dma_start3A_164 = tpu.memref_slice %arg7[%add3A_162, %dma_start3A_163] : memref<25x80xi32, #tpu.memory_space<vmem>> -> memref<1x80xi32, #tpu.memory_space<vmem>>
        %dma_start3A_165 = tpu.memref_squeeze %dma_start3A_164 : memref<1x80xi32, #tpu.memory_space<vmem>> -> memref<80xi32, #tpu.memory_space<vmem>>
        %dma_start3A_166 = arith.constant 0 : i32
        %dma_start3A_167 = arith.constant 0 : i32
        %dma_start3A_168 = tpu.memref_slice %arg2[%dma_start3A_166, %dma_start3A_167] : memref<10000x128xf32, #tpu.memory_space<hbm>> -> memref<10000x128xf32, #tpu.memory_space<hbm>>
        tpu.enqueue_indirect_dma source(%dma_start3A_168 : memref<10000x128xf32, #tpu.memory_space<hbm>>) target(%arg11 : memref<80x128xf32, #tpu.memory_space<vmem>>) offsets(%dma_start3A_165 : memref<80xi32, #tpu.memory_space<vmem>>) semaphore(%arg16 : memref<!tpu.dma_semaphore, #tpu.memory_space<semaphore_mem>>)
        %mul3A_169 = arith.constant 4 : i32
        %mul3A_170 = arith.muli %mul3A_169, %scan3A_114 : i32
        %add3A_171 = arith.constant 3 : i32
        %add3A_172 = arith.addi %mul3A_170, %add3A_171 : i32
        %dma_wait3A_173 = arith.constant 0 : i32
        %dma_wait3A_174 = tpu.memref_slice %arg7[%add3A_172, %dma_wait3A_173] : memref<25x80xi32, #tpu.memory_space<vmem>> -> memref<1x80xi32, #tpu.memory_space<vmem>>
        %dma_wait3A_175 = tpu.memref_squeeze %dma_wait3A_174 : memref<1x80xi32, #tpu.memory_space<vmem>> -> memref<80xi32, #tpu.memory_space<vmem>>
        %dma_wait3A_176 = arith.constant 0 : i32
        %dma_wait3A_177 = arith.constant 0 : i32
        %dma_wait3A_178 = tpu.memref_slice %arg2[%dma_wait3A_176, %dma_wait3A_177] : memref<10000x128xf32, #tpu.memory_space<hbm>> -> memref<10000x128xf32, #tpu.memory_space<hbm>>
        tpu.wait_indirect_dma semaphore(%arg17 : memref<!tpu.dma_semaphore, #tpu.memory_space<semaphore_mem>>) src(%dma_wait3A_178 : memref<10000x128xf32, #tpu.memory_space<hbm>>) dst(%arg12 : memref<80x128xf32, #tpu.memory_space<vmem>>)
        "tpu.region"() ({
          %run_scoped3A_187 = tpu.sem_alloc : memref<!tpu.dma_semaphore, #tpu.memory_space<semaphore_mem>>
          %dma_start3A_188 = arith.constant 0 : i32
          %dma_start3A_189 = tpu.memref_slice %arg8[%add3A_172, %dma_start3A_188] : memref<25x80xi32, #tpu.memory_space<vmem>> -> memref<1x80xi32, #tpu.memory_space<vmem>>
          %dma_start3A_190 = tpu.memref_squeeze %dma_start3A_189 : memref<1x80xi32, #tpu.memory_space<vmem>> -> memref<80xi32, #tpu.memory_space<vmem>>
          %dma_start3A_191 = arith.constant 0 : i32
          %dma_start3A_192 = arith.constant 0 : i32
          %dma_start3A_193 = tpu.memref_slice %arg13[%dma_start3A_191, %dma_start3A_192] : memref<10000x128xf32, #tpu.memory_space<vmem_shared>> -> memref<10000x128xf32, #tpu.memory_space<vmem_shared>>
          tpu.enqueue_indirect_dma source(%arg12 : memref<80x128xf32, #tpu.memory_space<vmem>>) target(%dma_start3A_193 : memref<10000x128xf32, #tpu.memory_space<vmem_shared>>) offsets(%dma_start3A_190 : memref<80xi32, #tpu.memory_space<vmem>>) semaphore(%run_scoped3A_187 : memref<!tpu.dma_semaphore, #tpu.memory_space<semaphore_mem>>) {add = true}
          %dma_wait3A_194 = arith.constant 0 : i32
          %dma_wait3A_195 = tpu.memref_slice %arg8[%add3A_172, %dma_wait3A_194] : memref<25x80xi32, #tpu.memory_space<vmem>> -> memref<1x80xi32, #tpu.memory_space<vmem>>
          %dma_wait3A_196 = tpu.memref_squeeze %dma_wait3A_195 : memref<1x80xi32, #tpu.memory_space<vmem>> -> memref<80xi32, #tpu.memory_space<vmem>>
          %dma_wait3A_197 = arith.constant 0 : i32
          %dma_wait3A_198 = arith.constant 0 : i32
          %dma_wait3A_199 = tpu.memref_slice %arg13[%dma_wait3A_197, %dma_wait3A_198] : memref<10000x128xf32, #tpu.memory_space<vmem_shared>> -> memref<10000x128xf32, #tpu.memory_space<vmem_shared>>
          tpu.wait_indirect_dma semaphore(%run_scoped3A_187 : memref<!tpu.dma_semaphore, #tpu.memory_space<semaphore_mem>>) src(%arg12 : memref<80x128xf32, #tpu.memory_space<vmem>>) dst(%dma_wait3A_199 : memref<10000x128xf32, #tpu.memory_space<vmem_shared>>)
          tpu.yield
        }) : () -> ()
        %add3A_179 = arith.constant 4 : i32
        %add3A_180 = arith.addi %add3A_172, %add3A_179 : i32
        %dma_start3A_181 = arith.constant 0 : i32
        %dma_start3A_182 = tpu.memref_slice %arg7[%add3A_180, %dma_start3A_181] : memref<25x80xi32, #tpu.memory_space<vmem>> -> memref<1x80xi32, #tpu.memory_space<vmem>>
        %dma_start3A_183 = tpu.memref_squeeze %dma_start3A_182 : memref<1x80xi32, #tpu.memory_space<vmem>> -> memref<80xi32, #tpu.memory_space<vmem>>
        %dma_start3A_184 = arith.constant 0 : i32
        %dma_start3A_185 = arith.constant 0 : i32
        %dma_start3A_186 = tpu.memref_slice %arg2[%dma_start3A_184, %dma_start3A_185] : memref<10000x128xf32, #tpu.memory_space<hbm>> -> memref<10000x128xf32, #tpu.memory_space<hbm>>
        tpu.enqueue_indirect_dma source(%dma_start3A_186 : memref<10000x128xf32, #tpu.memory_space<hbm>>) target(%arg12 : memref<80x128xf32, #tpu.memory_space<vmem>>) offsets(%dma_start3A_183 : memref<80xi32, #tpu.memory_space<vmem>>) semaphore(%arg17 : memref<!tpu.dma_semaphore, #tpu.memory_space<semaphore_mem>>)
      }
      %scan3A_68 = arith.constant 5 : i32
      %dma_wait3A = arith.constant 20 : i32
      %dma_wait3A_69 = arith.constant 0 : i32
      %dma_wait3A_70 = tpu.memref_slice %arg7[%dma_wait3A, %dma_wait3A_69] : memref<25x80xi32, #tpu.memory_space<vmem>> -> memref<1x80xi32, #tpu.memory_space<vmem>>
      %dma_wait3A_71 = tpu.memref_squeeze %dma_wait3A_70 : memref<1x80xi32, #tpu.memory_space<vmem>> -> memref<80xi32, #tpu.memory_space<vmem>>
      %dma_wait3A_72 = arith.constant 0 : i32
      %dma_wait3A_73 = arith.constant 0 : i32
      %dma_wait3A_74 = tpu.memref_slice %arg2[%dma_wait3A_72, %dma_wait3A_73] : memref<10000x128xf32, #tpu.memory_space<hbm>> -> memref<10000x128xf32, #tpu.memory_space<hbm>>
      tpu.wait_indirect_dma semaphore(%arg14 : memref<!tpu.dma_semaphore, #tpu.memory_space<semaphore_mem>>) src(%dma_wait3A_74 : memref<10000x128xf32, #tpu.memory_space<hbm>>) dst(%arg9 : memref<80x128xf32, #tpu.memory_space<vmem>>)
      %run_scoped3A = arith.constant 20 : i32
      "tpu.region"() ({
        %run_scoped3A_114 = tpu.sem_alloc : memref<!tpu.dma_semaphore, #tpu.memory_space<semaphore_mem>>
        %dma_start3A_115 = arith.constant 0 : i32
        %dma_start3A_116 = tpu.memref_slice %arg8[%run_scoped3A, %dma_start3A_115] : memref<25x80xi32, #tpu.memory_space<vmem>> -> memref<1x80xi32, #tpu.memory_space<vmem>>
        %dma_start3A_117 = tpu.memref_squeeze %dma_start3A_116 : memref<1x80xi32, #tpu.memory_space<vmem>> -> memref<80xi32, #tpu.memory_space<vmem>>
        %dma_start3A_118 = arith.constant 0 : i32
        %dma_start3A_119 = arith.constant 0 : i32
        %dma_start3A_120 = tpu.memref_slice %arg13[%dma_start3A_118, %dma_start3A_119] : memref<10000x128xf32, #tpu.memory_space<vmem_shared>> -> memref<10000x128xf32, #tpu.memory_space<vmem_shared>>
        tpu.enqueue_indirect_dma source(%arg9 : memref<80x128xf32, #tpu.memory_space<vmem>>) target(%dma_start3A_120 : memref<10000x128xf32, #tpu.memory_space<vmem_shared>>) offsets(%dma_start3A_117 : memref<80xi32, #tpu.memory_space<vmem>>) semaphore(%run_scoped3A_114 : memref<!tpu.dma_semaphore, #tpu.memory_space<semaphore_mem>>) {add = true}
        %dma_wait3A_121 = arith.constant 0 : i32
        %dma_wait3A_122 = tpu.memref_slice %arg8[%run_scoped3A, %dma_wait3A_121] : memref<25x80xi32, #tpu.memory_space<vmem>> -> memref<1x80xi32, #tpu.memory_space<vmem>>
        %dma_wait3A_123 = tpu.memref_squeeze %dma_wait3A_122 : memref<1x80xi32, #tpu.memory_space<vmem>> -> memref<80xi32, #tpu.memory_space<vmem>>
        %dma_wait3A_124 = arith.constant 0 : i32
        %dma_wait3A_125 = arith.constant 0 : i32
        %dma_wait3A_126 = tpu.memref_slice %arg13[%dma_wait3A_124, %dma_wait3A_125] : memref<10000x128xf32, #tpu.memory_space<vmem_shared>> -> memref<10000x128xf32, #tpu.memory_space<vmem_shared>>
        tpu.wait_indirect_dma semaphore(%run_scoped3A_114 : memref<!tpu.dma_semaphore, #tpu.memory_space<semaphore_mem>>) src(%arg9 : memref<80x128xf32, #tpu.memory_space<vmem>>) dst(%dma_wait3A_126 : memref<10000x128xf32, #tpu.memory_space<vmem_shared>>)
        tpu.yield
      }) : () -> ()
      %dma_start3A_75 = arith.constant 24 : i32
      %dma_start3A_76 = arith.constant 0 : i32
      %dma_start3A_77 = tpu.memref_slice %arg7[%dma_start3A_75, %dma_start3A_76] : memref<25x80xi32, #tpu.memory_space<vmem>> -> memref<1x80xi32, #tpu.memory_space<vmem>>
      %dma_start3A_78 = tpu.memref_squeeze %dma_start3A_77 : memref<1x80xi32, #tpu.memory_space<vmem>> -> memref<80xi32, #tpu.memory_space<vmem>>
      %dma_start3A_79 = arith.constant 0 : i32
      %dma_start3A_80 = arith.constant 0 : i32
      %dma_start3A_81 = tpu.memref_slice %arg2[%dma_start3A_79, %dma_start3A_80] : memref<10000x128xf32, #tpu.memory_space<hbm>> -> memref<10000x128xf32, #tpu.memory_space<hbm>>
      tpu.enqueue_indirect_dma source(%dma_start3A_81 : memref<10000x128xf32, #tpu.memory_space<hbm>>) target(%arg9 : memref<80x128xf32, #tpu.memory_space<vmem>>) offsets(%dma_start3A_78 : memref<80xi32, #tpu.memory_space<vmem>>) semaphore(%arg14 : memref<!tpu.dma_semaphore, #tpu.memory_space<semaphore_mem>>)
      %dma_wait3A_82 = arith.constant 21 : i32
      %dma_wait3A_83 = arith.constant 0 : i32
      %dma_wait3A_84 = tpu.memref_slice %arg7[%dma_wait3A_82, %dma_wait3A_83] : memref<25x80xi32, #tpu.memory_space<vmem>> -> memref<1x80xi32, #tpu.memory_space<vmem>>
      %dma_wait3A_85 = tpu.memref_squeeze %dma_wait3A_84 : memref<1x80xi32, #tpu.memory_space<vmem>> -> memref<80xi32, #tpu.memory_space<vmem>>
      %dma_wait3A_86 = arith.constant 0 : i32
      %dma_wait3A_87 = arith.constant 0 : i32
      %dma_wait3A_88 = tpu.memref_slice %arg2[%dma_wait3A_86, %dma_wait3A_87] : memref<10000x128xf32, #tpu.memory_space<hbm>> -> memref<10000x128xf32, #tpu.memory_space<hbm>>
      tpu.wait_indirect_dma semaphore(%arg15 : memref<!tpu.dma_semaphore, #tpu.memory_space<semaphore_mem>>) src(%dma_wait3A_88 : memref<10000x128xf32, #tpu.memory_space<hbm>>) dst(%arg10 : memref<80x128xf32, #tpu.memory_space<vmem>>)
      %run_scoped3A_89 = arith.constant 21 : i32
      "tpu.region"() ({
        %run_scoped3A_114 = tpu.sem_alloc : memref<!tpu.dma_semaphore, #tpu.memory_space<semaphore_mem>>
        %dma_start3A_115 = arith.constant 0 : i32
        %dma_start3A_116 = tpu.memref_slice %arg8[%run_scoped3A_89, %dma_start3A_115] : memref<25x80xi32, #tpu.memory_space<vmem>> -> memref<1x80xi32, #tpu.memory_space<vmem>>
        %dma_start3A_117 = tpu.memref_squeeze %dma_start3A_116 : memref<1x80xi32, #tpu.memory_space<vmem>> -> memref<80xi32, #tpu.memory_space<vmem>>
        %dma_start3A_118 = arith.constant 0 : i32
        %dma_start3A_119 = arith.constant 0 : i32
        %dma_start3A_120 = tpu.memref_slice %arg13[%dma_start3A_118, %dma_start3A_119] : memref<10000x128xf32, #tpu.memory_space<vmem_shared>> -> memref<10000x128xf32, #tpu.memory_space<vmem_shared>>
        tpu.enqueue_indirect_dma source(%arg10 : memref<80x128xf32, #tpu.memory_space<vmem>>) target(%dma_start3A_120 : memref<10000x128xf32, #tpu.memory_space<vmem_shared>>) offsets(%dma_start3A_117 : memref<80xi32, #tpu.memory_space<vmem>>) semaphore(%run_scoped3A_114 : memref<!tpu.dma_semaphore, #tpu.memory_space<semaphore_mem>>) {add = true}
        %dma_wait3A_121 = arith.constant 0 : i32
        %dma_wait3A_122 = tpu.memref_slice %arg8[%run_scoped3A_89, %dma_wait3A_121] : memref<25x80xi32, #tpu.memory_space<vmem>> -> memref<1x80xi32, #tpu.memory_space<vmem>>
        %dma_wait3A_123 = tpu.memref_squeeze %dma_wait3A_122 : memref<1x80xi32, #tpu.memory_space<vmem>> -> memref<80xi32, #tpu.memory_space<vmem>>
        %dma_wait3A_124 = arith.constant 0 : i32
        %dma_wait3A_125 = arith.constant 0 : i32
        %dma_wait3A_126 = tpu.memref_slice %arg13[%dma_wait3A_124, %dma_wait3A_125] : memref<10000x128xf32, #tpu.memory_space<vmem_shared>> -> memref<10000x128xf32, #tpu.memory_space<vmem_shared>>
        tpu.wait_indirect_dma semaphore(%run_scoped3A_114 : memref<!tpu.dma_semaphore, #tpu.memory_space<semaphore_mem>>) src(%arg10 : memref<80x128xf32, #tpu.memory_space<vmem>>) dst(%dma_wait3A_126 : memref<10000x128xf32, #tpu.memory_space<vmem_shared>>)
        tpu.yield
      }) : () -> ()
      %dma_wait3A_90 = arith.constant 22 : i32
      %dma_wait3A_91 = arith.constant 0 : i32
      %dma_wait3A_92 = tpu.memref_slice %arg7[%dma_wait3A_90, %dma_wait3A_91] : memref<25x80xi32, #tpu.memory_space<vmem>> -> memref<1x80xi32, #tpu.memory_space<vmem>>
      %dma_wait3A_93 = tpu.memref_squeeze %dma_wait3A_92 : memref<1x80xi32, #tpu.memory_space<vmem>> -> memref<80xi32, #tpu.memory_space<vmem>>
      %dma_wait3A_94 = arith.constant 0 : i32
      %dma_wait3A_95 = arith.constant 0 : i32
      %dma_wait3A_96 = tpu.memref_slice %arg2[%dma_wait3A_94, %dma_wait3A_95] : memref<10000x128xf32, #tpu.memory_space<hbm>> -> memref<10000x128xf32, #tpu.memory_space<hbm>>
      tpu.wait_indirect_dma semaphore(%arg16 : memref<!tpu.dma_semaphore, #tpu.memory_space<semaphore_mem>>) src(%dma_wait3A_96 : memref<10000x128xf32, #tpu.memory_space<hbm>>) dst(%arg11 : memref<80x128xf32, #tpu.memory_space<vmem>>)
      %run_scoped3A_97 = arith.constant 22 : i32
      "tpu.region"() ({
        %run_scoped3A_114 = tpu.sem_alloc : memref<!tpu.dma_semaphore, #tpu.memory_space<semaphore_mem>>
        %dma_start3A_115 = arith.constant 0 : i32
        %dma_start3A_116 = tpu.memref_slice %arg8[%run_scoped3A_97, %dma_start3A_115] : memref<25x80xi32, #tpu.memory_space<vmem>> -> memref<1x80xi32, #tpu.memory_space<vmem>>
        %dma_start3A_117 = tpu.memref_squeeze %dma_start3A_116 : memref<1x80xi32, #tpu.memory_space<vmem>> -> memref<80xi32, #tpu.memory_space<vmem>>
        %dma_start3A_118 = arith.constant 0 : i32
        %dma_start3A_119 = arith.constant 0 : i32
        %dma_start3A_120 = tpu.memref_slice %arg13[%dma_start3A_118, %dma_start3A_119] : memref<10000x128xf32, #tpu.memory_space<vmem_shared>> -> memref<10000x128xf32, #tpu.memory_space<vmem_shared>>
        tpu.enqueue_indirect_dma source(%arg11 : memref<80x128xf32, #tpu.memory_space<vmem>>) target(%dma_start3A_120 : memref<10000x128xf32, #tpu.memory_space<vmem_shared>>) offsets(%dma_start3A_117 : memref<80xi32, #tpu.memory_space<vmem>>) semaphore(%run_scoped3A_114 : memref<!tpu.dma_semaphore, #tpu.memory_space<semaphore_mem>>) {add = true}
        %dma_wait3A_121 = arith.constant 0 : i32
        %dma_wait3A_122 = tpu.memref_slice %arg8[%run_scoped3A_97, %dma_wait3A_121] : memref<25x80xi32, #tpu.memory_space<vmem>> -> memref<1x80xi32, #tpu.memory_space<vmem>>
        %dma_wait3A_123 = tpu.memref_squeeze %dma_wait3A_122 : memref<1x80xi32, #tpu.memory_space<vmem>> -> memref<80xi32, #tpu.memory_space<vmem>>
        %dma_wait3A_124 = arith.constant 0 : i32
        %dma_wait3A_125 = arith.constant 0 : i32
        %dma_wait3A_126 = tpu.memref_slice %arg13[%dma_wait3A_124, %dma_wait3A_125] : memref<10000x128xf32, #tpu.memory_space<vmem_shared>> -> memref<10000x128xf32, #tpu.memory_space<vmem_shared>>
        tpu.wait_indirect_dma semaphore(%run_scoped3A_114 : memref<!tpu.dma_semaphore, #tpu.memory_space<semaphore_mem>>) src(%arg11 : memref<80x128xf32, #tpu.memory_space<vmem>>) dst(%dma_wait3A_126 : memref<10000x128xf32, #tpu.memory_space<vmem_shared>>)
        tpu.yield
      }) : () -> ()
      %dma_wait3A_98 = arith.constant 23 : i32
      %dma_wait3A_99 = arith.constant 0 : i32
      %dma_wait3A_100 = tpu.memref_slice %arg7[%dma_wait3A_98, %dma_wait3A_99] : memref<25x80xi32, #tpu.memory_space<vmem>> -> memref<1x80xi32, #tpu.memory_space<vmem>>
      %dma_wait3A_101 = tpu.memref_squeeze %dma_wait3A_100 : memref<1x80xi32, #tpu.memory_space<vmem>> -> memref<80xi32, #tpu.memory_space<vmem>>
      %dma_wait3A_102 = arith.constant 0 : i32
      %dma_wait3A_103 = arith.constant 0 : i32
      %dma_wait3A_104 = tpu.memref_slice %arg2[%dma_wait3A_102, %dma_wait3A_103] : memref<10000x128xf32, #tpu.memory_space<hbm>> -> memref<10000x128xf32, #tpu.memory_space<hbm>>
      tpu.wait_indirect_dma semaphore(%arg17 : memref<!tpu.dma_semaphore, #tpu.memory_space<semaphore_mem>>) src(%dma_wait3A_104 : memref<10000x128xf32, #tpu.memory_space<hbm>>) dst(%arg12 : memref<80x128xf32, #tpu.memory_space<vmem>>)
      %run_scoped3A_105 = arith.constant 23 : i32
      "tpu.region"() ({
        %run_scoped3A_114 = tpu.sem_alloc : memref<!tpu.dma_semaphore, #tpu.memory_space<semaphore_mem>>
        %dma_start3A_115 = arith.constant 0 : i32
        %dma_start3A_116 = tpu.memref_slice %arg8[%run_scoped3A_105, %dma_start3A_115] : memref<25x80xi32, #tpu.memory_space<vmem>> -> memref<1x80xi32, #tpu.memory_space<vmem>>
        %dma_start3A_117 = tpu.memref_squeeze %dma_start3A_116 : memref<1x80xi32, #tpu.memory_space<vmem>> -> memref<80xi32, #tpu.memory_space<vmem>>
        %dma_start3A_118 = arith.constant 0 : i32
        %dma_start3A_119 = arith.constant 0 : i32
        %dma_start3A_120 = tpu.memref_slice %arg13[%dma_start3A_118, %dma_start3A_119] : memref<10000x128xf32, #tpu.memory_space<vmem_shared>> -> memref<10000x128xf32, #tpu.memory_space<vmem_shared>>
        tpu.enqueue_indirect_dma source(%arg12 : memref<80x128xf32, #tpu.memory_space<vmem>>) target(%dma_start3A_120 : memref<10000x128xf32, #tpu.memory_space<vmem_shared>>) offsets(%dma_start3A_117 : memref<80xi32, #tpu.memory_space<vmem>>) semaphore(%run_scoped3A_114 : memref<!tpu.dma_semaphore, #tpu.memory_space<semaphore_mem>>) {add = true}
        %dma_wait3A_121 = arith.constant 0 : i32
        %dma_wait3A_122 = tpu.memref_slice %arg8[%run_scoped3A_105, %dma_wait3A_121] : memref<25x80xi32, #tpu.memory_space<vmem>> -> memref<1x80xi32, #tpu.memory_space<vmem>>
        %dma_wait3A_123 = tpu.memref_squeeze %dma_wait3A_122 : memref<1x80xi32, #tpu.memory_space<vmem>> -> memref<80xi32, #tpu.memory_space<vmem>>
        %dma_wait3A_124 = arith.constant 0 : i32
        %dma_wait3A_125 = arith.constant 0 : i32
        %dma_wait3A_126 = tpu.memref_slice %arg13[%dma_wait3A_124, %dma_wait3A_125] : memref<10000x128xf32, #tpu.memory_space<vmem_shared>> -> memref<10000x128xf32, #tpu.memory_space<vmem_shared>>
        tpu.wait_indirect_dma semaphore(%run_scoped3A_114 : memref<!tpu.dma_semaphore, #tpu.memory_space<semaphore_mem>>) src(%arg12 : memref<80x128xf32, #tpu.memory_space<vmem>>) dst(%dma_wait3A_126 : memref<10000x128xf32, #tpu.memory_space<vmem_shared>>)
        tpu.yield
      }) : () -> ()
      %dma_wait3A_106 = arith.constant 24 : i32
      %dma_wait3A_107 = arith.constant 0 : i32
      %dma_wait3A_108 = tpu.memref_slice %arg7[%dma_wait3A_106, %dma_wait3A_107] : memref<25x80xi32, #tpu.memory_space<vmem>> -> memref<1x80xi32, #tpu.memory_space<vmem>>
      %dma_wait3A_109 = tpu.memref_squeeze %dma_wait3A_108 : memref<1x80xi32, #tpu.memory_space<vmem>> -> memref<80xi32, #tpu.memory_space<vmem>>
      %dma_wait3A_110 = arith.constant 0 : i32
      %dma_wait3A_111 = arith.constant 0 : i32
      %dma_wait3A_112 = tpu.memref_slice %arg2[%dma_wait3A_110, %dma_wait3A_111] : memref<10000x128xf32, #tpu.memory_space<hbm>> -> memref<10000x128xf32, #tpu.memory_space<hbm>>
      tpu.wait_indirect_dma semaphore(%arg14 : memref<!tpu.dma_semaphore, #tpu.memory_space<semaphore_mem>>) src(%dma_wait3A_112 : memref<10000x128xf32, #tpu.memory_space<hbm>>) dst(%arg9 : memref<80x128xf32, #tpu.memory_space<vmem>>)
      %run_scoped3A_113 = arith.constant 24 : i32
      "tpu.region"() ({
        %run_scoped3A_114 = tpu.sem_alloc : memref<!tpu.dma_semaphore, #tpu.memory_space<semaphore_mem>>
        %dma_start3A_115 = arith.constant 0 : i32
        %dma_start3A_116 = tpu.memref_slice %arg8[%run_scoped3A_113, %dma_start3A_115] : memref<25x80xi32, #tpu.memory_space<vmem>> -> memref<1x80xi32, #tpu.memory_space<vmem>>
        %dma_start3A_117 = tpu.memref_squeeze %dma_start3A_116 : memref<1x80xi32, #tpu.memory_space<vmem>> -> memref<80xi32, #tpu.memory_space<vmem>>
        %dma_start3A_118 = arith.constant 0 : i32
        %dma_start3A_119 = arith.constant 0 : i32
        %dma_start3A_120 = tpu.memref_slice %arg13[%dma_start3A_118, %dma_start3A_119] : memref<10000x128xf32, #tpu.memory_space<vmem_shared>> -> memref<10000x128xf32, #tpu.memory_space<vmem_shared>>
        tpu.enqueue_indirect_dma source(%arg9 : memref<80x128xf32, #tpu.memory_space<vmem>>) target(%dma_start3A_120 : memref<10000x128xf32, #tpu.memory_space<vmem_shared>>) offsets(%dma_start3A_117 : memref<80xi32, #tpu.memory_space<vmem>>) semaphore(%run_scoped3A_114 : memref<!tpu.dma_semaphore, #tpu.memory_space<semaphore_mem>>) {add = true}
        %dma_wait3A_121 = arith.constant 0 : i32
        %dma_wait3A_122 = tpu.memref_slice %arg8[%run_scoped3A_113, %dma_wait3A_121] : memref<25x80xi32, #tpu.memory_space<vmem>> -> memref<1x80xi32, #tpu.memory_space<vmem>>
        %dma_wait3A_123 = tpu.memref_squeeze %dma_wait3A_122 : memref<1x80xi32, #tpu.memory_space<vmem>> -> memref<80xi32, #tpu.memory_space<vmem>>
        %dma_wait3A_124 = arith.constant 0 : i32
        %dma_wait3A_125 = arith.constant 0 : i32
        %dma_wait3A_126 = tpu.memref_slice %arg13[%dma_wait3A_124, %dma_wait3A_125] : memref<10000x128xf32, #tpu.memory_space<vmem_shared>> -> memref<10000x128xf32, #tpu.memory_space<vmem_shared>>
        tpu.wait_indirect_dma semaphore(%run_scoped3A_114 : memref<!tpu.dma_semaphore, #tpu.memory_space<semaphore_mem>>) src(%arg9 : memref<80x128xf32, #tpu.memory_space<vmem>>) dst(%dma_wait3A_126 : memref<10000x128xf32, #tpu.memory_space<vmem_shared>>)
        tpu.yield
      }) : () -> ()
    }
    %scan3A_28 = arith.constant 5 : i32
    %barrier3A_29 = arith.constant 0 : index
    tpu.barrier barrier_id(%barrier3A_29)
    "tpu.region"() ({
      %run_scoped3A = tpu.sem_alloc : memref<!tpu.dma_semaphore, #tpu.memory_space<semaphore_mem>>
      %dma_start3A = arith.constant 0 : i32
      %dma_start3A_35 = tpu.memref_slice %arg6[%arg0, %mul3A_2, %dma_start3A] : memref<2x10000x128xf32, #tpu.memory_space<hbm>> -> memref<1x624x128xf32, #tpu.memory_space<hbm>>
      %dma_start3A_36 = tpu.memref_squeeze %dma_start3A_35 : memref<1x624x128xf32, #tpu.memory_space<hbm>> -> memref<624x128xf32, #tpu.memory_space<hbm>>
      %dma_start3A_37 = arith.constant 0 : i32
      %dma_start3A_38 = tpu.memref_slice %arg13[%mul3A_2, %dma_start3A_37] : memref<10000x128xf32, #tpu.memory_space<vmem_shared>> -> memref<624x128xf32, #tpu.memory_space<vmem_shared>>
      tpu.enqueue_dma source(%dma_start3A_38 : memref<624x128xf32, #tpu.memory_space<vmem_shared>>) target(%dma_start3A_36 : memref<624x128xf32, #tpu.memory_space<hbm>>) target_semaphore(%run_scoped3A : memref<!tpu.dma_semaphore, #tpu.memory_space<semaphore_mem>>)
      %dma_wait3A = arith.constant 0 : i32
      %dma_wait3A_39 = tpu.memref_slice %arg6[%arg0, %mul3A_2, %dma_wait3A] : memref<2x10000x128xf32, #tpu.memory_space<hbm>> -> memref<1x624x128xf32, #tpu.memory_space<hbm>>
      %dma_wait3A_40 = tpu.memref_squeeze %dma_wait3A_39 : memref<1x624x128xf32, #tpu.memory_space<hbm>> -> memref<624x128xf32, #tpu.memory_space<hbm>>
      %dma_wait3A_41 = arith.constant 0 : i32
      %dma_wait3A_42 = tpu.memref_slice %arg13[%mul3A_2, %dma_wait3A_41] : memref<10000x128xf32, #tpu.memory_space<vmem_shared>> -> memref<624x128xf32, #tpu.memory_space<vmem_shared>>
      tpu.wait_dma2 semaphore(%run_scoped3A : memref<!tpu.dma_semaphore, #tpu.memory_space<semaphore_mem>>) src(%dma_wait3A_42 : memref<624x128xf32, #tpu.memory_space<vmem_shared>>) dst(%dma_wait3A_40 : memref<624x128xf32, #tpu.memory_space<hbm>>)
      tpu.yield
    }) : () -> ()
    %eq3A_30 = arith.constant 0 : i32
    %eq3A_31 = arith.cmpi eq, %arg1, %eq3A_30 : i32
    %convert_element_type3A_32 = arith.extui %eq3A_31 : i1 to i32
    %cond3A_33 = arith.constant 0 : i32
    %cond3A_34 = arith.cmpi ne, %convert_element_type3A_32, %cond3A_33 : i32
    scf.if %cond3A_34 {
      "tpu.region"() ({
        %run_scoped3A = tpu.sem_alloc : memref<!tpu.dma_semaphore, #tpu.memory_space<semaphore_mem>>
        %dma_start3A = arith.constant 9984 : i32
        %dma_start3A_35 = arith.constant 0 : i32
        %dma_start3A_36 = tpu.memref_slice %arg6[%arg0, %dma_start3A, %dma_start3A_35] : memref<2x10000x128xf32, #tpu.memory_space<hbm>> -> memref<1x16x128xf32, #tpu.memory_space<hbm>>
        %dma_start3A_37 = tpu.memref_squeeze %dma_start3A_36 : memref<1x16x128xf32, #tpu.memory_space<hbm>> -> memref<16x128xf32, #tpu.memory_space<hbm>>
        %dma_start3A_38 = arith.constant 9984 : i32
        %dma_start3A_39 = arith.constant 0 : i32
        %dma_start3A_40 = tpu.memref_slice %arg13[%dma_start3A_38, %dma_start3A_39] : memref<10000x128xf32, #tpu.memory_space<vmem_shared>> -> memref<16x128xf32, #tpu.memory_space<vmem_shared>>
        tpu.enqueue_dma source(%dma_start3A_40 : memref<16x128xf32, #tpu.memory_space<vmem_shared>>) target(%dma_start3A_37 : memref<16x128xf32, #tpu.memory_space<hbm>>) target_semaphore(%run_scoped3A : memref<!tpu.dma_semaphore, #tpu.memory_space<semaphore_mem>>)
        %dma_wait3A = arith.constant 9984 : i32
        %dma_wait3A_41 = arith.constant 0 : i32
        %dma_wait3A_42 = tpu.memref_slice %arg6[%arg0, %dma_wait3A, %dma_wait3A_41] : memref<2x10000x128xf32, #tpu.memory_space<hbm>> -> memref<1x16x128xf32, #tpu.memory_space<hbm>>
        %dma_wait3A_43 = tpu.memref_squeeze %dma_wait3A_42 : memref<1x16x128xf32, #tpu.memory_space<hbm>> -> memref<16x128xf32, #tpu.memory_space<hbm>>
        %dma_wait3A_44 = arith.constant 9984 : i32
        %dma_wait3A_45 = arith.constant 0 : i32
        %dma_wait3A_46 = tpu.memref_slice %arg13[%dma_wait3A_44, %dma_wait3A_45] : memref<10000x128xf32, #tpu.memory_space<vmem_shared>> -> memref<16x128xf32, #tpu.memory_space<vmem_shared>>
        tpu.wait_dma2 semaphore(%run_scoped3A : memref<!tpu.dma_semaphore, #tpu.memory_space<semaphore_mem>>) src(%dma_wait3A_46 : memref<16x128xf32, #tpu.memory_space<vmem_shared>>) dst(%dma_wait3A_43 : memref<16x128xf32, #tpu.memory_space<hbm>>)
        tpu.yield
      }) : () -> ()
    } else {
    }
    return
  }
}

#map = affine_map<(d0, d1) -> (0, 0)>
#map1 = affine_map<(d0, d1) -> (0, 0, 0, 0)>
#map2 = affine_map<(d0, d1) -> (0, 0, 0)>
module attributes {stable_mosaic.version = 14 : i64} {
  func.func @_seg_body(%arg0: i32, %arg1: i32, %arg2: memref<10000x128xf32, #tpu.memory_space<hbm>>, %arg3: memref<10000x128xf32, #tpu.memory_space<hbm>>, %arg4: memref<32x5x25x80xi32, #tpu.memory_space<hbm>>, %arg5: memref<32x5x25x80xi32, #tpu.memory_space<hbm>>, %arg6: memref<2x10000x128xf32, #tpu.memory_space<hbm>>, %arg7: memref<25x80xi32, #tpu.memory_space<vmem>>, %arg8: memref<25x80xi32, #tpu.memory_space<vmem>>, %arg9: memref<80x128xf32, #tpu.memory_space<vmem>>, %arg10: memref<80x128xf32, #tpu.memory_space<vmem>>, %arg11: memref<80x128xf32, #tpu.memory_space<vmem>>, %arg12: memref<80x128xf32, #tpu.memory_space<vmem>>, %arg13: memref<10000x128xf32, #tpu.memory_space<vmem_shared>>, %arg14: memref<!tpu.dma_semaphore, #tpu.memory_space<semaphore_mem>>, %arg15: memref<!tpu.dma_semaphore, #tpu.memory_space<semaphore_mem>>, %arg16: memref<!tpu.dma_semaphore, #tpu.memory_space<semaphore_mem>>, %arg17: memref<!tpu.dma_semaphore, #tpu.memory_space<semaphore_mem>>) attributes {dimension_semantics = [#tpu.dimension_semantics<core_parallel>, #tpu.dimension_semantics<subcore_parallel>], iteration_bounds = array<i64: 2, 16>, scalar_prefetch = 0 : i64, scratch_operands = 11 : i64, tpu.core_type = #tpu.core_type<sc_vector_subcore>, window_params = [{transform_indices = #map}, {transform_indices = #map}, {transform_indices = #map1}, {transform_indices = #map1}, {transform_indices = #map2}]} {
    %mul3A = arith.constant 2 : i32
    %mul3A_0 = arith.muli %arg1, %mul3A : i32
    %add3A = arith.addi %mul3A_0, %arg0 : i32
    %mul3A_1 = arith.constant 624 : i32
    %mul3A_2 = arith.muli %arg1, %mul3A_1 : i32
    %eq3A = arith.constant 0 : i32
    %eq3A_3 = arith.cmpi eq, %arg0, %eq3A : i32
    %convert_element_type3A = arith.extui %eq3A_3 : i1 to i32
    %cond3A = arith.constant 0 : i32
    %cond3A_4 = arith.cmpi ne, %convert_element_type3A, %cond3A : i32
    scf.if %cond3A_4 {
      "tpu.region"() ({
        %run_scoped3A = tpu.sem_alloc : memref<!tpu.dma_semaphore, #tpu.memory_space<semaphore_mem>>
        %dma_start3A = arith.constant 0 : i32
        %dma_start3A_35 = tpu.memref_slice %arg13[%mul3A_2, %dma_start3A] : memref<10000x128xf32, #tpu.memory_space<vmem_shared>> -> memref<624x128xf32, #tpu.memory_space<vmem_shared>>
        %dma_start3A_36 = arith.constant 0 : i32
        %dma_start3A_37 = tpu.memref_slice %arg2[%mul3A_2, %dma_start3A_36] : memref<10000x128xf32, #tpu.memory_space<hbm>> -> memref<624x128xf32, #tpu.memory_space<hbm>>
        tpu.enqueue_dma source(%dma_start3A_37 : memref<624x128xf32, #tpu.memory_space<hbm>>) target(%dma_start3A_35 : memref<624x128xf32, #tpu.memory_space<vmem_shared>>) target_semaphore(%run_scoped3A : memref<!tpu.dma_semaphore, #tpu.memory_space<semaphore_mem>>)
        %dma_wait3A = arith.constant 0 : i32
        %dma_wait3A_38 = tpu.memref_slice %arg13[%mul3A_2, %dma_wait3A] : memref<10000x128xf32, #tpu.memory_space<vmem_shared>> -> memref<624x128xf32, #tpu.memory_space<vmem_shared>>
        %dma_wait3A_39 = arith.constant 0 : i32
        %dma_wait3A_40 = tpu.memref_slice %arg2[%mul3A_2, %dma_wait3A_39] : memref<10000x128xf32, #tpu.memory_space<hbm>> -> memref<624x128xf32, #tpu.memory_space<hbm>>
        tpu.wait_dma2 semaphore(%run_scoped3A : memref<!tpu.dma_semaphore, #tpu.memory_space<semaphore_mem>>) src(%dma_wait3A_40 : memref<624x128xf32, #tpu.memory_space<hbm>>) dst(%dma_wait3A_38 : memref<624x128xf32, #tpu.memory_space<vmem_shared>>)
        tpu.yield
      }) : () -> ()
    } else {
    }
    %ne3A = arith.constant 0 : i32
    %ne3A_5 = arith.cmpi ne, %arg0, %ne3A : i32
    %convert_element_type3A_6 = arith.extui %ne3A_5 : i1 to i32
    %cond3A_7 = arith.constant 0 : i32
    %cond3A_8 = arith.cmpi ne, %convert_element_type3A_6, %cond3A_7 : i32
    scf.if %cond3A_8 {
      "tpu.region"() ({
        %run_scoped3A = tpu.sem_alloc : memref<!tpu.dma_semaphore, #tpu.memory_space<semaphore_mem>>
        %dma_start3A = arith.constant 0 : i32
        %dma_start3A_35 = tpu.memref_slice %arg13[%mul3A_2, %dma_start3A] : memref<10000x128xf32, #tpu.memory_space<vmem_shared>> -> memref<624x128xf32, #tpu.memory_space<vmem_shared>>
        %dma_start3A_36 = arith.constant 0 : i32
        %dma_start3A_37 = tpu.memref_slice %arg3[%mul3A_2, %dma_start3A_36] : memref<10000x128xf32, #tpu.memory_space<hbm>> -> memref<624x128xf32, #tpu.memory_space<hbm>>
        tpu.enqueue_dma source(%dma_start3A_37 : memref<624x128xf32, #tpu.memory_space<hbm>>) target(%dma_start3A_35 : memref<624x128xf32, #tpu.memory_space<vmem_shared>>) target_semaphore(%run_scoped3A : memref<!tpu.dma_semaphore, #tpu.memory_space<semaphore_mem>>)
        %dma_wait3A = arith.constant 0 : i32
        %dma_wait3A_38 = tpu.memref_slice %arg13[%mul3A_2, %dma_wait3A] : memref<10000x128xf32, #tpu.memory_space<vmem_shared>> -> memref<624x128xf32, #tpu.memory_space<vmem_shared>>
        %dma_wait3A_39 = arith.constant 0 : i32
        %dma_wait3A_40 = tpu.memref_slice %arg3[%mul3A_2, %dma_wait3A_39] : memref<10000x128xf32, #tpu.memory_space<hbm>> -> memref<624x128xf32, #tpu.memory_space<hbm>>
        tpu.wait_dma2 semaphore(%run_scoped3A : memref<!tpu.dma_semaphore, #tpu.memory_space<semaphore_mem>>) src(%dma_wait3A_40 : memref<624x128xf32, #tpu.memory_space<hbm>>) dst(%dma_wait3A_38 : memref<624x128xf32, #tpu.memory_space<vmem_shared>>)
        tpu.yield
      }) : () -> ()
    } else {
    }
    %eq3A_9 = arith.constant 0 : i32
    %eq3A_10 = arith.cmpi eq, %arg0, %eq3A_9 : i32
    %eq3A_11 = arith.constant 0 : i32
    %eq3A_12 = arith.cmpi eq, %arg1, %eq3A_11 : i32
    %and3A = arith.andi %eq3A_10, %eq3A_12 : i1
    %convert_element_type3A_13 = arith.extui %and3A : i1 to i32
    %cond3A_14 = arith.constant 0 : i32
    %cond3A_15 = arith.cmpi ne, %convert_element_type3A_13, %cond3A_14 : i32
    scf.if %cond3A_15 {
      "tpu.region"() ({
        %run_scoped3A = tpu.sem_alloc : memref<!tpu.dma_semaphore, #tpu.memory_space<semaphore_mem>>
        %dma_start3A = arith.constant 9984 : i32
        %dma_start3A_35 = arith.constant 0 : i32
        %dma_start3A_36 = tpu.memref_slice %arg13[%dma_start3A, %dma_start3A_35] : memref<10000x128xf32, #tpu.memory_space<vmem_shared>> -> memref<16x128xf32, #tpu.memory_space<vmem_shared>>
        %dma_start3A_37 = arith.constant 9984 : i32
        %dma_start3A_38 = arith.constant 0 : i32
        %dma_start3A_39 = tpu.memref_slice %arg2[%dma_start3A_37, %dma_start3A_38] : memref<10000x128xf32, #tpu.memory_space<hbm>> -> memref<16x128xf32, #tpu.memory_space<hbm>>
        tpu.enqueue_dma source(%dma_start3A_39 : memref<16x128xf32, #tpu.memory_space<hbm>>) target(%dma_start3A_36 : memref<16x128xf32, #tpu.memory_space<vmem_shared>>) target_semaphore(%run_scoped3A : memref<!tpu.dma_semaphore, #tpu.memory_space<semaphore_mem>>)
        %dma_wait3A = arith.constant 9984 : i32
        %dma_wait3A_40 = arith.constant 0 : i32
        %dma_wait3A_41 = tpu.memref_slice %arg13[%dma_wait3A, %dma_wait3A_40] : memref<10000x128xf32, #tpu.memory_space<vmem_shared>> -> memref<16x128xf32, #tpu.memory_space<vmem_shared>>
        %dma_wait3A_42 = arith.constant 9984 : i32
        %dma_wait3A_43 = arith.constant 0 : i32
        %dma_wait3A_44 = tpu.memref_slice %arg2[%dma_wait3A_42, %dma_wait3A_43] : memref<10000x128xf32, #tpu.memory_space<hbm>> -> memref<16x128xf32, #tpu.memory_space<hbm>>
        tpu.wait_dma2 semaphore(%run_scoped3A : memref<!tpu.dma_semaphore, #tpu.memory_space<semaphore_mem>>) src(%dma_wait3A_44 : memref<16x128xf32, #tpu.memory_space<hbm>>) dst(%dma_wait3A_41 : memref<16x128xf32, #tpu.memory_space<vmem_shared>>)
        tpu.yield
      }) : () -> ()
    } else {
    }
    %ne3A_16 = arith.constant 0 : i32
    %ne3A_17 = arith.cmpi ne, %arg0, %ne3A_16 : i32
    %eq3A_18 = arith.constant 0 : i32
    %eq3A_19 = arith.cmpi eq, %arg1, %eq3A_18 : i32
    %and3A_20 = arith.andi %ne3A_17, %eq3A_19 : i1
    %convert_element_type3A_21 = arith.extui %and3A_20 : i1 to i32
    %cond3A_22 = arith.constant 0 : i32
    %cond3A_23 = arith.cmpi ne, %convert_element_type3A_21, %cond3A_22 : i32
    scf.if %cond3A_23 {
      "tpu.region"() ({
        %run_scoped3A = tpu.sem_alloc : memref<!tpu.dma_semaphore, #tpu.memory_space<semaphore_mem>>
        %dma_start3A = arith.constant 9984 : i32
        %dma_start3A_35 = arith.constant 0 : i32
        %dma_start3A_36 = tpu.memref_slice %arg13[%dma_start3A, %dma_start3A_35] : memref<10000x128xf32, #tpu.memory_space<vmem_shared>> -> memref<16x128xf32, #tpu.memory_space<vmem_shared>>
        %dma_start3A_37 = arith.constant 9984 : i32
        %dma_start3A_38 = arith.constant 0 : i32
        %dma_start3A_39 = tpu.memref_slice %arg3[%dma_start3A_37, %dma_start3A_38] : memref<10000x128xf32, #tpu.memory_space<hbm>> -> memref<16x128xf32, #tpu.memory_space<hbm>>
        tpu.enqueue_dma source(%dma_start3A_39 : memref<16x128xf32, #tpu.memory_space<hbm>>) target(%dma_start3A_36 : memref<16x128xf32, #tpu.memory_space<vmem_shared>>) target_semaphore(%run_scoped3A : memref<!tpu.dma_semaphore, #tpu.memory_space<semaphore_mem>>)
        %dma_wait3A = arith.constant 9984 : i32
        %dma_wait3A_40 = arith.constant 0 : i32
        %dma_wait3A_41 = tpu.memref_slice %arg13[%dma_wait3A, %dma_wait3A_40] : memref<10000x128xf32, #tpu.memory_space<vmem_shared>> -> memref<16x128xf32, #tpu.memory_space<vmem_shared>>
        %dma_wait3A_42 = arith.constant 9984 : i32
        %dma_wait3A_43 = arith.constant 0 : i32
        %dma_wait3A_44 = tpu.memref_slice %arg3[%dma_wait3A_42, %dma_wait3A_43] : memref<10000x128xf32, #tpu.memory_space<hbm>> -> memref<16x128xf32, #tpu.memory_space<hbm>>
        tpu.wait_dma2 semaphore(%run_scoped3A : memref<!tpu.dma_semaphore, #tpu.memory_space<semaphore_mem>>) src(%dma_wait3A_44 : memref<16x128xf32, #tpu.memory_space<hbm>>) dst(%dma_wait3A_41 : memref<16x128xf32, #tpu.memory_space<vmem_shared>>)
        tpu.yield
      }) : () -> ()
    } else {
    }
    %barrier3A = arith.constant 0 : index
    tpu.barrier barrier_id(%barrier3A)
    %scan3A = arith.constant 0 : i32
    %scan3A_24 = arith.constant 0 : i32
    %scan3A_25 = arith.constant 5 : i32
    %scan3A_26 = arith.addi %scan3A_24, %scan3A_25 : i32
    %scan3A_27 = arith.constant 1 : i32
    scf.for %scan3A_35 = %scan3A_24 to %scan3A_26 step %scan3A_27  : i32 {
      "tpu.region"() ({
        %run_scoped3A_114 = tpu.sem_alloc : memref<!tpu.dma_semaphore, #tpu.memory_space<semaphore_mem>>
        %dma_start3A_115 = arith.constant 0 : i32
        %dma_start3A_116 = arith.constant 0 : i32
        %dma_start3A_117 = tpu.memref_slice %arg4[%add3A, %scan3A_35, %dma_start3A_115, %dma_start3A_116] : memref<32x5x25x80xi32, #tpu.memory_space<hbm>> -> memref<1x1x25x80xi32, #tpu.memory_space<hbm>>
        %dma_start3A_118 = tpu.memref_squeeze %dma_start3A_117 : memref<1x1x25x80xi32, #tpu.memory_space<hbm>> -> memref<25x80xi32, #tpu.memory_space<hbm>>
        %dma_start3A_119 = arith.constant 0 : i32
        %dma_start3A_120 = arith.constant 0 : i32
        %dma_start3A_121 = tpu.memref_slice %arg4[%add3A, %scan3A_35, %dma_start3A_119, %dma_start3A_120] : memref<32x5x25x80xi32, #tpu.memory_space<hbm>> -> memref<1x1x25x80xi32, #tpu.memory_space<hbm>>
        %dma_start3A_122 = tpu.memref_squeeze %dma_start3A_121 : memref<1x1x25x80xi32, #tpu.memory_space<hbm>> -> memref<25x80xi32, #tpu.memory_space<hbm>>
        tpu.enqueue_dma source(%dma_start3A_122 : memref<25x80xi32, #tpu.memory_space<hbm>>) target(%arg7 : memref<25x80xi32, #tpu.memory_space<vmem>>) target_semaphore(%run_scoped3A_114 : memref<!tpu.dma_semaphore, #tpu.memory_space<semaphore_mem>>)
        %dma_wait3A_123 = arith.constant 0 : i32
        %dma_wait3A_124 = arith.constant 0 : i32
        %dma_wait3A_125 = tpu.memref_slice %arg4[%add3A, %scan3A_35, %dma_wait3A_123, %dma_wait3A_124] : memref<32x5x25x80xi32, #tpu.memory_space<hbm>> -> memref<1x1x25x80xi32, #tpu.memory_space<hbm>>
        %dma_wait3A_126 = tpu.memref_squeeze %dma_wait3A_125 : memref<1x1x25x80xi32, #tpu.memory_space<hbm>> -> memref<25x80xi32, #tpu.memory_space<hbm>>
        %dma_wait3A_127 = arith.constant 0 : i32
        %dma_wait3A_128 = arith.constant 0 : i32
        %dma_wait3A_129 = tpu.memref_slice %arg4[%add3A, %scan3A_35, %dma_wait3A_127, %dma_wait3A_128] : memref<32x5x25x80xi32, #tpu.memory_space<hbm>> -> memref<1x1x25x80xi32, #tpu.memory_space<hbm>>
        %dma_wait3A_130 = tpu.memref_squeeze %dma_wait3A_129 : memref<1x1x25x80xi32, #tpu.memory_space<hbm>> -> memref<25x80xi32, #tpu.memory_space<hbm>>
        tpu.wait_dma2 semaphore(%run_scoped3A_114 : memref<!tpu.dma_semaphore, #tpu.memory_space<semaphore_mem>>) src(%dma_wait3A_130 : memref<25x80xi32, #tpu.memory_space<hbm>>) dst(%arg7 : memref<25x80xi32, #tpu.memory_space<vmem>>)
        tpu.yield
      }) : () -> ()
      "tpu.region"() ({
        %run_scoped3A_114 = tpu.sem_alloc : memref<!tpu.dma_semaphore, #tpu.memory_space<semaphore_mem>>
        %dma_start3A_115 = arith.constant 0 : i32
        %dma_start3A_116 = arith.constant 0 : i32
        %dma_start3A_117 = tpu.memref_slice %arg5[%add3A, %scan3A_35, %dma_start3A_115, %dma_start3A_116] : memref<32x5x25x80xi32, #tpu.memory_space<hbm>> -> memref<1x1x25x80xi32, #tpu.memory_space<hbm>>
        %dma_start3A_118 = tpu.memref_squeeze %dma_start3A_117 : memref<1x1x25x80xi32, #tpu.memory_space<hbm>> -> memref<25x80xi32, #tpu.memory_space<hbm>>
        %dma_start3A_119 = arith.constant 0 : i32
        %dma_start3A_120 = arith.constant 0 : i32
        %dma_start3A_121 = tpu.memref_slice %arg5[%add3A, %scan3A_35, %dma_start3A_119, %dma_start3A_120] : memref<32x5x25x80xi32, #tpu.memory_space<hbm>> -> memref<1x1x25x80xi32, #tpu.memory_space<hbm>>
        %dma_start3A_122 = tpu.memref_squeeze %dma_start3A_121 : memref<1x1x25x80xi32, #tpu.memory_space<hbm>> -> memref<25x80xi32, #tpu.memory_space<hbm>>
        tpu.enqueue_dma source(%dma_start3A_122 : memref<25x80xi32, #tpu.memory_space<hbm>>) target(%arg8 : memref<25x80xi32, #tpu.memory_space<vmem>>) target_semaphore(%run_scoped3A_114 : memref<!tpu.dma_semaphore, #tpu.memory_space<semaphore_mem>>)
        %dma_wait3A_123 = arith.constant 0 : i32
        %dma_wait3A_124 = arith.constant 0 : i32
        %dma_wait3A_125 = tpu.memref_slice %arg5[%add3A, %scan3A_35, %dma_wait3A_123, %dma_wait3A_124] : memref<32x5x25x80xi32, #tpu.memory_space<hbm>> -> memref<1x1x25x80xi32, #tpu.memory_space<hbm>>
        %dma_wait3A_126 = tpu.memref_squeeze %dma_wait3A_125 : memref<1x1x25x80xi32, #tpu.memory_space<hbm>> -> memref<25x80xi32, #tpu.memory_space<hbm>>
        %dma_wait3A_127 = arith.constant 0 : i32
        %dma_wait3A_128 = arith.constant 0 : i32
        %dma_wait3A_129 = tpu.memref_slice %arg5[%add3A, %scan3A_35, %dma_wait3A_127, %dma_wait3A_128] : memref<32x5x25x80xi32, #tpu.memory_space<hbm>> -> memref<1x1x25x80xi32, #tpu.memory_space<hbm>>
        %dma_wait3A_130 = tpu.memref_squeeze %dma_wait3A_129 : memref<1x1x25x80xi32, #tpu.memory_space<hbm>> -> memref<25x80xi32, #tpu.memory_space<hbm>>
        tpu.wait_dma2 semaphore(%run_scoped3A_114 : memref<!tpu.dma_semaphore, #tpu.memory_space<semaphore_mem>>) src(%dma_wait3A_130 : memref<25x80xi32, #tpu.memory_space<hbm>>) dst(%arg8 : memref<25x80xi32, #tpu.memory_space<vmem>>)
        tpu.yield
      }) : () -> ()
      %dma_start3A = arith.constant 0 : i32
      %dma_start3A_36 = arith.constant 0 : i32
      %dma_start3A_37 = tpu.memref_slice %arg7[%dma_start3A, %dma_start3A_36] : memref<25x80xi32, #tpu.memory_space<vmem>> -> memref<1x80xi32, #tpu.memory_space<vmem>>
      %dma_start3A_38 = tpu.memref_squeeze %dma_start3A_37 : memref<1x80xi32, #tpu.memory_space<vmem>> -> memref<80xi32, #tpu.memory_space<vmem>>
      %dma_start3A_39 = arith.constant 0 : i32
      %dma_start3A_40 = arith.constant 0 : i32
      %dma_start3A_41 = tpu.memref_slice %arg2[%dma_start3A_39, %dma_start3A_40] : memref<10000x128xf32, #tpu.memory_space<hbm>> -> memref<10000x128xf32, #tpu.memory_space<hbm>>
      tpu.enqueue_indirect_dma source(%dma_start3A_41 : memref<10000x128xf32, #tpu.memory_space<hbm>>) target(%arg9 : memref<80x128xf32, #tpu.memory_space<vmem>>) offsets(%dma_start3A_38 : memref<80xi32, #tpu.memory_space<vmem>>) semaphore(%arg14 : memref<!tpu.dma_semaphore, #tpu.memory_space<semaphore_mem>>)
      %dma_start3A_42 = arith.constant 1 : i32
      %dma_start3A_43 = arith.constant 0 : i32
      %dma_start3A_44 = tpu.memref_slice %arg7[%dma_start3A_42, %dma_start3A_43] : memref<25x80xi32, #tpu.memory_space<vmem>> -> memref<1x80xi32, #tpu.memory_space<vmem>>
      %dma_start3A_45 = tpu.memref_squeeze %dma_start3A_44 : memref<1x80xi32, #tpu.memory_space<vmem>> -> memref<80xi32, #tpu.memory_space<vmem>>
      %dma_start3A_46 = arith.constant 0 : i32
      %dma_start3A_47 = arith.constant 0 : i32
      %dma_start3A_48 = tpu.memref_slice %arg2[%dma_start3A_46, %dma_start3A_47] : memref<10000x128xf32, #tpu.memory_space<hbm>> -> memref<10000x128xf32, #tpu.memory_space<hbm>>
      tpu.enqueue_indirect_dma source(%dma_start3A_48 : memref<10000x128xf32, #tpu.memory_space<hbm>>) target(%arg10 : memref<80x128xf32, #tpu.memory_space<vmem>>) offsets(%dma_start3A_45 : memref<80xi32, #tpu.memory_space<vmem>>) semaphore(%arg15 : memref<!tpu.dma_semaphore, #tpu.memory_space<semaphore_mem>>)
      %dma_start3A_49 = arith.constant 2 : i32
      %dma_start3A_50 = arith.constant 0 : i32
      %dma_start3A_51 = tpu.memref_slice %arg7[%dma_start3A_49, %dma_start3A_50] : memref<25x80xi32, #tpu.memory_space<vmem>> -> memref<1x80xi32, #tpu.memory_space<vmem>>
      %dma_start3A_52 = tpu.memref_squeeze %dma_start3A_51 : memref<1x80xi32, #tpu.memory_space<vmem>> -> memref<80xi32, #tpu.memory_space<vmem>>
      %dma_start3A_53 = arith.constant 0 : i32
      %dma_start3A_54 = arith.constant 0 : i32
      %dma_start3A_55 = tpu.memref_slice %arg2[%dma_start3A_53, %dma_start3A_54] : memref<10000x128xf32, #tpu.memory_space<hbm>> -> memref<10000x128xf32, #tpu.memory_space<hbm>>
      tpu.enqueue_indirect_dma source(%dma_start3A_55 : memref<10000x128xf32, #tpu.memory_space<hbm>>) target(%arg11 : memref<80x128xf32, #tpu.memory_space<vmem>>) offsets(%dma_start3A_52 : memref<80xi32, #tpu.memory_space<vmem>>) semaphore(%arg16 : memref<!tpu.dma_semaphore, #tpu.memory_space<semaphore_mem>>)
      %dma_start3A_56 = arith.constant 3 : i32
      %dma_start3A_57 = arith.constant 0 : i32
      %dma_start3A_58 = tpu.memref_slice %arg7[%dma_start3A_56, %dma_start3A_57] : memref<25x80xi32, #tpu.memory_space<vmem>> -> memref<1x80xi32, #tpu.memory_space<vmem>>
      %dma_start3A_59 = tpu.memref_squeeze %dma_start3A_58 : memref<1x80xi32, #tpu.memory_space<vmem>> -> memref<80xi32, #tpu.memory_space<vmem>>
      %dma_start3A_60 = arith.constant 0 : i32
      %dma_start3A_61 = arith.constant 0 : i32
      %dma_start3A_62 = tpu.memref_slice %arg2[%dma_start3A_60, %dma_start3A_61] : memref<10000x128xf32, #tpu.memory_space<hbm>> -> memref<10000x128xf32, #tpu.memory_space<hbm>>
      tpu.enqueue_indirect_dma source(%dma_start3A_62 : memref<10000x128xf32, #tpu.memory_space<hbm>>) target(%arg12 : memref<80x128xf32, #tpu.memory_space<vmem>>) offsets(%dma_start3A_59 : memref<80xi32, #tpu.memory_space<vmem>>) semaphore(%arg17 : memref<!tpu.dma_semaphore, #tpu.memory_space<semaphore_mem>>)
      %scan3A_63 = arith.constant 0 : i32
      %scan3A_64 = arith.constant 0 : i32
      %scan3A_65 = arith.constant 5 : i32
      %scan3A_66 = arith.addi %scan3A_64, %scan3A_65 : i32
      %scan3A_67 = arith.constant 1 : i32
      scf.for %scan3A_114 = %scan3A_64 to %scan3A_66 step %scan3A_67  : i32 {
        %mul3A_115 = arith.constant 4 : i32
        %mul3A_116 = arith.muli %mul3A_115, %scan3A_114 : i32
        %add3A_117 = arith.constant 0 : i32
        %add3A_118 = arith.addi %mul3A_116, %add3A_117 : i32
        %dma_wait3A_119 = arith.constant 0 : i32
        %dma_wait3A_120 = tpu.memref_slice %arg7[%add3A_118, %dma_wait3A_119] : memref<25x80xi32, #tpu.memory_space<vmem>> -> memref<1x80xi32, #tpu.memory_space<vmem>>
        %dma_wait3A_121 = tpu.memref_squeeze %dma_wait3A_120 : memref<1x80xi32, #tpu.memory_space<vmem>> -> memref<80xi32, #tpu.memory_space<vmem>>
        %dma_wait3A_122 = arith.constant 0 : i32
        %dma_wait3A_123 = arith.constant 0 : i32
        %dma_wait3A_124 = tpu.memref_slice %arg2[%dma_wait3A_122, %dma_wait3A_123] : memref<10000x128xf32, #tpu.memory_space<hbm>> -> memref<10000x128xf32, #tpu.memory_space<hbm>>
        tpu.wait_indirect_dma semaphore(%arg14 : memref<!tpu.dma_semaphore, #tpu.memory_space<semaphore_mem>>) src(%dma_wait3A_124 : memref<10000x128xf32, #tpu.memory_space<hbm>>) dst(%arg9 : memref<80x128xf32, #tpu.memory_space<vmem>>)
        "tpu.region"() ({
          %run_scoped3A_187 = tpu.sem_alloc : memref<!tpu.dma_semaphore, #tpu.memory_space<semaphore_mem>>
          %dma_start3A_188 = arith.constant 0 : i32
          %dma_start3A_189 = tpu.memref_slice %arg8[%add3A_118, %dma_start3A_188] : memref<25x80xi32, #tpu.memory_space<vmem>> -> memref<1x80xi32, #tpu.memory_space<vmem>>
          %dma_start3A_190 = tpu.memref_squeeze %dma_start3A_189 : memref<1x80xi32, #tpu.memory_space<vmem>> -> memref<80xi32, #tpu.memory_space<vmem>>
          %dma_start3A_191 = arith.constant 0 : i32
          %dma_start3A_192 = arith.constant 0 : i32
          %dma_start3A_193 = tpu.memref_slice %arg13[%dma_start3A_191, %dma_start3A_192] : memref<10000x128xf32, #tpu.memory_space<vmem_shared>> -> memref<10000x128xf32, #tpu.memory_space<vmem_shared>>
          tpu.enqueue_indirect_dma source(%arg9 : memref<80x128xf32, #tpu.memory_space<vmem>>) target(%dma_start3A_193 : memref<10000x128xf32, #tpu.memory_space<vmem_shared>>) offsets(%dma_start3A_190 : memref<80xi32, #tpu.memory_space<vmem>>) semaphore(%run_scoped3A_187 : memref<!tpu.dma_semaphore, #tpu.memory_space<semaphore_mem>>) {add = true}
          %dma_wait3A_194 = arith.constant 0 : i32
          %dma_wait3A_195 = tpu.memref_slice %arg8[%add3A_118, %dma_wait3A_194] : memref<25x80xi32, #tpu.memory_space<vmem>> -> memref<1x80xi32, #tpu.memory_space<vmem>>
          %dma_wait3A_196 = tpu.memref_squeeze %dma_wait3A_195 : memref<1x80xi32, #tpu.memory_space<vmem>> -> memref<80xi32, #tpu.memory_space<vmem>>
          %dma_wait3A_197 = arith.constant 0 : i32
          %dma_wait3A_198 = arith.constant 0 : i32
          %dma_wait3A_199 = tpu.memref_slice %arg13[%dma_wait3A_197, %dma_wait3A_198] : memref<10000x128xf32, #tpu.memory_space<vmem_shared>> -> memref<10000x128xf32, #tpu.memory_space<vmem_shared>>
          tpu.wait_indirect_dma semaphore(%run_scoped3A_187 : memref<!tpu.dma_semaphore, #tpu.memory_space<semaphore_mem>>) src(%arg9 : memref<80x128xf32, #tpu.memory_space<vmem>>) dst(%dma_wait3A_199 : memref<10000x128xf32, #tpu.memory_space<vmem_shared>>)
          tpu.yield
        }) : () -> ()
        %add3A_125 = arith.constant 4 : i32
        %add3A_126 = arith.addi %add3A_118, %add3A_125 : i32
        %dma_start3A_127 = arith.constant 0 : i32
        %dma_start3A_128 = tpu.memref_slice %arg7[%add3A_126, %dma_start3A_127] : memref<25x80xi32, #tpu.memory_space<vmem>> -> memref<1x80xi32, #tpu.memory_space<vmem>>
        %dma_start3A_129 = tpu.memref_squeeze %dma_start3A_128 : memref<1x80xi32, #tpu.memory_space<vmem>> -> memref<80xi32, #tpu.memory_space<vmem>>
        %dma_start3A_130 = arith.constant 0 : i32
        %dma_start3A_131 = arith.constant 0 : i32
        %dma_start3A_132 = tpu.memref_slice %arg2[%dma_start3A_130, %dma_start3A_131] : memref<10000x128xf32, #tpu.memory_space<hbm>> -> memref<10000x128xf32, #tpu.memory_space<hbm>>
        tpu.enqueue_indirect_dma source(%dma_start3A_132 : memref<10000x128xf32, #tpu.memory_space<hbm>>) target(%arg9 : memref<80x128xf32, #tpu.memory_space<vmem>>) offsets(%dma_start3A_129 : memref<80xi32, #tpu.memory_space<vmem>>) semaphore(%arg14 : memref<!tpu.dma_semaphore, #tpu.memory_space<semaphore_mem>>)
        %mul3A_133 = arith.constant 4 : i32
        %mul3A_134 = arith.muli %mul3A_133, %scan3A_114 : i32
        %add3A_135 = arith.constant 1 : i32
        %add3A_136 = arith.addi %mul3A_134, %add3A_135 : i32
        %dma_wait3A_137 = arith.constant 0 : i32
        %dma_wait3A_138 = tpu.memref_slice %arg7[%add3A_136, %dma_wait3A_137] : memref<25x80xi32, #tpu.memory_space<vmem>> -> memref<1x80xi32, #tpu.memory_space<vmem>>
        %dma_wait3A_139 = tpu.memref_squeeze %dma_wait3A_138 : memref<1x80xi32, #tpu.memory_space<vmem>> -> memref<80xi32, #tpu.memory_space<vmem>>
        %dma_wait3A_140 = arith.constant 0 : i32
        %dma_wait3A_141 = arith.constant 0 : i32
        %dma_wait3A_142 = tpu.memref_slice %arg2[%dma_wait3A_140, %dma_wait3A_141] : memref<10000x128xf32, #tpu.memory_space<hbm>> -> memref<10000x128xf32, #tpu.memory_space<hbm>>
        tpu.wait_indirect_dma semaphore(%arg15 : memref<!tpu.dma_semaphore, #tpu.memory_space<semaphore_mem>>) src(%dma_wait3A_142 : memref<10000x128xf32, #tpu.memory_space<hbm>>) dst(%arg10 : memref<80x128xf32, #tpu.memory_space<vmem>>)
        "tpu.region"() ({
          %run_scoped3A_187 = tpu.sem_alloc : memref<!tpu.dma_semaphore, #tpu.memory_space<semaphore_mem>>
          %dma_start3A_188 = arith.constant 0 : i32
          %dma_start3A_189 = tpu.memref_slice %arg8[%add3A_136, %dma_start3A_188] : memref<25x80xi32, #tpu.memory_space<vmem>> -> memref<1x80xi32, #tpu.memory_space<vmem>>
          %dma_start3A_190 = tpu.memref_squeeze %dma_start3A_189 : memref<1x80xi32, #tpu.memory_space<vmem>> -> memref<80xi32, #tpu.memory_space<vmem>>
          %dma_start3A_191 = arith.constant 0 : i32
          %dma_start3A_192 = arith.constant 0 : i32
          %dma_start3A_193 = tpu.memref_slice %arg13[%dma_start3A_191, %dma_start3A_192] : memref<10000x128xf32, #tpu.memory_space<vmem_shared>> -> memref<10000x128xf32, #tpu.memory_space<vmem_shared>>
          tpu.enqueue_indirect_dma source(%arg10 : memref<80x128xf32, #tpu.memory_space<vmem>>) target(%dma_start3A_193 : memref<10000x128xf32, #tpu.memory_space<vmem_shared>>) offsets(%dma_start3A_190 : memref<80xi32, #tpu.memory_space<vmem>>) semaphore(%run_scoped3A_187 : memref<!tpu.dma_semaphore, #tpu.memory_space<semaphore_mem>>) {add = true}
          %dma_wait3A_194 = arith.constant 0 : i32
          %dma_wait3A_195 = tpu.memref_slice %arg8[%add3A_136, %dma_wait3A_194] : memref<25x80xi32, #tpu.memory_space<vmem>> -> memref<1x80xi32, #tpu.memory_space<vmem>>
          %dma_wait3A_196 = tpu.memref_squeeze %dma_wait3A_195 : memref<1x80xi32, #tpu.memory_space<vmem>> -> memref<80xi32, #tpu.memory_space<vmem>>
          %dma_wait3A_197 = arith.constant 0 : i32
          %dma_wait3A_198 = arith.constant 0 : i32
          %dma_wait3A_199 = tpu.memref_slice %arg13[%dma_wait3A_197, %dma_wait3A_198] : memref<10000x128xf32, #tpu.memory_space<vmem_shared>> -> memref<10000x128xf32, #tpu.memory_space<vmem_shared>>
          tpu.wait_indirect_dma semaphore(%run_scoped3A_187 : memref<!tpu.dma_semaphore, #tpu.memory_space<semaphore_mem>>) src(%arg10 : memref<80x128xf32, #tpu.memory_space<vmem>>) dst(%dma_wait3A_199 : memref<10000x128xf32, #tpu.memory_space<vmem_shared>>)
          tpu.yield
        }) : () -> ()
        %add3A_143 = arith.constant 4 : i32
        %add3A_144 = arith.addi %add3A_136, %add3A_143 : i32
        %dma_start3A_145 = arith.constant 0 : i32
        %dma_start3A_146 = tpu.memref_slice %arg7[%add3A_144, %dma_start3A_145] : memref<25x80xi32, #tpu.memory_space<vmem>> -> memref<1x80xi32, #tpu.memory_space<vmem>>
        %dma_start3A_147 = tpu.memref_squeeze %dma_start3A_146 : memref<1x80xi32, #tpu.memory_space<vmem>> -> memref<80xi32, #tpu.memory_space<vmem>>
        %dma_start3A_148 = arith.constant 0 : i32
        %dma_start3A_149 = arith.constant 0 : i32
        %dma_start3A_150 = tpu.memref_slice %arg2[%dma_start3A_148, %dma_start3A_149] : memref<10000x128xf32, #tpu.memory_space<hbm>> -> memref<10000x128xf32, #tpu.memory_space<hbm>>
        tpu.enqueue_indirect_dma source(%dma_start3A_150 : memref<10000x128xf32, #tpu.memory_space<hbm>>) target(%arg10 : memref<80x128xf32, #tpu.memory_space<vmem>>) offsets(%dma_start3A_147 : memref<80xi32, #tpu.memory_space<vmem>>) semaphore(%arg15 : memref<!tpu.dma_semaphore, #tpu.memory_space<semaphore_mem>>)
        %mul3A_151 = arith.constant 4 : i32
        %mul3A_152 = arith.muli %mul3A_151, %scan3A_114 : i32
        %add3A_153 = arith.constant 2 : i32
        %add3A_154 = arith.addi %mul3A_152, %add3A_153 : i32
        %dma_wait3A_155 = arith.constant 0 : i32
        %dma_wait3A_156 = tpu.memref_slice %arg7[%add3A_154, %dma_wait3A_155] : memref<25x80xi32, #tpu.memory_space<vmem>> -> memref<1x80xi32, #tpu.memory_space<vmem>>
        %dma_wait3A_157 = tpu.memref_squeeze %dma_wait3A_156 : memref<1x80xi32, #tpu.memory_space<vmem>> -> memref<80xi32, #tpu.memory_space<vmem>>
        %dma_wait3A_158 = arith.constant 0 : i32
        %dma_wait3A_159 = arith.constant 0 : i32
        %dma_wait3A_160 = tpu.memref_slice %arg2[%dma_wait3A_158, %dma_wait3A_159] : memref<10000x128xf32, #tpu.memory_space<hbm>> -> memref<10000x128xf32, #tpu.memory_space<hbm>>
        tpu.wait_indirect_dma semaphore(%arg16 : memref<!tpu.dma_semaphore, #tpu.memory_space<semaphore_mem>>) src(%dma_wait3A_160 : memref<10000x128xf32, #tpu.memory_space<hbm>>) dst(%arg11 : memref<80x128xf32, #tpu.memory_space<vmem>>)
        "tpu.region"() ({
          %run_scoped3A_187 = tpu.sem_alloc : memref<!tpu.dma_semaphore, #tpu.memory_space<semaphore_mem>>
          %dma_start3A_188 = arith.constant 0 : i32
          %dma_start3A_189 = tpu.memref_slice %arg8[%add3A_154, %dma_start3A_188] : memref<25x80xi32, #tpu.memory_space<vmem>> -> memref<1x80xi32, #tpu.memory_space<vmem>>
          %dma_start3A_190 = tpu.memref_squeeze %dma_start3A_189 : memref<1x80xi32, #tpu.memory_space<vmem>> -> memref<80xi32, #tpu.memory_space<vmem>>
          %dma_start3A_191 = arith.constant 0 : i32
          %dma_start3A_192 = arith.constant 0 : i32
          %dma_start3A_193 = tpu.memref_slice %arg13[%dma_start3A_191, %dma_start3A_192] : memref<10000x128xf32, #tpu.memory_space<vmem_shared>> -> memref<10000x128xf32, #tpu.memory_space<vmem_shared>>
          tpu.enqueue_indirect_dma source(%arg11 : memref<80x128xf32, #tpu.memory_space<vmem>>) target(%dma_start3A_193 : memref<10000x128xf32, #tpu.memory_space<vmem_shared>>) offsets(%dma_start3A_190 : memref<80xi32, #tpu.memory_space<vmem>>) semaphore(%run_scoped3A_187 : memref<!tpu.dma_semaphore, #tpu.memory_space<semaphore_mem>>) {add = true}
          %dma_wait3A_194 = arith.constant 0 : i32
          %dma_wait3A_195 = tpu.memref_slice %arg8[%add3A_154, %dma_wait3A_194] : memref<25x80xi32, #tpu.memory_space<vmem>> -> memref<1x80xi32, #tpu.memory_space<vmem>>
          %dma_wait3A_196 = tpu.memref_squeeze %dma_wait3A_195 : memref<1x80xi32, #tpu.memory_space<vmem>> -> memref<80xi32, #tpu.memory_space<vmem>>
          %dma_wait3A_197 = arith.constant 0 : i32
          %dma_wait3A_198 = arith.constant 0 : i32
          %dma_wait3A_199 = tpu.memref_slice %arg13[%dma_wait3A_197, %dma_wait3A_198] : memref<10000x128xf32, #tpu.memory_space<vmem_shared>> -> memref<10000x128xf32, #tpu.memory_space<vmem_shared>>
          tpu.wait_indirect_dma semaphore(%run_scoped3A_187 : memref<!tpu.dma_semaphore, #tpu.memory_space<semaphore_mem>>) src(%arg11 : memref<80x128xf32, #tpu.memory_space<vmem>>) dst(%dma_wait3A_199 : memref<10000x128xf32, #tpu.memory_space<vmem_shared>>)
          tpu.yield
        }) : () -> ()
        %add3A_161 = arith.constant 4 : i32
        %add3A_162 = arith.addi %add3A_154, %add3A_161 : i32
        %dma_start3A_163 = arith.constant 0 : i32
        %dma_start3A_164 = tpu.memref_slice %arg7[%add3A_162, %dma_start3A_163] : memref<25x80xi32, #tpu.memory_space<vmem>> -> memref<1x80xi32, #tpu.memory_space<vmem>>
        %dma_start3A_165 = tpu.memref_squeeze %dma_start3A_164 : memref<1x80xi32, #tpu.memory_space<vmem>> -> memref<80xi32, #tpu.memory_space<vmem>>
        %dma_start3A_166 = arith.constant 0 : i32
        %dma_start3A_167 = arith.constant 0 : i32
        %dma_start3A_168 = tpu.memref_slice %arg2[%dma_start3A_166, %dma_start3A_167] : memref<10000x128xf32, #tpu.memory_space<hbm>> -> memref<10000x128xf32, #tpu.memory_space<hbm>>
        tpu.enqueue_indirect_dma source(%dma_start3A_168 : memref<10000x128xf32, #tpu.memory_space<hbm>>) target(%arg11 : memref<80x128xf32, #tpu.memory_space<vmem>>) offsets(%dma_start3A_165 : memref<80xi32, #tpu.memory_space<vmem>>) semaphore(%arg16 : memref<!tpu.dma_semaphore, #tpu.memory_space<semaphore_mem>>)
        %mul3A_169 = arith.constant 4 : i32
        %mul3A_170 = arith.muli %mul3A_169, %scan3A_114 : i32
        %add3A_171 = arith.constant 3 : i32
        %add3A_172 = arith.addi %mul3A_170, %add3A_171 : i32
        %dma_wait3A_173 = arith.constant 0 : i32
        %dma_wait3A_174 = tpu.memref_slice %arg7[%add3A_172, %dma_wait3A_173] : memref<25x80xi32, #tpu.memory_space<vmem>> -> memref<1x80xi32, #tpu.memory_space<vmem>>
        %dma_wait3A_175 = tpu.memref_squeeze %dma_wait3A_174 : memref<1x80xi32, #tpu.memory_space<vmem>> -> memref<80xi32, #tpu.memory_space<vmem>>
        %dma_wait3A_176 = arith.constant 0 : i32
        %dma_wait3A_177 = arith.constant 0 : i32
        %dma_wait3A_178 = tpu.memref_slice %arg2[%dma_wait3A_176, %dma_wait3A_177] : memref<10000x128xf32, #tpu.memory_space<hbm>> -> memref<10000x128xf32, #tpu.memory_space<hbm>>
        tpu.wait_indirect_dma semaphore(%arg17 : memref<!tpu.dma_semaphore, #tpu.memory_space<semaphore_mem>>) src(%dma_wait3A_178 : memref<10000x128xf32, #tpu.memory_space<hbm>>) dst(%arg12 : memref<80x128xf32, #tpu.memory_space<vmem>>)
        "tpu.region"() ({
          %run_scoped3A_187 = tpu.sem_alloc : memref<!tpu.dma_semaphore, #tpu.memory_space<semaphore_mem>>
          %dma_start3A_188 = arith.constant 0 : i32
          %dma_start3A_189 = tpu.memref_slice %arg8[%add3A_172, %dma_start3A_188] : memref<25x80xi32, #tpu.memory_space<vmem>> -> memref<1x80xi32, #tpu.memory_space<vmem>>
          %dma_start3A_190 = tpu.memref_squeeze %dma_start3A_189 : memref<1x80xi32, #tpu.memory_space<vmem>> -> memref<80xi32, #tpu.memory_space<vmem>>
          %dma_start3A_191 = arith.constant 0 : i32
          %dma_start3A_192 = arith.constant 0 : i32
          %dma_start3A_193 = tpu.memref_slice %arg13[%dma_start3A_191, %dma_start3A_192] : memref<10000x128xf32, #tpu.memory_space<vmem_shared>> -> memref<10000x128xf32, #tpu.memory_space<vmem_shared>>
          tpu.enqueue_indirect_dma source(%arg12 : memref<80x128xf32, #tpu.memory_space<vmem>>) target(%dma_start3A_193 : memref<10000x128xf32, #tpu.memory_space<vmem_shared>>) offsets(%dma_start3A_190 : memref<80xi32, #tpu.memory_space<vmem>>) semaphore(%run_scoped3A_187 : memref<!tpu.dma_semaphore, #tpu.memory_space<semaphore_mem>>) {add = true}
          %dma_wait3A_194 = arith.constant 0 : i32
          %dma_wait3A_195 = tpu.memref_slice %arg8[%add3A_172, %dma_wait3A_194] : memref<25x80xi32, #tpu.memory_space<vmem>> -> memref<1x80xi32, #tpu.memory_space<vmem>>
          %dma_wait3A_196 = tpu.memref_squeeze %dma_wait3A_195 : memref<1x80xi32, #tpu.memory_space<vmem>> -> memref<80xi32, #tpu.memory_space<vmem>>
          %dma_wait3A_197 = arith.constant 0 : i32
          %dma_wait3A_198 = arith.constant 0 : i32
          %dma_wait3A_199 = tpu.memref_slice %arg13[%dma_wait3A_197, %dma_wait3A_198] : memref<10000x128xf32, #tpu.memory_space<vmem_shared>> -> memref<10000x128xf32, #tpu.memory_space<vmem_shared>>
          tpu.wait_indirect_dma semaphore(%run_scoped3A_187 : memref<!tpu.dma_semaphore, #tpu.memory_space<semaphore_mem>>) src(%arg12 : memref<80x128xf32, #tpu.memory_space<vmem>>) dst(%dma_wait3A_199 : memref<10000x128xf32, #tpu.memory_space<vmem_shared>>)
          tpu.yield
        }) : () -> ()
        %add3A_179 = arith.constant 4 : i32
        %add3A_180 = arith.addi %add3A_172, %add3A_179 : i32
        %dma_start3A_181 = arith.constant 0 : i32
        %dma_start3A_182 = tpu.memref_slice %arg7[%add3A_180, %dma_start3A_181] : memref<25x80xi32, #tpu.memory_space<vmem>> -> memref<1x80xi32, #tpu.memory_space<vmem>>
        %dma_start3A_183 = tpu.memref_squeeze %dma_start3A_182 : memref<1x80xi32, #tpu.memory_space<vmem>> -> memref<80xi32, #tpu.memory_space<vmem>>
        %dma_start3A_184 = arith.constant 0 : i32
        %dma_start3A_185 = arith.constant 0 : i32
        %dma_start3A_186 = tpu.memref_slice %arg2[%dma_start3A_184, %dma_start3A_185] : memref<10000x128xf32, #tpu.memory_space<hbm>> -> memref<10000x128xf32, #tpu.memory_space<hbm>>
        tpu.enqueue_indirect_dma source(%dma_start3A_186 : memref<10000x128xf32, #tpu.memory_space<hbm>>) target(%arg12 : memref<80x128xf32, #tpu.memory_space<vmem>>) offsets(%dma_start3A_183 : memref<80xi32, #tpu.memory_space<vmem>>) semaphore(%arg17 : memref<!tpu.dma_semaphore, #tpu.memory_space<semaphore_mem>>)
      }
      %scan3A_68 = arith.constant 5 : i32
      %dma_wait3A = arith.constant 20 : i32
      %dma_wait3A_69 = arith.constant 0 : i32
      %dma_wait3A_70 = tpu.memref_slice %arg7[%dma_wait3A, %dma_wait3A_69] : memref<25x80xi32, #tpu.memory_space<vmem>> -> memref<1x80xi32, #tpu.memory_space<vmem>>
      %dma_wait3A_71 = tpu.memref_squeeze %dma_wait3A_70 : memref<1x80xi32, #tpu.memory_space<vmem>> -> memref<80xi32, #tpu.memory_space<vmem>>
      %dma_wait3A_72 = arith.constant 0 : i32
      %dma_wait3A_73 = arith.constant 0 : i32
      %dma_wait3A_74 = tpu.memref_slice %arg2[%dma_wait3A_72, %dma_wait3A_73] : memref<10000x128xf32, #tpu.memory_space<hbm>> -> memref<10000x128xf32, #tpu.memory_space<hbm>>
      tpu.wait_indirect_dma semaphore(%arg14 : memref<!tpu.dma_semaphore, #tpu.memory_space<semaphore_mem>>) src(%dma_wait3A_74 : memref<10000x128xf32, #tpu.memory_space<hbm>>) dst(%arg9 : memref<80x128xf32, #tpu.memory_space<vmem>>)
      %run_scoped3A = arith.constant 20 : i32
      "tpu.region"() ({
        %run_scoped3A_114 = tpu.sem_alloc : memref<!tpu.dma_semaphore, #tpu.memory_space<semaphore_mem>>
        %dma_start3A_115 = arith.constant 0 : i32
        %dma_start3A_116 = tpu.memref_slice %arg8[%run_scoped3A, %dma_start3A_115] : memref<25x80xi32, #tpu.memory_space<vmem>> -> memref<1x80xi32, #tpu.memory_space<vmem>>
        %dma_start3A_117 = tpu.memref_squeeze %dma_start3A_116 : memref<1x80xi32, #tpu.memory_space<vmem>> -> memref<80xi32, #tpu.memory_space<vmem>>
        %dma_start3A_118 = arith.constant 0 : i32
        %dma_start3A_119 = arith.constant 0 : i32
        %dma_start3A_120 = tpu.memref_slice %arg13[%dma_start3A_118, %dma_start3A_119] : memref<10000x128xf32, #tpu.memory_space<vmem_shared>> -> memref<10000x128xf32, #tpu.memory_space<vmem_shared>>
        tpu.enqueue_indirect_dma source(%arg9 : memref<80x128xf32, #tpu.memory_space<vmem>>) target(%dma_start3A_120 : memref<10000x128xf32, #tpu.memory_space<vmem_shared>>) offsets(%dma_start3A_117 : memref<80xi32, #tpu.memory_space<vmem>>) semaphore(%run_scoped3A_114 : memref<!tpu.dma_semaphore, #tpu.memory_space<semaphore_mem>>) {add = true}
        %dma_wait3A_121 = arith.constant 0 : i32
        %dma_wait3A_122 = tpu.memref_slice %arg8[%run_scoped3A, %dma_wait3A_121] : memref<25x80xi32, #tpu.memory_space<vmem>> -> memref<1x80xi32, #tpu.memory_space<vmem>>
        %dma_wait3A_123 = tpu.memref_squeeze %dma_wait3A_122 : memref<1x80xi32, #tpu.memory_space<vmem>> -> memref<80xi32, #tpu.memory_space<vmem>>
        %dma_wait3A_124 = arith.constant 0 : i32
        %dma_wait3A_125 = arith.constant 0 : i32
        %dma_wait3A_126 = tpu.memref_slice %arg13[%dma_wait3A_124, %dma_wait3A_125] : memref<10000x128xf32, #tpu.memory_space<vmem_shared>> -> memref<10000x128xf32, #tpu.memory_space<vmem_shared>>
        tpu.wait_indirect_dma semaphore(%run_scoped3A_114 : memref<!tpu.dma_semaphore, #tpu.memory_space<semaphore_mem>>) src(%arg9 : memref<80x128xf32, #tpu.memory_space<vmem>>) dst(%dma_wait3A_126 : memref<10000x128xf32, #tpu.memory_space<vmem_shared>>)
        tpu.yield
      }) : () -> ()
      %dma_start3A_75 = arith.constant 24 : i32
      %dma_start3A_76 = arith.constant 0 : i32
      %dma_start3A_77 = tpu.memref_slice %arg7[%dma_start3A_75, %dma_start3A_76] : memref<25x80xi32, #tpu.memory_space<vmem>> -> memref<1x80xi32, #tpu.memory_space<vmem>>
      %dma_start3A_78 = tpu.memref_squeeze %dma_start3A_77 : memref<1x80xi32, #tpu.memory_space<vmem>> -> memref<80xi32, #tpu.memory_space<vmem>>
      %dma_start3A_79 = arith.constant 0 : i32
      %dma_start3A_80 = arith.constant 0 : i32
      %dma_start3A_81 = tpu.memref_slice %arg2[%dma_start3A_79, %dma_start3A_80] : memref<10000x128xf32, #tpu.memory_space<hbm>> -> memref<10000x128xf32, #tpu.memory_space<hbm>>
      tpu.enqueue_indirect_dma source(%dma_start3A_81 : memref<10000x128xf32, #tpu.memory_space<hbm>>) target(%arg9 : memref<80x128xf32, #tpu.memory_space<vmem>>) offsets(%dma_start3A_78 : memref<80xi32, #tpu.memory_space<vmem>>) semaphore(%arg14 : memref<!tpu.dma_semaphore, #tpu.memory_space<semaphore_mem>>)
      %dma_wait3A_82 = arith.constant 21 : i32
      %dma_wait3A_83 = arith.constant 0 : i32
      %dma_wait3A_84 = tpu.memref_slice %arg7[%dma_wait3A_82, %dma_wait3A_83] : memref<25x80xi32, #tpu.memory_space<vmem>> -> memref<1x80xi32, #tpu.memory_space<vmem>>
      %dma_wait3A_85 = tpu.memref_squeeze %dma_wait3A_84 : memref<1x80xi32, #tpu.memory_space<vmem>> -> memref<80xi32, #tpu.memory_space<vmem>>
      %dma_wait3A_86 = arith.constant 0 : i32
      %dma_wait3A_87 = arith.constant 0 : i32
      %dma_wait3A_88 = tpu.memref_slice %arg2[%dma_wait3A_86, %dma_wait3A_87] : memref<10000x128xf32, #tpu.memory_space<hbm>> -> memref<10000x128xf32, #tpu.memory_space<hbm>>
      tpu.wait_indirect_dma semaphore(%arg15 : memref<!tpu.dma_semaphore, #tpu.memory_space<semaphore_mem>>) src(%dma_wait3A_88 : memref<10000x128xf32, #tpu.memory_space<hbm>>) dst(%arg10 : memref<80x128xf32, #tpu.memory_space<vmem>>)
      %run_scoped3A_89 = arith.constant 21 : i32
      "tpu.region"() ({
        %run_scoped3A_114 = tpu.sem_alloc : memref<!tpu.dma_semaphore, #tpu.memory_space<semaphore_mem>>
        %dma_start3A_115 = arith.constant 0 : i32
        %dma_start3A_116 = tpu.memref_slice %arg8[%run_scoped3A_89, %dma_start3A_115] : memref<25x80xi32, #tpu.memory_space<vmem>> -> memref<1x80xi32, #tpu.memory_space<vmem>>
        %dma_start3A_117 = tpu.memref_squeeze %dma_start3A_116 : memref<1x80xi32, #tpu.memory_space<vmem>> -> memref<80xi32, #tpu.memory_space<vmem>>
        %dma_start3A_118 = arith.constant 0 : i32
        %dma_start3A_119 = arith.constant 0 : i32
        %dma_start3A_120 = tpu.memref_slice %arg13[%dma_start3A_118, %dma_start3A_119] : memref<10000x128xf32, #tpu.memory_space<vmem_shared>> -> memref<10000x128xf32, #tpu.memory_space<vmem_shared>>
        tpu.enqueue_indirect_dma source(%arg10 : memref<80x128xf32, #tpu.memory_space<vmem>>) target(%dma_start3A_120 : memref<10000x128xf32, #tpu.memory_space<vmem_shared>>) offsets(%dma_start3A_117 : memref<80xi32, #tpu.memory_space<vmem>>) semaphore(%run_scoped3A_114 : memref<!tpu.dma_semaphore, #tpu.memory_space<semaphore_mem>>) {add = true}
        %dma_wait3A_121 = arith.constant 0 : i32
        %dma_wait3A_122 = tpu.memref_slice %arg8[%run_scoped3A_89, %dma_wait3A_121] : memref<25x80xi32, #tpu.memory_space<vmem>> -> memref<1x80xi32, #tpu.memory_space<vmem>>
        %dma_wait3A_123 = tpu.memref_squeeze %dma_wait3A_122 : memref<1x80xi32, #tpu.memory_space<vmem>> -> memref<80xi32, #tpu.memory_space<vmem>>
        %dma_wait3A_124 = arith.constant 0 : i32
        %dma_wait3A_125 = arith.constant 0 : i32
        %dma_wait3A_126 = tpu.memref_slice %arg13[%dma_wait3A_124, %dma_wait3A_125] : memref<10000x128xf32, #tpu.memory_space<vmem_shared>> -> memref<10000x128xf32, #tpu.memory_space<vmem_shared>>
        tpu.wait_indirect_dma semaphore(%run_scoped3A_114 : memref<!tpu.dma_semaphore, #tpu.memory_space<semaphore_mem>>) src(%arg10 : memref<80x128xf32, #tpu.memory_space<vmem>>) dst(%dma_wait3A_126 : memref<10000x128xf32, #tpu.memory_space<vmem_shared>>)
        tpu.yield
      }) : () -> ()
      %dma_wait3A_90 = arith.constant 22 : i32
      %dma_wait3A_91 = arith.constant 0 : i32
      %dma_wait3A_92 = tpu.memref_slice %arg7[%dma_wait3A_90, %dma_wait3A_91] : memref<25x80xi32, #tpu.memory_space<vmem>> -> memref<1x80xi32, #tpu.memory_space<vmem>>
      %dma_wait3A_93 = tpu.memref_squeeze %dma_wait3A_92 : memref<1x80xi32, #tpu.memory_space<vmem>> -> memref<80xi32, #tpu.memory_space<vmem>>
      %dma_wait3A_94 = arith.constant 0 : i32
      %dma_wait3A_95 = arith.constant 0 : i32
      %dma_wait3A_96 = tpu.memref_slice %arg2[%dma_wait3A_94, %dma_wait3A_95] : memref<10000x128xf32, #tpu.memory_space<hbm>> -> memref<10000x128xf32, #tpu.memory_space<hbm>>
      tpu.wait_indirect_dma semaphore(%arg16 : memref<!tpu.dma_semaphore, #tpu.memory_space<semaphore_mem>>) src(%dma_wait3A_96 : memref<10000x128xf32, #tpu.memory_space<hbm>>) dst(%arg11 : memref<80x128xf32, #tpu.memory_space<vmem>>)
      %run_scoped3A_97 = arith.constant 22 : i32
      "tpu.region"() ({
        %run_scoped3A_114 = tpu.sem_alloc : memref<!tpu.dma_semaphore, #tpu.memory_space<semaphore_mem>>
        %dma_start3A_115 = arith.constant 0 : i32
        %dma_start3A_116 = tpu.memref_slice %arg8[%run_scoped3A_97, %dma_start3A_115] : memref<25x80xi32, #tpu.memory_space<vmem>> -> memref<1x80xi32, #tpu.memory_space<vmem>>
        %dma_start3A_117 = tpu.memref_squeeze %dma_start3A_116 : memref<1x80xi32, #tpu.memory_space<vmem>> -> memref<80xi32, #tpu.memory_space<vmem>>
        %dma_start3A_118 = arith.constant 0 : i32
        %dma_start3A_119 = arith.constant 0 : i32
        %dma_start3A_120 = tpu.memref_slice %arg13[%dma_start3A_118, %dma_start3A_119] : memref<10000x128xf32, #tpu.memory_space<vmem_shared>> -> memref<10000x128xf32, #tpu.memory_space<vmem_shared>>
        tpu.enqueue_indirect_dma source(%arg11 : memref<80x128xf32, #tpu.memory_space<vmem>>) target(%dma_start3A_120 : memref<10000x128xf32, #tpu.memory_space<vmem_shared>>) offsets(%dma_start3A_117 : memref<80xi32, #tpu.memory_space<vmem>>) semaphore(%run_scoped3A_114 : memref<!tpu.dma_semaphore, #tpu.memory_space<semaphore_mem>>) {add = true}
        %dma_wait3A_121 = arith.constant 0 : i32
        %dma_wait3A_122 = tpu.memref_slice %arg8[%run_scoped3A_97, %dma_wait3A_121] : memref<25x80xi32, #tpu.memory_space<vmem>> -> memref<1x80xi32, #tpu.memory_space<vmem>>
        %dma_wait3A_123 = tpu.memref_squeeze %dma_wait3A_122 : memref<1x80xi32, #tpu.memory_space<vmem>> -> memref<80xi32, #tpu.memory_space<vmem>>
        %dma_wait3A_124 = arith.constant 0 : i32
        %dma_wait3A_125 = arith.constant 0 : i32
        %dma_wait3A_126 = tpu.memref_slice %arg13[%dma_wait3A_124, %dma_wait3A_125] : memref<10000x128xf32, #tpu.memory_space<vmem_shared>> -> memref<10000x128xf32, #tpu.memory_space<vmem_shared>>
        tpu.wait_indirect_dma semaphore(%run_scoped3A_114 : memref<!tpu.dma_semaphore, #tpu.memory_space<semaphore_mem>>) src(%arg11 : memref<80x128xf32, #tpu.memory_space<vmem>>) dst(%dma_wait3A_126 : memref<10000x128xf32, #tpu.memory_space<vmem_shared>>)
        tpu.yield
      }) : () -> ()
      %dma_wait3A_98 = arith.constant 23 : i32
      %dma_wait3A_99 = arith.constant 0 : i32
      %dma_wait3A_100 = tpu.memref_slice %arg7[%dma_wait3A_98, %dma_wait3A_99] : memref<25x80xi32, #tpu.memory_space<vmem>> -> memref<1x80xi32, #tpu.memory_space<vmem>>
      %dma_wait3A_101 = tpu.memref_squeeze %dma_wait3A_100 : memref<1x80xi32, #tpu.memory_space<vmem>> -> memref<80xi32, #tpu.memory_space<vmem>>
      %dma_wait3A_102 = arith.constant 0 : i32
      %dma_wait3A_103 = arith.constant 0 : i32
      %dma_wait3A_104 = tpu.memref_slice %arg2[%dma_wait3A_102, %dma_wait3A_103] : memref<10000x128xf32, #tpu.memory_space<hbm>> -> memref<10000x128xf32, #tpu.memory_space<hbm>>
      tpu.wait_indirect_dma semaphore(%arg17 : memref<!tpu.dma_semaphore, #tpu.memory_space<semaphore_mem>>) src(%dma_wait3A_104 : memref<10000x128xf32, #tpu.memory_space<hbm>>) dst(%arg12 : memref<80x128xf32, #tpu.memory_space<vmem>>)
      %run_scoped3A_105 = arith.constant 23 : i32
      "tpu.region"() ({
        %run_scoped3A_114 = tpu.sem_alloc : memref<!tpu.dma_semaphore, #tpu.memory_space<semaphore_mem>>
        %dma_start3A_115 = arith.constant 0 : i32
        %dma_start3A_116 = tpu.memref_slice %arg8[%run_scoped3A_105, %dma_start3A_115] : memref<25x80xi32, #tpu.memory_space<vmem>> -> memref<1x80xi32, #tpu.memory_space<vmem>>
        %dma_start3A_117 = tpu.memref_squeeze %dma_start3A_116 : memref<1x80xi32, #tpu.memory_space<vmem>> -> memref<80xi32, #tpu.memory_space<vmem>>
        %dma_start3A_118 = arith.constant 0 : i32
        %dma_start3A_119 = arith.constant 0 : i32
        %dma_start3A_120 = tpu.memref_slice %arg13[%dma_start3A_118, %dma_start3A_119] : memref<10000x128xf32, #tpu.memory_space<vmem_shared>> -> memref<10000x128xf32, #tpu.memory_space<vmem_shared>>
        tpu.enqueue_indirect_dma source(%arg12 : memref<80x128xf32, #tpu.memory_space<vmem>>) target(%dma_start3A_120 : memref<10000x128xf32, #tpu.memory_space<vmem_shared>>) offsets(%dma_start3A_117 : memref<80xi32, #tpu.memory_space<vmem>>) semaphore(%run_scoped3A_114 : memref<!tpu.dma_semaphore, #tpu.memory_space<semaphore_mem>>) {add = true}
        %dma_wait3A_121 = arith.constant 0 : i32
        %dma_wait3A_122 = tpu.memref_slice %arg8[%run_scoped3A_105, %dma_wait3A_121] : memref<25x80xi32, #tpu.memory_space<vmem>> -> memref<1x80xi32, #tpu.memory_space<vmem>>
        %dma_wait3A_123 = tpu.memref_squeeze %dma_wait3A_122 : memref<1x80xi32, #tpu.memory_space<vmem>> -> memref<80xi32, #tpu.memory_space<vmem>>
        %dma_wait3A_124 = arith.constant 0 : i32
        %dma_wait3A_125 = arith.constant 0 : i32
        %dma_wait3A_126 = tpu.memref_slice %arg13[%dma_wait3A_124, %dma_wait3A_125] : memref<10000x128xf32, #tpu.memory_space<vmem_shared>> -> memref<10000x128xf32, #tpu.memory_space<vmem_shared>>
        tpu.wait_indirect_dma semaphore(%run_scoped3A_114 : memref<!tpu.dma_semaphore, #tpu.memory_space<semaphore_mem>>) src(%arg12 : memref<80x128xf32, #tpu.memory_space<vmem>>) dst(%dma_wait3A_126 : memref<10000x128xf32, #tpu.memory_space<vmem_shared>>)
        tpu.yield
      }) : () -> ()
      %dma_wait3A_106 = arith.constant 24 : i32
      %dma_wait3A_107 = arith.constant 0 : i32
      %dma_wait3A_108 = tpu.memref_slice %arg7[%dma_wait3A_106, %dma_wait3A_107] : memref<25x80xi32, #tpu.memory_space<vmem>> -> memref<1x80xi32, #tpu.memory_space<vmem>>
      %dma_wait3A_109 = tpu.memref_squeeze %dma_wait3A_108 : memref<1x80xi32, #tpu.memory_space<vmem>> -> memref<80xi32, #tpu.memory_space<vmem>>
      %dma_wait3A_110 = arith.constant 0 : i32
      %dma_wait3A_111 = arith.constant 0 : i32
      %dma_wait3A_112 = tpu.memref_slice %arg2[%dma_wait3A_110, %dma_wait3A_111] : memref<10000x128xf32, #tpu.memory_space<hbm>> -> memref<10000x128xf32, #tpu.memory_space<hbm>>
      tpu.wait_indirect_dma semaphore(%arg14 : memref<!tpu.dma_semaphore, #tpu.memory_space<semaphore_mem>>) src(%dma_wait3A_112 : memref<10000x128xf32, #tpu.memory_space<hbm>>) dst(%arg9 : memref<80x128xf32, #tpu.memory_space<vmem>>)
      %run_scoped3A_113 = arith.constant 24 : i32
      "tpu.region"() ({
        %run_scoped3A_114 = tpu.sem_alloc : memref<!tpu.dma_semaphore, #tpu.memory_space<semaphore_mem>>
        %dma_start3A_115 = arith.constant 0 : i32
        %dma_start3A_116 = tpu.memref_slice %arg8[%run_scoped3A_113, %dma_start3A_115] : memref<25x80xi32, #tpu.memory_space<vmem>> -> memref<1x80xi32, #tpu.memory_space<vmem>>
        %dma_start3A_117 = tpu.memref_squeeze %dma_start3A_116 : memref<1x80xi32, #tpu.memory_space<vmem>> -> memref<80xi32, #tpu.memory_space<vmem>>
        %dma_start3A_118 = arith.constant 0 : i32
        %dma_start3A_119 = arith.constant 0 : i32
        %dma_start3A_120 = tpu.memref_slice %arg13[%dma_start3A_118, %dma_start3A_119] : memref<10000x128xf32, #tpu.memory_space<vmem_shared>> -> memref<10000x128xf32, #tpu.memory_space<vmem_shared>>
        tpu.enqueue_indirect_dma source(%arg9 : memref<80x128xf32, #tpu.memory_space<vmem>>) target(%dma_start3A_120 : memref<10000x128xf32, #tpu.memory_space<vmem_shared>>) offsets(%dma_start3A_117 : memref<80xi32, #tpu.memory_space<vmem>>) semaphore(%run_scoped3A_114 : memref<!tpu.dma_semaphore, #tpu.memory_space<semaphore_mem>>) {add = true}
        %dma_wait3A_121 = arith.constant 0 : i32
        %dma_wait3A_122 = tpu.memref_slice %arg8[%run_scoped3A_113, %dma_wait3A_121] : memref<25x80xi32, #tpu.memory_space<vmem>> -> memref<1x80xi32, #tpu.memory_space<vmem>>
        %dma_wait3A_123 = tpu.memref_squeeze %dma_wait3A_122 : memref<1x80xi32, #tpu.memory_space<vmem>> -> memref<80xi32, #tpu.memory_space<vmem>>
        %dma_wait3A_124 = arith.constant 0 : i32
        %dma_wait3A_125 = arith.constant 0 : i32
        %dma_wait3A_126 = tpu.memref_slice %arg13[%dma_wait3A_124, %dma_wait3A_125] : memref<10000x128xf32, #tpu.memory_space<vmem_shared>> -> memref<10000x128xf32, #tpu.memory_space<vmem_shared>>
        tpu.wait_indirect_dma semaphore(%run_scoped3A_114 : memref<!tpu.dma_semaphore, #tpu.memory_space<semaphore_mem>>) src(%arg9 : memref<80x128xf32, #tpu.memory_space<vmem>>) dst(%dma_wait3A_126 : memref<10000x128xf32, #tpu.memory_space<vmem_shared>>)
        tpu.yield
      }) : () -> ()
    }
    %scan3A_28 = arith.constant 5 : i32
    %barrier3A_29 = arith.constant 0 : index
    tpu.barrier barrier_id(%barrier3A_29)
    "tpu.region"() ({
      %run_scoped3A = tpu.sem_alloc : memref<!tpu.dma_semaphore, #tpu.memory_space<semaphore_mem>>
      %dma_start3A = arith.constant 0 : i32
      %dma_start3A_35 = tpu.memref_slice %arg6[%arg0, %mul3A_2, %dma_start3A] : memref<2x10000x128xf32, #tpu.memory_space<hbm>> -> memref<1x624x128xf32, #tpu.memory_space<hbm>>
      %dma_start3A_36 = tpu.memref_squeeze %dma_start3A_35 : memref<1x624x128xf32, #tpu.memory_space<hbm>> -> memref<624x128xf32, #tpu.memory_space<hbm>>
      %dma_start3A_37 = arith.constant 0 : i32
      %dma_start3A_38 = tpu.memref_slice %arg13[%mul3A_2, %dma_start3A_37] : memref<10000x128xf32, #tpu.memory_space<vmem_shared>> -> memref<624x128xf32, #tpu.memory_space<vmem_shared>>
      tpu.enqueue_dma source(%dma_start3A_38 : memref<624x128xf32, #tpu.memory_space<vmem_shared>>) target(%dma_start3A_36 : memref<624x128xf32, #tpu.memory_space<hbm>>) target_semaphore(%run_scoped3A : memref<!tpu.dma_semaphore, #tpu.memory_space<semaphore_mem>>)
      %dma_wait3A = arith.constant 0 : i32
      %dma_wait3A_39 = tpu.memref_slice %arg6[%arg0, %mul3A_2, %dma_wait3A] : memref<2x10000x128xf32, #tpu.memory_space<hbm>> -> memref<1x624x128xf32, #tpu.memory_space<hbm>>
      %dma_wait3A_40 = tpu.memref_squeeze %dma_wait3A_39 : memref<1x624x128xf32, #tpu.memory_space<hbm>> -> memref<624x128xf32, #tpu.memory_space<hbm>>
      %dma_wait3A_41 = arith.constant 0 : i32
      %dma_wait3A_42 = tpu.memref_slice %arg13[%mul3A_2, %dma_wait3A_41] : memref<10000x128xf32, #tpu.memory_space<vmem_shared>> -> memref<624x128xf32, #tpu.memory_space<vmem_shared>>
      tpu.wait_dma2 semaphore(%run_scoped3A : memref<!tpu.dma_semaphore, #tpu.memory_space<semaphore_mem>>) src(%dma_wait3A_42 : memref<624x128xf32, #tpu.memory_space<vmem_shared>>) dst(%dma_wait3A_40 : memref<624x128xf32, #tpu.memory_space<hbm>>)
      tpu.yield
    }) : () -> ()
    %eq3A_30 = arith.constant 0 : i32
    %eq3A_31 = arith.cmpi eq, %arg1, %eq3A_30 : i32
    %convert_element_type3A_32 = arith.extui %eq3A_31 : i1 to i32
    %cond3A_33 = arith.constant 0 : i32
    %cond3A_34 = arith.cmpi ne, %convert_element_type3A_32, %cond3A_33 : i32
    scf.if %cond3A_34 {
      "tpu.region"() ({
        %run_scoped3A = tpu.sem_alloc : memref<!tpu.dma_semaphore, #tpu.memory_space<semaphore_mem>>
        %dma_start3A = arith.constant 9984 : i32
        %dma_start3A_35 = arith.constant 0 : i32
        %dma_start3A_36 = tpu.memref_slice %arg6[%arg0, %dma_start3A, %dma_start3A_35] : memref<2x10000x128xf32, #tpu.memory_space<hbm>> -> memref<1x16x128xf32, #tpu.memory_space<hbm>>
        %dma_start3A_37 = tpu.memref_squeeze %dma_start3A_36 : memref<1x16x128xf32, #tpu.memory_space<hbm>> -> memref<16x128xf32, #tpu.memory_space<hbm>>
        %dma_start3A_38 = arith.constant 9984 : i32
        %dma_start3A_39 = arith.constant 0 : i32
        %dma_start3A_40 = tpu.memref_slice %arg13[%dma_start3A_38, %dma_start3A_39] : memref<10000x128xf32, #tpu.memory_space<vmem_shared>> -> memref<16x128xf32, #tpu.memory_space<vmem_shared>>
        tpu.enqueue_dma source(%dma_start3A_40 : memref<16x128xf32, #tpu.memory_space<vmem_shared>>) target(%dma_start3A_37 : memref<16x128xf32, #tpu.memory_space<hbm>>) target_semaphore(%run_scoped3A : memref<!tpu.dma_semaphore, #tpu.memory_space<semaphore_mem>>)
        %dma_wait3A = arith.constant 9984 : i32
        %dma_wait3A_41 = arith.constant 0 : i32
        %dma_wait3A_42 = tpu.memref_slice %arg6[%arg0, %dma_wait3A, %dma_wait3A_41] : memref<2x10000x128xf32, #tpu.memory_space<hbm>> -> memref<1x16x128xf32, #tpu.memory_space<hbm>>
        %dma_wait3A_43 = tpu.memref_squeeze %dma_wait3A_42 : memref<1x16x128xf32, #tpu.memory_space<hbm>> -> memref<16x128xf32, #tpu.memory_space<hbm>>
        %dma_wait3A_44 = arith.constant 9984 : i32
        %dma_wait3A_45 = arith.constant 0 : i32
        %dma_wait3A_46 = tpu.memref_slice %arg13[%dma_wait3A_44, %dma_wait3A_45] : memref<10000x128xf32, #tpu.memory_space<vmem_shared>> -> memref<16x128xf32, #tpu.memory_space<vmem_shared>>
        tpu.wait_dma2 semaphore(%run_scoped3A : memref<!tpu.dma_semaphore, #tpu.memory_space<semaphore_mem>>) src(%dma_wait3A_46 : memref<16x128xf32, #tpu.memory_space<vmem_shared>>) dst(%dma_wait3A_43 : memref<16x128xf32, #tpu.memory_space<hbm>>)
        tpu.yield
      }) : () -> ()
    } else {
    }
    return
  }
}

#map = affine_map<(d0, d1) -> (0, 0)>
module attributes {stable_mosaic.version = 14 : i64} {
  func.func @_deg_body(%arg0: i32, %arg1: i32, %arg2: memref<32x10000xi32, #tpu.memory_space<hbm>>, %arg3: memref<32x10000xf32, #tpu.memory_space<hbm>>, %arg4: memref<10000xi32, #tpu.memory_space<vmem>>, %arg5: memref<10000xf32, #tpu.memory_space<vmem>>) attributes {dimension_semantics = [#tpu.dimension_semantics<core_parallel>, #tpu.dimension_semantics<subcore_parallel>], iteration_bounds = array<i64: 2, 16>, scalar_prefetch = 0 : i64, scratch_operands = 2 : i64, tpu.core_type = #tpu.core_type<sc_vector_subcore>, window_params = [{transform_indices = #map}, {transform_indices = #map}]} {
    %mul3A = arith.constant 2 : i32
    %mul3A_0 = arith.muli %arg1, %mul3A : i32
    %add3A = arith.addi %mul3A_0, %arg0 : i32
    %broadcast_in_dim3A = arith.constant 0.000000e+00 : f32
    %broadcast_in_dim3A_1 = vector.broadcast %broadcast_in_dim3A : f32 to vector<16xf32>
    %scan3A = arith.constant 0 : i32
    %scan3A_2 = arith.constant 0 : i32
    %scan3A_3 = arith.constant 625 : i32
    %scan3A_4 = arith.addi %scan3A_2, %scan3A_3 : i32
    %scan3A_5 = arith.constant 1 : i32
    scf.for %scan3A_15 = %scan3A_2 to %scan3A_4 step %scan3A_5  : i32 {
      %mul3A_16 = arith.constant 16 : i32
      %mul3A_17 = arith.muli %scan3A_15, %mul3A_16 : i32
      %swap3A = arith.index_cast %mul3A_17 : i32 to index
      %swap3A_18 = tpu.vector_load %arg5[%swap3A] {strides = array<i32>} : memref<10000xf32, #tpu.memory_space<vmem>>, vector<16xf32>,
      tpu.vector_store %arg5[%swap3A], %broadcast_in_dim3A_1 {strides = array<i32>} : memref<10000xf32, #tpu.memory_space<vmem>>, vector<16xf32>,
    }
    %scan3A_6 = arith.constant 625 : i32
    "tpu.region"() ({
      %run_scoped3A = tpu.sem_alloc : memref<!tpu.dma_semaphore, #tpu.memory_space<semaphore_mem>>
      %dma_start3A = arith.constant 0 : i32
      %dma_start3A_15 = tpu.memref_slice %arg2[%add3A, %dma_start3A] : memref<32x10000xi32, #tpu.memory_space<hbm>> -> memref<1x10000xi32, #tpu.memory_space<hbm>>
      %dma_start3A_16 = tpu.memref_squeeze %dma_start3A_15 : memref<1x10000xi32, #tpu.memory_space<hbm>> -> memref<10000xi32, #tpu.memory_space<hbm>>
      %dma_start3A_17 = arith.constant 0 : i32
      %dma_start3A_18 = tpu.memref_slice %arg2[%add3A, %dma_start3A_17] : memref<32x10000xi32, #tpu.memory_space<hbm>> -> memref<1x10000xi32, #tpu.memory_space<hbm>>
      %dma_start3A_19 = tpu.memref_squeeze %dma_start3A_18 : memref<1x10000xi32, #tpu.memory_space<hbm>> -> memref<10000xi32, #tpu.memory_space<hbm>>
      tpu.enqueue_dma source(%dma_start3A_19 : memref<10000xi32, #tpu.memory_space<hbm>>) target(%arg4 : memref<10000xi32, #tpu.memory_space<vmem>>) target_semaphore(%run_scoped3A : memref<!tpu.dma_semaphore, #tpu.memory_space<semaphore_mem>>)
      %dma_wait3A = arith.constant 0 : i32
      %dma_wait3A_20 = tpu.memref_slice %arg2[%add3A, %dma_wait3A] : memref<32x10000xi32, #tpu.memory_space<hbm>> -> memref<1x10000xi32, #tpu.memory_space<hbm>>
      %dma_wait3A_21 = tpu.memref_squeeze %dma_wait3A_20 : memref<1x10000xi32, #tpu.memory_space<hbm>> -> memref<10000xi32, #tpu.memory_space<hbm>>
      %dma_wait3A_22 = arith.constant 0 : i32
      %dma_wait3A_23 = tpu.memref_slice %arg2[%add3A, %dma_wait3A_22] : memref<32x10000xi32, #tpu.memory_space<hbm>> -> memref<1x10000xi32, #tpu.memory_space<hbm>>
      %dma_wait3A_24 = tpu.memref_squeeze %dma_wait3A_23 : memref<1x10000xi32, #tpu.memory_space<hbm>> -> memref<10000xi32, #tpu.memory_space<hbm>>
      tpu.wait_dma2 semaphore(%run_scoped3A : memref<!tpu.dma_semaphore, #tpu.memory_space<semaphore_mem>>) src(%dma_wait3A_24 : memref<10000xi32, #tpu.memory_space<hbm>>) dst(%arg4 : memref<10000xi32, #tpu.memory_space<vmem>>)
      tpu.yield
    }) : () -> ()
    %broadcast_in_dim3A_7 = arith.constant 1.000000e+00 : f32
    %broadcast_in_dim3A_8 = vector.broadcast %broadcast_in_dim3A_7 : f32 to vector<16xf32>
    %scan3A_9 = arith.constant 0 : i32
    %scan3A_10 = arith.constant 0 : i32
    %scan3A_11 = arith.constant 625 : i32
    %scan3A_12 = arith.addi %scan3A_10, %scan3A_11 : i32
    %scan3A_13 = arith.constant 1 : i32
    scf.for %scan3A_15 = %scan3A_10 to %scan3A_12 step %scan3A_13  : i32 {
      %mul3A_16 = arith.constant 16 : i32
      %mul3A_17 = arith.muli %scan3A_15, %mul3A_16 : i32
      %get3A = arith.index_cast %mul3A_17 : i32 to index
      %get3A_18 = tpu.vector_load %arg4[%get3A] {strides = array<i32>} : memref<10000xi32, #tpu.memory_space<vmem>>, vector<16xi32>,
      tpu.vector_store_idx %arg5[%get3A_18], %broadcast_in_dim3A_8 {add = true} : memref<10000xf32, #tpu.memory_space<vmem>>[vector<16xi32>], vector<16xf32>,
    }
    %scan3A_14 = arith.constant 625 : i32
    "tpu.region"() ({
      %run_scoped3A = tpu.sem_alloc : memref<!tpu.dma_semaphore, #tpu.memory_space<semaphore_mem>>
      %dma_start3A = arith.constant 0 : i32
      %dma_start3A_15 = tpu.memref_slice %arg3[%add3A, %dma_start3A] : memref<32x10000xf32, #tpu.memory_space<hbm>> -> memref<1x10000xf32, #tpu.memory_space<hbm>>
      %dma_start3A_16 = tpu.memref_squeeze %dma_start3A_15 : memref<1x10000xf32, #tpu.memory_space<hbm>> -> memref<10000xf32, #tpu.memory_space<hbm>>
      %dma_start3A_17 = arith.constant 0 : i32
      %dma_start3A_18 = tpu.memref_slice %arg3[%add3A, %dma_start3A_17] : memref<32x10000xf32, #tpu.memory_space<hbm>> -> memref<1x10000xf32, #tpu.memory_space<hbm>>
      %dma_start3A_19 = tpu.memref_squeeze %dma_start3A_18 : memref<1x10000xf32, #tpu.memory_space<hbm>> -> memref<10000xf32, #tpu.memory_space<hbm>>
      tpu.enqueue_dma source(%arg5 : memref<10000xf32, #tpu.memory_space<vmem>>) target(%dma_start3A_19 : memref<10000xf32, #tpu.memory_space<hbm>>) target_semaphore(%run_scoped3A : memref<!tpu.dma_semaphore, #tpu.memory_space<semaphore_mem>>)
      %dma_wait3A = arith.constant 0 : i32
      %dma_wait3A_20 = tpu.memref_slice %arg3[%add3A, %dma_wait3A] : memref<32x10000xf32, #tpu.memory_space<hbm>> -> memref<1x10000xf32, #tpu.memory_space<hbm>>
      %dma_wait3A_21 = tpu.memref_squeeze %dma_wait3A_20 : memref<1x10000xf32, #tpu.memory_space<hbm>> -> memref<10000xf32, #tpu.memory_space<hbm>>
      %dma_wait3A_22 = arith.constant 0 : i32
      %dma_wait3A_23 = tpu.memref_slice %arg3[%add3A, %dma_wait3A_22] : memref<32x10000xf32, #tpu.memory_space<hbm>> -> memref<1x10000xf32, #tpu.memory_space<hbm>>
      %dma_wait3A_24 = tpu.memref_squeeze %dma_wait3A_23 : memref<1x10000xf32, #tpu.memory_space<hbm>> -> memref<10000xf32, #tpu.memory_space<hbm>>
      tpu.wait_dma2 semaphore(%run_scoped3A : memref<!tpu.dma_semaphore, #tpu.memory_space<semaphore_mem>>) src(%arg5 : memref<10000xf32, #tpu.memory_space<vmem>>) dst(%dma_wait3A_24 : memref<10000xf32, #tpu.memory_space<hbm>>)
      tpu.yield
    }) : () -> ()
    return
  }
}

#map = affine_map<(d0, d1) -> (0, 0)>
#map1 = affine_map<(d0, d1) -> (0, 0, 0)>
module attributes {stable_mosaic.version = 14 : i64} {
  func.func @_edge_body(%arg0: i32, %arg1: i32, %arg2: memref<10000x128xf32, #tpu.memory_space<hbm>>, %arg3: memref<10000x128xf32, #tpu.memory_space<hbm>>, %arg4: memref<32x125x80xi32, #tpu.memory_space<hbm>>, %arg5: memref<32x125x80xi32, #tpu.memory_space<hbm>>, %arg6: memref<4000x80x128xf32, #tpu.memory_space<hbm>>, %arg7: memref<125x80xi32, #tpu.memory_space<vmem>>, %arg8: memref<125x80xi32, #tpu.memory_space<vmem>>, %arg9: memref<80x128xf32, #tpu.memory_space<vmem>>, %arg10: memref<80x128xf32, #tpu.memory_space<vmem>>, %arg11: memref<80x128xf32, #tpu.memory_space<vmem>>, %arg12: memref<80x128xf32, #tpu.memory_space<vmem>>, %arg13: memref<!tpu.dma_semaphore, #tpu.memory_space<semaphore_mem>>, %arg14: memref<!tpu.dma_semaphore, #tpu.memory_space<semaphore_mem>>, %arg15: memref<!tpu.dma_semaphore, #tpu.memory_space<semaphore_mem>>, %arg16: memref<!tpu.dma_semaphore, #tpu.memory_space<semaphore_mem>>, %arg17: memref<!tpu.dma_semaphore, #tpu.memory_space<semaphore_mem>>, %arg18: memref<!tpu.dma_semaphore, #tpu.memory_space<semaphore_mem>>, %arg19: memref<!tpu.dma_semaphore, #tpu.memory_space<semaphore_mem>>, %arg20: memref<!tpu.dma_semaphore, #tpu.memory_space<semaphore_mem>>) attributes {dimension_semantics = [#tpu.dimension_semantics<core_parallel>, #tpu.dimension_semantics<subcore_parallel>], iteration_bounds = array<i64: 2, 16>, scalar_prefetch = 0 : i64, scratch_operands = 14 : i64, tpu.core_type = #tpu.core_type<sc_vector_subcore>, window_params = [{transform_indices = #map}, {transform_indices = #map}, {transform_indices = #map1}, {transform_indices = #map1}, {transform_indices = #map1}]} {
    %mul3A = arith.constant 2 : i32
    %mul3A_0 = arith.muli %arg1, %mul3A : i32
    %add3A = arith.addi %mul3A_0, %arg0 : i32
    "tpu.region"() ({
      %run_scoped3A = tpu.sem_alloc : memref<!tpu.dma_semaphore, #tpu.memory_space<semaphore_mem>>
      %dma_start3A_156 = arith.constant 0 : i32
      %dma_start3A_157 = arith.constant 0 : i32
      %dma_start3A_158 = tpu.memref_slice %arg4[%add3A, %dma_start3A_156, %dma_start3A_157] : memref<32x125x80xi32, #tpu.memory_space<hbm>> -> memref<1x125x80xi32, #tpu.memory_space<hbm>>
      %dma_start3A_159 = tpu.memref_squeeze %dma_start3A_158 : memref<1x125x80xi32, #tpu.memory_space<hbm>> -> memref<125x80xi32, #tpu.memory_space<hbm>>
      %dma_start3A_160 = arith.constant 0 : i32
      %dma_start3A_161 = arith.constant 0 : i32
      %dma_start3A_162 = tpu.memref_slice %arg4[%add3A, %dma_start3A_160, %dma_start3A_161] : memref<32x125x80xi32, #tpu.memory_space<hbm>> -> memref<1x125x80xi32, #tpu.memory_space<hbm>>
      %dma_start3A_163 = tpu.memref_squeeze %dma_start3A_162 : memref<1x125x80xi32, #tpu.memory_space<hbm>> -> memref<125x80xi32, #tpu.memory_space<hbm>>
      tpu.enqueue_dma source(%dma_start3A_163 : memref<125x80xi32, #tpu.memory_space<hbm>>) target(%arg7 : memref<125x80xi32, #tpu.memory_space<vmem>>) target_semaphore(%run_scoped3A : memref<!tpu.dma_semaphore, #tpu.memory_space<semaphore_mem>>)
      %dma_wait3A_164 = arith.constant 0 : i32
      %dma_wait3A_165 = arith.constant 0 : i32
      %dma_wait3A_166 = tpu.memref_slice %arg4[%add3A, %dma_wait3A_164, %dma_wait3A_165] : memref<32x125x80xi32, #tpu.memory_space<hbm>> -> memref<1x125x80xi32, #tpu.memory_space<hbm>>
      %dma_wait3A_167 = tpu.memref_squeeze %dma_wait3A_166 : memref<1x125x80xi32, #tpu.memory_space<hbm>> -> memref<125x80xi32, #tpu.memory_space<hbm>>
      %dma_wait3A_168 = arith.constant 0 : i32
      %dma_wait3A_169 = arith.constant 0 : i32
      %dma_wait3A_170 = tpu.memref_slice %arg4[%add3A, %dma_wait3A_168, %dma_wait3A_169] : memref<32x125x80xi32, #tpu.memory_space<hbm>> -> memref<1x125x80xi32, #tpu.memory_space<hbm>>
      %dma_wait3A_171 = tpu.memref_squeeze %dma_wait3A_170 : memref<1x125x80xi32, #tpu.memory_space<hbm>> -> memref<125x80xi32, #tpu.memory_space<hbm>>
      tpu.wait_dma2 semaphore(%run_scoped3A : memref<!tpu.dma_semaphore, #tpu.memory_space<semaphore_mem>>) src(%dma_wait3A_171 : memref<125x80xi32, #tpu.memory_space<hbm>>) dst(%arg7 : memref<125x80xi32, #tpu.memory_space<vmem>>)
      tpu.yield
    }) : () -> ()
    "tpu.region"() ({
      %run_scoped3A = tpu.sem_alloc : memref<!tpu.dma_semaphore, #tpu.memory_space<semaphore_mem>>
      %dma_start3A_156 = arith.constant 0 : i32
      %dma_start3A_157 = arith.constant 0 : i32
      %dma_start3A_158 = tpu.memref_slice %arg5[%add3A, %dma_start3A_156, %dma_start3A_157] : memref<32x125x80xi32, #tpu.memory_space<hbm>> -> memref<1x125x80xi32, #tpu.memory_space<hbm>>
      %dma_start3A_159 = tpu.memref_squeeze %dma_start3A_158 : memref<1x125x80xi32, #tpu.memory_space<hbm>> -> memref<125x80xi32, #tpu.memory_space<hbm>>
      %dma_start3A_160 = arith.constant 0 : i32
      %dma_start3A_161 = arith.constant 0 : i32
      %dma_start3A_162 = tpu.memref_slice %arg5[%add3A, %dma_start3A_160, %dma_start3A_161] : memref<32x125x80xi32, #tpu.memory_space<hbm>> -> memref<1x125x80xi32, #tpu.memory_space<hbm>>
      %dma_start3A_163 = tpu.memref_squeeze %dma_start3A_162 : memref<1x125x80xi32, #tpu.memory_space<hbm>> -> memref<125x80xi32, #tpu.memory_space<hbm>>
      tpu.enqueue_dma source(%dma_start3A_163 : memref<125x80xi32, #tpu.memory_space<hbm>>) target(%arg8 : memref<125x80xi32, #tpu.memory_space<vmem>>) target_semaphore(%run_scoped3A : memref<!tpu.dma_semaphore, #tpu.memory_space<semaphore_mem>>)
      %dma_wait3A_164 = arith.constant 0 : i32
      %dma_wait3A_165 = arith.constant 0 : i32
      %dma_wait3A_166 = tpu.memref_slice %arg5[%add3A, %dma_wait3A_164, %dma_wait3A_165] : memref<32x125x80xi32, #tpu.memory_space<hbm>> -> memref<1x125x80xi32, #tpu.memory_space<hbm>>
      %dma_wait3A_167 = tpu.memref_squeeze %dma_wait3A_166 : memref<1x125x80xi32, #tpu.memory_space<hbm>> -> memref<125x80xi32, #tpu.memory_space<hbm>>
      %dma_wait3A_168 = arith.constant 0 : i32
      %dma_wait3A_169 = arith.constant 0 : i32
      %dma_wait3A_170 = tpu.memref_slice %arg5[%add3A, %dma_wait3A_168, %dma_wait3A_169] : memref<32x125x80xi32, #tpu.memory_space<hbm>> -> memref<1x125x80xi32, #tpu.memory_space<hbm>>
      %dma_wait3A_171 = tpu.memref_squeeze %dma_wait3A_170 : memref<1x125x80xi32, #tpu.memory_space<hbm>> -> memref<125x80xi32, #tpu.memory_space<hbm>>
      tpu.wait_dma2 semaphore(%run_scoped3A : memref<!tpu.dma_semaphore, #tpu.memory_space<semaphore_mem>>) src(%dma_wait3A_171 : memref<125x80xi32, #tpu.memory_space<hbm>>) dst(%arg8 : memref<125x80xi32, #tpu.memory_space<vmem>>)
      tpu.yield
    }) : () -> ()
    %mul3A_1 = arith.constant 125 : i32
    %mul3A_2 = arith.muli %add3A, %mul3A_1 : i32
    %dma_start3A = arith.constant 0 : i32
    %dma_start3A_3 = arith.constant 0 : i32
    %dma_start3A_4 = tpu.memref_slice %arg7[%dma_start3A, %dma_start3A_3] : memref<125x80xi32, #tpu.memory_space<vmem>> -> memref<1x80xi32, #tpu.memory_space<vmem>>
    %dma_start3A_5 = tpu.memref_squeeze %dma_start3A_4 : memref<1x80xi32, #tpu.memory_space<vmem>> -> memref<80xi32, #tpu.memory_space<vmem>>
    %dma_start3A_6 = arith.constant 0 : i32
    %dma_start3A_7 = arith.constant 0 : i32
    %dma_start3A_8 = tpu.memref_slice %arg2[%dma_start3A_6, %dma_start3A_7] : memref<10000x128xf32, #tpu.memory_space<hbm>> -> memref<10000x128xf32, #tpu.memory_space<hbm>>
    tpu.enqueue_indirect_dma source(%dma_start3A_8 : memref<10000x128xf32, #tpu.memory_space<hbm>>) target(%arg9 : memref<80x128xf32, #tpu.memory_space<vmem>>) offsets(%dma_start3A_5 : memref<80xi32, #tpu.memory_space<vmem>>) semaphore(%arg13 : memref<!tpu.dma_semaphore, #tpu.memory_space<semaphore_mem>>)
    %dma_start3A_9 = arith.constant 1 : i32
    %dma_start3A_10 = arith.constant 0 : i32
    %dma_start3A_11 = tpu.memref_slice %arg7[%dma_start3A_9, %dma_start3A_10] : memref<125x80xi32, #tpu.memory_space<vmem>> -> memref<1x80xi32, #tpu.memory_space<vmem>>
    %dma_start3A_12 = tpu.memref_squeeze %dma_start3A_11 : memref<1x80xi32, #tpu.memory_space<vmem>> -> memref<80xi32, #tpu.memory_space<vmem>>
    %dma_start3A_13 = arith.constant 0 : i32
    %dma_start3A_14 = arith.constant 0 : i32
    %dma_start3A_15 = tpu.memref_slice %arg2[%dma_start3A_13, %dma_start3A_14] : memref<10000x128xf32, #tpu.memory_space<hbm>> -> memref<10000x128xf32, #tpu.memory_space<hbm>>
    tpu.enqueue_indirect_dma source(%dma_start3A_15 : memref<10000x128xf32, #tpu.memory_space<hbm>>) target(%arg10 : memref<80x128xf32, #tpu.memory_space<vmem>>) offsets(%dma_start3A_12 : memref<80xi32, #tpu.memory_space<vmem>>) semaphore(%arg14 : memref<!tpu.dma_semaphore, #tpu.memory_space<semaphore_mem>>)
    %dma_wait3A = arith.constant 0 : i32
    %dma_wait3A_16 = arith.constant 0 : i32
    %dma_wait3A_17 = tpu.memref_slice %arg7[%dma_wait3A, %dma_wait3A_16] : memref<125x80xi32, #tpu.memory_space<vmem>> -> memref<1x80xi32, #tpu.memory_space<vmem>>
    %dma_wait3A_18 = tpu.memref_squeeze %dma_wait3A_17 : memref<1x80xi32, #tpu.memory_space<vmem>> -> memref<80xi32, #tpu.memory_space<vmem>>
    %dma_wait3A_19 = arith.constant 0 : i32
    %dma_wait3A_20 = arith.constant 0 : i32
    %dma_wait3A_21 = tpu.memref_slice %arg2[%dma_wait3A_19, %dma_wait3A_20] : memref<10000x128xf32, #tpu.memory_space<hbm>> -> memref<10000x128xf32, #tpu.memory_space<hbm>>
    tpu.wait_indirect_dma semaphore(%arg13 : memref<!tpu.dma_semaphore, #tpu.memory_space<semaphore_mem>>) src(%dma_wait3A_21 : memref<10000x128xf32, #tpu.memory_space<hbm>>) dst(%arg9 : memref<80x128xf32, #tpu.memory_space<vmem>>)
    %dma_start3A_22 = arith.constant 0 : i32
    %dma_start3A_23 = arith.constant 0 : i32
    %dma_start3A_24 = tpu.memref_slice %arg8[%dma_start3A_22, %dma_start3A_23] : memref<125x80xi32, #tpu.memory_space<vmem>> -> memref<1x80xi32, #tpu.memory_space<vmem>>
    %dma_start3A_25 = tpu.memref_squeeze %dma_start3A_24 : memref<1x80xi32, #tpu.memory_space<vmem>> -> memref<80xi32, #tpu.memory_space<vmem>>
    %dma_start3A_26 = arith.constant 0 : i32
    %dma_start3A_27 = arith.constant 0 : i32
    %dma_start3A_28 = tpu.memref_slice %arg3[%dma_start3A_26, %dma_start3A_27] : memref<10000x128xf32, #tpu.memory_space<hbm>> -> memref<10000x128xf32, #tpu.memory_space<hbm>>
    tpu.enqueue_indirect_dma source(%dma_start3A_28 : memref<10000x128xf32, #tpu.memory_space<hbm>>) target(%arg9 : memref<80x128xf32, #tpu.memory_space<vmem>>) offsets(%dma_start3A_25 : memref<80xi32, #tpu.memory_space<vmem>>) semaphore(%arg17 : memref<!tpu.dma_semaphore, #tpu.memory_space<semaphore_mem>>) {add = true}
    %dma_start3A_29 = arith.constant 2 : i32
    %dma_start3A_30 = arith.constant 0 : i32
    %dma_start3A_31 = tpu.memref_slice %arg7[%dma_start3A_29, %dma_start3A_30] : memref<125x80xi32, #tpu.memory_space<vmem>> -> memref<1x80xi32, #tpu.memory_space<vmem>>
    %dma_start3A_32 = tpu.memref_squeeze %dma_start3A_31 : memref<1x80xi32, #tpu.memory_space<vmem>> -> memref<80xi32, #tpu.memory_space<vmem>>
    %dma_start3A_33 = arith.constant 0 : i32
    %dma_start3A_34 = arith.constant 0 : i32
    %dma_start3A_35 = tpu.memref_slice %arg2[%dma_start3A_33, %dma_start3A_34] : memref<10000x128xf32, #tpu.memory_space<hbm>> -> memref<10000x128xf32, #tpu.memory_space<hbm>>
    tpu.enqueue_indirect_dma source(%dma_start3A_35 : memref<10000x128xf32, #tpu.memory_space<hbm>>) target(%arg11 : memref<80x128xf32, #tpu.memory_space<vmem>>) offsets(%dma_start3A_32 : memref<80xi32, #tpu.memory_space<vmem>>) semaphore(%arg15 : memref<!tpu.dma_semaphore, #tpu.memory_space<semaphore_mem>>)
    %dma_wait3A_36 = arith.constant 1 : i32
    %dma_wait3A_37 = arith.constant 0 : i32
    %dma_wait3A_38 = tpu.memref_slice %arg7[%dma_wait3A_36, %dma_wait3A_37] : memref<125x80xi32, #tpu.memory_space<vmem>> -> memref<1x80xi32, #tpu.memory_space<vmem>>
    %dma_wait3A_39 = tpu.memref_squeeze %dma_wait3A_38 : memref<1x80xi32, #tpu.memory_space<vmem>> -> memref<80xi32, #tpu.memory_space<vmem>>
    %dma_wait3A_40 = arith.constant 0 : i32
    %dma_wait3A_41 = arith.constant 0 : i32
    %dma_wait3A_42 = tpu.memref_slice %arg2[%dma_wait3A_40, %dma_wait3A_41] : memref<10000x128xf32, #tpu.memory_space<hbm>> -> memref<10000x128xf32, #tpu.memory_space<hbm>>
    tpu.wait_indirect_dma semaphore(%arg14 : memref<!tpu.dma_semaphore, #tpu.memory_space<semaphore_mem>>) src(%dma_wait3A_42 : memref<10000x128xf32, #tpu.memory_space<hbm>>) dst(%arg10 : memref<80x128xf32, #tpu.memory_space<vmem>>)
    %dma_start3A_43 = arith.constant 1 : i32
    %dma_start3A_44 = arith.constant 0 : i32
    %dma_start3A_45 = tpu.memref_slice %arg8[%dma_start3A_43, %dma_start3A_44] : memref<125x80xi32, #tpu.memory_space<vmem>> -> memref<1x80xi32, #tpu.memory_space<vmem>>
    %dma_start3A_46 = tpu.memref_squeeze %dma_start3A_45 : memref<1x80xi32, #tpu.memory_space<vmem>> -> memref<80xi32, #tpu.memory_space<vmem>>
    %dma_start3A_47 = arith.constant 0 : i32
    %dma_start3A_48 = arith.constant 0 : i32
    %dma_start3A_49 = tpu.memref_slice %arg3[%dma_start3A_47, %dma_start3A_48] : memref<10000x128xf32, #tpu.memory_space<hbm>> -> memref<10000x128xf32, #tpu.memory_space<hbm>>
    tpu.enqueue_indirect_dma source(%dma_start3A_49 : memref<10000x128xf32, #tpu.memory_space<hbm>>) target(%arg10 : memref<80x128xf32, #tpu.memory_space<vmem>>) offsets(%dma_start3A_46 : memref<80xi32, #tpu.memory_space<vmem>>) semaphore(%arg18 : memref<!tpu.dma_semaphore, #tpu.memory_space<semaphore_mem>>) {add = true}
    %dma_start3A_50 = arith.constant 3 : i32
    %dma_start3A_51 = arith.constant 0 : i32
    %dma_start3A_52 = tpu.memref_slice %arg7[%dma_start3A_50, %dma_start3A_51] : memref<125x80xi32, #tpu.memory_space<vmem>> -> memref<1x80xi32, #tpu.memory_space<vmem>>
    %dma_start3A_53 = tpu.memref_squeeze %dma_start3A_52 : memref<1x80xi32, #tpu.memory_space<vmem>> -> memref<80xi32, #tpu.memory_space<vmem>>
    %dma_start3A_54 = arith.constant 0 : i32
    %dma_start3A_55 = arith.constant 0 : i32
    %dma_start3A_56 = tpu.memref_slice %arg2[%dma_start3A_54, %dma_start3A_55] : memref<10000x128xf32, #tpu.memory_space<hbm>> -> memref<10000x128xf32, #tpu.memory_space<hbm>>
    tpu.enqueue_indirect_dma source(%dma_start3A_56 : memref<10000x128xf32, #tpu.memory_space<hbm>>) target(%arg12 : memref<80x128xf32, #tpu.memory_space<vmem>>) offsets(%dma_start3A_53 : memref<80xi32, #tpu.memory_space<vmem>>) semaphore(%arg16 : memref<!tpu.dma_semaphore, #tpu.memory_space<semaphore_mem>>)
    %scan3A = arith.constant 0 : i32
    %scan3A_57 = arith.constant 0 : i32
    %scan3A_58 = arith.constant 30 : i32
    %scan3A_59 = arith.addi %scan3A_57, %scan3A_58 : i32
    %scan3A_60 = arith.constant 1 : i32
    scf.for %scan3A_156 = %scan3A_57 to %scan3A_59 step %scan3A_60  : i32 {
      %mul3A_157 = arith.constant 4 : i32
      %mul3A_158 = arith.muli %mul3A_157, %scan3A_156 : i32
      %add3A_159 = arith.constant 2 : i32
      %add3A_160 = arith.addi %mul3A_158, %add3A_159 : i32
      %add3A_161 = arith.constant 0 : i32
      %add3A_162 = arith.addi %add3A_160, %add3A_161 : i32
      %sub3A = arith.constant 2 : i32
      %sub3A_163 = arith.subi %add3A_162, %sub3A : i32
      %dma_wait3A_164 = arith.constant 0 : i32
      %dma_wait3A_165 = tpu.memref_slice %arg8[%sub3A_163, %dma_wait3A_164] : memref<125x80xi32, #tpu.memory_space<vmem>> -> memref<1x80xi32, #tpu.memory_space<vmem>>
      %dma_wait3A_166 = tpu.memref_squeeze %dma_wait3A_165 : memref<1x80xi32, #tpu.memory_space<vmem>> -> memref<80xi32, #tpu.memory_space<vmem>>
      %dma_wait3A_167 = arith.constant 0 : i32
      %dma_wait3A_168 = arith.constant 0 : i32
      %dma_wait3A_169 = tpu.memref_slice %arg3[%dma_wait3A_167, %dma_wait3A_168] : memref<10000x128xf32, #tpu.memory_space<hbm>> -> memref<10000x128xf32, #tpu.memory_space<hbm>>
      tpu.wait_indirect_dma semaphore(%arg17 : memref<!tpu.dma_semaphore, #tpu.memory_space<semaphore_mem>>) src(%dma_wait3A_169 : memref<10000x128xf32, #tpu.memory_space<hbm>>) dst(%arg9 : memref<80x128xf32, #tpu.memory_space<vmem>>)
      %sub3A_170 = arith.constant 2 : i32
      %sub3A_171 = arith.subi %add3A_162, %sub3A_170 : i32
      %add3A_172 = arith.addi %mul3A_2, %sub3A_171 : i32
      "tpu.region"() ({
        %run_scoped3A = tpu.sem_alloc : memref<!tpu.dma_semaphore, #tpu.memory_space<semaphore_mem>>
        %dma_start3A_292 = arith.constant 0 : i32
        %dma_start3A_293 = arith.constant 0 : i32
        %dma_start3A_294 = tpu.memref_slice %arg6[%add3A_172, %dma_start3A_292, %dma_start3A_293] : memref<4000x80x128xf32, #tpu.memory_space<hbm>> -> memref<1x80x128xf32, #tpu.memory_space<hbm>>
        %dma_start3A_295 = tpu.memref_squeeze %dma_start3A_294 : memref<1x80x128xf32, #tpu.memory_space<hbm>> -> memref<80x128xf32, #tpu.memory_space<hbm>>
        %dma_start3A_296 = arith.constant 0 : i32
        %dma_start3A_297 = arith.constant 0 : i32
        %dma_start3A_298 = tpu.memref_slice %arg6[%add3A_172, %dma_start3A_296, %dma_start3A_297] : memref<4000x80x128xf32, #tpu.memory_space<hbm>> -> memref<1x80x128xf32, #tpu.memory_space<hbm>>
        %dma_start3A_299 = tpu.memref_squeeze %dma_start3A_298 : memref<1x80x128xf32, #tpu.memory_space<hbm>> -> memref<80x128xf32, #tpu.memory_space<hbm>>
        tpu.enqueue_dma source(%arg9 : memref<80x128xf32, #tpu.memory_space<vmem>>) target(%dma_start3A_299 : memref<80x128xf32, #tpu.memory_space<hbm>>) target_semaphore(%run_scoped3A : memref<!tpu.dma_semaphore, #tpu.memory_space<semaphore_mem>>)
        %dma_wait3A_300 = arith.constant 0 : i32
        %dma_wait3A_301 = arith.constant 0 : i32
        %dma_wait3A_302 = tpu.memref_slice %arg6[%add3A_172, %dma_wait3A_300, %dma_wait3A_301] : memref<4000x80x128xf32, #tpu.memory_space<hbm>> -> memref<1x80x128xf32, #tpu.memory_space<hbm>>
        %dma_wait3A_303 = tpu.memref_squeeze %dma_wait3A_302 : memref<1x80x128xf32, #tpu.memory_space<hbm>> -> memref<80x128xf32, #tpu.memory_space<hbm>>
        %dma_wait3A_304 = arith.constant 0 : i32
        %dma_wait3A_305 = arith.constant 0 : i32
        %dma_wait3A_306 = tpu.memref_slice %arg6[%add3A_172, %dma_wait3A_304, %dma_wait3A_305] : memref<4000x80x128xf32, #tpu.memory_space<hbm>> -> memref<1x80x128xf32, #tpu.memory_space<hbm>>
        %dma_wait3A_307 = tpu.memref_squeeze %dma_wait3A_306 : memref<1x80x128xf32, #tpu.memory_space<hbm>> -> memref<80x128xf32, #tpu.memory_space<hbm>>
        tpu.wait_dma2 semaphore(%run_scoped3A : memref<!tpu.dma_semaphore, #tpu.memory_space<semaphore_mem>>) src(%arg9 : memref<80x128xf32, #tpu.memory_space<vmem>>) dst(%dma_wait3A_307 : memref<80x128xf32, #tpu.memory_space<hbm>>)
        tpu.yield
      }) : () -> ()
      %add3A_173 = arith.constant 2 : i32
      %add3A_174 = arith.addi %add3A_162, %add3A_173 : i32
      %dma_start3A_175 = arith.constant 0 : i32
      %dma_start3A_176 = tpu.memref_slice %arg7[%add3A_174, %dma_start3A_175] : memref<125x80xi32, #tpu.memory_space<vmem>> -> memref<1x80xi32, #tpu.memory_space<vmem>>
      %dma_start3A_177 = tpu.memref_squeeze %dma_start3A_176 : memref<1x80xi32, #tpu.memory_space<vmem>> -> memref<80xi32, #tpu.memory_space<vmem>>
      %dma_start3A_178 = arith.constant 0 : i32
      %dma_start3A_179 = arith.constant 0 : i32
      %dma_start3A_180 = tpu.memref_slice %arg2[%dma_start3A_178, %dma_start3A_179] : memref<10000x128xf32, #tpu.memory_space<hbm>> -> memref<10000x128xf32, #tpu.memory_space<hbm>>
      tpu.enqueue_indirect_dma source(%dma_start3A_180 : memref<10000x128xf32, #tpu.memory_space<hbm>>) target(%arg9 : memref<80x128xf32, #tpu.memory_space<vmem>>) offsets(%dma_start3A_177 : memref<80xi32, #tpu.memory_space<vmem>>) semaphore(%arg13 : memref<!tpu.dma_semaphore, #tpu.memory_space<semaphore_mem>>)
      %dma_wait3A_181 = arith.constant 0 : i32
      %dma_wait3A_182 = tpu.memref_slice %arg7[%add3A_162, %dma_wait3A_181] : memref<125x80xi32, #tpu.memory_space<vmem>> -> memref<1x80xi32, #tpu.memory_space<vmem>>
      %dma_wait3A_183 = tpu.memref_squeeze %dma_wait3A_182 : memref<1x80xi32, #tpu.memory_space<vmem>> -> memref<80xi32, #tpu.memory_space<vmem>>
      %dma_wait3A_184 = arith.constant 0 : i32
      %dma_wait3A_185 = arith.constant 0 : i32
      %dma_wait3A_186 = tpu.memref_slice %arg2[%dma_wait3A_184, %dma_wait3A_185] : memref<10000x128xf32, #tpu.memory_space<hbm>> -> memref<10000x128xf32, #tpu.memory_space<hbm>>
      tpu.wait_indirect_dma semaphore(%arg15 : memref<!tpu.dma_semaphore, #tpu.memory_space<semaphore_mem>>) src(%dma_wait3A_186 : memref<10000x128xf32, #tpu.memory_space<hbm>>) dst(%arg11 : memref<80x128xf32, #tpu.memory_space<vmem>>)
      %dma_start3A_187 = arith.constant 0 : i32
      %dma_start3A_188 = tpu.memref_slice %arg8[%add3A_162, %dma_start3A_187] : memref<125x80xi32, #tpu.memory_space<vmem>> -> memref<1x80xi32, #tpu.memory_space<vmem>>
      %dma_start3A_189 = tpu.memref_squeeze %dma_start3A_188 : memref<1x80xi32, #tpu.memory_space<vmem>> -> memref<80xi32, #tpu.memory_space<vmem>>
      %dma_start3A_190 = arith.constant 0 : i32
      %dma_start3A_191 = arith.constant 0 : i32
      %dma_start3A_192 = tpu.memref_slice %arg3[%dma_start3A_190, %dma_start3A_191] : memref<10000x128xf32, #tpu.memory_space<hbm>> -> memref<10000x128xf32, #tpu.memory_space<hbm>>
      tpu.enqueue_indirect_dma source(%dma_start3A_192 : memref<10000x128xf32, #tpu.memory_space<hbm>>) target(%arg11 : memref<80x128xf32, #tpu.memory_space<vmem>>) offsets(%dma_start3A_189 : memref<80xi32, #tpu.memory_space<vmem>>) semaphore(%arg19 : memref<!tpu.dma_semaphore, #tpu.memory_space<semaphore_mem>>) {add = true}
      %add3A_193 = arith.constant 1 : i32
      %add3A_194 = arith.addi %add3A_160, %add3A_193 : i32
      %sub3A_195 = arith.constant 2 : i32
      %sub3A_196 = arith.subi %add3A_194, %sub3A_195 : i32
      %dma_wait3A_197 = arith.constant 0 : i32
      %dma_wait3A_198 = tpu.memref_slice %arg8[%sub3A_196, %dma_wait3A_197] : memref<125x80xi32, #tpu.memory_space<vmem>> -> memref<1x80xi32, #tpu.memory_space<vmem>>
      %dma_wait3A_199 = tpu.memref_squeeze %dma_wait3A_198 : memref<1x80xi32, #tpu.memory_space<vmem>> -> memref<80xi32, #tpu.memory_space<vmem>>
      %dma_wait3A_200 = arith.constant 0 : i32
      %dma_wait3A_201 = arith.constant 0 : i32
      %dma_wait3A_202 = tpu.memref_slice %arg3[%dma_wait3A_200, %dma_wait3A_201] : memref<10000x128xf32, #tpu.memory_space<hbm>> -> memref<10000x128xf32, #tpu.memory_space<hbm>>
      tpu.wait_indirect_dma semaphore(%arg18 : memref<!tpu.dma_semaphore, #tpu.memory_space<semaphore_mem>>) src(%dma_wait3A_202 : memref<10000x128xf32, #tpu.memory_space<hbm>>) dst(%arg10 : memref<80x128xf32, #tpu.memory_space<vmem>>)
      %sub3A_203 = arith.constant 2 : i32
      %sub3A_204 = arith.subi %add3A_194, %sub3A_203 : i32
      %add3A_205 = arith.addi %mul3A_2, %sub3A_204 : i32
      "tpu.region"() ({
        %run_scoped3A = tpu.sem_alloc : memref<!tpu.dma_semaphore, #tpu.memory_space<semaphore_mem>>
        %dma_start3A_292 = arith.constant 0 : i32
        %dma_start3A_293 = arith.constant 0 : i32
        %dma_start3A_294 = tpu.memref_slice %arg6[%add3A_205, %dma_start3A_292, %dma_start3A_293] : memref<4000x80x128xf32, #tpu.memory_space<hbm>> -> memref<1x80x128xf32, #tpu.memory_space<hbm>>
        %dma_start3A_295 = tpu.memref_squeeze %dma_start3A_294 : memref<1x80x128xf32, #tpu.memory_space<hbm>> -> memref<80x128xf32, #tpu.memory_space<hbm>>
        %dma_start3A_296 = arith.constant 0 : i32
        %dma_start3A_297 = arith.constant 0 : i32
        %dma_start3A_298 = tpu.memref_slice %arg6[%add3A_205, %dma_start3A_296, %dma_start3A_297] : memref<4000x80x128xf32, #tpu.memory_space<hbm>> -> memref<1x80x128xf32, #tpu.memory_space<hbm>>
        %dma_start3A_299 = tpu.memref_squeeze %dma_start3A_298 : memref<1x80x128xf32, #tpu.memory_space<hbm>> -> memref<80x128xf32, #tpu.memory_space<hbm>>
        tpu.enqueue_dma source(%arg10 : memref<80x128xf32, #tpu.memory_space<vmem>>) target(%dma_start3A_299 : memref<80x128xf32, #tpu.memory_space<hbm>>) target_semaphore(%run_scoped3A : memref<!tpu.dma_semaphore, #tpu.memory_space<semaphore_mem>>)
        %dma_wait3A_300 = arith.constant 0 : i32
        %dma_wait3A_301 = arith.constant 0 : i32
        %dma_wait3A_302 = tpu.memref_slice %arg6[%add3A_205, %dma_wait3A_300, %dma_wait3A_301] : memref<4000x80x128xf32, #tpu.memory_space<hbm>> -> memref<1x80x128xf32, #tpu.memory_space<hbm>>
        %dma_wait3A_303 = tpu.memref_squeeze %dma_wait3A_302 : memref<1x80x128xf32, #tpu.memory_space<hbm>> -> memref<80x128xf32, #tpu.memory_space<hbm>>
        %dma_wait3A_304 = arith.constant 0 : i32
        %dma_wait3A_305 = arith.constant 0 : i32
        %dma_wait3A_306 = tpu.memref_slice %arg6[%add3A_205, %dma_wait3A_304, %dma_wait3A_305] : memref<4000x80x128xf32, #tpu.memory_space<hbm>> -> memref<1x80x128xf32, #tpu.memory_space<hbm>>
        %dma_wait3A_307 = tpu.memref_squeeze %dma_wait3A_306 : memref<1x80x128xf32, #tpu.memory_space<hbm>> -> memref<80x128xf32, #tpu.memory_space<hbm>>
        tpu.wait_dma2 semaphore(%run_scoped3A : memref<!tpu.dma_semaphore, #tpu.memory_space<semaphore_mem>>) src(%arg10 : memref<80x128xf32, #tpu.memory_space<vmem>>) dst(%dma_wait3A_307 : memref<80x128xf32, #tpu.memory_space<hbm>>)
        tpu.yield
      }) : () -> ()
      %add3A_206 = arith.constant 2 : i32
      %add3A_207 = arith.addi %add3A_194, %add3A_206 : i32
      %dma_start3A_208 = arith.constant 0 : i32
      %dma_start3A_209 = tpu.memref_slice %arg7[%add3A_207, %dma_start3A_208] : memref<125x80xi32, #tpu.memory_space<vmem>> -> memref<1x80xi32, #tpu.memory_space<vmem>>
      %dma_start3A_210 = tpu.memref_squeeze %dma_start3A_209 : memref<1x80xi32, #tpu.memory_space<vmem>> -> memref<80xi32, #tpu.memory_space<vmem>>
      %dma_start3A_211 = arith.constant 0 : i32
      %dma_start3A_212 = arith.constant 0 : i32
      %dma_start3A_213 = tpu.memref_slice %arg2[%dma_start3A_211, %dma_start3A_212] : memref<10000x128xf32, #tpu.memory_space<hbm>> -> memref<10000x128xf32, #tpu.memory_space<hbm>>
      tpu.enqueue_indirect_dma source(%dma_start3A_213 : memref<10000x128xf32, #tpu.memory_space<hbm>>) target(%arg10 : memref<80x128xf32, #tpu.memory_space<vmem>>) offsets(%dma_start3A_210 : memref<80xi32, #tpu.memory_space<vmem>>) semaphore(%arg14 : memref<!tpu.dma_semaphore, #tpu.memory_space<semaphore_mem>>)
      %dma_wait3A_214 = arith.constant 0 : i32
      %dma_wait3A_215 = tpu.memref_slice %arg7[%add3A_194, %dma_wait3A_214] : memref<125x80xi32, #tpu.memory_space<vmem>> -> memref<1x80xi32, #tpu.memory_space<vmem>>
      %dma_wait3A_216 = tpu.memref_squeeze %dma_wait3A_215 : memref<1x80xi32, #tpu.memory_space<vmem>> -> memref<80xi32, #tpu.memory_space<vmem>>
      %dma_wait3A_217 = arith.constant 0 : i32
      %dma_wait3A_218 = arith.constant 0 : i32
      %dma_wait3A_219 = tpu.memref_slice %arg2[%dma_wait3A_217, %dma_wait3A_218] : memref<10000x128xf32, #tpu.memory_space<hbm>> -> memref<10000x128xf32, #tpu.memory_space<hbm>>
      tpu.wait_indirect_dma semaphore(%arg16 : memref<!tpu.dma_semaphore, #tpu.memory_space<semaphore_mem>>) src(%dma_wait3A_219 : memref<10000x128xf32, #tpu.memory_space<hbm>>) dst(%arg12 : memref<80x128xf32, #tpu.memory_space<vmem>>)
      %dma_start3A_220 = arith.constant 0 : i32
      %dma_start3A_221 = tpu.memref_slice %arg8[%add3A_194, %dma_start3A_220] : memref<125x80xi32, #tpu.memory_space<vmem>> -> memref<1x80xi32, #tpu.memory_space<vmem>>
      %dma_start3A_222 = tpu.memref_squeeze %dma_start3A_221 : memref<1x80xi32, #tpu.memory_space<vmem>> -> memref<80xi32, #tpu.memory_space<vmem>>
      %dma_start3A_223 = arith.constant 0 : i32
      %dma_start3A_224 = arith.constant 0 : i32
      %dma_start3A_225 = tpu.memref_slice %arg3[%dma_start3A_223, %dma_start3A_224] : memref<10000x128xf32, #tpu.memory_space<hbm>> -> memref<10000x128xf32, #tpu.memory_space<hbm>>
      tpu.enqueue_indirect_dma source(%dma_start3A_225 : memref<10000x128xf32, #tpu.memory_space<hbm>>) target(%arg12 : memref<80x128xf32, #tpu.memory_space<vmem>>) offsets(%dma_start3A_222 : memref<80xi32, #tpu.memory_space<vmem>>) semaphore(%arg20 : memref<!tpu.dma_semaphore, #tpu.memory_space<semaphore_mem>>) {add = true}
      %add3A_226 = arith.constant 2 : i32
      %add3A_227 = arith.addi %add3A_160, %add3A_226 : i32
      %sub3A_228 = arith.constant 2 : i32
      %sub3A_229 = arith.subi %add3A_227, %sub3A_228 : i32
      %dma_wait3A_230 = arith.constant 0 : i32
      %dma_wait3A_231 = tpu.memref_slice %arg8[%sub3A_229, %dma_wait3A_230] : memref<125x80xi32, #tpu.memory_space<vmem>> -> memref<1x80xi32, #tpu.memory_space<vmem>>
      %dma_wait3A_232 = tpu.memref_squeeze %dma_wait3A_231 : memref<1x80xi32, #tpu.memory_space<vmem>> -> memref<80xi32, #tpu.memory_space<vmem>>
      %dma_wait3A_233 = arith.constant 0 : i32
      %dma_wait3A_234 = arith.constant 0 : i32
      %dma_wait3A_235 = tpu.memref_slice %arg3[%dma_wait3A_233, %dma_wait3A_234] : memref<10000x128xf32, #tpu.memory_space<hbm>> -> memref<10000x128xf32, #tpu.memory_space<hbm>>
      tpu.wait_indirect_dma semaphore(%arg19 : memref<!tpu.dma_semaphore, #tpu.memory_space<semaphore_mem>>) src(%dma_wait3A_235 : memref<10000x128xf32, #tpu.memory_space<hbm>>) dst(%arg11 : memref<80x128xf32, #tpu.memory_space<vmem>>)
      %sub3A_236 = arith.constant 2 : i32
      %sub3A_237 = arith.subi %add3A_227, %sub3A_236 : i32
      %add3A_238 = arith.addi %mul3A_2, %sub3A_237 : i32
      "tpu.region"() ({
        %run_scoped3A = tpu.sem_alloc : memref<!tpu.dma_semaphore, #tpu.memory_space<semaphore_mem>>
        %dma_start3A_292 = arith.constant 0 : i32
        %dma_start3A_293 = arith.constant 0 : i32
        %dma_start3A_294 = tpu.memref_slice %arg6[%add3A_238, %dma_start3A_292, %dma_start3A_293] : memref<4000x80x128xf32, #tpu.memory_space<hbm>> -> memref<1x80x128xf32, #tpu.memory_space<hbm>>
        %dma_start3A_295 = tpu.memref_squeeze %dma_start3A_294 : memref<1x80x128xf32, #tpu.memory_space<hbm>> -> memref<80x128xf32, #tpu.memory_space<hbm>>
        %dma_start3A_296 = arith.constant 0 : i32
        %dma_start3A_297 = arith.constant 0 : i32
        %dma_start3A_298 = tpu.memref_slice %arg6[%add3A_238, %dma_start3A_296, %dma_start3A_297] : memref<4000x80x128xf32, #tpu.memory_space<hbm>> -> memref<1x80x128xf32, #tpu.memory_space<hbm>>
        %dma_start3A_299 = tpu.memref_squeeze %dma_start3A_298 : memref<1x80x128xf32, #tpu.memory_space<hbm>> -> memref<80x128xf32, #tpu.memory_space<hbm>>
        tpu.enqueue_dma source(%arg11 : memref<80x128xf32, #tpu.memory_space<vmem>>) target(%dma_start3A_299 : memref<80x128xf32, #tpu.memory_space<hbm>>) target_semaphore(%run_scoped3A : memref<!tpu.dma_semaphore, #tpu.memory_space<semaphore_mem>>)
        %dma_wait3A_300 = arith.constant 0 : i32
        %dma_wait3A_301 = arith.constant 0 : i32
        %dma_wait3A_302 = tpu.memref_slice %arg6[%add3A_238, %dma_wait3A_300, %dma_wait3A_301] : memref<4000x80x128xf32, #tpu.memory_space<hbm>> -> memref<1x80x128xf32, #tpu.memory_space<hbm>>
        %dma_wait3A_303 = tpu.memref_squeeze %dma_wait3A_302 : memref<1x80x128xf32, #tpu.memory_space<hbm>> -> memref<80x128xf32, #tpu.memory_space<hbm>>
        %dma_wait3A_304 = arith.constant 0 : i32
        %dma_wait3A_305 = arith.constant 0 : i32
        %dma_wait3A_306 = tpu.memref_slice %arg6[%add3A_238, %dma_wait3A_304, %dma_wait3A_305] : memref<4000x80x128xf32, #tpu.memory_space<hbm>> -> memref<1x80x128xf32, #tpu.memory_space<hbm>>
        %dma_wait3A_307 = tpu.memref_squeeze %dma_wait3A_306 : memref<1x80x128xf32, #tpu.memory_space<hbm>> -> memref<80x128xf32, #tpu.memory_space<hbm>>
        tpu.wait_dma2 semaphore(%run_scoped3A : memref<!tpu.dma_semaphore, #tpu.memory_space<semaphore_mem>>) src(%arg11 : memref<80x128xf32, #tpu.memory_space<vmem>>) dst(%dma_wait3A_307 : memref<80x128xf32, #tpu.memory_space<hbm>>)
        tpu.yield
      }) : () -> ()
      %add3A_239 = arith.constant 2 : i32
      %add3A_240 = arith.addi %add3A_227, %add3A_239 : i32
      %dma_start3A_241 = arith.constant 0 : i32
      %dma_start3A_242 = tpu.memref_slice %arg7[%add3A_240, %dma_start3A_241] : memref<125x80xi32, #tpu.memory_space<vmem>> -> memref<1x80xi32, #tpu.memory_space<vmem>>
      %dma_start3A_243 = tpu.memref_squeeze %dma_start3A_242 : memref<1x80xi32, #tpu.memory_space<vmem>> -> memref<80xi32, #tpu.memory_space<vmem>>
      %dma_start3A_244 = arith.constant 0 : i32
      %dma_start3A_245 = arith.constant 0 : i32
      %dma_start3A_246 = tpu.memref_slice %arg2[%dma_start3A_244, %dma_start3A_245] : memref<10000x128xf32, #tpu.memory_space<hbm>> -> memref<10000x128xf32, #tpu.memory_space<hbm>>
      tpu.enqueue_indirect_dma source(%dma_start3A_246 : memref<10000x128xf32, #tpu.memory_space<hbm>>) target(%arg11 : memref<80x128xf32, #tpu.memory_space<vmem>>) offsets(%dma_start3A_243 : memref<80xi32, #tpu.memory_space<vmem>>) semaphore(%arg15 : memref<!tpu.dma_semaphore, #tpu.memory_space<semaphore_mem>>)
      %dma_wait3A_247 = arith.constant 0 : i32
      %dma_wait3A_248 = tpu.memref_slice %arg7[%add3A_227, %dma_wait3A_247] : memref<125x80xi32, #tpu.memory_space<vmem>> -> memref<1x80xi32, #tpu.memory_space<vmem>>
      %dma_wait3A_249 = tpu.memref_squeeze %dma_wait3A_248 : memref<1x80xi32, #tpu.memory_space<vmem>> -> memref<80xi32, #tpu.memory_space<vmem>>
      %dma_wait3A_250 = arith.constant 0 : i32
      %dma_wait3A_251 = arith.constant 0 : i32
      %dma_wait3A_252 = tpu.memref_slice %arg2[%dma_wait3A_250, %dma_wait3A_251] : memref<10000x128xf32, #tpu.memory_space<hbm>> -> memref<10000x128xf32, #tpu.memory_space<hbm>>
      tpu.wait_indirect_dma semaphore(%arg13 : memref<!tpu.dma_semaphore, #tpu.memory_space<semaphore_mem>>) src(%dma_wait3A_252 : memref<10000x128xf32, #tpu.memory_space<hbm>>) dst(%arg9 : memref<80x128xf32, #tpu.memory_space<vmem>>)
      %dma_start3A_253 = arith.constant 0 : i32
      %dma_start3A_254 = tpu.memref_slice %arg8[%add3A_227, %dma_start3A_253] : memref<125x80xi32, #tpu.memory_space<vmem>> -> memref<1x80xi32, #tpu.memory_space<vmem>>
      %dma_start3A_255 = tpu.memref_squeeze %dma_start3A_254 : memref<1x80xi32, #tpu.memory_space<vmem>> -> memref<80xi32, #tpu.memory_space<vmem>>
      %dma_start3A_256 = arith.constant 0 : i32
      %dma_start3A_257 = arith.constant 0 : i32
      %dma_start3A_258 = tpu.memref_slice %arg3[%dma_start3A_256, %dma_start3A_257] : memref<10000x128xf32, #tpu.memory_space<hbm>> -> memref<10000x128xf32, #tpu.memory_space<hbm>>
      tpu.enqueue_indirect_dma source(%dma_start3A_258 : memref<10000x128xf32, #tpu.memory_space<hbm>>) target(%arg9 : memref<80x128xf32, #tpu.memory_space<vmem>>) offsets(%dma_start3A_255 : memref<80xi32, #tpu.memory_space<vmem>>) semaphore(%arg17 : memref<!tpu.dma_semaphore, #tpu.memory_space<semaphore_mem>>) {add = true}
      %add3A_259 = arith.constant 3 : i32
      %add3A_260 = arith.addi %add3A_160, %add3A_259 : i32
      %sub3A_261 = arith.constant 2 : i32
      %sub3A_262 = arith.subi %add3A_260, %sub3A_261 : i32
      %dma_wait3A_263 = arith.constant 0 : i32
      %dma_wait3A_264 = tpu.memref_slice %arg8[%sub3A_262, %dma_wait3A_263] : memref<125x80xi32, #tpu.memory_space<vmem>> -> memref<1x80xi32, #tpu.memory_space<vmem>>
      %dma_wait3A_265 = tpu.memref_squeeze %dma_wait3A_264 : memref<1x80xi32, #tpu.memory_space<vmem>> -> memref<80xi32, #tpu.memory_space<vmem>>
      %dma_wait3A_266 = arith.constant 0 : i32
      %dma_wait3A_267 = arith.constant 0 : i32
      %dma_wait3A_268 = tpu.memref_slice %arg3[%dma_wait3A_266, %dma_wait3A_267] : memref<10000x128xf32, #tpu.memory_space<hbm>> -> memref<10000x128xf32, #tpu.memory_space<hbm>>
      tpu.wait_indirect_dma semaphore(%arg20 : memref<!tpu.dma_semaphore, #tpu.memory_space<semaphore_mem>>) src(%dma_wait3A_268 : memref<10000x128xf32, #tpu.memory_space<hbm>>) dst(%arg12 : memref<80x128xf32, #tpu.memory_space<vmem>>)
      %sub3A_269 = arith.constant 2 : i32
      %sub3A_270 = arith.subi %add3A_260, %sub3A_269 : i32
      %add3A_271 = arith.addi %mul3A_2, %sub3A_270 : i32
      "tpu.region"() ({
        %run_scoped3A = tpu.sem_alloc : memref<!tpu.dma_semaphore, #tpu.memory_space<semaphore_mem>>
        %dma_start3A_292 = arith.constant 0 : i32
        %dma_start3A_293 = arith.constant 0 : i32
        %dma_start3A_294 = tpu.memref_slice %arg6[%add3A_271, %dma_start3A_292, %dma_start3A_293] : memref<4000x80x128xf32, #tpu.memory_space<hbm>> -> memref<1x80x128xf32, #tpu.memory_space<hbm>>
        %dma_start3A_295 = tpu.memref_squeeze %dma_start3A_294 : memref<1x80x128xf32, #tpu.memory_space<hbm>> -> memref<80x128xf32, #tpu.memory_space<hbm>>
        %dma_start3A_296 = arith.constant 0 : i32
        %dma_start3A_297 = arith.constant 0 : i32
        %dma_start3A_298 = tpu.memref_slice %arg6[%add3A_271, %dma_start3A_296, %dma_start3A_297] : memref<4000x80x128xf32, #tpu.memory_space<hbm>> -> memref<1x80x128xf32, #tpu.memory_space<hbm>>
        %dma_start3A_299 = tpu.memref_squeeze %dma_start3A_298 : memref<1x80x128xf32, #tpu.memory_space<hbm>> -> memref<80x128xf32, #tpu.memory_space<hbm>>
        tpu.enqueue_dma source(%arg12 : memref<80x128xf32, #tpu.memory_space<vmem>>) target(%dma_start3A_299 : memref<80x128xf32, #tpu.memory_space<hbm>>) target_semaphore(%run_scoped3A : memref<!tpu.dma_semaphore, #tpu.memory_space<semaphore_mem>>)
        %dma_wait3A_300 = arith.constant 0 : i32
        %dma_wait3A_301 = arith.constant 0 : i32
        %dma_wait3A_302 = tpu.memref_slice %arg6[%add3A_271, %dma_wait3A_300, %dma_wait3A_301] : memref<4000x80x128xf32, #tpu.memory_space<hbm>> -> memref<1x80x128xf32, #tpu.memory_space<hbm>>
        %dma_wait3A_303 = tpu.memref_squeeze %dma_wait3A_302 : memref<1x80x128xf32, #tpu.memory_space<hbm>> -> memref<80x128xf32, #tpu.memory_space<hbm>>
        %dma_wait3A_304 = arith.constant 0 : i32
        %dma_wait3A_305 = arith.constant 0 : i32
        %dma_wait3A_306 = tpu.memref_slice %arg6[%add3A_271, %dma_wait3A_304, %dma_wait3A_305] : memref<4000x80x128xf32, #tpu.memory_space<hbm>> -> memref<1x80x128xf32, #tpu.memory_space<hbm>>
        %dma_wait3A_307 = tpu.memref_squeeze %dma_wait3A_306 : memref<1x80x128xf32, #tpu.memory_space<hbm>> -> memref<80x128xf32, #tpu.memory_space<hbm>>
        tpu.wait_dma2 semaphore(%run_scoped3A : memref<!tpu.dma_semaphore, #tpu.memory_space<semaphore_mem>>) src(%arg12 : memref<80x128xf32, #tpu.memory_space<vmem>>) dst(%dma_wait3A_307 : memref<80x128xf32, #tpu.memory_space<hbm>>)
        tpu.yield
      }) : () -> ()
      %add3A_272 = arith.constant 2 : i32
      %add3A_273 = arith.addi %add3A_260, %add3A_272 : i32
      %dma_start3A_274 = arith.constant 0 : i32
      %dma_start3A_275 = tpu.memref_slice %arg7[%add3A_273, %dma_start3A_274] : memref<125x80xi32, #tpu.memory_space<vmem>> -> memref<1x80xi32, #tpu.memory_space<vmem>>
      %dma_start3A_276 = tpu.memref_squeeze %dma_start3A_275 : memref<1x80xi32, #tpu.memory_space<vmem>> -> memref<80xi32, #tpu.memory_space<vmem>>
      %dma_start3A_277 = arith.constant 0 : i32
      %dma_start3A_278 = arith.constant 0 : i32
      %dma_start3A_279 = tpu.memref_slice %arg2[%dma_start3A_277, %dma_start3A_278] : memref<10000x128xf32, #tpu.memory_space<hbm>> -> memref<10000x128xf32, #tpu.memory_space<hbm>>
      tpu.enqueue_indirect_dma source(%dma_start3A_279 : memref<10000x128xf32, #tpu.memory_space<hbm>>) target(%arg12 : memref<80x128xf32, #tpu.memory_space<vmem>>) offsets(%dma_start3A_276 : memref<80xi32, #tpu.memory_space<vmem>>) semaphore(%arg16 : memref<!tpu.dma_semaphore, #tpu.memory_space<semaphore_mem>>)
      %dma_wait3A_280 = arith.constant 0 : i32
      %dma_wait3A_281 = tpu.memref_slice %arg7[%add3A_260, %dma_wait3A_280] : memref<125x80xi32, #tpu.memory_space<vmem>> -> memref<1x80xi32, #tpu.memory_space<vmem>>
      %dma_wait3A_282 = tpu.memref_squeeze %dma_wait3A_281 : memref<1x80xi32, #tpu.memory_space<vmem>> -> memref<80xi32, #tpu.memory_space<vmem>>
      %dma_wait3A_283 = arith.constant 0 : i32
      %dma_wait3A_284 = arith.constant 0 : i32
      %dma_wait3A_285 = tpu.memref_slice %arg2[%dma_wait3A_283, %dma_wait3A_284] : memref<10000x128xf32, #tpu.memory_space<hbm>> -> memref<10000x128xf32, #tpu.memory_space<hbm>>
      tpu.wait_indirect_dma semaphore(%arg14 : memref<!tpu.dma_semaphore, #tpu.memory_space<semaphore_mem>>) src(%dma_wait3A_285 : memref<10000x128xf32, #tpu.memory_space<hbm>>) dst(%arg10 : memref<80x128xf32, #tpu.memory_space<vmem>>)
      %dma_start3A_286 = arith.constant 0 : i32
      %dma_start3A_287 = tpu.memref_slice %arg8[%add3A_260, %dma_start3A_286] : memref<125x80xi32, #tpu.memory_space<vmem>> -> memref<1x80xi32, #tpu.memory_space<vmem>>
      %dma_start3A_288 = tpu.memref_squeeze %dma_start3A_287 : memref<1x80xi32, #tpu.memory_space<vmem>> -> memref<80xi32, #tpu.memory_space<vmem>>
      %dma_start3A_289 = arith.constant 0 : i32
      %dma_start3A_290 = arith.constant 0 : i32
      %dma_start3A_291 = tpu.memref_slice %arg3[%dma_start3A_289, %dma_start3A_290] : memref<10000x128xf32, #tpu.memory_space<hbm>> -> memref<10000x128xf32, #tpu.memory_space<hbm>>
      tpu.enqueue_indirect_dma source(%dma_start3A_291 : memref<10000x128xf32, #tpu.memory_space<hbm>>) target(%arg10 : memref<80x128xf32, #tpu.memory_space<vmem>>) offsets(%dma_start3A_288 : memref<80xi32, #tpu.memory_space<vmem>>) semaphore(%arg18 : memref<!tpu.dma_semaphore, #tpu.memory_space<semaphore_mem>>) {add = true}
    }
    %scan3A_61 = arith.constant 30 : i32
    %dma_wait3A_62 = arith.constant 120 : i32
    %dma_wait3A_63 = arith.constant 0 : i32
    %dma_wait3A_64 = tpu.memref_slice %arg8[%dma_wait3A_62, %dma_wait3A_63] : memref<125x80xi32, #tpu.memory_space<vmem>> -> memref<1x80xi32, #tpu.memory_space<vmem>>
    %dma_wait3A_65 = tpu.memref_squeeze %dma_wait3A_64 : memref<1x80xi32, #tpu.memory_space<vmem>> -> memref<80xi32, #tpu.memory_space<vmem>>
    %dma_wait3A_66 = arith.constant 0 : i32
    %dma_wait3A_67 = arith.constant 0 : i32
    %dma_wait3A_68 = tpu.memref_slice %arg3[%dma_wait3A_66, %dma_wait3A_67] : memref<10000x128xf32, #tpu.memory_space<hbm>> -> memref<10000x128xf32, #tpu.memory_space<hbm>>
    tpu.wait_indirect_dma semaphore(%arg17 : memref<!tpu.dma_semaphore, #tpu.memory_space<semaphore_mem>>) src(%dma_wait3A_68 : memref<10000x128xf32, #tpu.memory_space<hbm>>) dst(%arg9 : memref<80x128xf32, #tpu.memory_space<vmem>>)
    %add3A_69 = arith.constant 120 : i32
    %add3A_70 = arith.addi %mul3A_2, %add3A_69 : i32
    "tpu.region"() ({
      %run_scoped3A = tpu.sem_alloc : memref<!tpu.dma_semaphore, #tpu.memory_space<semaphore_mem>>
      %dma_start3A_156 = arith.constant 0 : i32
      %dma_start3A_157 = arith.constant 0 : i32
      %dma_start3A_158 = tpu.memref_slice %arg6[%add3A_70, %dma_start3A_156, %dma_start3A_157] : memref<4000x80x128xf32, #tpu.memory_space<hbm>> -> memref<1x80x128xf32, #tpu.memory_space<hbm>>
      %dma_start3A_159 = tpu.memref_squeeze %dma_start3A_158 : memref<1x80x128xf32, #tpu.memory_space<hbm>> -> memref<80x128xf32, #tpu.memory_space<hbm>>
      %dma_start3A_160 = arith.constant 0 : i32
      %dma_start3A_161 = arith.constant 0 : i32
      %dma_start3A_162 = tpu.memref_slice %arg6[%add3A_70, %dma_start3A_160, %dma_start3A_161] : memref<4000x80x128xf32, #tpu.memory_space<hbm>> -> memref<1x80x128xf32, #tpu.memory_space<hbm>>
      %dma_start3A_163 = tpu.memref_squeeze %dma_start3A_162 : memref<1x80x128xf32, #tpu.memory_space<hbm>> -> memref<80x128xf32, #tpu.memory_space<hbm>>
      tpu.enqueue_dma source(%arg9 : memref<80x128xf32, #tpu.memory_space<vmem>>) target(%dma_start3A_163 : memref<80x128xf32, #tpu.memory_space<hbm>>) target_semaphore(%run_scoped3A : memref<!tpu.dma_semaphore, #tpu.memory_space<semaphore_mem>>)
      %dma_wait3A_164 = arith.constant 0 : i32
      %dma_wait3A_165 = arith.constant 0 : i32
      %dma_wait3A_166 = tpu.memref_slice %arg6[%add3A_70, %dma_wait3A_164, %dma_wait3A_165] : memref<4000x80x128xf32, #tpu.memory_space<hbm>> -> memref<1x80x128xf32, #tpu.memory_space<hbm>>
      %dma_wait3A_167 = tpu.memref_squeeze %dma_wait3A_166 : memref<1x80x128xf32, #tpu.memory_space<hbm>> -> memref<80x128xf32, #tpu.memory_space<hbm>>
      %dma_wait3A_168 = arith.constant 0 : i32
      %dma_wait3A_169 = arith.constant 0 : i32
      %dma_wait3A_170 = tpu.memref_slice %arg6[%add3A_70, %dma_wait3A_168, %dma_wait3A_169] : memref<4000x80x128xf32, #tpu.memory_space<hbm>> -> memref<1x80x128xf32, #tpu.memory_space<hbm>>
      %dma_wait3A_171 = tpu.memref_squeeze %dma_wait3A_170 : memref<1x80x128xf32, #tpu.memory_space<hbm>> -> memref<80x128xf32, #tpu.memory_space<hbm>>
      tpu.wait_dma2 semaphore(%run_scoped3A : memref<!tpu.dma_semaphore, #tpu.memory_space<semaphore_mem>>) src(%arg9 : memref<80x128xf32, #tpu.memory_space<vmem>>) dst(%dma_wait3A_171 : memref<80x128xf32, #tpu.memory_space<hbm>>)
      tpu.yield
    }) : () -> ()
    %dma_start3A_71 = arith.constant 124 : i32
    %dma_start3A_72 = arith.constant 0 : i32
    %dma_start3A_73 = tpu.memref_slice %arg7[%dma_start3A_71, %dma_start3A_72] : memref<125x80xi32, #tpu.memory_space<vmem>> -> memref<1x80xi32, #tpu.memory_space<vmem>>
    %dma_start3A_74 = tpu.memref_squeeze %dma_start3A_73 : memref<1x80xi32, #tpu.memory_space<vmem>> -> memref<80xi32, #tpu.memory_space<vmem>>
    %dma_start3A_75 = arith.constant 0 : i32
    %dma_start3A_76 = arith.constant 0 : i32
    %dma_start3A_77 = tpu.memref_slice %arg2[%dma_start3A_75, %dma_start3A_76] : memref<10000x128xf32, #tpu.memory_space<hbm>> -> memref<10000x128xf32, #tpu.memory_space<hbm>>
    tpu.enqueue_indirect_dma source(%dma_start3A_77 : memref<10000x128xf32, #tpu.memory_space<hbm>>) target(%arg9 : memref<80x128xf32, #tpu.memory_space<vmem>>) offsets(%dma_start3A_74 : memref<80xi32, #tpu.memory_space<vmem>>) semaphore(%arg13 : memref<!tpu.dma_semaphore, #tpu.memory_space<semaphore_mem>>)
    %dma_wait3A_78 = arith.constant 122 : i32
    %dma_wait3A_79 = arith.constant 0 : i32
    %dma_wait3A_80 = tpu.memref_slice %arg7[%dma_wait3A_78, %dma_wait3A_79] : memref<125x80xi32, #tpu.memory_space<vmem>> -> memref<1x80xi32, #tpu.memory_space<vmem>>
    %dma_wait3A_81 = tpu.memref_squeeze %dma_wait3A_80 : memref<1x80xi32, #tpu.memory_space<vmem>> -> memref<80xi32, #tpu.memory_space<vmem>>
    %dma_wait3A_82 = arith.constant 0 : i32
    %dma_wait3A_83 = arith.constant 0 : i32
    %dma_wait3A_84 = tpu.memref_slice %arg2[%dma_wait3A_82, %dma_wait3A_83] : memref<10000x128xf32, #tpu.memory_space<hbm>> -> memref<10000x128xf32, #tpu.memory_space<hbm>>
    tpu.wait_indirect_dma semaphore(%arg15 : memref<!tpu.dma_semaphore, #tpu.memory_space<semaphore_mem>>) src(%dma_wait3A_84 : memref<10000x128xf32, #tpu.memory_space<hbm>>) dst(%arg11 : memref<80x128xf32, #tpu.memory_space<vmem>>)
    %dma_start3A_85 = arith.constant 122 : i32
    %dma_start3A_86 = arith.constant 0 : i32
    %dma_start3A_87 = tpu.memref_slice %arg8[%dma_start3A_85, %dma_start3A_86] : memref<125x80xi32, #tpu.memory_space<vmem>> -> memref<1x80xi32, #tpu.memory_space<vmem>>
    %dma_start3A_88 = tpu.memref_squeeze %dma_start3A_87 : memref<1x80xi32, #tpu.memory_space<vmem>> -> memref<80xi32, #tpu.memory_space<vmem>>
    %dma_start3A_89 = arith.constant 0 : i32
    %dma_start3A_90 = arith.constant 0 : i32
    %dma_start3A_91 = tpu.memref_slice %arg3[%dma_start3A_89, %dma_start3A_90] : memref<10000x128xf32, #tpu.memory_space<hbm>> -> memref<10000x128xf32, #tpu.memory_space<hbm>>
    tpu.enqueue_indirect_dma source(%dma_start3A_91 : memref<10000x128xf32, #tpu.memory_space<hbm>>) target(%arg11 : memref<80x128xf32, #tpu.memory_space<vmem>>) offsets(%dma_start3A_88 : memref<80xi32, #tpu.memory_space<vmem>>) semaphore(%arg19 : memref<!tpu.dma_semaphore, #tpu.memory_space<semaphore_mem>>) {add = true}
    %dma_wait3A_92 = arith.constant 121 : i32
    %dma_wait3A_93 = arith.constant 0 : i32
    %dma_wait3A_94 = tpu.memref_slice %arg8[%dma_wait3A_92, %dma_wait3A_93] : memref<125x80xi32, #tpu.memory_space<vmem>> -> memref<1x80xi32, #tpu.memory_space<vmem>>
    %dma_wait3A_95 = tpu.memref_squeeze %dma_wait3A_94 : memref<1x80xi32, #tpu.memory_space<vmem>> -> memref<80xi32, #tpu.memory_space<vmem>>
    %dma_wait3A_96 = arith.constant 0 : i32
    %dma_wait3A_97 = arith.constant 0 : i32
    %dma_wait3A_98 = tpu.memref_slice %arg3[%dma_wait3A_96, %dma_wait3A_97] : memref<10000x128xf32, #tpu.memory_space<hbm>> -> memref<10000x128xf32, #tpu.memory_space<hbm>>
    tpu.wait_indirect_dma semaphore(%arg18 : memref<!tpu.dma_semaphore, #tpu.memory_space<semaphore_mem>>) src(%dma_wait3A_98 : memref<10000x128xf32, #tpu.memory_space<hbm>>) dst(%arg10 : memref<80x128xf32, #tpu.memory_space<vmem>>)
    %add3A_99 = arith.constant 121 : i32
    %add3A_100 = arith.addi %mul3A_2, %add3A_99 : i32
    "tpu.region"() ({
      %run_scoped3A = tpu.sem_alloc : memref<!tpu.dma_semaphore, #tpu.memory_space<semaphore_mem>>
      %dma_start3A_156 = arith.constant 0 : i32
      %dma_start3A_157 = arith.constant 0 : i32
      %dma_start3A_158 = tpu.memref_slice %arg6[%add3A_100, %dma_start3A_156, %dma_start3A_157] : memref<4000x80x128xf32, #tpu.memory_space<hbm>> -> memref<1x80x128xf32, #tpu.memory_space<hbm>>
      %dma_start3A_159 = tpu.memref_squeeze %dma_start3A_158 : memref<1x80x128xf32, #tpu.memory_space<hbm>> -> memref<80x128xf32, #tpu.memory_space<hbm>>
      %dma_start3A_160 = arith.constant 0 : i32
      %dma_start3A_161 = arith.constant 0 : i32
      %dma_start3A_162 = tpu.memref_slice %arg6[%add3A_100, %dma_start3A_160, %dma_start3A_161] : memref<4000x80x128xf32, #tpu.memory_space<hbm>> -> memref<1x80x128xf32, #tpu.memory_space<hbm>>
      %dma_start3A_163 = tpu.memref_squeeze %dma_start3A_162 : memref<1x80x128xf32, #tpu.memory_space<hbm>> -> memref<80x128xf32, #tpu.memory_space<hbm>>
      tpu.enqueue_dma source(%arg10 : memref<80x128xf32, #tpu.memory_space<vmem>>) target(%dma_start3A_163 : memref<80x128xf32, #tpu.memory_space<hbm>>) target_semaphore(%run_scoped3A : memref<!tpu.dma_semaphore, #tpu.memory_space<semaphore_mem>>)
      %dma_wait3A_164 = arith.constant 0 : i32
      %dma_wait3A_165 = arith.constant 0 : i32
      %dma_wait3A_166 = tpu.memref_slice %arg6[%add3A_100, %dma_wait3A_164, %dma_wait3A_165] : memref<4000x80x128xf32, #tpu.memory_space<hbm>> -> memref<1x80x128xf32, #tpu.memory_space<hbm>>
      %dma_wait3A_167 = tpu.memref_squeeze %dma_wait3A_166 : memref<1x80x128xf32, #tpu.memory_space<hbm>> -> memref<80x128xf32, #tpu.memory_space<hbm>>
      %dma_wait3A_168 = arith.constant 0 : i32
      %dma_wait3A_169 = arith.constant 0 : i32
      %dma_wait3A_170 = tpu.memref_slice %arg6[%add3A_100, %dma_wait3A_168, %dma_wait3A_169] : memref<4000x80x128xf32, #tpu.memory_space<hbm>> -> memref<1x80x128xf32, #tpu.memory_space<hbm>>
      %dma_wait3A_171 = tpu.memref_squeeze %dma_wait3A_170 : memref<1x80x128xf32, #tpu.memory_space<hbm>> -> memref<80x128xf32, #tpu.memory_space<hbm>>
      tpu.wait_dma2 semaphore(%run_scoped3A : memref<!tpu.dma_semaphore, #tpu.memory_space<semaphore_mem>>) src(%arg10 : memref<80x128xf32, #tpu.memory_space<vmem>>) dst(%dma_wait3A_171 : memref<80x128xf32, #tpu.memory_space<hbm>>)
      tpu.yield
    }) : () -> ()
    %dma_wait3A_101 = arith.constant 123 : i32
    %dma_wait3A_102 = arith.constant 0 : i32
    %dma_wait3A_103 = tpu.memref_slice %arg7[%dma_wait3A_101, %dma_wait3A_102] : memref<125x80xi32, #tpu.memory_space<vmem>> -> memref<1x80xi32, #tpu.memory_space<vmem>>
    %dma_wait3A_104 = tpu.memref_squeeze %dma_wait3A_103 : memref<1x80xi32, #tpu.memory_space<vmem>> -> memref<80xi32, #tpu.memory_space<vmem>>
    %dma_wait3A_105 = arith.constant 0 : i32
    %dma_wait3A_106 = arith.constant 0 : i32
    %dma_wait3A_107 = tpu.memref_slice %arg2[%dma_wait3A_105, %dma_wait3A_106] : memref<10000x128xf32, #tpu.memory_space<hbm>> -> memref<10000x128xf32, #tpu.memory_space<hbm>>
    tpu.wait_indirect_dma semaphore(%arg16 : memref<!tpu.dma_semaphore, #tpu.memory_space<semaphore_mem>>) src(%dma_wait3A_107 : memref<10000x128xf32, #tpu.memory_space<hbm>>) dst(%arg12 : memref<80x128xf32, #tpu.memory_space<vmem>>)
    %dma_start3A_108 = arith.constant 123 : i32
    %dma_start3A_109 = arith.constant 0 : i32
    %dma_start3A_110 = tpu.memref_slice %arg8[%dma_start3A_108, %dma_start3A_109] : memref<125x80xi32, #tpu.memory_space<vmem>> -> memref<1x80xi32, #tpu.memory_space<vmem>>
    %dma_start3A_111 = tpu.memref_squeeze %dma_start3A_110 : memref<1x80xi32, #tpu.memory_space<vmem>> -> memref<80xi32, #tpu.memory_space<vmem>>
    %dma_start3A_112 = arith.constant 0 : i32
    %dma_start3A_113 = arith.constant 0 : i32
    %dma_start3A_114 = tpu.memref_slice %arg3[%dma_start3A_112, %dma_start3A_113] : memref<10000x128xf32, #tpu.memory_space<hbm>> -> memref<10000x128xf32, #tpu.memory_space<hbm>>
    tpu.enqueue_indirect_dma source(%dma_start3A_114 : memref<10000x128xf32, #tpu.memory_space<hbm>>) target(%arg12 : memref<80x128xf32, #tpu.memory_space<vmem>>) offsets(%dma_start3A_111 : memref<80xi32, #tpu.memory_space<vmem>>) semaphore(%arg20 : memref<!tpu.dma_semaphore, #tpu.memory_space<semaphore_mem>>) {add = true}
    %dma_wait3A_115 = arith.constant 122 : i32
    %dma_wait3A_116 = arith.constant 0 : i32
    %dma_wait3A_117 = tpu.memref_slice %arg8[%dma_wait3A_115, %dma_wait3A_116] : memref<125x80xi32, #tpu.memory_space<vmem>> -> memref<1x80xi32, #tpu.memory_space<vmem>>
    %dma_wait3A_118 = tpu.memref_squeeze %dma_wait3A_117 : memref<1x80xi32, #tpu.memory_space<vmem>> -> memref<80xi32, #tpu.memory_space<vmem>>
    %dma_wait3A_119 = arith.constant 0 : i32
    %dma_wait3A_120 = arith.constant 0 : i32
    %dma_wait3A_121 = tpu.memref_slice %arg3[%dma_wait3A_119, %dma_wait3A_120] : memref<10000x128xf32, #tpu.memory_space<hbm>> -> memref<10000x128xf32, #tpu.memory_space<hbm>>
    tpu.wait_indirect_dma semaphore(%arg19 : memref<!tpu.dma_semaphore, #tpu.memory_space<semaphore_mem>>) src(%dma_wait3A_121 : memref<10000x128xf32, #tpu.memory_space<hbm>>) dst(%arg11 : memref<80x128xf32, #tpu.memory_space<vmem>>)
    %add3A_122 = arith.constant 122 : i32
    %add3A_123 = arith.addi %mul3A_2, %add3A_122 : i32
    "tpu.region"() ({
      %run_scoped3A = tpu.sem_alloc : memref<!tpu.dma_semaphore, #tpu.memory_space<semaphore_mem>>
      %dma_start3A_156 = arith.constant 0 : i32
      %dma_start3A_157 = arith.constant 0 : i32
      %dma_start3A_158 = tpu.memref_slice %arg6[%add3A_123, %dma_start3A_156, %dma_start3A_157] : memref<4000x80x128xf32, #tpu.memory_space<hbm>> -> memref<1x80x128xf32, #tpu.memory_space<hbm>>
      %dma_start3A_159 = tpu.memref_squeeze %dma_start3A_158 : memref<1x80x128xf32, #tpu.memory_space<hbm>> -> memref<80x128xf32, #tpu.memory_space<hbm>>
      %dma_start3A_160 = arith.constant 0 : i32
      %dma_start3A_161 = arith.constant 0 : i32
      %dma_start3A_162 = tpu.memref_slice %arg6[%add3A_123, %dma_start3A_160, %dma_start3A_161] : memref<4000x80x128xf32, #tpu.memory_space<hbm>> -> memref<1x80x128xf32, #tpu.memory_space<hbm>>
      %dma_start3A_163 = tpu.memref_squeeze %dma_start3A_162 : memref<1x80x128xf32, #tpu.memory_space<hbm>> -> memref<80x128xf32, #tpu.memory_space<hbm>>
      tpu.enqueue_dma source(%arg11 : memref<80x128xf32, #tpu.memory_space<vmem>>) target(%dma_start3A_163 : memref<80x128xf32, #tpu.memory_space<hbm>>) target_semaphore(%run_scoped3A : memref<!tpu.dma_semaphore, #tpu.memory_space<semaphore_mem>>)
      %dma_wait3A_164 = arith.constant 0 : i32
      %dma_wait3A_165 = arith.constant 0 : i32
      %dma_wait3A_166 = tpu.memref_slice %arg6[%add3A_123, %dma_wait3A_164, %dma_wait3A_165] : memref<4000x80x128xf32, #tpu.memory_space<hbm>> -> memref<1x80x128xf32, #tpu.memory_space<hbm>>
      %dma_wait3A_167 = tpu.memref_squeeze %dma_wait3A_166 : memref<1x80x128xf32, #tpu.memory_space<hbm>> -> memref<80x128xf32, #tpu.memory_space<hbm>>
      %dma_wait3A_168 = arith.constant 0 : i32
      %dma_wait3A_169 = arith.constant 0 : i32
      %dma_wait3A_170 = tpu.memref_slice %arg6[%add3A_123, %dma_wait3A_168, %dma_wait3A_169] : memref<4000x80x128xf32, #tpu.memory_space<hbm>> -> memref<1x80x128xf32, #tpu.memory_space<hbm>>
      %dma_wait3A_171 = tpu.memref_squeeze %dma_wait3A_170 : memref<1x80x128xf32, #tpu.memory_space<hbm>> -> memref<80x128xf32, #tpu.memory_space<hbm>>
      tpu.wait_dma2 semaphore(%run_scoped3A : memref<!tpu.dma_semaphore, #tpu.memory_space<semaphore_mem>>) src(%arg11 : memref<80x128xf32, #tpu.memory_space<vmem>>) dst(%dma_wait3A_171 : memref<80x128xf32, #tpu.memory_space<hbm>>)
      tpu.yield
    }) : () -> ()
    %dma_wait3A_124 = arith.constant 124 : i32
    %dma_wait3A_125 = arith.constant 0 : i32
    %dma_wait3A_126 = tpu.memref_slice %arg7[%dma_wait3A_124, %dma_wait3A_125] : memref<125x80xi32, #tpu.memory_space<vmem>> -> memref<1x80xi32, #tpu.memory_space<vmem>>
    %dma_wait3A_127 = tpu.memref_squeeze %dma_wait3A_126 : memref<1x80xi32, #tpu.memory_space<vmem>> -> memref<80xi32, #tpu.memory_space<vmem>>
    %dma_wait3A_128 = arith.constant 0 : i32
    %dma_wait3A_129 = arith.constant 0 : i32
    %dma_wait3A_130 = tpu.memref_slice %arg2[%dma_wait3A_128, %dma_wait3A_129] : memref<10000x128xf32, #tpu.memory_space<hbm>> -> memref<10000x128xf32, #tpu.memory_space<hbm>>
    tpu.wait_indirect_dma semaphore(%arg13 : memref<!tpu.dma_semaphore, #tpu.memory_space<semaphore_mem>>) src(%dma_wait3A_130 : memref<10000x128xf32, #tpu.memory_space<hbm>>) dst(%arg9 : memref<80x128xf32, #tpu.memory_space<vmem>>)
    %dma_start3A_131 = arith.constant 124 : i32
    %dma_start3A_132 = arith.constant 0 : i32
    %dma_start3A_133 = tpu.memref_slice %arg8[%dma_start3A_131, %dma_start3A_132] : memref<125x80xi32, #tpu.memory_space<vmem>> -> memref<1x80xi32, #tpu.memory_space<vmem>>
    %dma_start3A_134 = tpu.memref_squeeze %dma_start3A_133 : memref<1x80xi32, #tpu.memory_space<vmem>> -> memref<80xi32, #tpu.memory_space<vmem>>
    %dma_start3A_135 = arith.constant 0 : i32
    %dma_start3A_136 = arith.constant 0 : i32
    %dma_start3A_137 = tpu.memref_slice %arg3[%dma_start3A_135, %dma_start3A_136] : memref<10000x128xf32, #tpu.memory_space<hbm>> -> memref<10000x128xf32, #tpu.memory_space<hbm>>
    tpu.enqueue_indirect_dma source(%dma_start3A_137 : memref<10000x128xf32, #tpu.memory_space<hbm>>) target(%arg9 : memref<80x128xf32, #tpu.memory_space<vmem>>) offsets(%dma_start3A_134 : memref<80xi32, #tpu.memory_space<vmem>>) semaphore(%arg17 : memref<!tpu.dma_semaphore, #tpu.memory_space<semaphore_mem>>) {add = true}
    %dma_wait3A_138 = arith.constant 123 : i32
    %dma_wait3A_139 = arith.constant 0 : i32
    %dma_wait3A_140 = tpu.memref_slice %arg8[%dma_wait3A_138, %dma_wait3A_139] : memref<125x80xi32, #tpu.memory_space<vmem>> -> memref<1x80xi32, #tpu.memory_space<vmem>>
    %dma_wait3A_141 = tpu.memref_squeeze %dma_wait3A_140 : memref<1x80xi32, #tpu.memory_space<vmem>> -> memref<80xi32, #tpu.memory_space<vmem>>
    %dma_wait3A_142 = arith.constant 0 : i32
    %dma_wait3A_143 = arith.constant 0 : i32
    %dma_wait3A_144 = tpu.memref_slice %arg3[%dma_wait3A_142, %dma_wait3A_143] : memref<10000x128xf32, #tpu.memory_space<hbm>> -> memref<10000x128xf32, #tpu.memory_space<hbm>>
    tpu.wait_indirect_dma semaphore(%arg20 : memref<!tpu.dma_semaphore, #tpu.memory_space<semaphore_mem>>) src(%dma_wait3A_144 : memref<10000x128xf32, #tpu.memory_space<hbm>>) dst(%arg12 : memref<80x128xf32, #tpu.memory_space<vmem>>)
    %add3A_145 = arith.constant 123 : i32
    %add3A_146 = arith.addi %mul3A_2, %add3A_145 : i32
    "tpu.region"() ({
      %run_scoped3A = tpu.sem_alloc : memref<!tpu.dma_semaphore, #tpu.memory_space<semaphore_mem>>
      %dma_start3A_156 = arith.constant 0 : i32
      %dma_start3A_157 = arith.constant 0 : i32
      %dma_start3A_158 = tpu.memref_slice %arg6[%add3A_146, %dma_start3A_156, %dma_start3A_157] : memref<4000x80x128xf32, #tpu.memory_space<hbm>> -> memref<1x80x128xf32, #tpu.memory_space<hbm>>
      %dma_start3A_159 = tpu.memref_squeeze %dma_start3A_158 : memref<1x80x128xf32, #tpu.memory_space<hbm>> -> memref<80x128xf32, #tpu.memory_space<hbm>>
      %dma_start3A_160 = arith.constant 0 : i32
      %dma_start3A_161 = arith.constant 0 : i32
      %dma_start3A_162 = tpu.memref_slice %arg6[%add3A_146, %dma_start3A_160, %dma_start3A_161] : memref<4000x80x128xf32, #tpu.memory_space<hbm>> -> memref<1x80x128xf32, #tpu.memory_space<hbm>>
      %dma_start3A_163 = tpu.memref_squeeze %dma_start3A_162 : memref<1x80x128xf32, #tpu.memory_space<hbm>> -> memref<80x128xf32, #tpu.memory_space<hbm>>
      tpu.enqueue_dma source(%arg12 : memref<80x128xf32, #tpu.memory_space<vmem>>) target(%dma_start3A_163 : memref<80x128xf32, #tpu.memory_space<hbm>>) target_semaphore(%run_scoped3A : memref<!tpu.dma_semaphore, #tpu.memory_space<semaphore_mem>>)
      %dma_wait3A_164 = arith.constant 0 : i32
      %dma_wait3A_165 = arith.constant 0 : i32
      %dma_wait3A_166 = tpu.memref_slice %arg6[%add3A_146, %dma_wait3A_164, %dma_wait3A_165] : memref<4000x80x128xf32, #tpu.memory_space<hbm>> -> memref<1x80x128xf32, #tpu.memory_space<hbm>>
      %dma_wait3A_167 = tpu.memref_squeeze %dma_wait3A_166 : memref<1x80x128xf32, #tpu.memory_space<hbm>> -> memref<80x128xf32, #tpu.memory_space<hbm>>
      %dma_wait3A_168 = arith.constant 0 : i32
      %dma_wait3A_169 = arith.constant 0 : i32
      %dma_wait3A_170 = tpu.memref_slice %arg6[%add3A_146, %dma_wait3A_168, %dma_wait3A_169] : memref<4000x80x128xf32, #tpu.memory_space<hbm>> -> memref<1x80x128xf32, #tpu.memory_space<hbm>>
      %dma_wait3A_171 = tpu.memref_squeeze %dma_wait3A_170 : memref<1x80x128xf32, #tpu.memory_space<hbm>> -> memref<80x128xf32, #tpu.memory_space<hbm>>
      tpu.wait_dma2 semaphore(%run_scoped3A : memref<!tpu.dma_semaphore, #tpu.memory_space<semaphore_mem>>) src(%arg12 : memref<80x128xf32, #tpu.memory_space<vmem>>) dst(%dma_wait3A_171 : memref<80x128xf32, #tpu.memory_space<hbm>>)
      tpu.yield
    }) : () -> ()
    %dma_wait3A_147 = arith.constant 124 : i32
    %dma_wait3A_148 = arith.constant 0 : i32
    %dma_wait3A_149 = tpu.memref_slice %arg8[%dma_wait3A_147, %dma_wait3A_148] : memref<125x80xi32, #tpu.memory_space<vmem>> -> memref<1x80xi32, #tpu.memory_space<vmem>>
    %dma_wait3A_150 = tpu.memref_squeeze %dma_wait3A_149 : memref<1x80xi32, #tpu.memory_space<vmem>> -> memref<80xi32, #tpu.memory_space<vmem>>
    %dma_wait3A_151 = arith.constant 0 : i32
    %dma_wait3A_152 = arith.constant 0 : i32
    %dma_wait3A_153 = tpu.memref_slice %arg3[%dma_wait3A_151, %dma_wait3A_152] : memref<10000x128xf32, #tpu.memory_space<hbm>> -> memref<10000x128xf32, #tpu.memory_space<hbm>>
    tpu.wait_indirect_dma semaphore(%arg17 : memref<!tpu.dma_semaphore, #tpu.memory_space<semaphore_mem>>) src(%dma_wait3A_153 : memref<10000x128xf32, #tpu.memory_space<hbm>>) dst(%arg9 : memref<80x128xf32, #tpu.memory_space<vmem>>)
    %add3A_154 = arith.constant 124 : i32
    %add3A_155 = arith.addi %mul3A_2, %add3A_154 : i32
    "tpu.region"() ({
      %run_scoped3A = tpu.sem_alloc : memref<!tpu.dma_semaphore, #tpu.memory_space<semaphore_mem>>
      %dma_start3A_156 = arith.constant 0 : i32
      %dma_start3A_157 = arith.constant 0 : i32
      %dma_start3A_158 = tpu.memref_slice %arg6[%add3A_155, %dma_start3A_156, %dma_start3A_157] : memref<4000x80x128xf32, #tpu.memory_space<hbm>> -> memref<1x80x128xf32, #tpu.memory_space<hbm>>
      %dma_start3A_159 = tpu.memref_squeeze %dma_start3A_158 : memref<1x80x128xf32, #tpu.memory_space<hbm>> -> memref<80x128xf32, #tpu.memory_space<hbm>>
      %dma_start3A_160 = arith.constant 0 : i32
      %dma_start3A_161 = arith.constant 0 : i32
      %dma_start3A_162 = tpu.memref_slice %arg6[%add3A_155, %dma_start3A_160, %dma_start3A_161] : memref<4000x80x128xf32, #tpu.memory_space<hbm>> -> memref<1x80x128xf32, #tpu.memory_space<hbm>>
      %dma_start3A_163 = tpu.memref_squeeze %dma_start3A_162 : memref<1x80x128xf32, #tpu.memory_space<hbm>> -> memref<80x128xf32, #tpu.memory_space<hbm>>
      tpu.enqueue_dma source(%arg9 : memref<80x128xf32, #tpu.memory_space<vmem>>) target(%dma_start3A_163 : memref<80x128xf32, #tpu.memory_space<hbm>>) target_semaphore(%run_scoped3A : memref<!tpu.dma_semaphore, #tpu.memory_space<semaphore_mem>>)
      %dma_wait3A_164 = arith.constant 0 : i32
      %dma_wait3A_165 = arith.constant 0 : i32
      %dma_wait3A_166 = tpu.memref_slice %arg6[%add3A_155, %dma_wait3A_164, %dma_wait3A_165] : memref<4000x80x128xf32, #tpu.memory_space<hbm>> -> memref<1x80x128xf32, #tpu.memory_space<hbm>>
      %dma_wait3A_167 = tpu.memref_squeeze %dma_wait3A_166 : memref<1x80x128xf32, #tpu.memory_space<hbm>> -> memref<80x128xf32, #tpu.memory_space<hbm>>
      %dma_wait3A_168 = arith.constant 0 : i32
      %dma_wait3A_169 = arith.constant 0 : i32
      %dma_wait3A_170 = tpu.memref_slice %arg6[%add3A_155, %dma_wait3A_168, %dma_wait3A_169] : memref<4000x80x128xf32, #tpu.memory_space<hbm>> -> memref<1x80x128xf32, #tpu.memory_space<hbm>>
      %dma_wait3A_171 = tpu.memref_squeeze %dma_wait3A_170 : memref<1x80x128xf32, #tpu.memory_space<hbm>> -> memref<80x128xf32, #tpu.memory_space<hbm>>
      tpu.wait_dma2 semaphore(%run_scoped3A : memref<!tpu.dma_semaphore, #tpu.memory_space<semaphore_mem>>) src(%arg9 : memref<80x128xf32, #tpu.memory_space<vmem>>) dst(%dma_wait3A_171 : memref<80x128xf32, #tpu.memory_space<hbm>>)
      tpu.yield
    }) : () -> ()
    return
  }
}

module attributes {stable_mosaic.version = 14 : i64} {
  func.func @_tc1_body(%arg0: i32, %arg1: memref<2000x128xf32, #tpu.memory_space<vmem>>, %arg2: memref<128x128xf32, #tpu.memory_space<vmem>>, %arg3: memref<2000x32xf32, #tpu.memory_space<vmem>>, %arg4: memref<2000x128xf32, #tpu.memory_space<vmem>>, %arg5: memref<2000x1xf32, #tpu.memory_space<vmem>>) attributes {dimension_semantics = [#tpu.dimension_semantics<arbitrary>], iteration_bounds = array<i64: 5>, scalar_prefetch = 0 : i64, scratch_operands = 0 : i64, tpu.core_type = #tpu.core_type<tc>, window_params = [{transform_indices = @transform_0, window_bounds = array<i64: 2000, 128>}, {pipeline_mode = #tpu.pipeline_mode<synchronous>, transform_indices = @transform_1, window_bounds = array<i64: 128, 128>}, {transform_indices = @transform_2, window_bounds = array<i64: 2000, 32>}, {transform_indices = @transform_3, window_bounds = array<i64: 2000, 128>}, {transform_indices = @transform_4, window_bounds = array<i64: 2000, 1>}]} {
    %get3A = arith.constant 0 : index
    %get3A_0 = arith.constant 0 : index
    %get3A_1 = vector.load %arg3[%get3A, %get3A_0] : memref<2000x32xf32, #tpu.memory_space<vmem>>, vector<2000x32xf32>
    %reduce_sum3A = arith.constant dense<0.000000e+00> : vector<2000xf32>
    %reduce_sum3A_2 = vector.multi_reduction <add>, %get3A_1, %reduce_sum3A [1] : vector<2000x32xf32> to vector<2000xf32>
    %add3A = arith.constant 1.000000e+00 : f32
    %add3A_3 = vector.broadcast %add3A : f32 to vector<2000xf32>
    %add3A_4 = arith.addf %reduce_sum3A_2, %add3A_3 : vector<2000xf32>
    %rsqrt3A = math.rsqrt %add3A_4 : vector<2000xf32>
    %broadcast_in_dim3A = vector.shape_cast %rsqrt3A : vector<2000xf32> to vector<2000x1xf32>
    %swap3A = arith.constant 0 : index
    %swap3A_5 = arith.constant 0 : index
    %swap3A_6 = vector.load %arg5[%swap3A, %swap3A_5] : memref<2000x1xf32, #tpu.memory_space<vmem>>, vector<2000x1xf32>
    tpu.vector_store %arg5[%swap3A, %swap3A_5], %broadcast_in_dim3A {strides = array<i32>} : memref<2000x1xf32, #tpu.memory_space<vmem>>, vector<2000x1xf32>,
    %get3A_7 = arith.constant 0 : index
    %get3A_8 = arith.constant 0 : index
    %get3A_9 = vector.load %arg1[%get3A_7, %get3A_8] : memref<2000x128xf32, #tpu.memory_space<vmem>>, vector<2000x128xf32>
    %get3A_10 = arith.constant 0 : index
    %get3A_11 = arith.constant 0 : index
    %get3A_12 = vector.load %arg2[%get3A_10, %get3A_11] : memref<128x128xf32, #tpu.memory_space<vmem>>, vector<128x128xf32>
    %dot_general3A = arith.constant dense<0.000000e+00> : vector<2000x128xf32>
    %dot_general3A_13 = tpu.matmul %get3A_9, %get3A_12, %dot_general3A {dimension_numbers = #tpu.dot_dimension_numbers<[1], [0], [0], [1], [0, 0, 1, 1], [], []>, transpose_lhs_hint = false} : vector<2000x128xf32>, vector<128x128xf32>, vector<2000x128xf32> -> vector<2000x128xf32>
    %mul3A = vector.broadcast %broadcast_in_dim3A : vector<2000x1xf32> to vector<2000x128xf32>
    %mul3A_14 = arith.mulf %dot_general3A_13, %mul3A : vector<2000x128xf32>
    %swap3A_15 = arith.constant 0 : index
    %swap3A_16 = arith.constant 0 : index
    %swap3A_17 = vector.load %arg4[%swap3A_15, %swap3A_16] : memref<2000x128xf32, #tpu.memory_space<vmem>>, vector<2000x128xf32>
    tpu.vector_store %arg4[%swap3A_15, %swap3A_16], %mul3A_14 {strides = array<i32>} : memref<2000x128xf32, #tpu.memory_space<vmem>>, vector<2000x128xf32>,
    return
  }
  func.func @transform_0(%arg0: i32) -> (i32, i32) {
    %c0_i32 = arith.constant 0 : i32
    %c0_i32_0 = arith.constant 0 : i32
    return %arg0, %c0_i32 : i32, i32
  }
  func.func @transform_1(%arg0: i32) -> (i32, i32) {
    %c0_i32 = arith.constant 0 : i32
    %c0_i32_0 = arith.constant 0 : i32
    %c0_i32_1 = arith.constant 0 : i32
    return %c0_i32, %c0_i32_0 : i32, i32
  }
  func.func @transform_2(%arg0: i32) -> (i32, i32) {
    %c0_i32 = arith.constant 0 : i32
    %c0_i32_0 = arith.constant 0 : i32
    return %arg0, %c0_i32 : i32, i32
  }
  func.func @transform_3(%arg0: i32) -> (i32, i32) {
    %c0_i32 = arith.constant 0 : i32
    %c0_i32_0 = arith.constant 0 : i32
    return %arg0, %c0_i32 : i32, i32
  }
  func.func @transform_4(%arg0: i32) -> (i32, i32) {
    %c0_i32 = arith.constant 0 : i32
    %c0_i32_0 = arith.constant 0 : i32
    return %arg0, %c0_i32 : i32, i32
  }
}

module attributes {stable_mosaic.version = 14 : i64} {
  func.func @_tc2_body(%arg0: i32, %arg1: memref<2x2000x128xf32, #tpu.memory_space<vmem>>, %arg2: memref<2000x1xf32, #tpu.memory_space<vmem>>, %arg3: memref<128xf32, #tpu.memory_space<vmem>>, %arg4: memref<128x128xf32, #tpu.memory_space<vmem>>, %arg5: memref<2000x128xf32, #tpu.memory_space<vmem>>) attributes {dimension_semantics = [#tpu.dimension_semantics<arbitrary>], iteration_bounds = array<i64: 5>, scalar_prefetch = 0 : i64, scratch_operands = 0 : i64, tpu.core_type = #tpu.core_type<tc>, window_params = [{transform_indices = @transform_0, window_bounds = array<i64: 2, 2000, 128>}, {transform_indices = @transform_1, window_bounds = array<i64: 2000, 1>}, {pipeline_mode = #tpu.pipeline_mode<synchronous>, transform_indices = @transform_2, window_bounds = array<i64: 128>}, {pipeline_mode = #tpu.pipeline_mode<synchronous>, transform_indices = @transform_3, window_bounds = array<i64: 128, 128>}, {transform_indices = @transform_4, window_bounds = array<i64: 2000, 128>}]} {
    %get3A = arith.constant 0 : index
    %get3A_0 = arith.constant 0 : index
    %get3A_1 = vector.load %arg2[%get3A, %get3A_0] : memref<2000x1xf32, #tpu.memory_space<vmem>>, vector<2000x1xf32>
    %get3A_2 = arith.constant 0 : index
    %get3A_3 = arith.constant 0 : index
    %get3A_4 = arith.constant 0 : index
    %get3A_5 = vector.load %arg1[%get3A_2, %get3A_3, %get3A_4] : memref<2x2000x128xf32, #tpu.memory_space<vmem>>, vector<1x2000x128xf32>
    %get3A_6 = vector.shape_cast %get3A_5 : vector<1x2000x128xf32> to vector<2000x128xf32>
    %get3A_7 = arith.constant 1 : index
    %get3A_8 = arith.constant 0 : index
    %get3A_9 = arith.constant 0 : index
    %get3A_10 = vector.load %arg1[%get3A_7, %get3A_8, %get3A_9] : memref<2x2000x128xf32, #tpu.memory_space<vmem>>, vector<1x2000x128xf32>
    %get3A_11 = vector.shape_cast %get3A_10 : vector<1x2000x128xf32> to vector<2000x128xf32>
    %add3A = arith.addf %get3A_6, %get3A_11 : vector<2000x128xf32>
    %mul3A = vector.broadcast %get3A_1 : vector<2000x1xf32> to vector<2000x128xf32>
    %mul3A_12 = arith.mulf %add3A, %mul3A : vector<2000x128xf32>
    %get3A_13 = arith.constant 0 : index
    %get3A_14 = vector.load %arg3[%get3A_13] : memref<128xf32, #tpu.memory_space<vmem>>, vector<128xf32>
    %broadcast_in_dim3A = vector.shape_cast %get3A_14 : vector<128xf32> to vector<1x128xf32>
    %add3A_15 = vector.broadcast %broadcast_in_dim3A : vector<1x128xf32> to vector<2000x128xf32>
    %add3A_16 = arith.addf %mul3A_12, %add3A_15 : vector<2000x128xf32>
    %max3A = arith.constant 0.000000e+00 : f32
    %max3A_17 = vector.broadcast %max3A : f32 to vector<2000x128xf32>
    %max3A_18 = arith.maximumf %add3A_16, %max3A_17 : vector<2000x128xf32>
    %get3A_19 = arith.constant 0 : index
    %get3A_20 = arith.constant 0 : index
    %get3A_21 = vector.load %arg4[%get3A_19, %get3A_20] : memref<128x128xf32, #tpu.memory_space<vmem>>, vector<128x128xf32>
    %dot_general3A = arith.constant dense<0.000000e+00> : vector<2000x128xf32>
    %dot_general3A_22 = tpu.matmul %max3A_18, %get3A_21, %dot_general3A {dimension_numbers = #tpu.dot_dimension_numbers<[1], [0], [0], [1], [0, 0, 1, 1], [], []>, transpose_lhs_hint = false} : vector<2000x128xf32>, vector<128x128xf32>, vector<2000x128xf32> -> vector<2000x128xf32>
    %mul3A_23 = vector.broadcast %get3A_1 : vector<2000x1xf32> to vector<2000x128xf32>
    %mul3A_24 = arith.mulf %dot_general3A_22, %mul3A_23 : vector<2000x128xf32>
    %swap3A = arith.constant 0 : index
    %swap3A_25 = arith.constant 0 : index
    %swap3A_26 = vector.load %arg5[%swap3A, %swap3A_25] : memref<2000x128xf32, #tpu.memory_space<vmem>>, vector<2000x128xf32>
    tpu.vector_store %arg5[%swap3A, %swap3A_25], %mul3A_24 {strides = array<i32>} : memref<2000x128xf32, #tpu.memory_space<vmem>>, vector<2000x128xf32>,
    return
  }
  func.func @transform_0(%arg0: i32) -> (i32, i32, i32) {
    %c0_i32 = arith.constant 0 : i32
    %c0_i32_0 = arith.constant 0 : i32
    %c0_i32_1 = arith.constant 0 : i32
    return %c0_i32, %arg0, %c0_i32_0 : i32, i32, i32
  }
  func.func @transform_1(%arg0: i32) -> (i32, i32) {
    %c0_i32 = arith.constant 0 : i32
    %c0_i32_0 = arith.constant 0 : i32
    return %arg0, %c0_i32 : i32, i32
  }
  func.func @transform_2(%arg0: i32) -> i32 {
    %c0_i32 = arith.constant 0 : i32
    %c0_i32_0 = arith.constant 0 : i32
    return %c0_i32 : i32
  }
  func.func @transform_3(%arg0: i32) -> (i32, i32) {
    %c0_i32 = arith.constant 0 : i32
    %c0_i32_0 = arith.constant 0 : i32
    %c0_i32_1 = arith.constant 0 : i32
    return %c0_i32, %c0_i32_0 : i32, i32
  }
  func.func @transform_4(%arg0: i32) -> (i32, i32) {
    %c0_i32 = arith.constant 0 : i32
    %c0_i32_0 = arith.constant 0 : i32
    return %arg0, %c0_i32 : i32, i32
  }
}

module attributes {stable_mosaic.version = 14 : i64} {
  func.func @_tc3_body(%arg0: i32, %arg1: memref<2x2000x128xf32, #tpu.memory_space<vmem>>, %arg2: memref<2000x1xf32, #tpu.memory_space<vmem>>, %arg3: memref<128xf32, #tpu.memory_space<vmem>>, %arg4: memref<128x128xf32, #tpu.memory_space<vmem>>, %arg5: memref<128x128xf32, #tpu.memory_space<vmem>>, %arg6: memref<128xf32, #tpu.memory_space<vmem>>, %arg7: memref<2000x128xf32, #tpu.memory_space<vmem>>, %arg8: memref<2000x128xf32, #tpu.memory_space<vmem>>) attributes {dimension_semantics = [#tpu.dimension_semantics<arbitrary>], iteration_bounds = array<i64: 5>, scalar_prefetch = 0 : i64, scratch_operands = 0 : i64, tpu.core_type = #tpu.core_type<tc>, window_params = [{transform_indices = @transform_0, window_bounds = array<i64: 2, 2000, 128>}, {transform_indices = @transform_1, window_bounds = array<i64: 2000, 1>}, {pipeline_mode = #tpu.pipeline_mode<synchronous>, transform_indices = @transform_2, window_bounds = array<i64: 128>}, {pipeline_mode = #tpu.pipeline_mode<synchronous>, transform_indices = @transform_3, window_bounds = array<i64: 128, 128>}, {pipeline_mode = #tpu.pipeline_mode<synchronous>, transform_indices = @transform_4, window_bounds = array<i64: 128, 128>}, {pipeline_mode = #tpu.pipeline_mode<synchronous>, transform_indices = @transform_5, window_bounds = array<i64: 128>}, {transform_indices = @transform_6, window_bounds = array<i64: 2000, 128>}, {transform_indices = @transform_7, window_bounds = array<i64: 2000, 128>}]} {
    %get3A = arith.constant 0 : index
    %get3A_0 = arith.constant 0 : index
    %get3A_1 = vector.load %arg2[%get3A, %get3A_0] : memref<2000x1xf32, #tpu.memory_space<vmem>>, vector<2000x1xf32>
    %get3A_2 = arith.constant 0 : index
    %get3A_3 = arith.constant 0 : index
    %get3A_4 = arith.constant 0 : index
    %get3A_5 = vector.load %arg1[%get3A_2, %get3A_3, %get3A_4] : memref<2x2000x128xf32, #tpu.memory_space<vmem>>, vector<1x2000x128xf32>
    %get3A_6 = vector.shape_cast %get3A_5 : vector<1x2000x128xf32> to vector<2000x128xf32>
    %get3A_7 = arith.constant 1 : index
    %get3A_8 = arith.constant 0 : index
    %get3A_9 = arith.constant 0 : index
    %get3A_10 = vector.load %arg1[%get3A_7, %get3A_8, %get3A_9] : memref<2x2000x128xf32, #tpu.memory_space<vmem>>, vector<1x2000x128xf32>
    %get3A_11 = vector.shape_cast %get3A_10 : vector<1x2000x128xf32> to vector<2000x128xf32>
    %add3A = arith.addf %get3A_6, %get3A_11 : vector<2000x128xf32>
    %mul3A = vector.broadcast %get3A_1 : vector<2000x1xf32> to vector<2000x128xf32>
    %mul3A_12 = arith.mulf %add3A, %mul3A : vector<2000x128xf32>
    %get3A_13 = arith.constant 0 : index
    %get3A_14 = vector.load %arg3[%get3A_13] : memref<128xf32, #tpu.memory_space<vmem>>, vector<128xf32>
    %broadcast_in_dim3A = vector.shape_cast %get3A_14 : vector<128xf32> to vector<1x128xf32>
    %add3A_15 = vector.broadcast %broadcast_in_dim3A : vector<1x128xf32> to vector<2000x128xf32>
    %add3A_16 = arith.addf %mul3A_12, %add3A_15 : vector<2000x128xf32>
    %get3A_17 = arith.constant 0 : index
    %get3A_18 = arith.constant 0 : index
    %get3A_19 = vector.load %arg4[%get3A_17, %get3A_18] : memref<128x128xf32, #tpu.memory_space<vmem>>, vector<128x128xf32>
    %dot_general3A = arith.constant dense<0.000000e+00> : vector<2000x128xf32>
    %dot_general3A_20 = tpu.matmul %add3A_16, %get3A_19, %dot_general3A {dimension_numbers = #tpu.dot_dimension_numbers<[1], [0], [0], [1], [0, 0, 1, 1], [], []>, transpose_lhs_hint = false} : vector<2000x128xf32>, vector<128x128xf32>, vector<2000x128xf32> -> vector<2000x128xf32>
    %swap3A = arith.constant 0 : index
    %swap3A_21 = arith.constant 0 : index
    %swap3A_22 = vector.load %arg7[%swap3A, %swap3A_21] : memref<2000x128xf32, #tpu.memory_space<vmem>>, vector<2000x128xf32>
    tpu.vector_store %arg7[%swap3A, %swap3A_21], %dot_general3A_20 {strides = array<i32>} : memref<2000x128xf32, #tpu.memory_space<vmem>>, vector<2000x128xf32>,
    %get3A_23 = arith.constant 0 : index
    %get3A_24 = arith.constant 0 : index
    %get3A_25 = vector.load %arg5[%get3A_23, %get3A_24] : memref<128x128xf32, #tpu.memory_space<vmem>>, vector<128x128xf32>
    %dot_general3A_26 = arith.constant dense<0.000000e+00> : vector<2000x128xf32>
    %dot_general3A_27 = tpu.matmul %add3A_16, %get3A_25, %dot_general3A_26 {dimension_numbers = #tpu.dot_dimension_numbers<[1], [0], [0], [1], [0, 0, 1, 1], [], []>, transpose_lhs_hint = false} : vector<2000x128xf32>, vector<128x128xf32>, vector<2000x128xf32> -> vector<2000x128xf32>
    %get3A_28 = arith.constant 0 : index
    %get3A_29 = vector.load %arg6[%get3A_28] : memref<128xf32, #tpu.memory_space<vmem>>, vector<128xf32>
    %broadcast_in_dim3A_30 = vector.shape_cast %get3A_29 : vector<128xf32> to vector<1x128xf32>
    %add3A_31 = vector.broadcast %broadcast_in_dim3A_30 : vector<1x128xf32> to vector<2000x128xf32>
    %add3A_32 = arith.addf %dot_general3A_27, %add3A_31 : vector<2000x128xf32>
    %swap3A_33 = arith.constant 0 : index
    %swap3A_34 = arith.constant 0 : index
    %swap3A_35 = vector.load %arg8[%swap3A_33, %swap3A_34] : memref<2000x128xf32, #tpu.memory_space<vmem>>, vector<2000x128xf32>
    tpu.vector_store %arg8[%swap3A_33, %swap3A_34], %add3A_32 {strides = array<i32>} : memref<2000x128xf32, #tpu.memory_space<vmem>>, vector<2000x128xf32>,
    return
  }
  func.func @transform_0(%arg0: i32) -> (i32, i32, i32) {
    %c0_i32 = arith.constant 0 : i32
    %c0_i32_0 = arith.constant 0 : i32
    %c0_i32_1 = arith.constant 0 : i32
    return %c0_i32, %arg0, %c0_i32_0 : i32, i32, i32
  }
  func.func @transform_1(%arg0: i32) -> (i32, i32) {
    %c0_i32 = arith.constant 0 : i32
    %c0_i32_0 = arith.constant 0 : i32
    return %arg0, %c0_i32 : i32, i32
  }
  func.func @transform_2(%arg0: i32) -> i32 {
    %c0_i32 = arith.constant 0 : i32
    %c0_i32_0 = arith.constant 0 : i32
    return %c0_i32 : i32
  }
  func.func @transform_3(%arg0: i32) -> (i32, i32) {
    %c0_i32 = arith.constant 0 : i32
    %c0_i32_0 = arith.constant 0 : i32
    %c0_i32_1 = arith.constant 0 : i32
    return %c0_i32, %c0_i32_0 : i32, i32
  }
  func.func @transform_4(%arg0: i32) -> (i32, i32) {
    %c0_i32 = arith.constant 0 : i32
    %c0_i32_0 = arith.constant 0 : i32
    %c0_i32_1 = arith.constant 0 : i32
    return %c0_i32, %c0_i32_0 : i32, i32
  }
  func.func @transform_5(%arg0: i32) -> i32 {
    %c0_i32 = arith.constant 0 : i32
    %c0_i32_0 = arith.constant 0 : i32
    return %c0_i32 : i32
  }
  func.func @transform_6(%arg0: i32) -> (i32, i32) {
    %c0_i32 = arith.constant 0 : i32
    %c0_i32_0 = arith.constant 0 : i32
    return %arg0, %c0_i32 : i32, i32
  }
  func.func @transform_7(%arg0: i32) -> (i32, i32) {
    %c0_i32 = arith.constant 0 : i32
    %c0_i32_0 = arith.constant 0 : i32
    return %arg0, %c0_i32 : i32, i32
  }
}

module attributes {stable_mosaic.version = 14 : i64} {
  func.func @_tc4_body(%arg0: i32, %arg1: memref<8192x128xf32, #tpu.memory_space<vmem>>, %arg2: memref<8192x16xbf16, #tpu.memory_space<vmem>>, %arg3: memref<16x128xf32, #tpu.memory_space<vmem>>, %arg4: memref<1x128xf32, #tpu.memory_space<vmem>>, %arg5: memref<1xf32, #tpu.memory_space<vmem>>, %arg6: memref<8192xf32, #tpu.memory_space<vmem>>) attributes {dimension_semantics = [#tpu.dimension_semantics<arbitrary>], iteration_bounds = array<i64: 40>, scalar_prefetch = 0 : i64, scratch_operands = 0 : i64, tpu.core_type = #tpu.core_type<tc>, window_params = [{transform_indices = @transform_0, window_bounds = array<i64: 8192, 128>}, {transform_indices = @transform_1, window_bounds = array<i64: 8192, 16>}, {pipeline_mode = #tpu.pipeline_mode<synchronous>, transform_indices = @transform_2, window_bounds = array<i64: 16, 128>}, {pipeline_mode = #tpu.pipeline_mode<synchronous>, transform_indices = @transform_3, window_bounds = array<i64: 1, 128>}, {pipeline_mode = #tpu.pipeline_mode<synchronous>, transform_indices = @transform_4, window_bounds = array<i64: 1>}, {transform_indices = @transform_5, window_bounds = array<i64: 8192>}]} {
    %get3A = arith.constant 0 : index
    %get3A_0 = arith.constant 0 : index
    %get3A_1 = vector.load %arg2[%get3A, %get3A_0] : memref<8192x16xbf16, #tpu.memory_space<vmem>>, vector<8192x16xbf16>
    %convert_element_type3A = arith.extf %get3A_1 : vector<8192x16xbf16> to vector<8192x16xf32>
    %get3A_2 = arith.constant 0 : index
    %get3A_3 = arith.constant 0 : index
    %get3A_4 = vector.load %arg3[%get3A_2, %get3A_3] : memref<16x128xf32, #tpu.memory_space<vmem>>, vector<16x128xf32>
    %dot_general3A = arith.constant dense<0.000000e+00> : vector<8192x128xf32>
    %dot_general3A_5 = tpu.matmul %convert_element_type3A, %get3A_4, %dot_general3A {dimension_numbers = #tpu.dot_dimension_numbers<[1], [0], [0], [1], [0, 0, 1, 1], [], []>, transpose_lhs_hint = false} : vector<8192x16xf32>, vector<16x128xf32>, vector<8192x128xf32> -> vector<8192x128xf32>
    %get3A_6 = arith.constant 0 : index
    %get3A_7 = arith.constant 0 : index
    %get3A_8 = vector.load %arg1[%get3A_6, %get3A_7] : memref<8192x128xf32, #tpu.memory_space<vmem>>, vector<8192x128xf32>
    %add3A = arith.addf %get3A_8, %dot_general3A_5 : vector<8192x128xf32>
    %max3A = arith.constant 0.000000e+00 : f32
    %max3A_9 = vector.broadcast %max3A : f32 to vector<8192x128xf32>
    %max3A_10 = arith.maximumf %add3A, %max3A_9 : vector<8192x128xf32>
    %get3A_11 = arith.constant 0 : index
    %get3A_12 = arith.constant 0 : index
    %get3A_13 = vector.load %arg4[%get3A_11, %get3A_12] : memref<1x128xf32, #tpu.memory_space<vmem>>, vector<1x128xf32>
    %mul3A = vector.broadcast %get3A_13 : vector<1x128xf32> to vector<8192x128xf32>
    %mul3A_14 = arith.mulf %max3A_10, %mul3A : vector<8192x128xf32>
    %reduce_sum3A = arith.constant dense<0.000000e+00> : vector<8192xf32>
    %reduce_sum3A_15 = vector.multi_reduction <add>, %mul3A_14, %reduce_sum3A [1] : vector<8192x128xf32> to vector<8192xf32>
    %get3A_16 = arith.constant 0 : index
    %get3A_17 = vector.load %arg5[%get3A_16] : memref<1xf32, #tpu.memory_space<vmem>>, vector<1xf32>
    %add3A_18 = vector.broadcast %get3A_17 : vector<1xf32> to vector<8192xf32>
    %add3A_19 = arith.addf %reduce_sum3A_15, %add3A_18 : vector<8192xf32>
    %neg3A = arith.constant 0.000000e+00 : f32
    %neg3A_20 = vector.broadcast %neg3A : f32 to vector<8192xf32>
    %neg3A_21 = arith.subf %neg3A_20, %add3A_19 : vector<8192xf32>
    %exp3A = math.exp %neg3A_21 : vector<8192xf32>
    %add3A_22 = arith.constant 1.000000e+00 : f32
    %add3A_23 = vector.broadcast %add3A_22 : f32 to vector<8192xf32>
    %add3A_24 = arith.addf %add3A_23, %exp3A : vector<8192xf32>
    %div3A = arith.constant 1.000000e+00 : f32
    %div3A_25 = vector.broadcast %div3A : f32 to vector<8192xf32>
    %div3A_26 = arith.divf %div3A_25, %add3A_24 : vector<8192xf32>
    %swap3A = arith.constant 0 : index
    %swap3A_27 = vector.load %arg6[%swap3A] : memref<8192xf32, #tpu.memory_space<vmem>>, vector<8192xf32>
    tpu.vector_store %arg6[%swap3A], %div3A_26 {strides = array<i32>} : memref<8192xf32, #tpu.memory_space<vmem>>, vector<8192xf32>,
    return
  }
  func.func @transform_0(%arg0: i32) -> (i32, i32) {
    %c0_i32 = arith.constant 0 : i32
    %c0_i32_0 = arith.constant 0 : i32
    return %arg0, %c0_i32 : i32, i32
  }
  func.func @transform_1(%arg0: i32) -> (i32, i32) {
    %c0_i32 = arith.constant 0 : i32
    %c0_i32_0 = arith.constant 0 : i32
    return %arg0, %c0_i32 : i32, i32
  }
  func.func @transform_2(%arg0: i32) -> (i32, i32) {
    %c0_i32 = arith.constant 0 : i32
    %c0_i32_0 = arith.constant 0 : i32
    %c0_i32_1 = arith.constant 0 : i32
    return %c0_i32, %c0_i32_0 : i32, i32
  }
  func.func @transform_3(%arg0: i32) -> (i32, i32) {
    %c0_i32 = arith.constant 0 : i32
    %c0_i32_0 = arith.constant 0 : i32
    %c0_i32_1 = arith.constant 0 : i32
    return %c0_i32, %c0_i32_0 : i32, i32
  }
  func.func @transform_4(%arg0: i32) -> i32 {
    %c0_i32 = arith.constant 0 : i32
    %c0_i32_0 = arith.constant 0 : i32
    return %c0_i32 : i32
  }
  func.func @transform_5(%arg0: i32) -> i32 {
    %c0_i32 = arith.constant 0 : i32
    return %arg0 : i32
  }
}

</mosaic_0001>

<sc_bundles>
// kernel: kernel.10.cloned.1.call-start
scs
__scs_entry_jumppad:
0x0: {  	(pc) =	sbr.rel $0x88, $3  }
0x1: {  	(tag) =	ssettag $0x0;
	lr =	simm.s32 $0x1  }
0x2: {  	[smem:$0x3F96] =	sst lr;
	_ =	strace $0xD0000000  }
0x3: {  	_ = 	snop  }
0x4: {  	_ = 	snop  }
0x5: {  	_ = 	snop  }
0x6: {  	_ = 	snop  }
0x7: {  	_ = 	snop  }
__scs_overlays_trampoline_lowered:
0x8: {  	[smem:$0x3FA5] =	sst s0  }
0x9: {  	[smem:$0x3FA6] =	sst s1  }
0xa: {  	[smem:$0x3FA7] =	sst s2  }
0xb: {  	[smem:$0x3FA8] =	sst s3  }
0xc: {  	[smem:$0x3FA9] =	sst s4  }
0xd: {  	[smem:$0x3FAA] =	sst s5  }
0xe: {  	[smem:$0x3FAB] =	sst s6  }
0xf: {  	[smem:$0x3FAC] =	sst s7  }
0x10: {  	[smem:$0x3FAD] =	sst s8  }
0x11: {  	[smem:$0x3FAE] =	sst s9;
	s0 =	simm.s32 @!p0 $0x0  }
0x12: {  	s1 =	sld [smem:$0x3F94];
	s0 =	simm.s32 @p0 $0x1  }
0x13: {  	[smem:$0x3FAF] =	sst s0;
	s0 =	simm.s32 @!p1 $0x0  }
0x14: {  	s2 =	sld [smem:$0x3F93];
	s0 =	simm.s32 @p1 $0x1  }
0x15: {  	[smem:$0x3FB0] =	sst s0;
	s0 =	simm.s32 @!p2 $0x0  }
0x16: {  	s3 =	sld [smem:$0x3FDB];
	s0 =	simm.s32 @p2 $0x1  }
0x17: {  	s4 =	simm.s32 $0x1BF5;
	[smem:$0x3FB2] =	sst s0  }
0x18: {  	s0 =	sld [smem:$0x3F95];
	_ =	swait.ge [sflag:s4], $0x0  }
0x19: {  	s7 =	sld [smem:$0x3F96]  }
0x1a: {  	s8 =	sadd.s32 $0xFFFFE003, lr  }
0x1b: {  	s9 =	sadd.s32 $0xFFFFFEF7, lr;
	s5 =	simm.s32 $0xFFFFFFFF;
	p2 =	slt.u32 s8, $0xFFFFF086  }
0x1c: {  	p1 =	slt.u32 s9, $0xF7A;
	s5 =	simm.s32 @!p2 $0x0  }
0x1d: {  	s5 =	simm.s32 @p1 $0x1;
	p0 =	seq.s32 s7, s2  }
0x1e: {  	s7 =	smul.u32 @!p0 $0xF7A, s2;
	p2 =	seq.s32 @!p0 s5, $0x0  }
0x1f: {  	s9 =	smul.u32 $0xF7A, s1;
	s8 =	simm.s32 @!p0 $0x1BF5;
	p2 =	por !p2, p0  }
0x20: {  	[sflag:s8] =	ssyncset.s32 @!p0 $0xFFFFF086;
	s6 =	sadd.s32 @!p0 s3, s7;
	s7 =	simm.s32 @!p0 $0x108  }
0x21: {  	s3 =	sadd.s32 s3, s9;
	s6 =	sadd.s32 @!p0 $0x88, s6;
	s7 =	simm.s32 @p2 $0x1082  }
0x22: {  	[simem:s7], [sflag:s8] =	dma.local @!p0 [hbm:s6], $0xF7A  }
0x23: {  	s9 =	sor.u32 $0xD0000000, s2;
	s6 =	simm.s32 $0x108;
	_ =	swait.ge @!p0 [sflag:s8], $0x0  }
0x24: {  	s3 =	sadd.s32 $0x88, s3;
	s6 =	simm.s32 @!p1 $0x1082;
	[sflag:s4] =	ssyncset.s32 $0xFFFFF086  }
0x25: {  	[simem:s6], [sflag:s4] =	dma.local [hbm:s3], $0xF7A  }
0x26: {  	[smem:$0x3F96] =	sst s1;
	(tag) =	ssettag s2;
	_ =	strace s9  }
0x27: {  	s1 =	sld [smem:$0x3FA6]  }
0x28: {  	s2 =	sld [smem:$0x3FA7]  }
0x29: {  	s4 =	sld [smem:$0x3FA9]  }
0x2a: {  	p0 =	seq.s32 s5, $0x0;
	s5 =	sld [smem:$0x3FAA]  }
0x2b: {  	s6 =	sld [smem:$0x3FAB]  }
0x2c: {  	s7 =	sld [smem:$0x3FAC]  }
0x2d: {  	s3 =	simm.s32 $0x108;
	s8 =	sld [smem:$0x3FAD]  }
0x2e: {  	s3 =	simm.s32 @!p0 $0x1082;
	s9 =	sld [smem:$0x3FAE]  }
0x2f: {  	lr =	sadd.s32 s0, s3;
	s0 =	sld [smem:$0x3FA5]  }
0x30: {  	s3 =	sld [smem:$0x3FA8]  }
0x31: {  	[smem:$0x3FB1] =	sst s10  }
0x32: {  	s10 =	sld [smem:$0x3FAF];
	_ =	sdelay $0x3  }
0x33: {  	p0 =	seq.s32 s10, $0x1;
	s10 =	sld [smem:$0x3FB1];
	_ =	sdelay $0x3  }
0x34: {  	[smem:$0x3FB1] =	sst s10  }
0x35: {  	s10 =	sld [smem:$0x3FB0];
	_ =	sdelay $0x3  }
0x36: {  	p1 =	seq.s32 s10, $0x1;
	s10 =	sld [smem:$0x3FB1];
	_ =	sdelay $0x3  }
0x37: {  	[smem:$0x3FB1] =	sst s10  }
0x38: {  	s10 =	sld [smem:$0x3FB2]  }
0x39: {  	_ = 	snop;
	(pc) =	sbr.ind lr, $3  }
0x3a: {  	_ = 	snop  }
0x3b: {  	_ = 	snop  }
0x3c: {  	p2 =	seq.s32 s10, $0x1;
	s10 =	sld [smem:$0x3FB1]  }
0x3d: {  	_ =	shalt  }
0x3e: {  	_ =	shalt  }
0x3f: {  	_ =	shalt  }
0x40: {  	_ =	shalt  }
0x41: {  	_ =	shalt  }
0x42: {  	_ =	shalt  }
0x43: {  	_ =	shalt  }
0x44: {  	_ =	shalt  }
0x45: {  	_ =	shalt  }
0x46: {  	_ =	shalt  }
0x47: {  	_ =	shalt  }
0x48: {  	_ =	shalt  }
0x49: {  	_ =	shalt  }
0x4a: {  	_ =	shalt  }
0x4b: {  	_ =	shalt  }
0x4c: {  	_ =	shalt  }
0x4d: {  	_ =	shalt  }
0x4e: {  	_ =	shalt  }
0x4f: {  	_ =	shalt  }
0x50: {  	_ =	shalt  }
0x51: {  	_ =	shalt  }
0x52: {  	_ =	shalt  }
0x53: {  	_ =	shalt  }
0x54: {  	_ =	shalt  }
0x55: {  	_ =	shalt  }
0x56: {  	_ =	shalt  }
0x57: {  	_ =	shalt  }
0x58: {  	_ =	shalt  }
0x59: {  	_ =	shalt  }
0x5a: {  	_ =	shalt  }
0x5b: {  	_ =	shalt  }
0x5c: {  	_ =	shalt  }
0x5d: {  	_ =	shalt  }
0x5e: {  	_ =	shalt  }
0x5f: {  	_ =	shalt  }
0x60: {  	_ =	shalt  }
0x61: {  	_ =	shalt  }
0x62: {  	_ =	shalt  }
0x63: {  	_ =	shalt  }
0x64: {  	_ =	shalt  }
0x65: {  	_ =	shalt  }
0x66: {  	_ =	shalt  }
0x67: {  	_ =	shalt  }
0x68: {  	_ =	shalt  }
0x69: {  	_ =	shalt  }
0x6a: {  	_ =	shalt  }
0x6b: {  	_ =	shalt  }
0x6c: {  	_ =	shalt  }
0x6d: {  	_ =	shalt  }
0x6e: {  	_ =	shalt  }
0x6f: {  	_ =	shalt  }
0x70: {  	_ =	shalt  }
0x71: {  	_ =	shalt  }
0x72: {  	_ =	shalt  }
0x73: {  	_ =	shalt  }
0x74: {  	_ =	shalt  }
0x75: {  	_ =	shalt  }
0x76: {  	_ =	shalt  }
0x77: {  	_ =	shalt  }
0x78: {  	_ =	shalt  }
0x79: {  	_ =	shalt  }
0x7a: {  	_ =	shalt  }
0x7b: {  	_ =	shalt  }
0x7c: {  	_ =	shalt  }
0x7d: {  	_ =	shalt  }
0x7e: {  	_ =	shalt  }
0x7f: {  	_ =	shalt  }
0x80: {  	_ =	shalt  }
0x81: {  	_ =	shalt  }
0x82: {  	_ =	shalt  }
0x83: {  	_ =	shalt  }
0x84: {  	_ =	shalt  }
0x85: {  	_ =	shalt  }
0x86: {  	_ =	shalt  }
0x87: {  	_ =	shalt  }
.Lfunc_end0:
.L_simem_size_0:
called_computation_lowered:
.L_overlay_start_0:
0x88: {  	s2 =	sld [smem:$0x3FD9]  }
0x89: {  	s3 =	sld [smem:$0x3FFE];
	_ =	sdelay $0x1  }
0x8a: {  	s1 =	srdreg.scid  }
0x8b: {  	s0 =	sand.u32 $0x1, s1  }
0x8c: {  	s16 =	sshll.u32 s0, $0xA;
	s2 =	sadd.s32 s3, s2  }
0x8d: {  	s2 =	sadd.s32 s2, s16  }
0x8e: {  	[smem:$0x3FBD] =	sst s2  }
0x8f: {  	_ = 	snop  }
0x90: {  	(tm) =	ssettm $0x1  }
0x91: {  	s17 =	sld [smem:$0x3FFB];
	_ =	sdelay $0x3  }
0x92: {  	_ =	strace s17  }
0x93: {  	s2 =	sld [smem:$0x3FFC];
	_ =	sdelay $0x3  }
0x94: {  	_ =	strace s2  }
0x95: {  	s2 =	sld [smem:$0x3FFD];
	_ =	sdelay $0x3  }
0x96: {  	_ =	strace s2  }
0x97: {  	_ =	strace $0x8FFFFFFF  }
0x98: {  	s18 =	sld [smem:$0x3FDB];
	_ =	sdelay $0x1  }
0x99: {  	s19 =	simm.s32 $_scs_section_size  }
0x9a: {  	s4 =	simm.s32 $_size__tile_overlayer_lowered;
	s5 =	simm.s32 $_tile_overlayer_lowered  }
0x9b: {  	s22 =	simm.s32 $0x1BFF;
	s21 =	sshll.u32 s5, $0x1;
	s2 =	sadd.s32 s19, s18  }
0x9c: {  	s6 =	simm.s32 $0x0;
	s20 =	sshll.u32 s4, $0x1;
	s4 =	sadd.s32 s21, s2  }
0x9d: {  	[timem:s6], [sflag:s22] =	dma.local [hbm:s4], s20  }
0x9e: {  	_ =	swait.ge [sflag:s22], s20  }
0x9f: {  	s3 =	ssub.s32 $0x0, s20;
	[sflag:s22] =	ssyncset.done $0x0  }
0xa0: {  	[sflag:s22] =	ssyncadd.s32 s3;
	_ =	sdelay $0x1  }
0xa1: {  	s23 =	simm.s32 $0x1B8B  }
0xa2: {  	_ =	swait.ge [sflag:s23], $0x1  }
0xa3: {  	[sflag:s23] =	ssyncset.done $0x0  }
0xa4: {  	s25 =	simm.s32 $0x1B8E;
	s24 =	sld [smem:$0x3FFE];
	[sflag:s23] =	ssyncadd.s32 $0xFFFFFFFF  }
0xa5: {  	s26 =	simm.s32 $execute0_lowered;
	[smem:$0x3FD2] =	sst s25  }
0xa6: {  	s4 =	sshll.u32 s26, $0x1;
	_ =	strace $0x80000046;
	[dreg:$0x1] =	wrdreg $0xFFFFFFFF  }
0xa7: {  	s28 =	simm.s32 $_size_execute0_lowered;
	s2 =	sadd.s32 s2, s4;
	[dreg:$0x0] =	wrdreg $0x0  }
0xa8: {  	s4 =	sshll.u32 s28, $0x1;
	[dreg:$0x2] =	wrdreg s2  }
0xa9: {  	[dreg:$0x3] =	wrdreg s4  }
0xaa: {  	[dreg:$0x4] =	wrdreg $0xC0  }
0xab: {  	_ =	task [dreg:s6], $0x5FFFF  }
0xac: {  	[dreg:$0x1] =	wrdreg $0xFFFFFFFF  }
0xad: {  	[dreg:$0x0] =	wrdreg $0x60  }
0xae: {  	[dreg:$0x2] =	wrdreg s24  }
0xaf: {  	[dreg:$0x3] =	wrdreg $0x9  }
0xb0: {  	_ =	task.clear_ibuf [dreg:s6], $0x4FFFF;
	_ =	strace $0x90000046  }
0xb1: {  	s29 =	simm.s32 $0x9;
	_ =	strace $0x80000048  }
0xb2: {  	_ =	swait.ge [sflag:s29], $0x1  }
0xb3: {  	[sflag:s29] =	ssyncadd.s32 $0xFFFFFFFF  }
0xb4: {  	_ =	strace $0x90000048  }
0xb5: {  	_ =	sfence  }
0xb6: {  	s30 =	sld [smem:$0x0];
	_ =	sdelay $0x2  }
0xb7: {  	s31 =	sshll.u32 s1, $0xD;
	s1 =	sshrl.u32 s1, $0x2  }
0xb8: {  	s3 =	sand.u32 $0x4000, s31;
	s1 =	sadd.s32 s1, s30  }
0xb9: {  	s0 =	sor.u32 s3, s0;
	s1 =	sshll.u32 s1, $0x11  }
0xba: {  	s0 =	sor.u32 s1, s0  }
0xbb: {  	s0 =	sadd.s32 $0x8F2B, s0  }
0xbc: {  	[sflag:s0] =	ssyncadd.remote.s32 $0x1  }
0xbd: {  	_ =	sfence.sel $0xFFFF  }
0xbe: {  	[dreg:$0x0] =	wrdreg $0xFFFFFFFF;
	(pc) =	sbr.abs _section_cstart, $3  }
0xbf: {  	[dreg:$0x1] =	wrdreg $0xFFFFFFFF  }
0xc0: {  	_ =	task.clear_ibuf [dreg:s6], $0x2FFFF;
	_ =	strace $0x9FFFFFFF  }
0xc1: {  	(tm) =	ssettm $0x7FFFFFFF  }
tec
execute0_lowered:
.L_overlay_start_1:
0x0: {  	(tag) =	ssettag $0x1  }
0x1: {  	s1 =	srdreg.scid  }
0x2: {  	s0 =	stileid.u32;
	s5 =	rddreg [dreg:$0x0]  }
0x3: {  	s6 =	simm.s32 $0x80;
	s7 =	simm.s32 $0x400;
	s8 =	simm.s32 $0x1  }
0x4: {  	s3 =	sand.u32 $0x1, s1;
	s29 =	sshrl.u32 s0, $0x2;
	s2 =	sshll.u32 s0, $0x8  }
0x5: {  	s4 =	smul.u32 $0x13C00, s29;
	s30 =	sshll.u32 s3, $0x7;
	s2 =	sand.u32 $0x300, s2  }
0x6: {  	s9 =	simm.s32 $0x2780;
	s1 =	rddreg [dreg:$0x1];
	s2 =	sor.u32 s30, s2  }
0x7: {  	s3 =	ssub.s32 $0x2, s3;
	s4 =	sor.u32 s4, s2;
	s2 =	simm.s32 $0x0  }
0x8: {  	s31 =	sshrl.u32 s3, $0x1;
	s4 =	sshrl.u32 s4, $0x3;
	[smem:$0x7FF] =	sst s2  }
0x9: {  	s4 =	sadd.s32 s4, s5;
	_ =	strace $0x80000047;
	s5 =	ssub.s32 s3, s31  }
0xa: {  	v0 =	vimm.f32 $0.0e+00;
	v1 =	vimm.f32 $1.000000000e+00;
	s3 =	sadd.s32 $0x2E00, s4;
	s4 =	sadd.s32 $0xCC00, s4;
	s5 =	smax.u32 s5, $0x1  }
.LBB2_1:
0xb: {  	s10 =	simm.s32 $0x40;
	s11 =	simm.s32 $0x0  }
.LBB2_2:
0xc: {  	p0 =	sne.s32 s10, $0x9C00;
	[tilespmem:s11+$0x2780] =	vst v0;
	s11 =	smov.u32 s10;
	s10 =	sadd.s32 $0x40, s10  }
.Ltmp0:
0xd: {  	(pc) =	sbr.rel @p0 .LBB2_2-.Ltmp0, $2  }
0xe: {  	_ =	sdelay $0x2  }
0xf: {  	s11 =	sshra.s32 s11, $0x2  }
0x10: {  	[tilespmem:s11+$0x2780] =	vst v0;
	s10 =	simm.s32 $0x0  }
0x11: {  	[tilespmem:s10], [sflag:$0x1] =	stream.strided.gather [hbm4b:s3+s6], $0x2780, s7, s6, $0x38;
	[tilespmem:$0x4F00] =	vst v63  }
0x12: {  	_ =	swait.ge [sflag:s8], $0x2780  }
0x13: {  	[sflag:s8] =	ssyncset.done $0x0  }
0x14: {  	s11 =	simm.s32 $0x0;
	s10 =	simm.s32 $0x40;
	[sflag:s8] =	ssyncadd.s32 $0xFFFFD880  }
.LBB2_4:
0x15: {  	p0 =	sne.s32 s10, $0x9C00;
	v2 =	vld [tilespmem:s11+$0x0];
	_ =	sdelay $0x3  }
.Ltmp1:
0x16: {  	(pc) =	sbr.rel @p0 .LBB2_4-.Ltmp1, $2  }
0x17: {  	_ =	sdelay $0x2  }
0x18: {  	s11 =	sshra.s32 s10, $0x2;
	s10 =	sadd.s32 $0x40, s10;
	[tilespmem:v2+s9+$0x0] =	vst.idx.add.f32.msk $0xffff, v1  }
0x19: {  	v2 =	vld [tilespmem:s11+$0x0];
	_ =	sdelay $0x5  }
0x1a: {  	s2 =	sadd.s32 $0x1, s2  }
0x1b: {  	p0 =	sne.s32 s2, s5  }
.Ltmp2:
0x1c: {  	[tilespmem:v2+s9+$0x0] =	vst.idx.add.f32.msk $0xffff, v1;
	(pc) =	sbr.rel @p0 .LBB2_1-.Ltmp2, $4  }
0x1d: {  	[hbm4b:s4+s6] =	stream.strided.scatter [tilespmem:s9], [sflag:$0x1], $0x2780, s7, s6, $0x38;
	[tilespmem:$0x4F00] =	vst v63  }
0x1e: {  	_ =	swait.ge [sflag:s8], $0x2780  }
0x1f: {  	[sflag:s8] =	ssyncset.done $0x0  }
0x20: {  	[sflag:s8] =	ssyncadd.s32 $0xFFFFD880  }
0x21: {  	_ =	sfence.sel $0x180000  }
0x22: {  	[bflag:$0x0] =	sbarrier.arrive $0xFFFF  }
0x23: {  	p0 =	sne.s32 s0, $0x0;
	_ =	strace $0x90000047  }
0x24: {  	s0 =	sadd.s32 @!p0 $0x100000, s1;
	[bflag:$0x2] =	sbarrier.arrive $0xFFFF  }
0x25: {  	[sflag:s0] =	ssyncadd.tile.s32 @!p0 $0x1;
	_ =	shalt  }
.Lfunc_end2:
_tile_overlayer_lowered:
.L_overlay_start_2:
0x26: {  	(tag) =	ssettag $0x2  }
0x27: {  	s0 =	rddreg [dreg:$0x0];
	s2 =	stileid.u32  }
0x28: {  	s1 =	rddreg [dreg:$0x1];
	p0 =	sne.s32 s2, $0x0  }
0x29: {  	s3 =	rddreg [dreg:$0x2];
	[bflag:$0x3] =	sbarrier.arrive $0xFFFF;
	s2 =	simm.s32 @!p0 $0x1C01  }
0x2a: {  	[timem:s3], [sflag:s2] =	dma.local @!p0 [hbm:s0], s1  }
0x2b: {  	s0 =	simm.s32 @!p0 $0x1  }
0x2c: {  	_ =	swait.ge @!p0 [sflag:s0], s1  }
0x2d: {  	s1 =	ssub.s32 @!p0 $0x0, s1;
	[sflag:s0] =	ssyncset.done @!p0 $0x0  }
0x2e: {  	[sflag:s0] =	ssyncadd.s32 @!p0 s1  }
0x2f: {  	[bflag:$0x3] =	sbarrier.arrive $0xFFFF  }
0x30: {  	_ =	shalt  }

// kernel: kernel.13.cloned.1.call-start
scs
__scs_entry_jumppad:
0x0: {  	(pc) =	sbr.rel $0x88, $3  }
0x1: {  	(tag) =	ssettag $0x0;
	lr =	simm.s32 $0x1  }
0x2: {  	[smem:$0x3F96] =	sst lr;
	_ =	strace $0xD0000000  }
0x3: {  	_ = 	snop  }
0x4: {  	_ = 	snop  }
0x5: {  	_ = 	snop  }
0x6: {  	_ = 	snop  }
0x7: {  	_ = 	snop  }
__scs_overlays_trampoline_lowered:
0x8: {  	[smem:$0x3FA5] =	sst s0  }
0x9: {  	[smem:$0x3FA6] =	sst s1  }
0xa: {  	[smem:$0x3FA7] =	sst s2  }
0xb: {  	[smem:$0x3FA8] =	sst s3  }
0xc: {  	[smem:$0x3FA9] =	sst s4  }
0xd: {  	[smem:$0x3FAA] =	sst s5  }
0xe: {  	[smem:$0x3FAB] =	sst s6  }
0xf: {  	[smem:$0x3FAC] =	sst s7  }
0x10: {  	[smem:$0x3FAD] =	sst s8  }
0x11: {  	[smem:$0x3FAE] =	sst s9;
	s0 =	simm.s32 @!p0 $0x0  }
0x12: {  	s1 =	sld [smem:$0x3F94];
	s0 =	simm.s32 @p0 $0x1  }
0x13: {  	[smem:$0x3FAF] =	sst s0;
	s0 =	simm.s32 @!p1 $0x0  }
0x14: {  	s2 =	sld [smem:$0x3F93];
	s0 =	simm.s32 @p1 $0x1  }
0x15: {  	[smem:$0x3FB0] =	sst s0;
	s0 =	simm.s32 @!p2 $0x0  }
0x16: {  	s3 =	sld [smem:$0x3FDB];
	s0 =	simm.s32 @p2 $0x1  }
0x17: {  	s4 =	simm.s32 $0x1BF5;
	[smem:$0x3FB2] =	sst s0  }
0x18: {  	s0 =	sld [smem:$0x3F95];
	_ =	swait.ge [sflag:s4], $0x0  }
0x19: {  	s7 =	sld [smem:$0x3F96]  }
0x1a: {  	s8 =	sadd.s32 $0xFFFFE003, lr  }
0x1b: {  	s9 =	sadd.s32 $0xFFFFFEF7, lr;
	s5 =	simm.s32 $0xFFFFFFFF;
	p2 =	slt.u32 s8, $0xFFFFF086  }
0x1c: {  	p1 =	slt.u32 s9, $0xF7A;
	s5 =	simm.s32 @!p2 $0x0  }
0x1d: {  	s5 =	simm.s32 @p1 $0x1;
	p0 =	seq.s32 s7, s2  }
0x1e: {  	s7 =	smul.u32 @!p0 $0xF7A, s2;
	p2 =	seq.s32 @!p0 s5, $0x0  }
0x1f: {  	s9 =	smul.u32 $0xF7A, s1;
	s8 =	simm.s32 @!p0 $0x1BF5;
	p2 =	por !p2, p0  }
0x20: {  	[sflag:s8] =	ssyncset.s32 @!p0 $0xFFFFF086;
	s6 =	sadd.s32 @!p0 s3, s7;
	s7 =	simm.s32 @!p0 $0x108  }
0x21: {  	s3 =	sadd.s32 s3, s9;
	s6 =	sadd.s32 @!p0 $0x88, s6;
	s7 =	simm.s32 @p2 $0x1082  }
0x22: {  	[simem:s7], [sflag:s8] =	dma.local @!p0 [hbm:s6], $0xF7A  }
0x23: {  	s9 =	sor.u32 $0xD0000000, s2;
	s6 =	simm.s32 $0x108;
	_ =	swait.ge @!p0 [sflag:s8], $0x0  }
0x24: {  	s3 =	sadd.s32 $0x88, s3;
	s6 =	simm.s32 @!p1 $0x1082;
	[sflag:s4] =	ssyncset.s32 $0xFFFFF086  }
0x25: {  	[simem:s6], [sflag:s4] =	dma.local [hbm:s3], $0xF7A  }
0x26: {  	[smem:$0x3F96] =	sst s1;
	(tag) =	ssettag s2;
	_ =	strace s9  }
0x27: {  	s1 =	sld [smem:$0x3FA6]  }
0x28: {  	s2 =	sld [smem:$0x3FA7]  }
0x29: {  	s4 =	sld [smem:$0x3FA9]  }
0x2a: {  	p0 =	seq.s32 s5, $0x0;
	s5 =	sld [smem:$0x3FAA]  }
0x2b: {  	s6 =	sld [smem:$0x3FAB]  }
0x2c: {  	s7 =	sld [smem:$0x3FAC]  }
0x2d: {  	s3 =	simm.s32 $0x108;
	s8 =	sld [smem:$0x3FAD]  }
0x2e: {  	s3 =	simm.s32 @!p0 $0x1082;
	s9 =	sld [smem:$0x3FAE]  }
0x2f: {  	lr =	sadd.s32 s0, s3;
	s0 =	sld [smem:$0x3FA5]  }
0x30: {  	s3 =	sld [smem:$0x3FA8]  }
0x31: {  	[smem:$0x3FB1] =	sst s10  }
0x32: {  	s10 =	sld [smem:$0x3FAF];
	_ =	sdelay $0x3  }
0x33: {  	p0 =	seq.s32 s10, $0x1;
	s10 =	sld [smem:$0x3FB1];
	_ =	sdelay $0x3  }
0x34: {  	[smem:$0x3FB1] =	sst s10  }
0x35: {  	s10 =	sld [smem:$0x3FB0];
	_ =	sdelay $0x3  }
0x36: {  	p1 =	seq.s32 s10, $0x1;
	s10 =	sld [smem:$0x3FB1];
	_ =	sdelay $0x3  }
0x37: {  	[smem:$0x3FB1] =	sst s10  }
0x38: {  	s10 =	sld [smem:$0x3FB2]  }
0x39: {  	_ = 	snop;
	(pc) =	sbr.ind lr, $3  }
0x3a: {  	_ = 	snop  }
0x3b: {  	_ = 	snop  }
0x3c: {  	p2 =	seq.s32 s10, $0x1;
	s10 =	sld [smem:$0x3FB1]  }
0x3d: {  	_ =	shalt  }
0x3e: {  	_ =	shalt  }
0x3f: {  	_ =	shalt  }
0x40: {  	_ =	shalt  }
0x41: {  	_ =	shalt  }
0x42: {  	_ =	shalt  }
0x43: {  	_ =	shalt  }
0x44: {  	_ =	shalt  }
0x45: {  	_ =	shalt  }
0x46: {  	_ =	shalt  }
0x47: {  	_ =	shalt  }
0x48: {  	_ =	shalt  }
0x49: {  	_ =	shalt  }
0x4a: {  	_ =	shalt  }
0x4b: {  	_ =	shalt  }
0x4c: {  	_ =	shalt  }
0x4d: {  	_ =	shalt  }
0x4e: {  	_ =	shalt  }
0x4f: {  	_ =	shalt  }
0x50: {  	_ =	shalt  }
0x51: {  	_ =	shalt  }
0x52: {  	_ =	shalt  }
0x53: {  	_ =	shalt  }
0x54: {  	_ =	shalt  }
0x55: {  	_ =	shalt  }
0x56: {  	_ =	shalt  }
0x57: {  	_ =	shalt  }
0x58: {  	_ =	shalt  }
0x59: {  	_ =	shalt  }
0x5a: {  	_ =	shalt  }
0x5b: {  	_ =	shalt  }
0x5c: {  	_ =	shalt  }
0x5d: {  	_ =	shalt  }
0x5e: {  	_ =	shalt  }
0x5f: {  	_ =	shalt  }
0x60: {  	_ =	shalt  }
0x61: {  	_ =	shalt  }
0x62: {  	_ =	shalt  }
0x63: {  	_ =	shalt  }
0x64: {  	_ =	shalt  }
0x65: {  	_ =	shalt  }
0x66: {  	_ =	shalt  }
0x67: {  	_ =	shalt  }
0x68: {  	_ =	shalt  }
0x69: {  	_ =	shalt  }
0x6a: {  	_ =	shalt  }
0x6b: {  	_ =	shalt  }
0x6c: {  	_ =	shalt  }
0x6d: {  	_ =	shalt  }
0x6e: {  	_ =	shalt  }
0x6f: {  	_ =	shalt  }
0x70: {  	_ =	shalt  }
0x71: {  	_ =	shalt  }
0x72: {  	_ =	shalt  }
0x73: {  	_ =	shalt  }
0x74: {  	_ =	shalt  }
0x75: {  	_ =	shalt  }
0x76: {  	_ =	shalt  }
0x77: {  	_ =	shalt  }
0x78: {  	_ =	shalt  }
0x79: {  	_ =	shalt  }
0x7a: {  	_ =	shalt  }
0x7b: {  	_ =	shalt  }
0x7c: {  	_ =	shalt  }
0x7d: {  	_ =	shalt  }
0x7e: {  	_ =	shalt  }
0x7f: {  	_ =	shalt  }
0x80: {  	_ =	shalt  }
0x81: {  	_ =	shalt  }
0x82: {  	_ =	shalt  }
0x83: {  	_ =	shalt  }
0x84: {  	_ =	shalt  }
0x85: {  	_ =	shalt  }
0x86: {  	_ =	shalt  }
0x87: {  	_ =	shalt  }
.Lfunc_end0:
.L_simem_size_0:
called_computation.1_lowered:
.L_overlay_start_0:
0x88: {  	s2 =	sld [smem:$0x3FD9]  }
0x89: {  	s3 =	sld [smem:$0x3FFE];
	_ =	sdelay $0x1  }
0x8a: {  	s1 =	srdreg.scid  }
0x8b: {  	s0 =	sand.u32 $0x1, s1  }
0x8c: {  	s16 =	sshll.u32 s0, $0xA;
	s2 =	sadd.s32 s3, s2  }
0x8d: {  	s2 =	sadd.s32 s2, s16  }
0x8e: {  	[smem:$0x3FBD] =	sst s2  }
0x8f: {  	_ = 	snop  }
0x90: {  	(tm) =	ssettm $0x1  }
0x91: {  	s17 =	sld [smem:$0x3FFB];
	_ =	sdelay $0x3  }
0x92: {  	_ =	strace s17  }
0x93: {  	s2 =	sld [smem:$0x3FFC];
	_ =	sdelay $0x3  }
0x94: {  	_ =	strace s2  }
0x95: {  	s2 =	sld [smem:$0x3FFD];
	_ =	sdelay $0x3  }
0x96: {  	_ =	strace s2  }
0x97: {  	_ =	strace $0x8FFFFFFF  }
0x98: {  	s18 =	sld [smem:$0x3FDB];
	_ =	sdelay $0x1  }
0x99: {  	s19 =	simm.s32 $_scs_section_size  }
0x9a: {  	s4 =	simm.s32 $_size__tile_overlayer_lowered;
	s5 =	simm.s32 $_tile_overlayer_lowered  }
0x9b: {  	s22 =	simm.s32 $0x1BFF;
	s21 =	sshll.u32 s5, $0x1;
	s2 =	sadd.s32 s19, s18  }
0x9c: {  	s6 =	simm.s32 $0x0;
	s20 =	sshll.u32 s4, $0x1;
	s4 =	sadd.s32 s21, s2  }
0x9d: {  	[timem:s6], [sflag:s22] =	dma.local [hbm:s4], s20  }
0x9e: {  	_ =	swait.ge [sflag:s22], s20  }
0x9f: {  	s3 =	ssub.s32 $0x0, s20;
	[sflag:s22] =	ssyncset.done $0x0  }
0xa0: {  	[sflag:s22] =	ssyncadd.s32 s3;
	_ =	sdelay $0x1  }
0xa1: {  	s23 =	simm.s32 $0x1B8B  }
0xa2: {  	_ =	swait.ge [sflag:s23], $0x1  }
0xa3: {  	[sflag:s23] =	ssyncset.done $0x0  }
0xa4: {  	s25 =	simm.s32 $0x1B8E;
	s24 =	sld [smem:$0x3FFE];
	[sflag:s23] =	ssyncadd.s32 $0xFFFFFFFF  }
0xa5: {  	s26 =	simm.s32 $execute0_lowered;
	[smem:$0x3FD2] =	sst s25  }
0xa6: {  	s4 =	sshll.u32 s26, $0x1;
	_ =	strace $0x80000049;
	[dreg:$0x1] =	wrdreg $0xFFFFFFFF  }
0xa7: {  	s28 =	simm.s32 $_size_execute0_lowered;
	s2 =	sadd.s32 s2, s4;
	[dreg:$0x0] =	wrdreg $0x0  }
0xa8: {  	s4 =	sshll.u32 s28, $0x1;
	[dreg:$0x2] =	wrdreg s2  }
0xa9: {  	[dreg:$0x3] =	wrdreg s4  }
0xaa: {  	[dreg:$0x4] =	wrdreg $0xC0  }
0xab: {  	_ =	task [dreg:s6], $0x5FFFF  }
0xac: {  	[dreg:$0x1] =	wrdreg $0xFFFFFFFF  }
0xad: {  	[dreg:$0x0] =	wrdreg $0x60  }
0xae: {  	[dreg:$0x2] =	wrdreg s24  }
0xaf: {  	[dreg:$0x3] =	wrdreg $0xC0000  }
0xb0: {  	[dreg:$0x4] =	wrdreg $0x9  }
0xb1: {  	_ =	task.clear_ibuf [dreg:s6], $0x5FFFF;
	_ =	strace $0x90000049  }
0xb2: {  	s29 =	simm.s32 $0x9;
	_ =	strace $0x8000004B  }
0xb3: {  	_ =	swait.ge [sflag:s29], $0x1  }
0xb4: {  	[sflag:s29] =	ssyncadd.s32 $0xFFFFFFFF  }
0xb5: {  	_ =	strace $0x9000004B  }
0xb6: {  	_ =	sfence  }
0xb7: {  	s30 =	sld [smem:$0x0];
	_ =	sdelay $0x2  }
0xb8: {  	s31 =	sshll.u32 s1, $0xD;
	s1 =	sshrl.u32 s1, $0x2  }
0xb9: {  	s3 =	sand.u32 $0x4000, s31;
	s1 =	sadd.s32 s1, s30  }
0xba: {  	s0 =	sor.u32 s3, s0;
	s1 =	sshll.u32 s1, $0x11  }
0xbb: {  	s0 =	sor.u32 s1, s0  }
0xbc: {  	s0 =	sadd.s32 $0x8F2B, s0  }
0xbd: {  	[sflag:s0] =	ssyncadd.remote.s32 $0x1  }
0xbe: {  	_ =	sfence.sel $0xFFFF  }
0xbf: {  	[dreg:$0x0] =	wrdreg $0xFFFFFFFF;
	(pc) =	sbr.abs _section_cstart, $3  }
0xc0: {  	[dreg:$0x1] =	wrdreg $0xFFFFFFFF  }
0xc1: {  	_ =	task.clear_ibuf [dreg:s6], $0x2FFFF;
	_ =	strace $0x9FFFFFFF  }
0xc2: {  	(tm) =	ssettm $0x7FFFFFFF  }
0xc3: {  	_ =	shalt  }
tec
execute0_lowered:
.L_overlay_start_1:
0x0: {  	(tag) =	ssettag $0x1  }
0x1: {  	s5 =	rddreg [dreg:$0x0];
	s12 =	stileid.u32  }
0x2: {  	s0 =	srdreg.scid;
	s2 =	rddreg [dreg:$0x1];
	s3 =	simm.s32 $0x0  }
0x3: {  	s18 =	simm.s32 $0x80;
	s19 =	simm.s32 $0x100;
	s20 =	simm.s32 $0x180  }
0x4: {  	s21 =	simm.s32 $0x200;
	s22 =	simm.s32 $0x1080;
	[smem:$0x7FF] =	sst s3  }
0x5: {  	s23 =	simm.s32 $0x280;
	_ =	strace $0x8000004A;
	[dreg:$0x5] =	wrdreg s18  }
0x6: {  	s24 =	simm.s32 $0x1100;
	s26 =	simm.s32 $0x300;
	[dreg:$0x6] =	wrdreg s19  }
0x7: {  	s15 =	simm.s32 $0x1200;
	s28 =	simm.s32 $0x9800;
	[dreg:$0x7] =	wrdreg s20  }
0x8: {  	s29 =	simm.s32 $0x1;
	s30 =	simm.s32 $0x2;
	[dreg:$0x8] =	wrdreg s21  }
0x9: {  	s31 =	simm.s32 $0x3;
	s0 =	sand.u32 $0x1, s0;
	[dreg:$0x9] =	wrdreg s22  }
0xa: {  	s1 =	smul.u32 $0xA000, s12;
	s25 =	sadd.s32 $0x65A00, s5;
	[dreg:$0xa] =	wrdreg s23  }
0xb: {  	s7 =	smul.u32 $0x2700, s12;
	s4 =	sadd.s32 $0x3EA00, s5;
	[smem:$0x7E8] =	sst s25  }
0xc: {  	s10 =	smul.u32 $0x4E000, s12;
	s11 =	sadd.s32 $0x8CE00, s5;
	[dreg:$0xb] =	wrdreg s24  }
0xd: {  	p1 =	seq.s32 s12, $0x0;
	s13 =	sadd.s32 $0x138000, s2;
	[dreg:$0xc] =	wrdreg s26  }
0xe: {  	p4 =	sne.s32 s12, $0x0;
	s6 =	smul.u32 $0x5000, s0;
	[dreg:$0xf] =	wrdreg s15  }
0xf: {  	s8 =	ssub.s32 $0x2, s0;
	s18 =	simm.s32 $0x1280;
	[smem:$0x7F7] =	sst s13  }
0x10: {  	p0 =	seq.s32 s0, $0x1;
	s20 =	simm.s32 $0x480;
	[dreg:$0x11] =	wrdreg s18  }
0x11: {  	s14 =	smul.u32 $0x138800, s0;
	s21 =	simm.s32 $0x1300;
	[dreg:$0x12] =	wrdreg s20  }
0x12: {  	s22 =	simm.s32 $0x500;
	s24 =	simm.s32 $0x1380;
	[dreg:$0x13] =	wrdreg s21  }
0x13: {  	s25 =	simm.s32 $0x580;
	s26 =	simm.s32 $0x1400;
	[dreg:$0x14] =	wrdreg s22  }
0x14: {  	p2 =	sne.s32 s0, $0x0;
	s15 =	simm.s32 $0x700;
	[dreg:$0x15] =	wrdreg s24  }
0x15: {  	s16 =	sadd.s32 s7, s5;
	s9 =	sshrl.u32 s8, $0x1;
	[dreg:$0x16] =	wrdreg s25  }
0x16: {  	s10 =	sshrl.u32 s10, $0x2;
	s7 =	sadd.s32 s4, s7;
	[dreg:$0x17] =	wrdreg s26  }
0x17: {  	p1 =	por !p1, !p0;
	[dreg:$0x1c] =	wrdreg s15;
	s18 =	simm.s32 $0x1600  }
0x18: {  	s20 =	simm.s32 $0x1680;
	s21 =	simm.s32 $0x880;
	[smem:$0x7E6] =	sst s7  }
0x19: {  	s22 =	simm.s32 $0x1700;
	s24 =	simm.s32 $0x1780;
	[dreg:$0x1f] =	wrdreg s18  }
0x1a: {  	s25 =	simm.s32 $0x980;
	s26 =	simm.s32 $0x1800;
	[smem:$0x7F4] =	sst s20  }
0x1b: {  	s15 =	simm.s32 $0x1B00;
	s1 =	sadd.s32 s6, s1;
	[smem:$0x7F6] =	sst s21  }
0x1c: {  	s8 =	ssub.s32 s8, s9;
	s10 =	sadd.s32 s10, s2;
	[smem:$0x7F9] =	sst s22  }
0x1d: {  	s6 =	sadd.s32 $0x65C00, s16;
	s7 =	simm.s32 $0x1180;
	[smem:$0x7FB] =	sst s24  }
0x1e: {  	p1 =	por !p1, !p1;
	s9 =	simm.s32 $0x380;
	[smem:$0x7FC] =	sst s25  }
0x1f: {  	s16 =	smul.u32 $0x13800, s12;
	s23 =	sshrl.u32 s14, $0x3;
	[smem:$0x7FD] =	sst s26  }
0x20: {  	s21 =	simm.s32 $0x5;
	s22 =	simm.s32 $0x1000;
	[smem:$0x7E7] =	sst s6  }
0x21: {  	s24 =	simm.s32 $0x2000;
	s25 =	simm.s32 $0x4800;
	[dreg:$0xd] =	wrdreg s7  }
0x22: {  	s26 =	simm.s32 $0x7000;
	s1 =	sshrl.u32 s1, $0x3;
	[dreg:$0xe] =	wrdreg s9  }
0x23: {  	s7 =	smax.u32 s8, $0x1;
	s8 =	simm.s32 $0x600;
	[smem:$0x7F0] =	sst s10  }
0x24: {  	s9 =	simm.s32 $0x1480;
	s1 =	sadd.s32 s1, s5;
	[smem:$0x7EC] =	sst s7  }
0x25: {  	s5 =	sadd.s32 $0x8CC00, s5;
	s19 =	sadd.s32 s16, s14;
	[dreg:$0x18] =	wrdreg s8  }
0x26: {  	[dreg:$0x19] =	wrdreg s9;
	s14 =	simm.s32 $0x1500;
	s16 =	simm.s32 $0x1580  }
0x27: {  	s7 =	simm.s32 $0xA80;
	s9 =	simm.s32 $0x1900;
	[smem:$0x7E9] =	sst s5  }
0x28: {  	s17 =	sadd.s32 $0x16A00, s1;
	s1 =	sadd.s32 $0x2AA00, s1;
	[dreg:$0x1b] =	wrdreg s14  }
0x29: {  	s6 =	sshrl.u32 s19, $0x3;
	s5 =	sshll.u32 @!p2 s12, $0x6;
	[dreg:$0x1d] =	wrdreg s16  }
0x2a: {  	s19 =	simm.s32 $0x800;
	s14 =	simm.s32 $0xC00;
	[dreg:$0x3] =	wrdreg s17  }
0x2b: {  	s16 =	simm.s32 $0x1B80;
	[dreg:$0x4] =	wrdreg s1;
	s1 =	sor.u32 s12, s0  }
0x2c: {  	s17 =	simm.s32 $0x400;
	s6 =	sadd.s32 s11, s6;
	[smem:$0x7F2] =	sst s19  }
0x2d: {  	s5 =	sor.u32 @!p2 $0x1C05, s5;
	s0 =	simm.s32 $0x4;
	[dreg:$0x10] =	wrdreg s17  }
0x2e: {  	s19 =	simm.s32 $0x0;
	[smem:$0x7EA] =	sst s6;
	s6 =	sadd.s32 s11, s23  }
0x2f: {  	s11 =	simm.s32 $0x680;
	[smem:$0x7ED] =	sst s5;
	s5 =	sshrl.u32 @!p2 s10, $0x3  }
0x30: {  	s17 =	simm.s32 $0x780;
	p3 =	sne.s32 s1, $0x0;
	[dreg:$0x1a] =	wrdreg s11  }
0x31: {  	s23 =	simm.s32 $0x900;
	s6 =	sadd.s32 $0x27000, s6;
	[smem:$0x7EE] =	sst s5  }
0x32: {  	s5 =	sshll.u32 @p0 s12, $0x6;
	[dreg:$0x1e] =	wrdreg s17;
	s1 =	sshll.u32 @!p3 s12, $0x6  }
0x33: {  	[smem:$0x7FA] =	sst s23;
	s23 =	simm.s32 $0x50;
	s11 =	simm.s32 $0x1980  }
0x34: {  	s12 =	simm.s32 $0xB80;
	[smem:$0x7EB] =	sst s6;
	s5 =	sor.u32 @p0 $0x1C05, s5  }
0x35: {  	s17 =	simm.s32 $0x1C00;
	s1 =	sor.u32 @!p3 $0x1C05, s1;
	[smem:$0x7EF] =	sst s5  }
0x36: {  	s6 =	simm.s32 $0x1880;
	s5 =	sshrl.u32 @p0 s10, $0x3;
	[smem:$0x7F3] =	sst s1  }
0x37: {  	s1 =	sshrl.u32 @!p3 s13, $0x3;
	s10 =	simm.s32 $0xB00;
	[smem:$0x7F1] =	sst s5  }
0x38: {  	[smem:$0x7F5] =	sst s1;
	s1 =	sshrl.u32 @p1 s13, $0x3;
	s13 =	simm.s32 $0x1A00  }
0x39: {  	s5 =	simm.s32 $0x1A80;
	[smem:$0x7F8] =	sst s1;
	s1 =	simm.s32 $0xA00  }
.LBB2_1:
0x3a: {  	[smem:$0x7E5] =	sst s19  }
0x3b: {  	s8 =	sld [smem:$0x7E6]  }
0x3c: {  	s18 =	sld [smem:$0x7ED]  }
0x3d: {  	s19 =	sld [smem:$0x7EE];
	_ =	sdelay $0x2  }
0x3e: {  	[spmem:s19], [sflag:s18] =	dma.local @!p2 [hbm:s8], $0x2700  }
0x3f: {  	s18 =	simm.s32 @!p2 $0x5  }
0x40: {  	_ =	swait.ge @!p2 [sflag:s18], $0x2700  }
0x41: {  	s8 =	sld [smem:$0x7E7]  }
0x42: {  	[sflag:s18] =	ssyncset.done @!p2 $0x0;
	s19 =	sld [smem:$0x7F1]  }
0x43: {  	[sflag:s18] =	ssyncadd.s32 @!p2 $0xFFFFD900;
	s18 =	sld [smem:$0x7EF];
	_ =	sdelay $0x2  }
0x44: {  	[spmem:s19], [sflag:s18] =	dma.local @p0 [hbm:s8], $0x2700  }
0x45: {  	s18 =	simm.s32 @p0 $0x5  }
0x46: {  	_ =	swait.ge @p0 [sflag:s18], $0x2700  }
0x47: {  	s8 =	sld [smem:$0x7E8]  }
0x48: {  	[sflag:s18] =	ssyncset.done @p0 $0x0;
	s19 =	sld [smem:$0x7F5]  }
0x49: {  	[sflag:s18] =	ssyncadd.s32 @p0 $0xFFFFD900;
	s18 =	sld [smem:$0x7F3];
	_ =	sdelay $0x2  }
0x4a: {  	[spmem:s19], [sflag:s18] =	dma.local @!p3 [hbm:s8], $0x100  }
0x4b: {  	s18 =	simm.s32 @!p3 $0x5  }
0x4c: {  	_ =	swait.ge @!p3 [sflag:s18], $0x100  }
0x4d: {  	s8 =	sld [smem:$0x7E9]  }
0x4e: {  	s19 =	sld [smem:$0x7F8]  }
0x4f: {  	[sflag:s18] =	ssyncset.done @!p3 $0x0  }
0x50: {  	[sflag:s18] =	ssyncadd.s32 @!p3 $0xFFFFFF00;
	s18 =	simm.s32 @p1 $0x1C05  }
0x51: {  	[spmem:s19], [sflag:s18] =	dma.local @p1 [hbm:s8], $0x100  }
0x52: {  	s18 =	simm.s32 @p1 $0x5  }
0x53: {  	_ =	swait.ge @p1 [sflag:s18], $0x100  }
0x54: {  	[sflag:s18] =	ssyncset.done @p1 $0x0  }
0x55: {  	[sflag:s18] =	ssyncadd.s32 @p1 $0xFFFFFF00  }
0x56: {  	[bflag:$0x0] =	sbarrier.arrive $0xFFFF  }
0x57: {  	s20 =	rddreg [dreg:$0x4]  }
0x58: {  	s18 =	sadd.s32 $0x0, s20  }
0x59: {  	[tilespmem:s3], [sflag:$0x5] =	stream.linear.gather [hbm4b:s18+s3], $0xC80, $0x38;
	[tilespmem:$0x1F880] =	vst v63  }
0x5a: {  	_ =	swait.ge [sflag:s21], $0xC80  }
0x5b: {  	s8 =	rddreg [dreg:$0x3];
	[sflag:s21] =	ssyncset.done $0x0  }
0x5c: {  	[sflag:s21] =	ssyncadd.s32 $0xFFFFF380;
	s18 =	sadd.s32 $0x0, s8  }
0x5d: {  	[tilespmem:s22], [sflag:$0x5] =	stream.linear.gather [hbm4b:s18+s3], $0xC80, $0x38;
	[tilespmem:$0x1F880] =	vst v63  }
0x5e: {  	_ =	swait.ge [sflag:s21], $0xC80  }
0x5f: {  	[sflag:s21] =	ssyncset.done $0x0  }
0x60: {  	[sflag:s21] =	ssyncadd.s32 $0xFFFFF380  }
0x61: {  	[tilespmem:s24], [sflag:$0x1] =	stream.indirect.gather [hbm4b:s4+s23], $0x80, s3, s23, $0xb8;
	[tilespmem:$0x1F880] =	vst v63  }
0x62: {  	s19 =	rddreg [dreg:$0x5]  }
0x63: {  	[tilespmem:s25], [sflag:$0x2] =	stream.indirect.gather [hbm4b:s4+s23], $0x80, s19, s23, $0xb8;
	[tilespmem:$0x1F880] =	vst v63  }
0x64: {  	s20 =	rddreg [dreg:$0x6]  }
0x65: {  	[tilespmem:s26], [sflag:$0x3] =	stream.indirect.gather [hbm4b:s4+s23], $0x80, s20, s23, $0xb8;
	[tilespmem:$0x1F880] =	vst v63  }
0x66: {  	s8 =	rddreg [dreg:$0x7]  }
0x67: {  	[tilespmem:s28], [sflag:$0x4] =	stream.indirect.gather [hbm4b:s4+s23], $0x80, s8, s23, $0xb8;
	[tilespmem:$0x1F880] =	vst v63  }
0x68: {  	_ =	swait.ge [sflag:s29], $0x2800  }
0x69: {  	[sflag:s29] =	ssyncset.done $0x0  }
0x6a: {  	[sflag:s29] =	ssyncadd.s32 $0xFFFFD800  }
0x6b: {  	[spmem:s2] =	stream.indirect.scatter.add.f32 [tilespmem:s24], [sflag:$0x5], $0x80, s22, s23, $0xb8;
	[tilespmem:$0x1F880] =	vst v63  }
0x6c: {  	_ =	swait.ge [sflag:s21], $0x2800  }
0x6d: {  	[sflag:s21] =	ssyncset.done $0x0  }
0x6e: {  	s19 =	rddreg [dreg:$0x8];
	[sflag:s21] =	ssyncadd.s32 $0xFFFFD800  }
0x6f: {  	[tilespmem:s24], [sflag:$0x1] =	stream.indirect.gather [hbm4b:s4+s23], $0x80, s19, s23, $0xb8;
	[tilespmem:$0x1F880] =	vst v63  }
0x70: {  	_ =	swait.ge [sflag:s30], $0x2800  }
0x71: {  	[sflag:s30] =	ssyncset.done $0x0  }
0x72: {  	s20 =	rddreg [dreg:$0x9];
	[sflag:s30] =	ssyncadd.s32 $0xFFFFD800  }
0x73: {  	[spmem:s2] =	stream.indirect.scatter.add.f32 [tilespmem:s25], [sflag:$0x5], $0x80, s20, s23, $0xb8;
	[tilespmem:$0x1F880] =	vst v63  }
0x74: {  	_ =	swait.ge [sflag:s21], $0x2800  }
0x75: {  	[sflag:s21] =	ssyncset.done $0x0  }
0x76: {  	s8 =	rddreg [dreg:$0xa];
	[sflag:s21] =	ssyncadd.s32 $0xFFFFD800  }
0x77: {  	[tilespmem:s25], [sflag:$0x2] =	stream.indirect.gather [hbm4b:s4+s23], $0x80, s8, s23, $0xb8;
	[tilespmem:$0x1F880] =	vst v63  }
0x78: {  	_ =	swait.ge [sflag:s31], $0x2800  }
0x79: {  	[sflag:s31] =	ssyncset.done $0x0  }
0x7a: {  	s19 =	rddreg [dreg:$0xb];
	[sflag:s31] =	ssyncadd.s32 $0xFFFFD800  }
0x7b: {  	[spmem:s2] =	stream.indirect.scatter.add.f32 [tilespmem:s26], [sflag:$0x5], $0x80, s19, s23, $0xb8;
	[tilespmem:$0x1F880] =	vst v63  }
0x7c: {  	_ =	swait.ge [sflag:s21], $0x2800  }
0x7d: {  	[sflag:s21] =	ssyncset.done $0x0  }
0x7e: {  	s20 =	rddreg [dreg:$0xc];
	[sflag:s21] =	ssyncadd.s32 $0xFFFFD800  }
0x7f: {  	[tilespmem:s26], [sflag:$0x3] =	stream.indirect.gather [hbm4b:s4+s23], $0x80, s20, s23, $0xb8;
	[tilespmem:$0x1F880] =	vst v63  }
0x80: {  	_ =	swait.ge [sflag:s0], $0x2800  }
0x81: {  	[sflag:s0] =	ssyncset.done $0x0  }
0x82: {  	s8 =	rddreg [dreg:$0xd];
	[sflag:s0] =	ssyncadd.s32 $0xFFFFD800  }
0x83: {  	[spmem:s2] =	stream.indirect.scatter.add.f32 [tilespmem:s28], [sflag:$0x5], $0x80, s8, s23, $0xb8;
	[tilespmem:$0x1F880] =	vst v63  }
0x84: {  	_ =	swait.ge [sflag:s21], $0x2800  }
0x85: {  	[sflag:s21] =	ssyncset.done $0x0  }
0x86: {  	s19 =	rddreg [dreg:$0xe];
	[sflag:s21] =	ssyncadd.s32 $0xFFFFD800  }
0x87: {  	[tilespmem:s28], [sflag:$0x4] =	stream.indirect.gather [hbm4b:s4+s23], $0x80, s19, s23, $0xb8;
	[tilespmem:$0x1F880] =	vst v63  }
0x88: {  	_ =	swait.ge [sflag:s29], $0x2800  }
0x89: {  	[sflag:s29] =	ssyncset.done $0x0  }
0x8a: {  	s20 =	rddreg [dreg:$0xf];
	[sflag:s29] =	ssyncadd.s32 $0xFFFFD800  }
0x8b: {  	[spmem:s2] =	stream.indirect.scatter.add.f32 [tilespmem:s24], [sflag:$0x5], $0x80, s20, s23, $0xb8;
	[tilespmem:$0x1F880] =	vst v63  }
0x8c: {  	_ =	swait.ge [sflag:s21], $0x2800  }
0x8d: {  	[sflag:s21] =	ssyncset.done $0x0  }
0x8e: {  	s8 =	rddreg [dreg:$0x10];
	[sflag:s21] =	ssyncadd.s32 $0xFFFFD800  }
0x8f: {  	[tilespmem:s24], [sflag:$0x1] =	stream.indirect.gather [hbm4b:s4+s23], $0x80, s8, s23, $0xb8;
	[tilespmem:$0x1F880] =	vst v63  }
0x90: {  	_ =	swait.ge [sflag:s30], $0x2800  }
0x91: {  	[sflag:s30] =	ssyncset.done $0x0  }
0x92: {  	s19 =	rddreg [dreg:$0x11];
	[sflag:s30] =	ssyncadd.s32 $0xFFFFD800  }
0x93: {  	[spmem:s2] =	stream.indirect.scatter.add.f32 [tilespmem:s25], [sflag:$0x5], $0x80, s19, s23, $0xb8;
	[tilespmem:$0x1F880] =	vst v63  }
0x94: {  	_ =	swait.ge [sflag:s21], $0x2800  }
0x95: {  	[sflag:s21] =	ssyncset.done $0x0  }
0x96: {  	s20 =	rddreg [dreg:$0x12];
	[sflag:s21] =	ssyncadd.s32 $0xFFFFD800  }
0x97: {  	[tilespmem:s25], [sflag:$0x2] =	stream.indirect.gather [hbm4b:s4+s23], $0x80, s20, s23, $0xb8;
	[tilespmem:$0x1F880] =	vst v63  }
0x98: {  	_ =	swait.ge [sflag:s31], $0x2800  }
0x99: {  	[sflag:s31] =	ssyncset.done $0x0  }
0x9a: {  	s8 =	rddreg [dreg:$0x13];
	[sflag:s31] =	ssyncadd.s32 $0xFFFFD800  }
0x9b: {  	[spmem:s2] =	stream.indirect.scatter.add.f32 [tilespmem:s26], [sflag:$0x5], $0x80, s8, s23, $0xb8;
	[tilespmem:$0x1F880] =	vst v63  }
0x9c: {  	_ =	swait.ge [sflag:s21], $0x2800  }
0x9d: {  	[sflag:s21] =	ssyncset.done $0x0  }
0x9e: {  	s19 =	rddreg [dreg:$0x14];
	[sflag:s21] =	ssyncadd.s32 $0xFFFFD800  }
0x9f: {  	[tilespmem:s26], [sflag:$0x3] =	stream.indirect.gather [hbm4b:s4+s23], $0x80, s19, s23, $0xb8;
	[tilespmem:$0x1F880] =	vst v63  }
0xa0: {  	_ =	swait.ge [sflag:s0], $0x2800  }
0xa1: {  	[sflag:s0] =	ssyncset.done $0x0  }
0xa2: {  	s20 =	rddreg [dreg:$0x15];
	[sflag:s0] =	ssyncadd.s32 $0xFFFFD800  }
0xa3: {  	[spmem:s2] =	stream.indirect.scatter.add.f32 [tilespmem:s28], [sflag:$0x5], $0x80, s20, s23, $0xb8;
	[tilespmem:$0x1F880] =	vst v63  }
0xa4: {  	_ =	swait.ge [sflag:s21], $0x2800  }
0xa5: {  	[sflag:s21] =	ssyncset.done $0x0  }
0xa6: {  	s8 =	rddreg [dreg:$0x16];
	[sflag:s21] =	ssyncadd.s32 $0xFFFFD800  }
0xa7: {  	[tilespmem:s28], [sflag:$0x4] =	stream.indirect.gather [hbm4b:s4+s23], $0x80, s8, s23, $0xb8;
	[tilespmem:$0x1F880] =	vst v63  }
0xa8: {  	_ =	swait.ge [sflag:s29], $0x2800  }
0xa9: {  	[sflag:s29] =	ssyncset.done $0x0  }
0xaa: {  	s19 =	rddreg [dreg:$0x17];
	[sflag:s29] =	ssyncadd.s32 $0xFFFFD800  }
0xab: {  	[spmem:s2] =	stream.indirect.scatter.add.f32 [tilespmem:s24], [sflag:$0x5], $0x80, s19, s23, $0xb8;
	[tilespmem:$0x1F880] =	vst v63  }
0xac: {  	_ =	swait.ge [sflag:s21], $0x2800  }
0xad: {  	[sflag:s21] =	ssyncset.done $0x0  }
0xae: {  	s20 =	rddreg [dreg:$0x18];
	[sflag:s21] =	ssyncadd.s32 $0xFFFFD800  }
0xaf: {  	[tilespmem:s24], [sflag:$0x1] =	stream.indirect.gather [hbm4b:s4+s23], $0x80, s20, s23, $0xb8;
	[tilespmem:$0x1F880] =	vst v63  }
0xb0: {  	_ =	swait.ge [sflag:s30], $0x2800  }
0xb1: {  	[sflag:s30] =	ssyncset.done $0x0  }
0xb2: {  	s8 =	rddreg [dreg:$0x19];
	[sflag:s30] =	ssyncadd.s32 $0xFFFFD800  }
0xb3: {  	[spmem:s2] =	stream.indirect.scatter.add.f32 [tilespmem:s25], [sflag:$0x5], $0x80, s8, s23, $0xb8;
	[tilespmem:$0x1F880] =	vst v63  }
0xb4: {  	_ =	swait.ge [sflag:s21], $0x2800  }
0xb5: {  	[sflag:s21] =	ssyncset.done $0x0  }
0xb6: {  	s19 =	rddreg [dreg:$0x1a];
	[sflag:s21] =	ssyncadd.s32 $0xFFFFD800  }
0xb7: {  	[tilespmem:s25], [sflag:$0x2] =	stream.indirect.gather [hbm4b:s4+s23], $0x80, s19, s23, $0xb8;
	[tilespmem:$0x1F880] =	vst v63  }
0xb8: {  	_ =	swait.ge [sflag:s31], $0x2800  }
0xb9: {  	[sflag:s31] =	ssyncset.done $0x0  }
0xba: {  	s20 =	rddreg [dreg:$0x1b];
	[sflag:s31] =	ssyncadd.s32 $0xFFFFD800  }
0xbb: {  	[spmem:s2] =	stream.indirect.scatter.add.f32 [tilespmem:s26], [sflag:$0x5], $0x80, s20, s23, $0xb8;
	[tilespmem:$0x1F880] =	vst v63  }
0xbc: {  	_ =	swait.ge [sflag:s21], $0x2800  }
0xbd: {  	[sflag:s21] =	ssyncset.done $0x0  }
0xbe: {  	s8 =	rddreg [dreg:$0x1c];
	[sflag:s21] =	ssyncadd.s32 $0xFFFFD800  }
0xbf: {  	[tilespmem:s26], [sflag:$0x3] =	stream.indirect.gather [hbm4b:s4+s23], $0x80, s8, s23, $0xb8;
	[tilespmem:$0x1F880] =	vst v63  }
0xc0: {  	_ =	swait.ge [sflag:s0], $0x2800  }
0xc1: {  	[sflag:s0] =	ssyncset.done $0x0  }
0xc2: {  	s19 =	rddreg [dreg:$0x1d];
	[sflag:s0] =	ssyncadd.s32 $0xFFFFD800  }
0xc3: {  	[spmem:s2] =	stream.indirect.scatter.add.f32 [tilespmem:s28], [sflag:$0x5], $0x80, s19, s23, $0xb8;
	[tilespmem:$0x1F880] =	vst v63  }
0xc4: {  	_ =	swait.ge [sflag:s21], $0x2800  }
0xc5: {  	[sflag:s21] =	ssyncset.done $0x0  }
0xc6: {  	s20 =	rddreg [dreg:$0x1e];
	[sflag:s21] =	ssyncadd.s32 $0xFFFFD800  }
0xc7: {  	[tilespmem:s28], [sflag:$0x4] =	stream.indirect.gather [hbm4b:s4+s23], $0x80, s20, s23, $0xb8;
	[tilespmem:$0x1F880] =	vst v63  }
0xc8: {  	_ =	swait.ge [sflag:s29], $0x2800  }
0xc9: {  	[sflag:s29] =	ssyncset.done $0x0  }
0xca: {  	s8 =	rddreg [dreg:$0x1f];
	[sflag:s29] =	ssyncadd.s32 $0xFFFFD800  }
0xcb: {  	[spmem:s2] =	stream.indirect.scatter.add.f32 [tilespmem:s24], [sflag:$0x5], $0x80, s8, s23, $0xb8;
	[tilespmem:$0x1F880] =	vst v63  }
0xcc: {  	_ =	swait.ge [sflag:s21], $0x2800  }
0xcd: {  	s19 =	sld [smem:$0x7F2]  }
0xce: {  	[sflag:s21] =	ssyncset.done $0x0  }
0xcf: {  	[sflag:s21] =	ssyncadd.s32 $0xFFFFD800  }
0xd0: {  	[tilespmem:s24], [sflag:$0x1] =	stream.indirect.gather [hbm4b:s4+s23], $0x80, s19, s23, $0xb8;
	[tilespmem:$0x1F880] =	vst v63  }
0xd1: {  	_ =	swait.ge [sflag:s30], $0x2800  }
0xd2: {  	s20 =	sld [smem:$0x7F4]  }
0xd3: {  	[sflag:s30] =	ssyncset.done $0x0  }
0xd4: {  	[sflag:s30] =	ssyncadd.s32 $0xFFFFD800  }
0xd5: {  	[spmem:s2] =	stream.indirect.scatter.add.f32 [tilespmem:s25], [sflag:$0x5], $0x80, s20, s23, $0xb8;
	[tilespmem:$0x1F880] =	vst v63  }
0xd6: {  	_ =	swait.ge [sflag:s21], $0x2800  }
0xd7: {  	s8 =	sld [smem:$0x7F6]  }
0xd8: {  	[sflag:s21] =	ssyncset.done $0x0  }
0xd9: {  	[sflag:s21] =	ssyncadd.s32 $0xFFFFD800  }
0xda: {  	[tilespmem:s25], [sflag:$0x2] =	stream.indirect.gather [hbm4b:s4+s23], $0x80, s8, s23, $0xb8;
	[tilespmem:$0x1F880] =	vst v63  }
0xdb: {  	_ =	swait.ge [sflag:s31], $0x2800  }
0xdc: {  	s19 =	sld [smem:$0x7F9]  }
0xdd: {  	[sflag:s31] =	ssyncset.done $0x0  }
0xde: {  	[sflag:s31] =	ssyncadd.s32 $0xFFFFD800  }
0xdf: {  	[spmem:s2] =	stream.indirect.scatter.add.f32 [tilespmem:s26], [sflag:$0x5], $0x80, s19, s23, $0xb8;
	[tilespmem:$0x1F880] =	vst v63  }
0xe0: {  	_ =	swait.ge [sflag:s21], $0x2800  }
0xe1: {  	s20 =	sld [smem:$0x7FA]  }
0xe2: {  	[sflag:s21] =	ssyncset.done $0x0  }
0xe3: {  	[sflag:s21] =	ssyncadd.s32 $0xFFFFD800  }
0xe4: {  	[tilespmem:s26], [sflag:$0x3] =	stream.indirect.gather [hbm4b:s4+s23], $0x80, s20, s23, $0xb8;
	[tilespmem:$0x1F880] =	vst v63  }
0xe5: {  	_ =	swait.ge [sflag:s0], $0x2800  }
0xe6: {  	s8 =	sld [smem:$0x7FB]  }
0xe7: {  	[sflag:s0] =	ssyncset.done $0x0  }
0xe8: {  	[sflag:s0] =	ssyncadd.s32 $0xFFFFD800  }
0xe9: {  	[spmem:s2] =	stream.indirect.scatter.add.f32 [tilespmem:s28], [sflag:$0x5], $0x80, s8, s23, $0xb8;
	[tilespmem:$0x1F880] =	vst v63  }
0xea: {  	_ =	swait.ge [sflag:s21], $0x2800  }
0xeb: {  	s19 =	sld [smem:$0x7FC]  }
0xec: {  	[sflag:s21] =	ssyncset.done $0x0  }
0xed: {  	[sflag:s21] =	ssyncadd.s32 $0xFFFFD800  }
0xee: {  	[tilespmem:s28], [sflag:$0x4] =	stream.indirect.gather [hbm4b:s4+s23], $0x80, s19, s23, $0xb8;
	[tilespmem:$0x1F880] =	vst v63  }
0xef: {  	_ =	swait.ge [sflag:s29], $0x2800  }
0xf0: {  	s20 =	sld [smem:$0x7FD]  }
0xf1: {  	[sflag:s29] =	ssyncset.done $0x0  }
0xf2: {  	[sflag:s29] =	ssyncadd.s32 $0xFFFFD800  }
0xf3: {  	[spmem:s2] =	stream.indirect.scatter.add.f32 [tilespmem:s24], [sflag:$0x5], $0x80, s20, s23, $0xb8;
	[tilespmem:$0x1F880] =	vst v63  }
0xf4: {  	_ =	swait.ge [sflag:s21], $0x2800  }
0xf5: {  	[sflag:s21] =	ssyncset.done $0x0  }
0xf6: {  	[sflag:s21] =	ssyncadd.s32 $0xFFFFD800  }
0xf7: {  	[tilespmem:s24], [sflag:$0x1] =	stream.indirect.gather [hbm4b:s4+s23], $0x80, s1, s23, $0xb8;
	[tilespmem:$0x1F880] =	vst v63  }
0xf8: {  	_ =	swait.ge [sflag:s30], $0x2800  }
0xf9: {  	[sflag:s30] =	ssyncset.done $0x0  }
0xfa: {  	[sflag:s30] =	ssyncadd.s32 $0xFFFFD800  }
0xfb: {  	[spmem:s2] =	stream.indirect.scatter.add.f32 [tilespmem:s25], [sflag:$0x5], $0x80, s6, s23, $0xb8;
	[tilespmem:$0x1F880] =	vst v63  }
0xfc: {  	_ =	swait.ge [sflag:s21], $0x2800  }
0xfd: {  	[sflag:s21] =	ssyncset.done $0x0  }
0xfe: {  	[sflag:s21] =	ssyncadd.s32 $0xFFFFD800  }
0xff: {  	[tilespmem:s25], [sflag:$0x2] =	stream.indirect.gather [hbm4b:s4+s23], $0x80, s7, s23, $0xb8;
	[tilespmem:$0x1F880] =	vst v63  }
0x100: {  	_ =	swait.ge [sflag:s31], $0x2800  }
0x101: {  	[sflag:s31] =	ssyncset.done $0x0  }
0x102: {  	[sflag:s31] =	ssyncadd.s32 $0xFFFFD800  }
0x103: {  	[spmem:s2] =	stream.indirect.scatter.add.f32 [tilespmem:s26], [sflag:$0x5], $0x80, s9, s23, $0xb8;
	[tilespmem:$0x1F880] =	vst v63  }
0x104: {  	_ =	swait.ge [sflag:s21], $0x2800  }
0x105: {  	[sflag:s21] =	ssyncset.done $0x0  }
0x106: {  	[sflag:s21] =	ssyncadd.s32 $0xFFFFD800  }
0x107: {  	[tilespmem:s26], [sflag:$0x3] =	stream.indirect.gather [hbm4b:s4+s23], $0x80, s10, s23, $0xb8;
	[tilespmem:$0x1F880] =	vst v63  }
0x108: {  	_ =	swait.ge [sflag:s0], $0x2800  }
0x109: {  	[sflag:s0] =	ssyncset.done $0x0  }
0x10a: {  	[sflag:s0] =	ssyncadd.s32 $0xFFFFD800  }
0x10b: {  	[spmem:s2] =	stream.indirect.scatter.add.f32 [tilespmem:s28], [sflag:$0x5], $0x80, s11, s23, $0xb8;
	[tilespmem:$0x1F880] =	vst v63  }
0x10c: {  	_ =	swait.ge [sflag:s21], $0x2800  }
0x10d: {  	[sflag:s21] =	ssyncset.done $0x0  }
0x10e: {  	[sflag:s21] =	ssyncadd.s32 $0xFFFFD800  }
0x10f: {  	[tilespmem:s28], [sflag:$0x4] =	stream.indirect.gather [hbm4b:s4+s23], $0x80, s12, s23, $0xb8;
	[tilespmem:$0x1F880] =	vst v63  }
0x110: {  	_ =	swait.ge [sflag:s29], $0x2800  }
0x111: {  	[sflag:s29] =	ssyncset.done $0x0  }
0x112: {  	[sflag:s29] =	ssyncadd.s32 $0xFFFFD800  }
0x113: {  	[spmem:s2] =	stream.indirect.scatter.add.f32 [tilespmem:s24], [sflag:$0x5], $0x80, s13, s23, $0xb8;
	[tilespmem:$0x1F880] =	vst v63  }
0x114: {  	_ =	swait.ge [sflag:s21], $0x2800  }
0x115: {  	[sflag:s21] =	ssyncset.done $0x0  }
0x116: {  	[sflag:s21] =	ssyncadd.s32 $0xFFFFD800  }
0x117: {  	[tilespmem:s24], [sflag:$0x1] =	stream.indirect.gather [hbm4b:s4+s23], $0x80, s14, s23, $0xb8;
	[tilespmem:$0x1F880] =	vst v63  }
0x118: {  	_ =	swait.ge [sflag:s30], $0x2800  }
0x119: {  	[sflag:s30] =	ssyncset.done $0x0  }
0x11a: {  	[sflag:s30] =	ssyncadd.s32 $0xFFFFD800  }
0x11b: {  	[spmem:s2] =	stream.indirect.scatter.add.f32 [tilespmem:s25], [sflag:$0x5], $0x80, s5, s23, $0xb8;
	[tilespmem:$0x1F880] =	vst v63  }
0x11c: {  	_ =	swait.ge [sflag:s21], $0x2800  }
0x11d: {  	[sflag:s21] =	ssyncset.done $0x0  }
0x11e: {  	[sflag:s21] =	ssyncadd.s32 $0xFFFFD800  }
0x11f: {  	_ =	swait.ge [sflag:s31], $0x2800  }
0x120: {  	[sflag:s31] =	ssyncset.done $0x0  }
0x121: {  	[sflag:s31] =	ssyncadd.s32 $0xFFFFD800  }
0x122: {  	[spmem:s2] =	stream.indirect.scatter.add.f32 [tilespmem:s26], [sflag:$0x5], $0x80, s15, s23, $0xb8;
	[tilespmem:$0x1F880] =	vst v63  }
0x123: {  	_ =	swait.ge [sflag:s21], $0x2800  }
0x124: {  	[sflag:s21] =	ssyncset.done $0x0  }
0x125: {  	[sflag:s21] =	ssyncadd.s32 $0xFFFFD800  }
0x126: {  	_ =	swait.ge [sflag:s0], $0x2800  }
0x127: {  	[sflag:s0] =	ssyncset.done $0x0  }
0x128: {  	[sflag:s0] =	ssyncadd.s32 $0xFFFFD800  }
0x129: {  	[spmem:s2] =	stream.indirect.scatter.add.f32 [tilespmem:s28], [sflag:$0x5], $0x80, s16, s23, $0xb8;
	[tilespmem:$0x1F880] =	vst v63  }
0x12a: {  	_ =	swait.ge [sflag:s21], $0x2800  }
0x12b: {  	[sflag:s21] =	ssyncset.done $0x0  }
0x12c: {  	[sflag:s21] =	ssyncadd.s32 $0xFFFFD800  }
0x12d: {  	_ =	swait.ge [sflag:s29], $0x2800  }
0x12e: {  	[sflag:s29] =	ssyncset.done $0x0  }
0x12f: {  	[sflag:s29] =	ssyncadd.s32 $0xFFFFD800  }
0x130: {  	[spmem:s2] =	stream.indirect.scatter.add.f32 [tilespmem:s24], [sflag:$0x5], $0x80, s17, s23, $0xb8;
	[tilespmem:$0x1F880] =	vst v63  }
0x131: {  	s18 =	simm.s32 $0x200;
	_ =	swait.ge [sflag:s21], $0x2800  }
0x132: {  	s19 =	simm.s32 $0x400;
	s20 =	rddreg [dreg:$0x4];
	[sflag:s21] =	ssyncset.done $0x0  }
.LBB2_2:
0x133: {  	[sflag:s21] =	ssyncadd.s32 $0xFFFFD800;
	s20 =	sadd.s32 s18, s20  }
0x134: {  	[tilespmem:s3], [sflag:$0x5] =	stream.linear.gather [hbm4b:s20+s3], $0xC80, $0x38;
	[tilespmem:$0x1F880] =	vst v63  }
0x135: {  	_ =	swait.ge [sflag:s21], $0xC80  }
0x136: {  	s20 =	rddreg [dreg:$0x3];
	[sflag:s21] =	ssyncset.done $0x0  }
0x137: {  	[sflag:s21] =	ssyncadd.s32 $0xFFFFF380;
	s20 =	sadd.s32 s18, s20  }
0x138: {  	[tilespmem:s22], [sflag:$0x5] =	stream.linear.gather [hbm4b:s20+s3], $0xC80, $0x38;
	[tilespmem:$0x1F880] =	vst v63  }
0x139: {  	_ =	swait.ge [sflag:s21], $0xC80  }
0x13a: {  	[sflag:s21] =	ssyncset.done $0x0  }
0x13b: {  	s8 =	smov.u32 s19;
	[sflag:s21] =	ssyncadd.s32 $0xFFFFF380  }
0x13c: {  	[tilespmem:s24], [sflag:$0x1] =	stream.indirect.gather [hbm4b:s4+s23], $0x80, s3, s23, $0xb8;
	[tilespmem:$0x1F880] =	vst v63  }
0x13d: {  	s18 =	smov.u32 s8;
	s8 =	rddreg [dreg:$0x5]  }
0x13e: {  	[tilespmem:s25], [sflag:$0x2] =	stream.indirect.gather [hbm4b:s4+s23], $0x80, s8, s23, $0xb8;
	[tilespmem:$0x1F880] =	vst v63  }
0x13f: {  	s20 =	rddreg [dreg:$0x6]  }
0x140: {  	[tilespmem:s26], [sflag:$0x3] =	stream.indirect.gather [hbm4b:s4+s23], $0x80, s20, s23, $0xb8;
	[tilespmem:$0x1F880] =	vst v63  }
0x141: {  	s8 =	rddreg [dreg:$0x7]  }
0x142: {  	[tilespmem:s28], [sflag:$0x4] =	stream.indirect.gather [hbm4b:s4+s23], $0x80, s8, s23, $0xb8;
	[tilespmem:$0x1F880] =	vst v63  }
0x143: {  	_ =	swait.ge [sflag:s29], $0x2800  }
0x144: {  	[sflag:s29] =	ssyncset.done $0x0  }
0x145: {  	[sflag:s29] =	ssyncadd.s32 $0xFFFFD800  }
0x146: {  	[spmem:s2] =	stream.indirect.scatter.add.f32 [tilespmem:s24], [sflag:$0x5], $0x80, s22, s23, $0xb8;
	[tilespmem:$0x1F880] =	vst v63  }
0x147: {  	_ =	swait.ge [sflag:s21], $0x2800  }
0x148: {  	[sflag:s21] =	ssyncset.done $0x0  }
0x149: {  	s20 =	rddreg [dreg:$0x8];
	[sflag:s21] =	ssyncadd.s32 $0xFFFFD800  }
0x14a: {  	[tilespmem:s24], [sflag:$0x1] =	stream.indirect.gather [hbm4b:s4+s23], $0x80, s20, s23, $0xb8;
	[tilespmem:$0x1F880] =	vst v63  }
0x14b: {  	_ =	swait.ge [sflag:s30], $0x2800  }
0x14c: {  	[sflag:s30] =	ssyncset.done $0x0  }
0x14d: {  	s20 =	rddreg [dreg:$0x9];
	[sflag:s30] =	ssyncadd.s32 $0xFFFFD800  }
0x14e: {  	[spmem:s2] =	stream.indirect.scatter.add.f32 [tilespmem:s25], [sflag:$0x5], $0x80, s20, s23, $0xb8;
	[tilespmem:$0x1F880] =	vst v63  }
0x14f: {  	_ =	swait.ge [sflag:s21], $0x2800  }
0x150: {  	[sflag:s21] =	ssyncset.done $0x0  }
0x151: {  	s20 =	rddreg [dreg:$0xa];
	[sflag:s21] =	ssyncadd.s32 $0xFFFFD800  }
0x152: {  	[tilespmem:s25], [sflag:$0x2] =	stream.indirect.gather [hbm4b:s4+s23], $0x80, s20, s23, $0xb8;
	[tilespmem:$0x1F880] =	vst v63  }
0x153: {  	_ =	swait.ge [sflag:s31], $0x2800  }
0x154: {  	[sflag:s31] =	ssyncset.done $0x0  }
0x155: {  	s20 =	rddreg [dreg:$0xb];
	[sflag:s31] =	ssyncadd.s32 $0xFFFFD800  }
0x156: {  	[spmem:s2] =	stream.indirect.scatter.add.f32 [tilespmem:s26], [sflag:$0x5], $0x80, s20, s23, $0xb8;
	[tilespmem:$0x1F880] =	vst v63  }
0x157: {  	_ =	swait.ge [sflag:s21], $0x2800  }
0x158: {  	[sflag:s21] =	ssyncset.done $0x0  }
0x159: {  	s20 =	rddreg [dreg:$0xc];
	[sflag:s21] =	ssyncadd.s32 $0xFFFFD800  }
0x15a: {  	[tilespmem:s26], [sflag:$0x3] =	stream.indirect.gather [hbm4b:s4+s23], $0x80, s20, s23, $0xb8;
	[tilespmem:$0x1F880] =	vst v63  }
0x15b: {  	_ =	swait.ge [sflag:s0], $0x2800  }
0x15c: {  	[sflag:s0] =	ssyncset.done $0x0  }
0x15d: {  	s20 =	rddreg [dreg:$0xd];
	[sflag:s0] =	ssyncadd.s32 $0xFFFFD800  }
0x15e: {  	[spmem:s2] =	stream.indirect.scatter.add.f32 [tilespmem:s28], [sflag:$0x5], $0x80, s20, s23, $0xb8;
	[tilespmem:$0x1F880] =	vst v63  }
0x15f: {  	_ =	swait.ge [sflag:s21], $0x2800  }
0x160: {  	[sflag:s21] =	ssyncset.done $0x0  }
0x161: {  	s20 =	rddreg [dreg:$0xe];
	[sflag:s21] =	ssyncadd.s32 $0xFFFFD800  }
0x162: {  	[tilespmem:s28], [sflag:$0x4] =	stream.indirect.gather [hbm4b:s4+s23], $0x80, s20, s23, $0xb8;
	[tilespmem:$0x1F880] =	vst v63  }
0x163: {  	_ =	swait.ge [sflag:s29], $0x2800  }
0x164: {  	[sflag:s29] =	ssyncset.done $0x0  }
0x165: {  	s20 =	rddreg [dreg:$0xf];
	[sflag:s29] =	ssyncadd.s32 $0xFFFFD800  }
0x166: {  	[spmem:s2] =	stream.indirect.scatter.add.f32 [tilespmem:s24], [sflag:$0x5], $0x80, s20, s23, $0xb8;
	[tilespmem:$0x1F880] =	vst v63  }
0x167: {  	_ =	swait.ge [sflag:s21], $0x2800  }
0x168: {  	[sflag:s21] =	ssyncset.done $0x0  }
0x169: {  	s20 =	rddreg [dreg:$0x10];
	[sflag:s21] =	ssyncadd.s32 $0xFFFFD800  }
0x16a: {  	[tilespmem:s24], [sflag:$0x1] =	stream.indirect.gather [hbm4b:s4+s23], $0x80, s20, s23, $0xb8;
	[tilespmem:$0x1F880] =	vst v63  }
0x16b: {  	_ =	swait.ge [sflag:s30], $0x2800  }
0x16c: {  	[sflag:s30] =	ssyncset.done $0x0  }
0x16d: {  	s20 =	rddreg [dreg:$0x11];
	[sflag:s30] =	ssyncadd.s32 $0xFFFFD800  }
0x16e: {  	[spmem:s2] =	stream.indirect.scatter.add.f32 [tilespmem:s25], [sflag:$0x5], $0x80, s20, s23, $0xb8;
	[tilespmem:$0x1F880] =	vst v63  }
0x16f: {  	_ =	swait.ge [sflag:s21], $0x2800  }
0x170: {  	[sflag:s21] =	ssyncset.done $0x0  }
0x171: {  	s20 =	rddreg [dreg:$0x12];
	[sflag:s21] =	ssyncadd.s32 $0xFFFFD800  }
0x172: {  	[tilespmem:s25], [sflag:$0x2] =	stream.indirect.gather [hbm4b:s4+s23], $0x80, s20, s23, $0xb8;
	[tilespmem:$0x1F880] =	vst v63  }
0x173: {  	_ =	swait.ge [sflag:s31], $0x2800  }
0x174: {  	[sflag:s31] =	ssyncset.done $0x0  }
0x175: {  	s20 =	rddreg [dreg:$0x13];
	[sflag:s31] =	ssyncadd.s32 $0xFFFFD800  }
0x176: {  	[spmem:s2] =	stream.indirect.scatter.add.f32 [tilespmem:s26], [sflag:$0x5], $0x80, s20, s23, $0xb8;
	[tilespmem:$0x1F880] =	vst v63  }
0x177: {  	_ =	swait.ge [sflag:s21], $0x2800  }
0x178: {  	[sflag:s21] =	ssyncset.done $0x0  }
0x179: {  	s20 =	rddreg [dreg:$0x14];
	[sflag:s21] =	ssyncadd.s32 $0xFFFFD800  }
0x17a: {  	[tilespmem:s26], [sflag:$0x3] =	stream.indirect.gather [hbm4b:s4+s23], $0x80, s20, s23, $0xb8;
	[tilespmem:$0x1F880] =	vst v63  }
0x17b: {  	_ =	swait.ge [sflag:s0], $0x2800  }
0x17c: {  	[sflag:s0] =	ssyncset.done $0x0  }
0x17d: {  	s20 =	rddreg [dreg:$0x15];
	[sflag:s0] =	ssyncadd.s32 $0xFFFFD800  }
0x17e: {  	[spmem:s2] =	stream.indirect.scatter.add.f32 [tilespmem:s28], [sflag:$0x5], $0x80, s20, s23, $0xb8;
	[tilespmem:$0x1F880] =	vst v63  }
0x17f: {  	_ =	swait.ge [sflag:s21], $0x2800  }
0x180: {  	[sflag:s21] =	ssyncset.done $0x0  }
0x181: {  	s20 =	rddreg [dreg:$0x16];
	[sflag:s21] =	ssyncadd.s32 $0xFFFFD800  }
0x182: {  	[tilespmem:s28], [sflag:$0x4] =	stream.indirect.gather [hbm4b:s4+s23], $0x80, s20, s23, $0xb8;
	[tilespmem:$0x1F880] =	vst v63  }
0x183: {  	_ =	swait.ge [sflag:s29], $0x2800  }
0x184: {  	[sflag:s29] =	ssyncset.done $0x0  }
0x185: {  	s20 =	rddreg [dreg:$0x17];
	[sflag:s29] =	ssyncadd.s32 $0xFFFFD800  }
0x186: {  	[spmem:s2] =	stream.indirect.scatter.add.f32 [tilespmem:s24], [sflag:$0x5], $0x80, s20, s23, $0xb8;
	[tilespmem:$0x1F880] =	vst v63  }
0x187: {  	_ =	swait.ge [sflag:s21], $0x2800  }
0x188: {  	[sflag:s21] =	ssyncset.done $0x0  }
0x189: {  	s20 =	rddreg [dreg:$0x18];
	[sflag:s21] =	ssyncadd.s32 $0xFFFFD800  }
0x18a: {  	[tilespmem:s24], [sflag:$0x1] =	stream.indirect.gather [hbm4b:s4+s23], $0x80, s20, s23, $0xb8;
	[tilespmem:$0x1F880] =	vst v63  }
0x18b: {  	_ =	swait.ge [sflag:s30], $0x2800  }
0x18c: {  	[sflag:s30] =	ssyncset.done $0x0  }
0x18d: {  	s20 =	rddreg [dreg:$0x19];
	[sflag:s30] =	ssyncadd.s32 $0xFFFFD800  }
0x18e: {  	[spmem:s2] =	stream.indirect.scatter.add.f32 [tilespmem:s25], [sflag:$0x5], $0x80, s20, s23, $0xb8;
	[tilespmem:$0x1F880] =	vst v63  }
0x18f: {  	_ =	swait.ge [sflag:s21], $0x2800  }
0x190: {  	[sflag:s21] =	ssyncset.done $0x0  }
0x191: {  	s20 =	rddreg [dreg:$0x1a];
	[sflag:s21] =	ssyncadd.s32 $0xFFFFD800  }
0x192: {  	[tilespmem:s25], [sflag:$0x2] =	stream.indirect.gather [hbm4b:s4+s23], $0x80, s20, s23, $0xb8;
	[tilespmem:$0x1F880] =	vst v63  }
0x193: {  	_ =	swait.ge [sflag:s31], $0x2800  }
0x194: {  	[sflag:s31] =	ssyncset.done $0x0  }
0x195: {  	s20 =	rddreg [dreg:$0x1b];
	[sflag:s31] =	ssyncadd.s32 $0xFFFFD800  }
0x196: {  	[spmem:s2] =	stream.indirect.scatter.add.f32 [tilespmem:s26], [sflag:$0x5], $0x80, s20, s23, $0xb8;
	[tilespmem:$0x1F880] =	vst v63  }
0x197: {  	_ =	swait.ge [sflag:s21], $0x2800  }
0x198: {  	[sflag:s21] =	ssyncset.done $0x0  }
0x199: {  	s20 =	rddreg [dreg:$0x1c];
	[sflag:s21] =	ssyncadd.s32 $0xFFFFD800  }
0x19a: {  	[tilespmem:s26], [sflag:$0x3] =	stream.indirect.gather [hbm4b:s4+s23], $0x80, s20, s23, $0xb8;
	[tilespmem:$0x1F880] =	vst v63  }
0x19b: {  	_ =	swait.ge [sflag:s0], $0x2800  }
0x19c: {  	[sflag:s0] =	ssyncset.done $0x0  }
0x19d: {  	s20 =	rddreg [dreg:$0x1d];
	[sflag:s0] =	ssyncadd.s32 $0xFFFFD800  }
0x19e: {  	[spmem:s2] =	stream.indirect.scatter.add.f32 [tilespmem:s28], [sflag:$0x5], $0x80, s20, s23, $0xb8;
	[tilespmem:$0x1F880] =	vst v63  }
0x19f: {  	_ =	swait.ge [sflag:s21], $0x2800  }
0x1a0: {  	[sflag:s21] =	ssyncset.done $0x0  }
0x1a1: {  	s20 =	rddreg [dreg:$0x1e];
	[sflag:s21] =	ssyncadd.s32 $0xFFFFD800  }
0x1a2: {  	[tilespmem:s28], [sflag:$0x4] =	stream.indirect.gather [hbm4b:s4+s23], $0x80, s20, s23, $0xb8;
	[tilespmem:$0x1F880] =	vst v63  }
0x1a3: {  	_ =	swait.ge [sflag:s29], $0x2800  }
0x1a4: {  	[sflag:s29] =	ssyncset.done $0x0  }
0x1a5: {  	s20 =	rddreg [dreg:$0x1f];
	[sflag:s29] =	ssyncadd.s32 $0xFFFFD800  }
0x1a6: {  	[spmem:s2] =	stream.indirect.scatter.add.f32 [tilespmem:s24], [sflag:$0x5], $0x80, s20, s23, $0xb8;
	[tilespmem:$0x1F880] =	vst v63  }
0x1a7: {  	_ =	swait.ge [sflag:s21], $0x2800  }
0x1a8: {  	s20 =	sld [smem:$0x7F2]  }
0x1a9: {  	[sflag:s21] =	ssyncset.done $0x0  }
0x1aa: {  	[sflag:s21] =	ssyncadd.s32 $0xFFFFD800  }
0x1ab: {  	[tilespmem:s24], [sflag:$0x1] =	stream.indirect.gather [hbm4b:s4+s23], $0x80, s20, s23, $0xb8;
	[tilespmem:$0x1F880] =	vst v63  }
0x1ac: {  	_ =	swait.ge [sflag:s30], $0x2800  }
0x1ad: {  	s20 =	sld [smem:$0x7F4]  }
0x1ae: {  	[sflag:s30] =	ssyncset.done $0x0  }
0x1af: {  	[sflag:s30] =	ssyncadd.s32 $0xFFFFD800  }
0x1b0: {  	[spmem:s2] =	stream.indirect.scatter.add.f32 [tilespmem:s25], [sflag:$0x5], $0x80, s20, s23, $0xb8;
	[tilespmem:$0x1F880] =	vst v63  }
0x1b1: {  	_ =	swait.ge [sflag:s21], $0x2800  }
0x1b2: {  	s20 =	sld [smem:$0x7F6]  }
0x1b3: {  	[sflag:s21] =	ssyncset.done $0x0  }
0x1b4: {  	[sflag:s21] =	ssyncadd.s32 $0xFFFFD800  }
0x1b5: {  	[tilespmem:s25], [sflag:$0x2] =	stream.indirect.gather [hbm4b:s4+s23], $0x80, s20, s23, $0xb8;
	[tilespmem:$0x1F880] =	vst v63  }
0x1b6: {  	_ =	swait.ge [sflag:s31], $0x2800  }
0x1b7: {  	s20 =	sld [smem:$0x7F9]  }
0x1b8: {  	[sflag:s31] =	ssyncset.done $0x0  }
0x1b9: {  	[sflag:s31] =	ssyncadd.s32 $0xFFFFD800  }
0x1ba: {  	[spmem:s2] =	stream.indirect.scatter.add.f32 [tilespmem:s26], [sflag:$0x5], $0x80, s20, s23, $0xb8;
	[tilespmem:$0x1F880] =	vst v63  }
0x1bb: {  	_ =	swait.ge [sflag:s21], $0x2800  }
0x1bc: {  	s20 =	sld [smem:$0x7FA]  }
0x1bd: {  	[sflag:s21] =	ssyncset.done $0x0  }
0x1be: {  	[sflag:s21] =	ssyncadd.s32 $0xFFFFD800  }
0x1bf: {  	[tilespmem:s26], [sflag:$0x3] =	stream.indirect.gather [hbm4b:s4+s23], $0x80, s20, s23, $0xb8;
	[tilespmem:$0x1F880] =	vst v63  }
0x1c0: {  	_ =	swait.ge [sflag:s0], $0x2800  }
0x1c1: {  	s20 =	sld [smem:$0x7FB]  }
0x1c2: {  	[sflag:s0] =	ssyncset.done $0x0  }
0x1c3: {  	[sflag:s0] =	ssyncadd.s32 $0xFFFFD800  }
0x1c4: {  	[spmem:s2] =	stream.indirect.scatter.add.f32 [tilespmem:s28], [sflag:$0x5], $0x80, s20, s23, $0xb8;
	[tilespmem:$0x1F880] =	vst v63  }
0x1c5: {  	_ =	swait.ge [sflag:s21], $0x2800  }
0x1c6: {  	s20 =	sld [smem:$0x7FC]  }
0x1c7: {  	[sflag:s21] =	ssyncset.done $0x0  }
0x1c8: {  	[sflag:s21] =	ssyncadd.s32 $0xFFFFD800  }
0x1c9: {  	[tilespmem:s28], [sflag:$0x4] =	stream.indirect.gather [hbm4b:s4+s23], $0x80, s20, s23, $0xb8;
	[tilespmem:$0x1F880] =	vst v63  }
0x1ca: {  	_ =	swait.ge [sflag:s29], $0x2800  }
0x1cb: {  	s20 =	sld [smem:$0x7FD]  }
0x1cc: {  	[sflag:s29] =	ssyncset.done $0x0  }
0x1cd: {  	[sflag:s29] =	ssyncadd.s32 $0xFFFFD800  }
0x1ce: {  	[spmem:s2] =	stream.indirect.scatter.add.f32 [tilespmem:s24], [sflag:$0x5], $0x80, s20, s23, $0xb8;
	[tilespmem:$0x1F880] =	vst v63  }
0x1cf: {  	_ =	swait.ge [sflag:s21], $0x2800  }
0x1d0: {  	[sflag:s21] =	ssyncset.done $0x0  }
0x1d1: {  	[sflag:s21] =	ssyncadd.s32 $0xFFFFD800  }
0x1d2: {  	[tilespmem:s24], [sflag:$0x1] =	stream.indirect.gather [hbm4b:s4+s23], $0x80, s1, s23, $0xb8;
	[tilespmem:$0x1F880] =	vst v63  }
0x1d3: {  	_ =	swait.ge [sflag:s30], $0x2800  }
0x1d4: {  	[sflag:s30] =	ssyncset.done $0x0  }
0x1d5: {  	[sflag:s30] =	ssyncadd.s32 $0xFFFFD800  }
0x1d6: {  	[spmem:s2] =	stream.indirect.scatter.add.f32 [tilespmem:s25], [sflag:$0x5], $0x80, s6, s23, $0xb8;
	[tilespmem:$0x1F880] =	vst v63  }
0x1d7: {  	_ =	swait.ge [sflag:s21], $0x2800  }
0x1d8: {  	[sflag:s21] =	ssyncset.done $0x0  }
0x1d9: {  	[sflag:s21] =	ssyncadd.s32 $0xFFFFD800  }
0x1da: {  	[tilespmem:s25], [sflag:$0x2] =	stream.indirect.gather [hbm4b:s4+s23], $0x80, s7, s23, $0xb8;
	[tilespmem:$0x1F880] =	vst v63  }
0x1db: {  	_ =	swait.ge [sflag:s31], $0x2800  }
0x1dc: {  	[sflag:s31] =	ssyncset.done $0x0  }
0x1dd: {  	[sflag:s31] =	ssyncadd.s32 $0xFFFFD800  }
0x1de: {  	[spmem:s2] =	stream.indirect.scatter.add.f32 [tilespmem:s26], [sflag:$0x5], $0x80, s9, s23, $0xb8;
	[tilespmem:$0x1F880] =	vst v63  }
0x1df: {  	_ =	swait.ge [sflag:s21], $0x2800  }
0x1e0: {  	[sflag:s21] =	ssyncset.done $0x0  }
0x1e1: {  	[sflag:s21] =	ssyncadd.s32 $0xFFFFD800  }
0x1e2: {  	[tilespmem:s26], [sflag:$0x3] =	stream.indirect.gather [hbm4b:s4+s23], $0x80, s10, s23, $0xb8;
	[tilespmem:$0x1F880] =	vst v63  }
0x1e3: {  	_ =	swait.ge [sflag:s0], $0x2800  }
0x1e4: {  	[sflag:s0] =	ssyncset.done $0x0  }
0x1e5: {  	[sflag:s0] =	ssyncadd.s32 $0xFFFFD800  }
0x1e6: {  	[spmem:s2] =	stream.indirect.scatter.add.f32 [tilespmem:s28], [sflag:$0x5], $0x80, s11, s23, $0xb8;
	[tilespmem:$0x1F880] =	vst v63  }
0x1e7: {  	_ =	swait.ge [sflag:s21], $0x2800  }
0x1e8: {  	[sflag:s21] =	ssyncset.done $0x0  }
0x1e9: {  	[sflag:s21] =	ssyncadd.s32 $0xFFFFD800  }
0x1ea: {  	[tilespmem:s28], [sflag:$0x4] =	stream.indirect.gather [hbm4b:s4+s23], $0x80, s12, s23, $0xb8;
	[tilespmem:$0x1F880] =	vst v63  }
0x1eb: {  	_ =	swait.ge [sflag:s29], $0x2800  }
0x1ec: {  	[sflag:s29] =	ssyncset.done $0x0  }
0x1ed: {  	[sflag:s29] =	ssyncadd.s32 $0xFFFFD800  }
0x1ee: {  	[spmem:s2] =	stream.indirect.scatter.add.f32 [tilespmem:s24], [sflag:$0x5], $0x80, s13, s23, $0xb8;
	[tilespmem:$0x1F880] =	vst v63  }
0x1ef: {  	_ =	swait.ge [sflag:s21], $0x2800  }
0x1f0: {  	[sflag:s21] =	ssyncset.done $0x0  }
0x1f1: {  	[sflag:s21] =	ssyncadd.s32 $0xFFFFD800  }
0x1f2: {  	[tilespmem:s24], [sflag:$0x1] =	stream.indirect.gather [hbm4b:s4+s23], $0x80, s14, s23, $0xb8;
	[tilespmem:$0x1F880] =	vst v63  }
0x1f3: {  	_ =	swait.ge [sflag:s30], $0x2800  }
0x1f4: {  	[sflag:s30] =	ssyncset.done $0x0  }
0x1f5: {  	[sflag:s30] =	ssyncadd.s32 $0xFFFFD800  }
0x1f6: {  	[spmem:s2] =	stream.indirect.scatter.add.f32 [tilespmem:s25], [sflag:$0x5], $0x80, s5, s23, $0xb8;
	[tilespmem:$0x1F880] =	vst v63  }
0x1f7: {  	_ =	swait.ge [sflag:s21], $0x2800  }
0x1f8: {  	[sflag:s21] =	ssyncset.done $0x0  }
0x1f9: {  	[sflag:s21] =	ssyncadd.s32 $0xFFFFD800  }
0x1fa: {  	_ =	swait.ge [sflag:s31], $0x2800  }
0x1fb: {  	[sflag:s31] =	ssyncset.done $0x0  }
0x1fc: {  	[sflag:s31] =	ssyncadd.s32 $0xFFFFD800  }
0x1fd: {  	[spmem:s2] =	stream.indirect.scatter.add.f32 [tilespmem:s26], [sflag:$0x5], $0x80, s15, s23, $0xb8;
	[tilespmem:$0x1F880] =	vst v63  }
0x1fe: {  	_ =	swait.ge [sflag:s21], $0x2800  }
0x1ff: {  	[sflag:s21] =	ssyncset.done $0x0  }
0x200: {  	[sflag:s21] =	ssyncadd.s32 $0xFFFFD800  }
0x201: {  	_ =	swait.ge [sflag:s0], $0x2800  }
0x202: {  	[sflag:s0] =	ssyncset.done $0x0  }
0x203: {  	[sflag:s0] =	ssyncadd.s32 $0xFFFFD800  }
0x204: {  	[spmem:s2] =	stream.indirect.scatter.add.f32 [tilespmem:s28], [sflag:$0x5], $0x80, s16, s23, $0xb8;
	[tilespmem:$0x1F880] =	vst v63  }
0x205: {  	_ =	swait.ge [sflag:s21], $0x2800  }
0x206: {  	[sflag:s21] =	ssyncset.done $0x0  }
0x207: {  	[sflag:s21] =	ssyncadd.s32 $0xFFFFD800  }
0x208: {  	p5 =	sne.s32 s19, $0x800;
	_ =	swait.ge [sflag:s29], $0x2800  }
.Ltmp0:
0x209: {  	[sflag:s29] =	ssyncset.done $0x0;
	(pc) =	sbr.rel @p5 .LBB2_2-.Ltmp0, $4  }
0x20a: {  	[sflag:s29] =	ssyncadd.s32 $0xFFFFD800  }
0x20b: {  	[spmem:s2] =	stream.indirect.scatter.add.f32 [tilespmem:s24], [sflag:$0x5], $0x80, s17, s23, $0xb8;
	[tilespmem:$0x1F880] =	vst v63  }
0x20c: {  	_ =	swait.ge [sflag:s21], $0x2800  }
0x20d: {  	s19 =	sadd.s32 $0x200, s19;
	s20 =	rddreg [dreg:$0x4];
	[sflag:s21] =	ssyncset.done $0x0  }
0x20e: {  	[sflag:s21] =	ssyncadd.s32 $0xFFFFD800;
	s8 =	sadd.s32 s18, s20  }
0x20f: {  	[tilespmem:s3], [sflag:$0x5] =	stream.linear.gather [hbm4b:s8+s3], $0xC80, $0x38;
	[tilespmem:$0x1F880] =	vst v63  }
0x210: {  	_ =	swait.ge [sflag:s21], $0xC80  }
0x211: {  	s20 =	rddreg [dreg:$0x3];
	[sflag:s21] =	ssyncset.done $0x0  }
0x212: {  	[sflag:s21] =	ssyncadd.s32 $0xFFFFF380;
	s8 =	sadd.s32 s18, s20  }
0x213: {  	[tilespmem:s22], [sflag:$0x5] =	stream.linear.gather [hbm4b:s8+s3], $0xC80, $0x38;
	[tilespmem:$0x1F880] =	vst v63  }
0x214: {  	_ =	swait.ge [sflag:s21], $0xC80  }
0x215: {  	[sflag:s21] =	ssyncset.done $0x0  }
0x216: {  	[sflag:s21] =	ssyncadd.s32 $0xFFFFF380  }
0x217: {  	[tilespmem:s24], [sflag:$0x1] =	stream.indirect.gather [hbm4b:s4+s23], $0x80, s3, s23, $0xb8;
	[tilespmem:$0x1F880] =	vst v63  }
0x218: {  	s19 =	rddreg [dreg:$0x5]  }
0x219: {  	[tilespmem:s25], [sflag:$0x2] =	stream.indirect.gather [hbm4b:s4+s23], $0x80, s19, s23, $0xb8;
	[tilespmem:$0x1F880] =	vst v63  }
0x21a: {  	s20 =	rddreg [dreg:$0x6]  }
0x21b: {  	[tilespmem:s26], [sflag:$0x3] =	stream.indirect.gather [hbm4b:s4+s23], $0x80, s20, s23, $0xb8;
	[tilespmem:$0x1F880] =	vst v63  }
0x21c: {  	s19 =	rddreg [dreg:$0x7]  }
0x21d: {  	[tilespmem:s28], [sflag:$0x4] =	stream.indirect.gather [hbm4b:s4+s23], $0x80, s19, s23, $0xb8;
	[tilespmem:$0x1F880] =	vst v63  }
0x21e: {  	_ =	swait.ge [sflag:s29], $0x2800  }
0x21f: {  	[sflag:s29] =	ssyncset.done $0x0  }
0x220: {  	[sflag:s29] =	ssyncadd.s32 $0xFFFFD800  }
0x221: {  	[spmem:s2] =	stream.indirect.scatter.add.f32 [tilespmem:s24], [sflag:$0x5], $0x80, s22, s23, $0xb8;
	[tilespmem:$0x1F880] =	vst v63  }
0x222: {  	_ =	swait.ge [sflag:s21], $0x2800  }
0x223: {  	[sflag:s21] =	ssyncset.done $0x0  }
0x224: {  	s20 =	rddreg [dreg:$0x8];
	[sflag:s21] =	ssyncadd.s32 $0xFFFFD800  }
0x225: {  	[tilespmem:s24], [sflag:$0x1] =	stream.indirect.gather [hbm4b:s4+s23], $0x80, s20, s23, $0xb8;
	[tilespmem:$0x1F880] =	vst v63  }
0x226: {  	_ =	swait.ge [sflag:s30], $0x2800  }
0x227: {  	[sflag:s30] =	ssyncset.done $0x0  }
0x228: {  	s18 =	rddreg [dreg:$0x9];
	[sflag:s30] =	ssyncadd.s32 $0xFFFFD800  }
0x229: {  	[spmem:s2] =	stream.indirect.scatter.add.f32 [tilespmem:s25], [sflag:$0x5], $0x80, s18, s23, $0xb8;
	[tilespmem:$0x1F880] =	vst v63  }
0x22a: {  	_ =	swait.ge [sflag:s21], $0x2800  }
0x22b: {  	[sflag:s21] =	ssyncset.done $0x0  }
0x22c: {  	s19 =	rddreg [dreg:$0xa];
	[sflag:s21] =	ssyncadd.s32 $0xFFFFD800  }
0x22d: {  	[tilespmem:s25], [sflag:$0x2] =	stream.indirect.gather [hbm4b:s4+s23], $0x80, s19, s23, $0xb8;
	[tilespmem:$0x1F880] =	vst v63  }
0x22e: {  	_ =	swait.ge [sflag:s31], $0x2800  }
0x22f: {  	[sflag:s31] =	ssyncset.done $0x0  }
0x230: {  	s20 =	rddreg [dreg:$0xb];
	[sflag:s31] =	ssyncadd.s32 $0xFFFFD800  }
0x231: {  	[spmem:s2] =	stream.indirect.scatter.add.f32 [tilespmem:s26], [sflag:$0x5], $0x80, s20, s23, $0xb8;
	[tilespmem:$0x1F880] =	vst v63  }
0x232: {  	_ =	swait.ge [sflag:s21], $0x2800  }
0x233: {  	[sflag:s21] =	ssyncset.done $0x0  }
0x234: {  	s18 =	rddreg [dreg:$0xc];
	[sflag:s21] =	ssyncadd.s32 $0xFFFFD800  }
0x235: {  	[tilespmem:s26], [sflag:$0x3] =	stream.indirect.gather [hbm4b:s4+s23], $0x80, s18, s23, $0xb8;
	[tilespmem:$0x1F880] =	vst v63  }
0x236: {  	_ =	swait.ge [sflag:s0], $0x2800  }
0x237: {  	[sflag:s0] =	ssyncset.done $0x0  }
0x238: {  	s19 =	rddreg [dreg:$0xd];
	[sflag:s0] =	ssyncadd.s32 $0xFFFFD800  }
0x239: {  	[spmem:s2] =	stream.indirect.scatter.add.f32 [tilespmem:s28], [sflag:$0x5], $0x80, s19, s23, $0xb8;
	[tilespmem:$0x1F880] =	vst v63  }
0x23a: {  	_ =	swait.ge [sflag:s21], $0x2800  }
0x23b: {  	[sflag:s21] =	ssyncset.done $0x0  }
0x23c: {  	s20 =	rddreg [dreg:$0xe];
	[sflag:s21] =	ssyncadd.s32 $0xFFFFD800  }
0x23d: {  	[tilespmem:s28], [sflag:$0x4] =	stream.indirect.gather [hbm4b:s4+s23], $0x80, s20, s23, $0xb8;
	[tilespmem:$0x1F880] =	vst v63  }
0x23e: {  	_ =	swait.ge [sflag:s29], $0x2800  }
0x23f: {  	[sflag:s29] =	ssyncset.done $0x0  }
0x240: {  	s18 =	rddreg [dreg:$0xf];
	[sflag:s29] =	ssyncadd.s32 $0xFFFFD800  }
0x241: {  	[spmem:s2] =	stream.indirect.scatter.add.f32 [tilespmem:s24], [sflag:$0x5], $0x80, s18, s23, $0xb8;
	[tilespmem:$0x1F880] =	vst v63  }
0x242: {  	_ =	swait.ge [sflag:s21], $0x2800  }
0x243: {  	[sflag:s21] =	ssyncset.done $0x0  }
0x244: {  	s19 =	rddreg [dreg:$0x10];
	[sflag:s21] =	ssyncadd.s32 $0xFFFFD800  }
0x245: {  	[tilespmem:s24], [sflag:$0x1] =	stream.indirect.gather [hbm4b:s4+s23], $0x80, s19, s23, $0xb8;
	[tilespmem:$0x1F880] =	vst v63  }
0x246: {  	_ =	swait.ge [sflag:s30], $0x2800  }
0x247: {  	[sflag:s30] =	ssyncset.done $0x0  }
0x248: {  	s20 =	rddreg [dreg:$0x11];
	[sflag:s30] =	ssyncadd.s32 $0xFFFFD800  }
0x249: {  	[spmem:s2] =	stream.indirect.scatter.add.f32 [tilespmem:s25], [sflag:$0x5], $0x80, s20, s23, $0xb8;
	[tilespmem:$0x1F880] =	vst v63  }
0x24a: {  	_ =	swait.ge [sflag:s21], $0x2800  }
0x24b: {  	[sflag:s21] =	ssyncset.done $0x0  }
0x24c: {  	s18 =	rddreg [dreg:$0x12];
	[sflag:s21] =	ssyncadd.s32 $0xFFFFD800  }
0x24d: {  	[tilespmem:s25], [sflag:$0x2] =	stream.indirect.gather [hbm4b:s4+s23], $0x80, s18, s23, $0xb8;
	[tilespmem:$0x1F880] =	vst v63  }
0x24e: {  	_ =	swait.ge [sflag:s31], $0x2800  }
0x24f: {  	[sflag:s31] =	ssyncset.done $0x0  }
0x250: {  	s19 =	rddreg [dreg:$0x13];
	[sflag:s31] =	ssyncadd.s32 $0xFFFFD800  }
0x251: {  	[spmem:s2] =	stream.indirect.scatter.add.f32 [tilespmem:s26], [sflag:$0x5], $0x80, s19, s23, $0xb8;
	[tilespmem:$0x1F880] =	vst v63  }
0x252: {  	_ =	swait.ge [sflag:s21], $0x2800  }
0x253: {  	[sflag:s21] =	ssyncset.done $0x0  }
0x254: {  	s20 =	rddreg [dreg:$0x14];
	[sflag:s21] =	ssyncadd.s32 $0xFFFFD800  }
0x255: {  	[tilespmem:s26], [sflag:$0x3] =	stream.indirect.gather [hbm4b:s4+s23], $0x80, s20, s23, $0xb8;
	[tilespmem:$0x1F880] =	vst v63  }
0x256: {  	_ =	swait.ge [sflag:s0], $0x2800  }
0x257: {  	[sflag:s0] =	ssyncset.done $0x0  }
0x258: {  	s18 =	rddreg [dreg:$0x15];
	[sflag:s0] =	ssyncadd.s32 $0xFFFFD800  }
0x259: {  	[spmem:s2] =	stream.indirect.scatter.add.f32 [tilespmem:s28], [sflag:$0x5], $0x80, s18, s23, $0xb8;
	[tilespmem:$0x1F880] =	vst v63  }
0x25a: {  	_ =	swait.ge [sflag:s21], $0x2800  }
0x25b: {  	[sflag:s21] =	ssyncset.done $0x0  }
0x25c: {  	s19 =	rddreg [dreg:$0x16];
	[sflag:s21] =	ssyncadd.s32 $0xFFFFD800  }
0x25d: {  	[tilespmem:s28], [sflag:$0x4] =	stream.indirect.gather [hbm4b:s4+s23], $0x80, s19, s23, $0xb8;
	[tilespmem:$0x1F880] =	vst v63  }
0x25e: {  	_ =	swait.ge [sflag:s29], $0x2800  }
0x25f: {  	[sflag:s29] =	ssyncset.done $0x0  }
0x260: {  	s20 =	rddreg [dreg:$0x17];
	[sflag:s29] =	ssyncadd.s32 $0xFFFFD800  }
0x261: {  	[spmem:s2] =	stream.indirect.scatter.add.f32 [tilespmem:s24], [sflag:$0x5], $0x80, s20, s23, $0xb8;
	[tilespmem:$0x1F880] =	vst v63  }
0x262: {  	_ =	swait.ge [sflag:s21], $0x2800  }
0x263: {  	[sflag:s21] =	ssyncset.done $0x0  }
0x264: {  	s18 =	rddreg [dreg:$0x18];
	[sflag:s21] =	ssyncadd.s32 $0xFFFFD800  }
0x265: {  	[tilespmem:s24], [sflag:$0x1] =	stream.indirect.gather [hbm4b:s4+s23], $0x80, s18, s23, $0xb8;
	[tilespmem:$0x1F880] =	vst v63  }
0x266: {  	_ =	swait.ge [sflag:s30], $0x2800  }
0x267: {  	[sflag:s30] =	ssyncset.done $0x0  }
0x268: {  	s19 =	rddreg [dreg:$0x19];
	[sflag:s30] =	ssyncadd.s32 $0xFFFFD800  }
0x269: {  	[spmem:s2] =	stream.indirect.scatter.add.f32 [tilespmem:s25], [sflag:$0x5], $0x80, s19, s23, $0xb8;
	[tilespmem:$0x1F880] =	vst v63  }
0x26a: {  	_ =	swait.ge [sflag:s21], $0x2800  }
0x26b: {  	[sflag:s21] =	ssyncset.done $0x0  }
0x26c: {  	s20 =	rddreg [dreg:$0x1a];
	[sflag:s21] =	ssyncadd.s32 $0xFFFFD800  }
0x26d: {  	[tilespmem:s25], [sflag:$0x2] =	stream.indirect.gather [hbm4b:s4+s23], $0x80, s20, s23, $0xb8;
	[tilespmem:$0x1F880] =	vst v63  }
0x26e: {  	_ =	swait.ge [sflag:s31], $0x2800  }
0x26f: {  	[sflag:s31] =	ssyncset.done $0x0  }
0x270: {  	s18 =	rddreg [dreg:$0x1b];
	[sflag:s31] =	ssyncadd.s32 $0xFFFFD800  }
0x271: {  	[spmem:s2] =	stream.indirect.scatter.add.f32 [tilespmem:s26], [sflag:$0x5], $0x80, s18, s23, $0xb8;
	[tilespmem:$0x1F880] =	vst v63  }
0x272: {  	_ =	swait.ge [sflag:s21], $0x2800  }
0x273: {  	[sflag:s21] =	ssyncset.done $0x0  }
0x274: {  	s19 =	rddreg [dreg:$0x1c];
	[sflag:s21] =	ssyncadd.s32 $0xFFFFD800  }
0x275: {  	[tilespmem:s26], [sflag:$0x3] =	stream.indirect.gather [hbm4b:s4+s23], $0x80, s19, s23, $0xb8;
	[tilespmem:$0x1F880] =	vst v63  }
0x276: {  	_ =	swait.ge [sflag:s0], $0x2800  }
0x277: {  	[sflag:s0] =	ssyncset.done $0x0  }
0x278: {  	s20 =	rddreg [dreg:$0x1d];
	[sflag:s0] =	ssyncadd.s32 $0xFFFFD800  }
0x279: {  	[spmem:s2] =	stream.indirect.scatter.add.f32 [tilespmem:s28], [sflag:$0x5], $0x80, s20, s23, $0xb8;
	[tilespmem:$0x1F880] =	vst v63  }
0x27a: {  	_ =	swait.ge [sflag:s21], $0x2800  }
0x27b: {  	[sflag:s21] =	ssyncset.done $0x0  }
0x27c: {  	s18 =	rddreg [dreg:$0x1e];
	[sflag:s21] =	ssyncadd.s32 $0xFFFFD800  }
0x27d: {  	[tilespmem:s28], [sflag:$0x4] =	stream.indirect.gather [hbm4b:s4+s23], $0x80, s18, s23, $0xb8;
	[tilespmem:$0x1F880] =	vst v63  }
0x27e: {  	_ =	swait.ge [sflag:s29], $0x2800  }
0x27f: {  	[sflag:s29] =	ssyncset.done $0x0  }
0x280: {  	s19 =	rddreg [dreg:$0x1f];
	[sflag:s29] =	ssyncadd.s32 $0xFFFFD800  }
0x281: {  	[spmem:s2] =	stream.indirect.scatter.add.f32 [tilespmem:s24], [sflag:$0x5], $0x80, s19, s23, $0xb8;
	[tilespmem:$0x1F880] =	vst v63  }
0x282: {  	_ =	swait.ge [sflag:s21], $0x2800  }
0x283: {  	s20 =	sld [smem:$0x7F2]  }
0x284: {  	[sflag:s21] =	ssyncset.done $0x0  }
0x285: {  	[sflag:s21] =	ssyncadd.s32 $0xFFFFD800  }
0x286: {  	[tilespmem:s24], [sflag:$0x1] =	stream.indirect.gather [hbm4b:s4+s23], $0x80, s20, s23, $0xb8;
	[tilespmem:$0x1F880] =	vst v63  }
0x287: {  	_ =	swait.ge [sflag:s30], $0x2800  }
0x288: {  	s18 =	sld [smem:$0x7F4]  }
0x289: {  	[sflag:s30] =	ssyncset.done $0x0  }
0x28a: {  	[sflag:s30] =	ssyncadd.s32 $0xFFFFD800  }
0x28b: {  	[spmem:s2] =	stream.indirect.scatter.add.f32 [tilespmem:s25], [sflag:$0x5], $0x80, s18, s23, $0xb8;
	[tilespmem:$0x1F880] =	vst v63  }
0x28c: {  	_ =	swait.ge [sflag:s21], $0x2800  }
0x28d: {  	s19 =	sld [smem:$0x7F6]  }
0x28e: {  	[sflag:s21] =	ssyncset.done $0x0  }
0x28f: {  	[sflag:s21] =	ssyncadd.s32 $0xFFFFD800  }
0x290: {  	[tilespmem:s25], [sflag:$0x2] =	stream.indirect.gather [hbm4b:s4+s23], $0x80, s19, s23, $0xb8;
	[tilespmem:$0x1F880] =	vst v63  }
0x291: {  	_ =	swait.ge [sflag:s31], $0x2800  }
0x292: {  	s20 =	sld [smem:$0x7F9]  }
0x293: {  	[sflag:s31] =	ssyncset.done $0x0  }
0x294: {  	[sflag:s31] =	ssyncadd.s32 $0xFFFFD800  }
0x295: {  	[spmem:s2] =	stream.indirect.scatter.add.f32 [tilespmem:s26], [sflag:$0x5], $0x80, s20, s23, $0xb8;
	[tilespmem:$0x1F880] =	vst v63  }
0x296: {  	_ =	swait.ge [sflag:s21], $0x2800  }
0x297: {  	s18 =	sld [smem:$0x7FA]  }
0x298: {  	[sflag:s21] =	ssyncset.done $0x0  }
0x299: {  	[sflag:s21] =	ssyncadd.s32 $0xFFFFD800  }
0x29a: {  	[tilespmem:s26], [sflag:$0x3] =	stream.indirect.gather [hbm4b:s4+s23], $0x80, s18, s23, $0xb8;
	[tilespmem:$0x1F880] =	vst v63  }
0x29b: {  	_ =	swait.ge [sflag:s0], $0x2800  }
0x29c: {  	s19 =	sld [smem:$0x7FB]  }
0x29d: {  	[sflag:s0] =	ssyncset.done $0x0  }
0x29e: {  	[sflag:s0] =	ssyncadd.s32 $0xFFFFD800  }
0x29f: {  	[spmem:s2] =	stream.indirect.scatter.add.f32 [tilespmem:s28], [sflag:$0x5], $0x80, s19, s23, $0xb8;
	[tilespmem:$0x1F880] =	vst v63  }
0x2a0: {  	_ =	swait.ge [sflag:s21], $0x2800  }
0x2a1: {  	s20 =	sld [smem:$0x7FC]  }
0x2a2: {  	[sflag:s21] =	ssyncset.done $0x0  }
0x2a3: {  	[sflag:s21] =	ssyncadd.s32 $0xFFFFD800  }
0x2a4: {  	[tilespmem:s28], [sflag:$0x4] =	stream.indirect.gather [hbm4b:s4+s23], $0x80, s20, s23, $0xb8;
	[tilespmem:$0x1F880] =	vst v63  }
0x2a5: {  	_ =	swait.ge [sflag:s29], $0x2800  }
0x2a6: {  	s18 =	sld [smem:$0x7FD]  }
0x2a7: {  	[sflag:s29] =	ssyncset.done $0x0  }
0x2a8: {  	[sflag:s29] =	ssyncadd.s32 $0xFFFFD800  }
0x2a9: {  	[spmem:s2] =	stream.indirect.scatter.add.f32 [tilespmem:s24], [sflag:$0x5], $0x80, s18, s23, $0xb8;
	[tilespmem:$0x1F880] =	vst v63  }
0x2aa: {  	_ =	swait.ge [sflag:s21], $0x2800  }
0x2ab: {  	[sflag:s21] =	ssyncset.done $0x0  }
0x2ac: {  	[sflag:s21] =	ssyncadd.s32 $0xFFFFD800  }
0x2ad: {  	[tilespmem:s24], [sflag:$0x1] =	stream.indirect.gather [hbm4b:s4+s23], $0x80, s1, s23, $0xb8;
	[tilespmem:$0x1F880] =	vst v63  }
0x2ae: {  	_ =	swait.ge [sflag:s30], $0x2800  }
0x2af: {  	[sflag:s30] =	ssyncset.done $0x0  }
0x2b0: {  	[sflag:s30] =	ssyncadd.s32 $0xFFFFD800  }
0x2b1: {  	[spmem:s2] =	stream.indirect.scatter.add.f32 [tilespmem:s25], [sflag:$0x5], $0x80, s6, s23, $0xb8;
	[tilespmem:$0x1F880] =	vst v63  }
0x2b2: {  	_ =	swait.ge [sflag:s21], $0x2800  }
0x2b3: {  	[sflag:s21] =	ssyncset.done $0x0  }
0x2b4: {  	[sflag:s21] =	ssyncadd.s32 $0xFFFFD800  }
0x2b5: {  	[tilespmem:s25], [sflag:$0x2] =	stream.indirect.gather [hbm4b:s4+s23], $0x80, s7, s23, $0xb8;
	[tilespmem:$0x1F880] =	vst v63  }
0x2b6: {  	_ =	swait.ge [sflag:s31], $0x2800  }
0x2b7: {  	[sflag:s31] =	ssyncset.done $0x0  }
0x2b8: {  	[sflag:s31] =	ssyncadd.s32 $0xFFFFD800  }
0x2b9: {  	[spmem:s2] =	stream.indirect.scatter.add.f32 [tilespmem:s26], [sflag:$0x5], $0x80, s9, s23, $0xb8;
	[tilespmem:$0x1F880] =	vst v63  }
0x2ba: {  	_ =	swait.ge [sflag:s21], $0x2800  }
0x2bb: {  	[sflag:s21] =	ssyncset.done $0x0  }
0x2bc: {  	[sflag:s21] =	ssyncadd.s32 $0xFFFFD800  }
0x2bd: {  	[tilespmem:s26], [sflag:$0x3] =	stream.indirect.gather [hbm4b:s4+s23], $0x80, s10, s23, $0xb8;
	[tilespmem:$0x1F880] =	vst v63  }
0x2be: {  	_ =	swait.ge [sflag:s0], $0x2800  }
0x2bf: {  	[sflag:s0] =	ssyncset.done $0x0  }
0x2c0: {  	[sflag:s0] =	ssyncadd.s32 $0xFFFFD800  }
0x2c1: {  	[spmem:s2] =	stream.indirect.scatter.add.f32 [tilespmem:s28], [sflag:$0x5], $0x80, s11, s23, $0xb8;
	[tilespmem:$0x1F880] =	vst v63  }
0x2c2: {  	_ =	swait.ge [sflag:s21], $0x2800  }
0x2c3: {  	[sflag:s21] =	ssyncset.done $0x0  }
0x2c4: {  	[sflag:s21] =	ssyncadd.s32 $0xFFFFD800  }
0x2c5: {  	[tilespmem:s28], [sflag:$0x4] =	stream.indirect.gather [hbm4b:s4+s23], $0x80, s12, s23, $0xb8;
	[tilespmem:$0x1F880] =	vst v63  }
0x2c6: {  	_ =	swait.ge [sflag:s29], $0x2800  }
0x2c7: {  	[sflag:s29] =	ssyncset.done $0x0  }
0x2c8: {  	[sflag:s29] =	ssyncadd.s32 $0xFFFFD800  }
0x2c9: {  	[spmem:s2] =	stream.indirect.scatter.add.f32 [tilespmem:s24], [sflag:$0x5], $0x80, s13, s23, $0xb8;
	[tilespmem:$0x1F880] =	vst v63  }
0x2ca: {  	_ =	swait.ge [sflag:s21], $0x2800  }
0x2cb: {  	[sflag:s21] =	ssyncset.done $0x0  }
0x2cc: {  	[sflag:s21] =	ssyncadd.s32 $0xFFFFD800  }
0x2cd: {  	[tilespmem:s24], [sflag:$0x1] =	stream.indirect.gather [hbm4b:s4+s23], $0x80, s14, s23, $0xb8;
	[tilespmem:$0x1F880] =	vst v63  }
0x2ce: {  	_ =	swait.ge [sflag:s30], $0x2800  }
0x2cf: {  	[sflag:s30] =	ssyncset.done $0x0  }
0x2d0: {  	[sflag:s30] =	ssyncadd.s32 $0xFFFFD800  }
0x2d1: {  	[spmem:s2] =	stream.indirect.scatter.add.f32 [tilespmem:s25], [sflag:$0x5], $0x80, s5, s23, $0xb8;
	[tilespmem:$0x1F880] =	vst v63  }
0x2d2: {  	_ =	swait.ge [sflag:s21], $0x2800  }
0x2d3: {  	[sflag:s21] =	ssyncset.done $0x0  }
0x2d4: {  	[sflag:s21] =	ssyncadd.s32 $0xFFFFD800  }
0x2d5: {  	_ =	swait.ge [sflag:s31], $0x2800  }
0x2d6: {  	[sflag:s31] =	ssyncset.done $0x0  }
0x2d7: {  	[sflag:s31] =	ssyncadd.s32 $0xFFFFD800  }
0x2d8: {  	[spmem:s2] =	stream.indirect.scatter.add.f32 [tilespmem:s26], [sflag:$0x5], $0x80, s15, s23, $0xb8;
	[tilespmem:$0x1F880] =	vst v63  }
0x2d9: {  	_ =	swait.ge [sflag:s21], $0x2800  }
0x2da: {  	[sflag:s21] =	ssyncset.done $0x0  }
0x2db: {  	[sflag:s21] =	ssyncadd.s32 $0xFFFFD800  }
0x2dc: {  	_ =	swait.ge [sflag:s0], $0x2800  }
0x2dd: {  	[sflag:s0] =	ssyncset.done $0x0  }
0x2de: {  	[sflag:s0] =	ssyncadd.s32 $0xFFFFD800  }
0x2df: {  	[spmem:s2] =	stream.indirect.scatter.add.f32 [tilespmem:s28], [sflag:$0x5], $0x80, s16, s23, $0xb8;
	[tilespmem:$0x1F880] =	vst v63  }
0x2e0: {  	_ =	swait.ge [sflag:s21], $0x2800  }
0x2e1: {  	[sflag:s21] =	ssyncset.done $0x0  }
0x2e2: {  	[sflag:s21] =	ssyncadd.s32 $0xFFFFD800  }
0x2e3: {  	_ =	swait.ge [sflag:s29], $0x2800  }
0x2e4: {  	[sflag:s29] =	ssyncset.done $0x0  }
0x2e5: {  	[sflag:s29] =	ssyncadd.s32 $0xFFFFD800  }
0x2e6: {  	[spmem:s2] =	stream.indirect.scatter.add.f32 [tilespmem:s24], [sflag:$0x5], $0x80, s17, s23, $0xb8;
	[tilespmem:$0x1F880] =	vst v63  }
0x2e7: {  	_ =	swait.ge [sflag:s21], $0x2800  }
0x2e8: {  	[sflag:s21] =	ssyncset.done $0x0  }
0x2e9: {  	[sflag:s21] =	ssyncadd.s32 $0xFFFFD800  }
0x2ea: {  	[bflag:$0x0] =	sbarrier.arrive $0xFFFF  }
0x2eb: {  	s19 =	stileid.u32;
	s20 =	sld [smem:$0x7F0]  }
0x2ec: {  	s8 =	sshll.u32 s19, $0x6;
	s19 =	sld [smem:$0x7EA];
	_ =	sdelay $0x1  }
0x2ed: {  	s8 =	sor.u32 $0x1C05, s8;
	s18 =	sshrl.u32 s20, $0x3  }
0x2ee: {  	[hbm:s19], [sflag:s8] =	dma.local [spmem:s18], $0x2700  }
0x2ef: {  	_ =	swait.ge [sflag:s21], $0x2700  }
0x2f0: {  	s18 =	sld [smem:$0x7F7]  }
0x2f1: {  	s19 =	sld [smem:$0x7EB]  }
0x2f2: {  	[sflag:s21] =	ssyncset.done $0x0  }
0x2f3: {  	[sflag:s21] =	ssyncadd.s32 $0xFFFFD900;
	s18 =	sshrl.u32 @!p4 s18, $0x3  }
0x2f4: {  	[hbm:s19], [sflag:s8] =	dma.local @!p4 [spmem:s18], $0x100  }
0x2f5: {  	s8 =	simm.s32 @!p4 $0x5  }
0x2f6: {  	_ =	swait.ge @!p4 [sflag:s8], $0x100  }
0x2f7: {  	s18 =	sld [smem:$0x7E5]  }
0x2f8: {  	s20 =	sld [smem:$0x7EC];
	_ =	sdelay $0x1  }
0x2f9: {  	s19 =	sadd.s32 $0x1, s18  }
0x2fa: {  	p5 =	sne.s32 s19, s20  }
.Ltmp1:
0x2fb: {  	_ = 	snop;
	(pc) =	sbr.rel @p5 .LBB2_1-.Ltmp1, $3  }
0x2fc: {  	_ =	sdelay $0x1  }
0x2fd: {  	[sflag:s8] =	ssyncset.done @!p4 $0x0  }
0x2fe: {  	[sflag:s8] =	ssyncadd.s32 @!p4 $0xFFFFFF00  }
0x2ff: {  	_ =	sfence.sel $0x180000  }
0x300: {  	[bflag:$0x0] =	sbarrier.arrive $0xFFFF  }
0x301: {  	_ =	strace $0x9000004A  }
0x302: {  	[bflag:$0x2] =	sbarrier.arrive $0xFFFF  }
0x303: {  	s0 =	rddreg [dreg:$0x2]  }
0x304: {  	s0 =	sadd.s32 @!p4 $0x100000, s0  }
0x305: {  	[sflag:s0] =	ssyncadd.tile.s32 @!p4 $0x1;
	_ =	shalt  }
.Lfunc_end2:
_tile_overlayer_lowered:
.L_overlay_start_2:
0x306: {  	(tag) =	ssettag $0x2  }
0x307: {  	s0 =	rddreg [dreg:$0x0];
	s2 =	stileid.u32  }
0x308: {  	s1 =	rddreg [dreg:$0x1];
	p0 =	sne.s32 s2, $0x0  }
0x309: {  	s3 =	rddreg [dreg:$0x2];
	[bflag:$0x3] =	sbarrier.arrive $0xFFFF;
	s2 =	simm.s32 @!p0 $0x1C05  }
0x30a: {  	[timem:s3], [sflag:s2] =	dma.local @!p0 [hbm:s0], s1  }
0x30b: {  	s0 =	simm.s32 @!p0 $0x5  }
0x30c: {  	_ =	swait.ge @!p0 [sflag:s0], s1  }
0x30d: {  	s1 =	ssub.s32 @!p0 $0x0, s1;
	[sflag:s0] =	ssyncset.done @!p0 $0x0  }
0x30e: {  	[sflag:s0] =	ssyncadd.s32 @!p0 s1  }
0x30f: {  	[bflag:$0x3] =	sbarrier.arrive $0xFFFF  }
0x310: {  	_ =	shalt  }

// kernel: kernel.16.cloned.1.call-start
scs
__scs_entry_jumppad:
0x0: {  	(pc) =	sbr.rel $0x88, $3  }
0x1: {  	(tag) =	ssettag $0x0;
	lr =	simm.s32 $0x1  }
0x2: {  	[smem:$0x3F96] =	sst lr;
	_ =	strace $0xD0000000  }
0x3: {  	_ = 	snop  }
0x4: {  	_ = 	snop  }
0x5: {  	_ = 	snop  }
0x6: {  	_ = 	snop  }
0x7: {  	_ = 	snop  }
__scs_overlays_trampoline_lowered:
0x8: {  	[smem:$0x3FA5] =	sst s0  }
0x9: {  	[smem:$0x3FA6] =	sst s1  }
0xa: {  	[smem:$0x3FA7] =	sst s2  }
0xb: {  	[smem:$0x3FA8] =	sst s3  }
0xc: {  	[smem:$0x3FA9] =	sst s4  }
0xd: {  	[smem:$0x3FAA] =	sst s5  }
0xe: {  	[smem:$0x3FAB] =	sst s6  }
0xf: {  	[smem:$0x3FAC] =	sst s7  }
0x10: {  	[smem:$0x3FAD] =	sst s8  }
0x11: {  	[smem:$0x3FAE] =	sst s9;
	s0 =	simm.s32 @!p0 $0x0  }
0x12: {  	s1 =	sld [smem:$0x3F94];
	s0 =	simm.s32 @p0 $0x1  }
0x13: {  	[smem:$0x3FAF] =	sst s0;
	s0 =	simm.s32 @!p1 $0x0  }
0x14: {  	s2 =	sld [smem:$0x3F93];
	s0 =	simm.s32 @p1 $0x1  }
0x15: {  	[smem:$0x3FB0] =	sst s0;
	s0 =	simm.s32 @!p2 $0x0  }
0x16: {  	s3 =	sld [smem:$0x3FDB];
	s0 =	simm.s32 @p2 $0x1  }
0x17: {  	s4 =	simm.s32 $0x1BF5;
	[smem:$0x3FB2] =	sst s0  }
0x18: {  	s0 =	sld [smem:$0x3F95];
	_ =	swait.ge [sflag:s4], $0x0  }
0x19: {  	s7 =	sld [smem:$0x3F96]  }
0x1a: {  	s8 =	sadd.s32 $0xFFFFE003, lr  }
0x1b: {  	s9 =	sadd.s32 $0xFFFFFEF7, lr;
	s5 =	simm.s32 $0xFFFFFFFF;
	p2 =	slt.u32 s8, $0xFFFFF086  }
0x1c: {  	p1 =	slt.u32 s9, $0xF7A;
	s5 =	simm.s32 @!p2 $0x0  }
0x1d: {  	s5 =	simm.s32 @p1 $0x1;
	p0 =	seq.s32 s7, s2  }
0x1e: {  	s7 =	smul.u32 @!p0 $0xF7A, s2;
	p2 =	seq.s32 @!p0 s5, $0x0  }
0x1f: {  	s9 =	smul.u32 $0xF7A, s1;
	s8 =	simm.s32 @!p0 $0x1BF5;
	p2 =	por !p2, p0  }
0x20: {  	[sflag:s8] =	ssyncset.s32 @!p0 $0xFFFFF086;
	s6 =	sadd.s32 @!p0 s3, s7;
	s7 =	simm.s32 @!p0 $0x108  }
0x21: {  	s3 =	sadd.s32 s3, s9;
	s6 =	sadd.s32 @!p0 $0x88, s6;
	s7 =	simm.s32 @p2 $0x1082  }
0x22: {  	[simem:s7], [sflag:s8] =	dma.local @!p0 [hbm:s6], $0xF7A  }
0x23: {  	s9 =	sor.u32 $0xD0000000, s2;
	s6 =	simm.s32 $0x108;
	_ =	swait.ge @!p0 [sflag:s8], $0x0  }
0x24: {  	s3 =	sadd.s32 $0x88, s3;
	s6 =	simm.s32 @!p1 $0x1082;
	[sflag:s4] =	ssyncset.s32 $0xFFFFF086  }
0x25: {  	[simem:s6], [sflag:s4] =	dma.local [hbm:s3], $0xF7A  }
0x26: {  	[smem:$0x3F96] =	sst s1;
	(tag) =	ssettag s2;
	_ =	strace s9  }
0x27: {  	s1 =	sld [smem:$0x3FA6]  }
0x28: {  	s2 =	sld [smem:$0x3FA7]  }
0x29: {  	s4 =	sld [smem:$0x3FA9]  }
0x2a: {  	p0 =	seq.s32 s5, $0x0;
	s5 =	sld [smem:$0x3FAA]  }
0x2b: {  	s6 =	sld [smem:$0x3FAB]  }
0x2c: {  	s7 =	sld [smem:$0x3FAC]  }
0x2d: {  	s3 =	simm.s32 $0x108;
	s8 =	sld [smem:$0x3FAD]  }
0x2e: {  	s3 =	simm.s32 @!p0 $0x1082;
	s9 =	sld [smem:$0x3FAE]  }
0x2f: {  	lr =	sadd.s32 s0, s3;
	s0 =	sld [smem:$0x3FA5]  }
0x30: {  	s3 =	sld [smem:$0x3FA8]  }
0x31: {  	[smem:$0x3FB1] =	sst s10  }
0x32: {  	s10 =	sld [smem:$0x3FAF];
	_ =	sdelay $0x3  }
0x33: {  	p0 =	seq.s32 s10, $0x1;
	s10 =	sld [smem:$0x3FB1];
	_ =	sdelay $0x3  }
0x34: {  	[smem:$0x3FB1] =	sst s10  }
0x35: {  	s10 =	sld [smem:$0x3FB0];
	_ =	sdelay $0x3  }
0x36: {  	p1 =	seq.s32 s10, $0x1;
	s10 =	sld [smem:$0x3FB1];
	_ =	sdelay $0x3  }
0x37: {  	[smem:$0x3FB1] =	sst s10  }
0x38: {  	s10 =	sld [smem:$0x3FB2]  }
0x39: {  	_ = 	snop;
	(pc) =	sbr.ind lr, $3  }
0x3a: {  	_ = 	snop  }
0x3b: {  	_ = 	snop  }
0x3c: {  	p2 =	seq.s32 s10, $0x1;
	s10 =	sld [smem:$0x3FB1]  }
0x3d: {  	_ =	shalt  }
0x3e: {  	_ =	shalt  }
0x3f: {  	_ =	shalt  }
0x40: {  	_ =	shalt  }
0x41: {  	_ =	shalt  }
0x42: {  	_ =	shalt  }
0x43: {  	_ =	shalt  }
0x44: {  	_ =	shalt  }
0x45: {  	_ =	shalt  }
0x46: {  	_ =	shalt  }
0x47: {  	_ =	shalt  }
0x48: {  	_ =	shalt  }
0x49: {  	_ =	shalt  }
0x4a: {  	_ =	shalt  }
0x4b: {  	_ =	shalt  }
0x4c: {  	_ =	shalt  }
0x4d: {  	_ =	shalt  }
0x4e: {  	_ =	shalt  }
0x4f: {  	_ =	shalt  }
0x50: {  	_ =	shalt  }
0x51: {  	_ =	shalt  }
0x52: {  	_ =	shalt  }
0x53: {  	_ =	shalt  }
0x54: {  	_ =	shalt  }
0x55: {  	_ =	shalt  }
0x56: {  	_ =	shalt  }
0x57: {  	_ =	shalt  }
0x58: {  	_ =	shalt  }
0x59: {  	_ =	shalt  }
0x5a: {  	_ =	shalt  }
0x5b: {  	_ =	shalt  }
0x5c: {  	_ =	shalt  }
0x5d: {  	_ =	shalt  }
0x5e: {  	_ =	shalt  }
0x5f: {  	_ =	shalt  }
0x60: {  	_ =	shalt  }
0x61: {  	_ =	shalt  }
0x62: {  	_ =	shalt  }
0x63: {  	_ =	shalt  }
0x64: {  	_ =	shalt  }
0x65: {  	_ =	shalt  }
0x66: {  	_ =	shalt  }
0x67: {  	_ =	shalt  }
0x68: {  	_ =	shalt  }
0x69: {  	_ =	shalt  }
0x6a: {  	_ =	shalt  }
0x6b: {  	_ =	shalt  }
0x6c: {  	_ =	shalt  }
0x6d: {  	_ =	shalt  }
0x6e: {  	_ =	shalt  }
0x6f: {  	_ =	shalt  }
0x70: {  	_ =	shalt  }
0x71: {  	_ =	shalt  }
0x72: {  	_ =	shalt  }
0x73: {  	_ =	shalt  }
0x74: {  	_ =	shalt  }
0x75: {  	_ =	shalt  }
0x76: {  	_ =	shalt  }
0x77: {  	_ =	shalt  }
0x78: {  	_ =	shalt  }
0x79: {  	_ =	shalt  }
0x7a: {  	_ =	shalt  }
0x7b: {  	_ =	shalt  }
0x7c: {  	_ =	shalt  }
0x7d: {  	_ =	shalt  }
0x7e: {  	_ =	shalt  }
0x7f: {  	_ =	shalt  }
0x80: {  	_ =	shalt  }
0x81: {  	_ =	shalt  }
0x82: {  	_ =	shalt  }
0x83: {  	_ =	shalt  }
0x84: {  	_ =	shalt  }
0x85: {  	_ =	shalt  }
0x86: {  	_ =	shalt  }
0x87: {  	_ =	shalt  }
.Lfunc_end0:
.L_simem_size_0:
called_computation.2_lowered:
.L_overlay_start_0:
0x88: {  	s2 =	sld [smem:$0x3FD9]  }
0x89: {  	s3 =	sld [smem:$0x3FFE];
	_ =	sdelay $0x1  }
0x8a: {  	s1 =	srdreg.scid  }
0x8b: {  	s0 =	sand.u32 $0x1, s1  }
0x8c: {  	s16 =	sshll.u32 s0, $0xA;
	s2 =	sadd.s32 s3, s2  }
0x8d: {  	s2 =	sadd.s32 s2, s16  }
0x8e: {  	[smem:$0x3FBD] =	sst s2  }
0x8f: {  	_ = 	snop  }
0x90: {  	(tm) =	ssettm $0x1  }
0x91: {  	s17 =	sld [smem:$0x3FFB];
	_ =	sdelay $0x3  }
0x92: {  	_ =	strace s17  }
0x93: {  	s2 =	sld [smem:$0x3FFC];
	_ =	sdelay $0x3  }
0x94: {  	_ =	strace s2  }
0x95: {  	s2 =	sld [smem:$0x3FFD];
	_ =	sdelay $0x3  }
0x96: {  	_ =	strace s2  }
0x97: {  	_ =	strace $0x8FFFFFFF  }
0x98: {  	s18 =	sld [smem:$0x3FDB];
	_ =	sdelay $0x1  }
0x99: {  	s19 =	simm.s32 $_scs_section_size  }
0x9a: {  	s4 =	simm.s32 $_size__tile_overlayer_lowered;
	s5 =	simm.s32 $_tile_overlayer_lowered  }
0x9b: {  	s22 =	simm.s32 $0x1BFF;
	s21 =	sshll.u32 s5, $0x1;
	s2 =	sadd.s32 s19, s18  }
0x9c: {  	s6 =	simm.s32 $0x0;
	s20 =	sshll.u32 s4, $0x1;
	s4 =	sadd.s32 s21, s2  }
0x9d: {  	[timem:s6], [sflag:s22] =	dma.local [hbm:s4], s20  }
0x9e: {  	_ =	swait.ge [sflag:s22], s20  }
0x9f: {  	s3 =	ssub.s32 $0x0, s20;
	[sflag:s22] =	ssyncset.done $0x0  }
0xa0: {  	[sflag:s22] =	ssyncadd.s32 s3;
	_ =	sdelay $0x1  }
0xa1: {  	s23 =	simm.s32 $0x1B8B  }
0xa2: {  	_ =	swait.ge [sflag:s23], $0x1  }
0xa3: {  	[sflag:s23] =	ssyncset.done $0x0  }
0xa4: {  	s25 =	simm.s32 $0x1B8E;
	s24 =	sld [smem:$0x3FFE];
	[sflag:s23] =	ssyncadd.s32 $0xFFFFFFFF  }
0xa5: {  	s26 =	simm.s32 $execute0_lowered;
	[smem:$0x3FD2] =	sst s25  }
0xa6: {  	s4 =	sshll.u32 s26, $0x1;
	_ =	strace $0x8000004C;
	[dreg:$0x1] =	wrdreg $0xFFFFFFFF  }
0xa7: {  	s28 =	simm.s32 $_size_execute0_lowered;
	s2 =	sadd.s32 s2, s4;
	[dreg:$0x0] =	wrdreg $0x0  }
0xa8: {  	s4 =	sshll.u32 s28, $0x1;
	[dreg:$0x2] =	wrdreg s2  }
0xa9: {  	[dreg:$0x3] =	wrdreg s4  }
0xaa: {  	[dreg:$0x4] =	wrdreg $0xC0  }
0xab: {  	_ =	task [dreg:s6], $0x5FFFF  }
0xac: {  	[dreg:$0x1] =	wrdreg $0xFFFFFFFF  }
0xad: {  	[dreg:$0x0] =	wrdreg $0x60  }
0xae: {  	[dreg:$0x2] =	wrdreg s24  }
0xaf: {  	[dreg:$0x3] =	wrdreg $0xC0000  }
0xb0: {  	[dreg:$0x4] =	wrdreg $0x9  }
0xb1: {  	_ =	task.clear_ibuf [dreg:s6], $0x5FFFF;
	_ =	strace $0x9000004C  }
0xb2: {  	s29 =	simm.s32 $0x9;
	_ =	strace $0x8000004E  }
0xb3: {  	_ =	swait.ge [sflag:s29], $0x1  }
0xb4: {  	[sflag:s29] =	ssyncadd.s32 $0xFFFFFFFF  }
0xb5: {  	_ =	strace $0x9000004E  }
0xb6: {  	_ =	sfence  }
0xb7: {  	s30 =	sld [smem:$0x0];
	_ =	sdelay $0x2  }
0xb8: {  	s31 =	sshll.u32 s1, $0xD;
	s1 =	sshrl.u32 s1, $0x2  }
0xb9: {  	s3 =	sand.u32 $0x4000, s31;
	s1 =	sadd.s32 s1, s30  }
0xba: {  	s0 =	sor.u32 s3, s0;
	s1 =	sshll.u32 s1, $0x11  }
0xbb: {  	s0 =	sor.u32 s1, s0  }
0xbc: {  	s0 =	sadd.s32 $0x8F2B, s0  }
0xbd: {  	[sflag:s0] =	ssyncadd.remote.s32 $0x1  }
0xbe: {  	_ =	sfence.sel $0xFFFF  }
0xbf: {  	[dreg:$0x0] =	wrdreg $0xFFFFFFFF;
	(pc) =	sbr.abs _section_cstart, $3  }
0xc0: {  	[dreg:$0x1] =	wrdreg $0xFFFFFFFF  }
0xc1: {  	_ =	task.clear_ibuf [dreg:s6], $0x2FFFF;
	_ =	strace $0x9FFFFFFF  }
0xc2: {  	(tm) =	ssettm $0x7FFFFFFF  }
0xc3: {  	_ =	shalt  }
tec
execute0_lowered:
.L_overlay_start_1:
0x0: {  	(tag) =	ssettag $0x1  }
0x1: {  	s5 =	rddreg [dreg:$0x0];
	s12 =	stileid.u32  }
0x2: {  	s0 =	srdreg.scid;
	s2 =	rddreg [dreg:$0x1];
	s3 =	simm.s32 $0x0  }
0x3: {  	s18 =	simm.s32 $0x80;
	s19 =	simm.s32 $0x100;
	s20 =	simm.s32 $0x180  }
0x4: {  	s21 =	simm.s32 $0x200;
	s22 =	simm.s32 $0x1080;
	[smem:$0x7FF] =	sst s3  }
0x5: {  	s23 =	simm.s32 $0x280;
	_ =	strace $0x8000004D;
	[dreg:$0x5] =	wrdreg s18  }
0x6: {  	s24 =	simm.s32 $0x1100;
	s26 =	simm.s32 $0x300;
	[dreg:$0x6] =	wrdreg s19  }
0x7: {  	s15 =	simm.s32 $0x1200;
	s28 =	simm.s32 $0x9800;
	[dreg:$0x7] =	wrdreg s20  }
0x8: {  	s29 =	simm.s32 $0x1;
	s30 =	simm.s32 $0x2;
	[dreg:$0x8] =	wrdreg s21  }
0x9: {  	s31 =	simm.s32 $0x3;
	s0 =	sand.u32 $0x1, s0;
	[dreg:$0x9] =	wrdreg s22  }
0xa: {  	s1 =	smul.u32 $0xA000, s12;
	s25 =	sadd.s32 $0x65A00, s5;
	[dreg:$0xa] =	wrdreg s23  }
0xb: {  	s7 =	smul.u32 $0x2700, s12;
	s4 =	sadd.s32 $0x3EA00, s5;
	[smem:$0x7E8] =	sst s25  }
0xc: {  	s10 =	smul.u32 $0x4E000, s12;
	s11 =	sadd.s32 $0x8CE00, s5;
	[dreg:$0xb] =	wrdreg s24  }
0xd: {  	p1 =	seq.s32 s12, $0x0;
	s13 =	sadd.s32 $0x138000, s2;
	[dreg:$0xc] =	wrdreg s26  }
0xe: {  	p4 =	sne.s32 s12, $0x0;
	s6 =	smul.u32 $0x5000, s0;
	[dreg:$0xf] =	wrdreg s15  }
0xf: {  	s8 =	ssub.s32 $0x2, s0;
	s18 =	simm.s32 $0x1280;
	[smem:$0x7F7] =	sst s13  }
0x10: {  	p0 =	seq.s32 s0, $0x1;
	s20 =	simm.s32 $0x480;
	[dreg:$0x11] =	wrdreg s18  }
0x11: {  	s14 =	smul.u32 $0x138800, s0;
	s21 =	simm.s32 $0x1300;
	[dreg:$0x12] =	wrdreg s20  }
0x12: {  	s22 =	simm.s32 $0x500;
	s24 =	simm.s32 $0x1380;
	[dreg:$0x13] =	wrdreg s21  }
0x13: {  	s25 =	simm.s32 $0x580;
	s26 =	simm.s32 $0x1400;
	[dreg:$0x14] =	wrdreg s22  }
0x14: {  	p2 =	sne.s32 s0, $0x0;
	s15 =	simm.s32 $0x700;
	[dreg:$0x15] =	wrdreg s24  }
0x15: {  	s16 =	sadd.s32 s7, s5;
	s9 =	sshrl.u32 s8, $0x1;
	[dreg:$0x16] =	wrdreg s25  }
0x16: {  	s10 =	sshrl.u32 s10, $0x2;
	s7 =	sadd.s32 s4, s7;
	[dreg:$0x17] =	wrdreg s26  }
0x17: {  	p1 =	por !p1, !p0;
	[dreg:$0x1c] =	wrdreg s15;
	s18 =	simm.s32 $0x1600  }
0x18: {  	s20 =	simm.s32 $0x1680;
	s21 =	simm.s32 $0x880;
	[smem:$0x7E6] =	sst s7  }
0x19: {  	s22 =	simm.s32 $0x1700;
	s24 =	simm.s32 $0x1780;
	[dreg:$0x1f] =	wrdreg s18  }
0x1a: {  	s25 =	simm.s32 $0x980;
	s26 =	simm.s32 $0x1800;
	[smem:$0x7F4] =	sst s20  }
0x1b: {  	s15 =	simm.s32 $0x1B00;
	s1 =	sadd.s32 s6, s1;
	[smem:$0x7F6] =	sst s21  }
0x1c: {  	s8 =	ssub.s32 s8, s9;
	s10 =	sadd.s32 s10, s2;
	[smem:$0x7F9] =	sst s22  }
0x1d: {  	s6 =	sadd.s32 $0x65C00, s16;
	s7 =	simm.s32 $0x1180;
	[smem:$0x7FB] =	sst s24  }
0x1e: {  	p1 =	por !p1, !p1;
	s9 =	simm.s32 $0x380;
	[smem:$0x7FC] =	sst s25  }
0x1f: {  	s16 =	smul.u32 $0x13800, s12;
	s23 =	sshrl.u32 s14, $0x3;
	[smem:$0x7FD] =	sst s26  }
0x20: {  	s21 =	simm.s32 $0x5;
	s22 =	simm.s32 $0x1000;
	[smem:$0x7E7] =	sst s6  }
0x21: {  	s24 =	simm.s32 $0x2000;
	s25 =	simm.s32 $0x4800;
	[dreg:$0xd] =	wrdreg s7  }
0x22: {  	s26 =	simm.s32 $0x7000;
	s1 =	sshrl.u32 s1, $0x3;
	[dreg:$0xe] =	wrdreg s9  }
0x23: {  	s7 =	smax.u32 s8, $0x1;
	s8 =	simm.s32 $0x600;
	[smem:$0x7F0] =	sst s10  }
0x24: {  	s9 =	simm.s32 $0x1480;
	s1 =	sadd.s32 s1, s5;
	[smem:$0x7EC] =	sst s7  }
0x25: {  	s5 =	sadd.s32 $0x8CC00, s5;
	s19 =	sadd.s32 s16, s14;
	[dreg:$0x18] =	wrdreg s8  }
0x26: {  	[dreg:$0x19] =	wrdreg s9;
	s14 =	simm.s32 $0x1500;
	s16 =	simm.s32 $0x1580  }
0x27: {  	s7 =	simm.s32 $0xA80;
	s9 =	simm.s32 $0x1900;
	[smem:$0x7E9] =	sst s5  }
0x28: {  	s17 =	sadd.s32 $0x16A00, s1;
	s1 =	sadd.s32 $0x2AA00, s1;
	[dreg:$0x1b] =	wrdreg s14  }
0x29: {  	s6 =	sshrl.u32 s19, $0x3;
	s5 =	sshll.u32 @!p2 s12, $0x6;
	[dreg:$0x1d] =	wrdreg s16  }
0x2a: {  	s19 =	simm.s32 $0x800;
	s14 =	simm.s32 $0xC00;
	[dreg:$0x3] =	wrdreg s17  }
0x2b: {  	s16 =	simm.s32 $0x1B80;
	[dreg:$0x4] =	wrdreg s1;
	s1 =	sor.u32 s12, s0  }
0x2c: {  	s17 =	simm.s32 $0x400;
	s6 =	sadd.s32 s11, s6;
	[smem:$0x7F2] =	sst s19  }
0x2d: {  	s5 =	sor.u32 @!p2 $0x1C05, s5;
	s0 =	simm.s32 $0x4;
	[dreg:$0x10] =	wrdreg s17  }
0x2e: {  	s19 =	simm.s32 $0x0;
	[smem:$0x7EA] =	sst s6;
	s6 =	sadd.s32 s11, s23  }
0x2f: {  	s11 =	simm.s32 $0x680;
	[smem:$0x7ED] =	sst s5;
	s5 =	sshrl.u32 @!p2 s10, $0x3  }
0x30: {  	s17 =	simm.s32 $0x780;
	p3 =	sne.s32 s1, $0x0;
	[dreg:$0x1a] =	wrdreg s11  }
0x31: {  	s23 =	simm.s32 $0x900;
	s6 =	sadd.s32 $0x27000, s6;
	[smem:$0x7EE] =	sst s5  }
0x32: {  	s5 =	sshll.u32 @p0 s12, $0x6;
	[dreg:$0x1e] =	wrdreg s17;
	s1 =	sshll.u32 @!p3 s12, $0x6  }
0x33: {  	[smem:$0x7FA] =	sst s23;
	s23 =	simm.s32 $0x50;
	s11 =	simm.s32 $0x1980  }
0x34: {  	s12 =	simm.s32 $0xB80;
	[smem:$0x7EB] =	sst s6;
	s5 =	sor.u32 @p0 $0x1C05, s5  }
0x35: {  	s17 =	simm.s32 $0x1C00;
	s1 =	sor.u32 @!p3 $0x1C05, s1;
	[smem:$0x7EF] =	sst s5  }
0x36: {  	s6 =	simm.s32 $0x1880;
	s5 =	sshrl.u32 @p0 s10, $0x3;
	[smem:$0x7F3] =	sst s1  }
0x37: {  	s1 =	sshrl.u32 @!p3 s13, $0x3;
	s10 =	simm.s32 $0xB00;
	[smem:$0x7F1] =	sst s5  }
0x38: {  	[smem:$0x7F5] =	sst s1;
	s1 =	sshrl.u32 @p1 s13, $0x3;
	s13 =	simm.s32 $0x1A00  }
0x39: {  	s5 =	simm.s32 $0x1A80;
	[smem:$0x7F8] =	sst s1;
	s1 =	simm.s32 $0xA00  }
.LBB2_1:
0x3a: {  	[smem:$0x7E5] =	sst s19  }
0x3b: {  	s8 =	sld [smem:$0x7E6]  }
0x3c: {  	s18 =	sld [smem:$0x7ED]  }
0x3d: {  	s19 =	sld [smem:$0x7EE];
	_ =	sdelay $0x2  }
0x3e: {  	[spmem:s19], [sflag:s18] =	dma.local @!p2 [hbm:s8], $0x2700  }
0x3f: {  	s18 =	simm.s32 @!p2 $0x5  }
0x40: {  	_ =	swait.ge @!p2 [sflag:s18], $0x2700  }
0x41: {  	s8 =	sld [smem:$0x7E7]  }
0x42: {  	[sflag:s18] =	ssyncset.done @!p2 $0x0;
	s19 =	sld [smem:$0x7F1]  }
0x43: {  	[sflag:s18] =	ssyncadd.s32 @!p2 $0xFFFFD900;
	s18 =	sld [smem:$0x7EF];
	_ =	sdelay $0x2  }
0x44: {  	[spmem:s19], [sflag:s18] =	dma.local @p0 [hbm:s8], $0x2700  }
0x45: {  	s18 =	simm.s32 @p0 $0x5  }
0x46: {  	_ =	swait.ge @p0 [sflag:s18], $0x2700  }
0x47: {  	s8 =	sld [smem:$0x7E8]  }
0x48: {  	[sflag:s18] =	ssyncset.done @p0 $0x0;
	s19 =	sld [smem:$0x7F5]  }
0x49: {  	[sflag:s18] =	ssyncadd.s32 @p0 $0xFFFFD900;
	s18 =	sld [smem:$0x7F3];
	_ =	sdelay $0x2  }
0x4a: {  	[spmem:s19], [sflag:s18] =	dma.local @!p3 [hbm:s8], $0x100  }
0x4b: {  	s18 =	simm.s32 @!p3 $0x5  }
0x4c: {  	_ =	swait.ge @!p3 [sflag:s18], $0x100  }
0x4d: {  	s8 =	sld [smem:$0x7E9]  }
0x4e: {  	s19 =	sld [smem:$0x7F8]  }
0x4f: {  	[sflag:s18] =	ssyncset.done @!p3 $0x0  }
0x50: {  	[sflag:s18] =	ssyncadd.s32 @!p3 $0xFFFFFF00;
	s18 =	simm.s32 @p1 $0x1C05  }
0x51: {  	[spmem:s19], [sflag:s18] =	dma.local @p1 [hbm:s8], $0x100  }
0x52: {  	s18 =	simm.s32 @p1 $0x5  }
0x53: {  	_ =	swait.ge @p1 [sflag:s18], $0x100  }
0x54: {  	[sflag:s18] =	ssyncset.done @p1 $0x0  }
0x55: {  	[sflag:s18] =	ssyncadd.s32 @p1 $0xFFFFFF00  }
0x56: {  	[bflag:$0x0] =	sbarrier.arrive $0xFFFF  }
0x57: {  	s20 =	rddreg [dreg:$0x4]  }
0x58: {  	s18 =	sadd.s32 $0x0, s20  }
0x59: {  	[tilespmem:s3], [sflag:$0x5] =	stream.linear.gather [hbm4b:s18+s3], $0xC80, $0x38;
	[tilespmem:$0x1F880] =	vst v63  }
0x5a: {  	_ =	swait.ge [sflag:s21], $0xC80  }
0x5b: {  	s8 =	rddreg [dreg:$0x3];
	[sflag:s21] =	ssyncset.done $0x0  }
0x5c: {  	[sflag:s21] =	ssyncadd.s32 $0xFFFFF380;
	s18 =	sadd.s32 $0x0, s8  }
0x5d: {  	[tilespmem:s22], [sflag:$0x5] =	stream.linear.gather [hbm4b:s18+s3], $0xC80, $0x38;
	[tilespmem:$0x1F880] =	vst v63  }
0x5e: {  	_ =	swait.ge [sflag:s21], $0xC80  }
0x5f: {  	[sflag:s21] =	ssyncset.done $0x0  }
0x60: {  	[sflag:s21] =	ssyncadd.s32 $0xFFFFF380  }
0x61: {  	[tilespmem:s24], [sflag:$0x1] =	stream.indirect.gather [hbm4b:s4+s23], $0x80, s3, s23, $0xb8;
	[tilespmem:$0x1F880] =	vst v63  }
0x62: {  	s19 =	rddreg [dreg:$0x5]  }
0x63: {  	[tilespmem:s25], [sflag:$0x2] =	stream.indirect.gather [hbm4b:s4+s23], $0x80, s19, s23, $0xb8;
	[tilespmem:$0x1F880] =	vst v63  }
0x64: {  	s20 =	rddreg [dreg:$0x6]  }
0x65: {  	[tilespmem:s26], [sflag:$0x3] =	stream.indirect.gather [hbm4b:s4+s23], $0x80, s20, s23, $0xb8;
	[tilespmem:$0x1F880] =	vst v63  }
0x66: {  	s8 =	rddreg [dreg:$0x7]  }
0x67: {  	[tilespmem:s28], [sflag:$0x4] =	stream.indirect.gather [hbm4b:s4+s23], $0x80, s8, s23, $0xb8;
	[tilespmem:$0x1F880] =	vst v63  }
0x68: {  	_ =	swait.ge [sflag:s29], $0x2800  }
0x69: {  	[sflag:s29] =	ssyncset.done $0x0  }
0x6a: {  	[sflag:s29] =	ssyncadd.s32 $0xFFFFD800  }
0x6b: {  	[spmem:s2] =	stream.indirect.scatter.add.f32 [tilespmem:s24], [sflag:$0x5], $0x80, s22, s23, $0xb8;
	[tilespmem:$0x1F880] =	vst v63  }
0x6c: {  	_ =	swait.ge [sflag:s21], $0x2800  }
0x6d: {  	[sflag:s21] =	ssyncset.done $0x0  }
0x6e: {  	s19 =	rddreg [dreg:$0x8];
	[sflag:s21] =	ssyncadd.s32 $0xFFFFD800  }
0x6f: {  	[tilespmem:s24], [sflag:$0x1] =	stream.indirect.gather [hbm4b:s4+s23], $0x80, s19, s23, $0xb8;
	[tilespmem:$0x1F880] =	vst v63  }
0x70: {  	_ =	swait.ge [sflag:s30], $0x2800  }
0x71: {  	[sflag:s30] =	ssyncset.done $0x0  }
0x72: {  	s20 =	rddreg [dreg:$0x9];
	[sflag:s30] =	ssyncadd.s32 $0xFFFFD800  }
0x73: {  	[spmem:s2] =	stream.indirect.scatter.add.f32 [tilespmem:s25], [sflag:$0x5], $0x80, s20, s23, $0xb8;
	[tilespmem:$0x1F880] =	vst v63  }
0x74: {  	_ =	swait.ge [sflag:s21], $0x2800  }
0x75: {  	[sflag:s21] =	ssyncset.done $0x0  }
0x76: {  	s8 =	rddreg [dreg:$0xa];
	[sflag:s21] =	ssyncadd.s32 $0xFFFFD800  }
0x77: {  	[tilespmem:s25], [sflag:$0x2] =	stream.indirect.gather [hbm4b:s4+s23], $0x80, s8, s23, $0xb8;
	[tilespmem:$0x1F880] =	vst v63  }
0x78: {  	_ =	swait.ge [sflag:s31], $0x2800  }
0x79: {  	[sflag:s31] =	ssyncset.done $0x0  }
0x7a: {  	s19 =	rddreg [dreg:$0xb];
	[sflag:s31] =	ssyncadd.s32 $0xFFFFD800  }
0x7b: {  	[spmem:s2] =	stream.indirect.scatter.add.f32 [tilespmem:s26], [sflag:$0x5], $0x80, s19, s23, $0xb8;
	[tilespmem:$0x1F880] =	vst v63  }
0x7c: {  	_ =	swait.ge [sflag:s21], $0x2800  }
0x7d: {  	[sflag:s21] =	ssyncset.done $0x0  }
0x7e: {  	s20 =	rddreg [dreg:$0xc];
	[sflag:s21] =	ssyncadd.s32 $0xFFFFD800  }
0x7f: {  	[tilespmem:s26], [sflag:$0x3] =	stream.indirect.gather [hbm4b:s4+s23], $0x80, s20, s23, $0xb8;
	[tilespmem:$0x1F880] =	vst v63  }
0x80: {  	_ =	swait.ge [sflag:s0], $0x2800  }
0x81: {  	[sflag:s0] =	ssyncset.done $0x0  }
0x82: {  	s8 =	rddreg [dreg:$0xd];
	[sflag:s0] =	ssyncadd.s32 $0xFFFFD800  }
0x83: {  	[spmem:s2] =	stream.indirect.scatter.add.f32 [tilespmem:s28], [sflag:$0x5], $0x80, s8, s23, $0xb8;
	[tilespmem:$0x1F880] =	vst v63  }
0x84: {  	_ =	swait.ge [sflag:s21], $0x2800  }
0x85: {  	[sflag:s21] =	ssyncset.done $0x0  }
0x86: {  	s19 =	rddreg [dreg:$0xe];
	[sflag:s21] =	ssyncadd.s32 $0xFFFFD800  }
0x87: {  	[tilespmem:s28], [sflag:$0x4] =	stream.indirect.gather [hbm4b:s4+s23], $0x80, s19, s23, $0xb8;
	[tilespmem:$0x1F880] =	vst v63  }
0x88: {  	_ =	swait.ge [sflag:s29], $0x2800  }
0x89: {  	[sflag:s29] =	ssyncset.done $0x0  }
0x8a: {  	s20 =	rddreg [dreg:$0xf];
	[sflag:s29] =	ssyncadd.s32 $0xFFFFD800  }
0x8b: {  	[spmem:s2] =	stream.indirect.scatter.add.f32 [tilespmem:s24], [sflag:$0x5], $0x80, s20, s23, $0xb8;
	[tilespmem:$0x1F880] =	vst v63  }
0x8c: {  	_ =	swait.ge [sflag:s21], $0x2800  }
0x8d: {  	[sflag:s21] =	ssyncset.done $0x0  }
0x8e: {  	s8 =	rddreg [dreg:$0x10];
	[sflag:s21] =	ssyncadd.s32 $0xFFFFD800  }
0x8f: {  	[tilespmem:s24], [sflag:$0x1] =	stream.indirect.gather [hbm4b:s4+s23], $0x80, s8, s23, $0xb8;
	[tilespmem:$0x1F880] =	vst v63  }
0x90: {  	_ =	swait.ge [sflag:s30], $0x2800  }
0x91: {  	[sflag:s30] =	ssyncset.done $0x0  }
0x92: {  	s19 =	rddreg [dreg:$0x11];
	[sflag:s30] =	ssyncadd.s32 $0xFFFFD800  }
0x93: {  	[spmem:s2] =	stream.indirect.scatter.add.f32 [tilespmem:s25], [sflag:$0x5], $0x80, s19, s23, $0xb8;
	[tilespmem:$0x1F880] =	vst v63  }
0x94: {  	_ =	swait.ge [sflag:s21], $0x2800  }
0x95: {  	[sflag:s21] =	ssyncset.done $0x0  }
0x96: {  	s20 =	rddreg [dreg:$0x12];
	[sflag:s21] =	ssyncadd.s32 $0xFFFFD800  }
0x97: {  	[tilespmem:s25], [sflag:$0x2] =	stream.indirect.gather [hbm4b:s4+s23], $0x80, s20, s23, $0xb8;
	[tilespmem:$0x1F880] =	vst v63  }
0x98: {  	_ =	swait.ge [sflag:s31], $0x2800  }
0x99: {  	[sflag:s31] =	ssyncset.done $0x0  }
0x9a: {  	s8 =	rddreg [dreg:$0x13];
	[sflag:s31] =	ssyncadd.s32 $0xFFFFD800  }
0x9b: {  	[spmem:s2] =	stream.indirect.scatter.add.f32 [tilespmem:s26], [sflag:$0x5], $0x80, s8, s23, $0xb8;
	[tilespmem:$0x1F880] =	vst v63  }
0x9c: {  	_ =	swait.ge [sflag:s21], $0x2800  }
0x9d: {  	[sflag:s21] =	ssyncset.done $0x0  }
0x9e: {  	s19 =	rddreg [dreg:$0x14];
	[sflag:s21] =	ssyncadd.s32 $0xFFFFD800  }
0x9f: {  	[tilespmem:s26], [sflag:$0x3] =	stream.indirect.gather [hbm4b:s4+s23], $0x80, s19, s23, $0xb8;
	[tilespmem:$0x1F880] =	vst v63  }
0xa0: {  	_ =	swait.ge [sflag:s0], $0x2800  }
0xa1: {  	[sflag:s0] =	ssyncset.done $0x0  }
0xa2: {  	s20 =	rddreg [dreg:$0x15];
	[sflag:s0] =	ssyncadd.s32 $0xFFFFD800  }
0xa3: {  	[spmem:s2] =	stream.indirect.scatter.add.f32 [tilespmem:s28], [sflag:$0x5], $0x80, s20, s23, $0xb8;
	[tilespmem:$0x1F880] =	vst v63  }
0xa4: {  	_ =	swait.ge [sflag:s21], $0x2800  }
0xa5: {  	[sflag:s21] =	ssyncset.done $0x0  }
0xa6: {  	s8 =	rddreg [dreg:$0x16];
	[sflag:s21] =	ssyncadd.s32 $0xFFFFD800  }
0xa7: {  	[tilespmem:s28], [sflag:$0x4] =	stream.indirect.gather [hbm4b:s4+s23], $0x80, s8, s23, $0xb8;
	[tilespmem:$0x1F880] =	vst v63  }
0xa8: {  	_ =	swait.ge [sflag:s29], $0x2800  }
0xa9: {  	[sflag:s29] =	ssyncset.done $0x0  }
0xaa: {  	s19 =	rddreg [dreg:$0x17];
	[sflag:s29] =	ssyncadd.s32 $0xFFFFD800  }
0xab: {  	[spmem:s2] =	stream.indirect.scatter.add.f32 [tilespmem:s24], [sflag:$0x5], $0x80, s19, s23, $0xb8;
	[tilespmem:$0x1F880] =	vst v63  }
0xac: {  	_ =	swait.ge [sflag:s21], $0x2800  }
0xad: {  	[sflag:s21] =	ssyncset.done $0x0  }
0xae: {  	s20 =	rddreg [dreg:$0x18];
	[sflag:s21] =	ssyncadd.s32 $0xFFFFD800  }
0xaf: {  	[tilespmem:s24], [sflag:$0x1] =	stream.indirect.gather [hbm4b:s4+s23], $0x80, s20, s23, $0xb8;
	[tilespmem:$0x1F880] =	vst v63  }
0xb0: {  	_ =	swait.ge [sflag:s30], $0x2800  }
0xb1: {  	[sflag:s30] =	ssyncset.done $0x0  }
0xb2: {  	s8 =	rddreg [dreg:$0x19];
	[sflag:s30] =	ssyncadd.s32 $0xFFFFD800  }
0xb3: {  	[spmem:s2] =	stream.indirect.scatter.add.f32 [tilespmem:s25], [sflag:$0x5], $0x80, s8, s23, $0xb8;
	[tilespmem:$0x1F880] =	vst v63  }
0xb4: {  	_ =	swait.ge [sflag:s21], $0x2800  }
0xb5: {  	[sflag:s21] =	ssyncset.done $0x0  }
0xb6: {  	s19 =	rddreg [dreg:$0x1a];
	[sflag:s21] =	ssyncadd.s32 $0xFFFFD800  }
0xb7: {  	[tilespmem:s25], [sflag:$0x2] =	stream.indirect.gather [hbm4b:s4+s23], $0x80, s19, s23, $0xb8;
	[tilespmem:$0x1F880] =	vst v63  }
0xb8: {  	_ =	swait.ge [sflag:s31], $0x2800  }
0xb9: {  	[sflag:s31] =	ssyncset.done $0x0  }
0xba: {  	s20 =	rddreg [dreg:$0x1b];
	[sflag:s31] =	ssyncadd.s32 $0xFFFFD800  }
0xbb: {  	[spmem:s2] =	stream.indirect.scatter.add.f32 [tilespmem:s26], [sflag:$0x5], $0x80, s20, s23, $0xb8;
	[tilespmem:$0x1F880] =	vst v63  }
0xbc: {  	_ =	swait.ge [sflag:s21], $0x2800  }
0xbd: {  	[sflag:s21] =	ssyncset.done $0x0  }
0xbe: {  	s8 =	rddreg [dreg:$0x1c];
	[sflag:s21] =	ssyncadd.s32 $0xFFFFD800  }
0xbf: {  	[tilespmem:s26], [sflag:$0x3] =	stream.indirect.gather [hbm4b:s4+s23], $0x80, s8, s23, $0xb8;
	[tilespmem:$0x1F880] =	vst v63  }
0xc0: {  	_ =	swait.ge [sflag:s0], $0x2800  }
0xc1: {  	[sflag:s0] =	ssyncset.done $0x0  }
0xc2: {  	s19 =	rddreg [dreg:$0x1d];
	[sflag:s0] =	ssyncadd.s32 $0xFFFFD800  }
0xc3: {  	[spmem:s2] =	stream.indirect.scatter.add.f32 [tilespmem:s28], [sflag:$0x5], $0x80, s19, s23, $0xb8;
	[tilespmem:$0x1F880] =	vst v63  }
0xc4: {  	_ =	swait.ge [sflag:s21], $0x2800  }
0xc5: {  	[sflag:s21] =	ssyncset.done $0x0  }
0xc6: {  	s20 =	rddreg [dreg:$0x1e];
	[sflag:s21] =	ssyncadd.s32 $0xFFFFD800  }
0xc7: {  	[tilespmem:s28], [sflag:$0x4] =	stream.indirect.gather [hbm4b:s4+s23], $0x80, s20, s23, $0xb8;
	[tilespmem:$0x1F880] =	vst v63  }
0xc8: {  	_ =	swait.ge [sflag:s29], $0x2800  }
0xc9: {  	[sflag:s29] =	ssyncset.done $0x0  }
0xca: {  	s8 =	rddreg [dreg:$0x1f];
	[sflag:s29] =	ssyncadd.s32 $0xFFFFD800  }
0xcb: {  	[spmem:s2] =	stream.indirect.scatter.add.f32 [tilespmem:s24], [sflag:$0x5], $0x80, s8, s23, $0xb8;
	[tilespmem:$0x1F880] =	vst v63  }
0xcc: {  	_ =	swait.ge [sflag:s21], $0x2800  }
0xcd: {  	s19 =	sld [smem:$0x7F2]  }
0xce: {  	[sflag:s21] =	ssyncset.done $0x0  }
0xcf: {  	[sflag:s21] =	ssyncadd.s32 $0xFFFFD800  }
0xd0: {  	[tilespmem:s24], [sflag:$0x1] =	stream.indirect.gather [hbm4b:s4+s23], $0x80, s19, s23, $0xb8;
	[tilespmem:$0x1F880] =	vst v63  }
0xd1: {  	_ =	swait.ge [sflag:s30], $0x2800  }
0xd2: {  	s20 =	sld [smem:$0x7F4]  }
0xd3: {  	[sflag:s30] =	ssyncset.done $0x0  }
0xd4: {  	[sflag:s30] =	ssyncadd.s32 $0xFFFFD800  }
0xd5: {  	[spmem:s2] =	stream.indirect.scatter.add.f32 [tilespmem:s25], [sflag:$0x5], $0x80, s20, s23, $0xb8;
	[tilespmem:$0x1F880] =	vst v63  }
0xd6: {  	_ =	swait.ge [sflag:s21], $0x2800  }
0xd7: {  	s8 =	sld [smem:$0x7F6]  }
0xd8: {  	[sflag:s21] =	ssyncset.done $0x0  }
0xd9: {  	[sflag:s21] =	ssyncadd.s32 $0xFFFFD800  }
0xda: {  	[tilespmem:s25], [sflag:$0x2] =	stream.indirect.gather [hbm4b:s4+s23], $0x80, s8, s23, $0xb8;
	[tilespmem:$0x1F880] =	vst v63  }
0xdb: {  	_ =	swait.ge [sflag:s31], $0x2800  }
0xdc: {  	s19 =	sld [smem:$0x7F9]  }
0xdd: {  	[sflag:s31] =	ssyncset.done $0x0  }
0xde: {  	[sflag:s31] =	ssyncadd.s32 $0xFFFFD800  }
0xdf: {  	[spmem:s2] =	stream.indirect.scatter.add.f32 [tilespmem:s26], [sflag:$0x5], $0x80, s19, s23, $0xb8;
	[tilespmem:$0x1F880] =	vst v63  }
0xe0: {  	_ =	swait.ge [sflag:s21], $0x2800  }
0xe1: {  	s20 =	sld [smem:$0x7FA]  }
0xe2: {  	[sflag:s21] =	ssyncset.done $0x0  }
0xe3: {  	[sflag:s21] =	ssyncadd.s32 $0xFFFFD800  }
0xe4: {  	[tilespmem:s26], [sflag:$0x3] =	stream.indirect.gather [hbm4b:s4+s23], $0x80, s20, s23, $0xb8;
	[tilespmem:$0x1F880] =	vst v63  }
0xe5: {  	_ =	swait.ge [sflag:s0], $0x2800  }
0xe6: {  	s8 =	sld [smem:$0x7FB]  }
0xe7: {  	[sflag:s0] =	ssyncset.done $0x0  }
0xe8: {  	[sflag:s0] =	ssyncadd.s32 $0xFFFFD800  }
0xe9: {  	[spmem:s2] =	stream.indirect.scatter.add.f32 [tilespmem:s28], [sflag:$0x5], $0x80, s8, s23, $0xb8;
	[tilespmem:$0x1F880] =	vst v63  }
0xea: {  	_ =	swait.ge [sflag:s21], $0x2800  }
0xeb: {  	s19 =	sld [smem:$0x7FC]  }
0xec: {  	[sflag:s21] =	ssyncset.done $0x0  }
0xed: {  	[sflag:s21] =	ssyncadd.s32 $0xFFFFD800  }
0xee: {  	[tilespmem:s28], [sflag:$0x4] =	stream.indirect.gather [hbm4b:s4+s23], $0x80, s19, s23, $0xb8;
	[tilespmem:$0x1F880] =	vst v63  }
0xef: {  	_ =	swait.ge [sflag:s29], $0x2800  }
0xf0: {  	s20 =	sld [smem:$0x7FD]  }
0xf1: {  	[sflag:s29] =	ssyncset.done $0x0  }
0xf2: {  	[sflag:s29] =	ssyncadd.s32 $0xFFFFD800  }
0xf3: {  	[spmem:s2] =	stream.indirect.scatter.add.f32 [tilespmem:s24], [sflag:$0x5], $0x80, s20, s23, $0xb8;
	[tilespmem:$0x1F880] =	vst v63  }
0xf4: {  	_ =	swait.ge [sflag:s21], $0x2800  }
0xf5: {  	[sflag:s21] =	ssyncset.done $0x0  }
0xf6: {  	[sflag:s21] =	ssyncadd.s32 $0xFFFFD800  }
0xf7: {  	[tilespmem:s24], [sflag:$0x1] =	stream.indirect.gather [hbm4b:s4+s23], $0x80, s1, s23, $0xb8;
	[tilespmem:$0x1F880] =	vst v63  }
0xf8: {  	_ =	swait.ge [sflag:s30], $0x2800  }
0xf9: {  	[sflag:s30] =	ssyncset.done $0x0  }
0xfa: {  	[sflag:s30] =	ssyncadd.s32 $0xFFFFD800  }
0xfb: {  	[spmem:s2] =	stream.indirect.scatter.add.f32 [tilespmem:s25], [sflag:$0x5], $0x80, s6, s23, $0xb8;
	[tilespmem:$0x1F880] =	vst v63  }
0xfc: {  	_ =	swait.ge [sflag:s21], $0x2800  }
0xfd: {  	[sflag:s21] =	ssyncset.done $0x0  }
0xfe: {  	[sflag:s21] =	ssyncadd.s32 $0xFFFFD800  }
0xff: {  	[tilespmem:s25], [sflag:$0x2] =	stream.indirect.gather [hbm4b:s4+s23], $0x80, s7, s23, $0xb8;
	[tilespmem:$0x1F880] =	vst v63  }
0x100: {  	_ =	swait.ge [sflag:s31], $0x2800  }
0x101: {  	[sflag:s31] =	ssyncset.done $0x0  }
0x102: {  	[sflag:s31] =	ssyncadd.s32 $0xFFFFD800  }
0x103: {  	[spmem:s2] =	stream.indirect.scatter.add.f32 [tilespmem:s26], [sflag:$0x5], $0x80, s9, s23, $0xb8;
	[tilespmem:$0x1F880] =	vst v63  }
0x104: {  	_ =	swait.ge [sflag:s21], $0x2800  }
0x105: {  	[sflag:s21] =	ssyncset.done $0x0  }
0x106: {  	[sflag:s21] =	ssyncadd.s32 $0xFFFFD800  }
0x107: {  	[tilespmem:s26], [sflag:$0x3] =	stream.indirect.gather [hbm4b:s4+s23], $0x80, s10, s23, $0xb8;
	[tilespmem:$0x1F880] =	vst v63  }
0x108: {  	_ =	swait.ge [sflag:s0], $0x2800  }
0x109: {  	[sflag:s0] =	ssyncset.done $0x0  }
0x10a: {  	[sflag:s0] =	ssyncadd.s32 $0xFFFFD800  }
0x10b: {  	[spmem:s2] =	stream.indirect.scatter.add.f32 [tilespmem:s28], [sflag:$0x5], $0x80, s11, s23, $0xb8;
	[tilespmem:$0x1F880] =	vst v63  }
0x10c: {  	_ =	swait.ge [sflag:s21], $0x2800  }
0x10d: {  	[sflag:s21] =	ssyncset.done $0x0  }
0x10e: {  	[sflag:s21] =	ssyncadd.s32 $0xFFFFD800  }
0x10f: {  	[tilespmem:s28], [sflag:$0x4] =	stream.indirect.gather [hbm4b:s4+s23], $0x80, s12, s23, $0xb8;
	[tilespmem:$0x1F880] =	vst v63  }
0x110: {  	_ =	swait.ge [sflag:s29], $0x2800  }
0x111: {  	[sflag:s29] =	ssyncset.done $0x0  }
0x112: {  	[sflag:s29] =	ssyncadd.s32 $0xFFFFD800  }
0x113: {  	[spmem:s2] =	stream.indirect.scatter.add.f32 [tilespmem:s24], [sflag:$0x5], $0x80, s13, s23, $0xb8;
	[tilespmem:$0x1F880] =	vst v63  }
0x114: {  	_ =	swait.ge [sflag:s21], $0x2800  }
0x115: {  	[sflag:s21] =	ssyncset.done $0x0  }
0x116: {  	[sflag:s21] =	ssyncadd.s32 $0xFFFFD800  }
0x117: {  	[tilespmem:s24], [sflag:$0x1] =	stream.indirect.gather [hbm4b:s4+s23], $0x80, s14, s23, $0xb8;
	[tilespmem:$0x1F880] =	vst v63  }
0x118: {  	_ =	swait.ge [sflag:s30], $0x2800  }
0x119: {  	[sflag:s30] =	ssyncset.done $0x0  }
0x11a: {  	[sflag:s30] =	ssyncadd.s32 $0xFFFFD800  }
0x11b: {  	[spmem:s2] =	stream.indirect.scatter.add.f32 [tilespmem:s25], [sflag:$0x5], $0x80, s5, s23, $0xb8;
	[tilespmem:$0x1F880] =	vst v63  }
0x11c: {  	_ =	swait.ge [sflag:s21], $0x2800  }
0x11d: {  	[sflag:s21] =	ssyncset.done $0x0  }
0x11e: {  	[sflag:s21] =	ssyncadd.s32 $0xFFFFD800  }
0x11f: {  	_ =	swait.ge [sflag:s31], $0x2800  }
0x120: {  	[sflag:s31] =	ssyncset.done $0x0  }
0x121: {  	[sflag:s31] =	ssyncadd.s32 $0xFFFFD800  }
0x122: {  	[spmem:s2] =	stream.indirect.scatter.add.f32 [tilespmem:s26], [sflag:$0x5], $0x80, s15, s23, $0xb8;
	[tilespmem:$0x1F880] =	vst v63  }
0x123: {  	_ =	swait.ge [sflag:s21], $0x2800  }
0x124: {  	[sflag:s21] =	ssyncset.done $0x0  }
0x125: {  	[sflag:s21] =	ssyncadd.s32 $0xFFFFD800  }
0x126: {  	_ =	swait.ge [sflag:s0], $0x2800  }
0x127: {  	[sflag:s0] =	ssyncset.done $0x0  }
0x128: {  	[sflag:s0] =	ssyncadd.s32 $0xFFFFD800  }
0x129: {  	[spmem:s2] =	stream.indirect.scatter.add.f32 [tilespmem:s28], [sflag:$0x5], $0x80, s16, s23, $0xb8;
	[tilespmem:$0x1F880] =	vst v63  }
0x12a: {  	_ =	swait.ge [sflag:s21], $0x2800  }
0x12b: {  	[sflag:s21] =	ssyncset.done $0x0  }
0x12c: {  	[sflag:s21] =	ssyncadd.s32 $0xFFFFD800  }
0x12d: {  	_ =	swait.ge [sflag:s29], $0x2800  }
0x12e: {  	[sflag:s29] =	ssyncset.done $0x0  }
0x12f: {  	[sflag:s29] =	ssyncadd.s32 $0xFFFFD800  }
0x130: {  	[spmem:s2] =	stream.indirect.scatter.add.f32 [tilespmem:s24], [sflag:$0x5], $0x80, s17, s23, $0xb8;
	[tilespmem:$0x1F880] =	vst v63  }
0x131: {  	s18 =	simm.s32 $0x200;
	_ =	swait.ge [sflag:s21], $0x2800  }
0x132: {  	s19 =	simm.s32 $0x400;
	s20 =	rddreg [dreg:$0x4];
	[sflag:s21] =	ssyncset.done $0x0  }
.LBB2_2:
0x133: {  	[sflag:s21] =	ssyncadd.s32 $0xFFFFD800;
	s20 =	sadd.s32 s18, s20  }
0x134: {  	[tilespmem:s3], [sflag:$0x5] =	stream.linear.gather [hbm4b:s20+s3], $0xC80, $0x38;
	[tilespmem:$0x1F880] =	vst v63  }
0x135: {  	_ =	swait.ge [sflag:s21], $0xC80  }
0x136: {  	s20 =	rddreg [dreg:$0x3];
	[sflag:s21] =	ssyncset.done $0x0  }
0x137: {  	[sflag:s21] =	ssyncadd.s32 $0xFFFFF380;
	s20 =	sadd.s32 s18, s20  }
0x138: {  	[tilespmem:s22], [sflag:$0x5] =	stream.linear.gather [hbm4b:s20+s3], $0xC80, $0x38;
	[tilespmem:$0x1F880] =	vst v63  }
0x139: {  	_ =	swait.ge [sflag:s21], $0xC80  }
0x13a: {  	[sflag:s21] =	ssyncset.done $0x0  }
0x13b: {  	s8 =	smov.u32 s19;
	[sflag:s21] =	ssyncadd.s32 $0xFFFFF380  }
0x13c: {  	[tilespmem:s24], [sflag:$0x1] =	stream.indirect.gather [hbm4b:s4+s23], $0x80, s3, s23, $0xb8;
	[tilespmem:$0x1F880] =	vst v63  }
0x13d: {  	s18 =	smov.u32 s8;
	s8 =	rddreg [dreg:$0x5]  }
0x13e: {  	[tilespmem:s25], [sflag:$0x2] =	stream.indirect.gather [hbm4b:s4+s23], $0x80, s8, s23, $0xb8;
	[tilespmem:$0x1F880] =	vst v63  }
0x13f: {  	s20 =	rddreg [dreg:$0x6]  }
0x140: {  	[tilespmem:s26], [sflag:$0x3] =	stream.indirect.gather [hbm4b:s4+s23], $0x80, s20, s23, $0xb8;
	[tilespmem:$0x1F880] =	vst v63  }
0x141: {  	s8 =	rddreg [dreg:$0x7]  }
0x142: {  	[tilespmem:s28], [sflag:$0x4] =	stream.indirect.gather [hbm4b:s4+s23], $0x80, s8, s23, $0xb8;
	[tilespmem:$0x1F880] =	vst v63  }
0x143: {  	_ =	swait.ge [sflag:s29], $0x2800  }
0x144: {  	[sflag:s29] =	ssyncset.done $0x0  }
0x145: {  	[sflag:s29] =	ssyncadd.s32 $0xFFFFD800  }
0x146: {  	[spmem:s2] =	stream.indirect.scatter.add.f32 [tilespmem:s24], [sflag:$0x5], $0x80, s22, s23, $0xb8;
	[tilespmem:$0x1F880] =	vst v63  }
0x147: {  	_ =	swait.ge [sflag:s21], $0x2800  }
0x148: {  	[sflag:s21] =	ssyncset.done $0x0  }
0x149: {  	s20 =	rddreg [dreg:$0x8];
	[sflag:s21] =	ssyncadd.s32 $0xFFFFD800  }
0x14a: {  	[tilespmem:s24], [sflag:$0x1] =	stream.indirect.gather [hbm4b:s4+s23], $0x80, s20, s23, $0xb8;
	[tilespmem:$0x1F880] =	vst v63  }
0x14b: {  	_ =	swait.ge [sflag:s30], $0x2800  }
0x14c: {  	[sflag:s30] =	ssyncset.done $0x0  }
0x14d: {  	s20 =	rddreg [dreg:$0x9];
	[sflag:s30] =	ssyncadd.s32 $0xFFFFD800  }
0x14e: {  	[spmem:s2] =	stream.indirect.scatter.add.f32 [tilespmem:s25], [sflag:$0x5], $0x80, s20, s23, $0xb8;
	[tilespmem:$0x1F880] =	vst v63  }
0x14f: {  	_ =	swait.ge [sflag:s21], $0x2800  }
0x150: {  	[sflag:s21] =	ssyncset.done $0x0  }
0x151: {  	s20 =	rddreg [dreg:$0xa];
	[sflag:s21] =	ssyncadd.s32 $0xFFFFD800  }
0x152: {  	[tilespmem:s25], [sflag:$0x2] =	stream.indirect.gather [hbm4b:s4+s23], $0x80, s20, s23, $0xb8;
	[tilespmem:$0x1F880] =	vst v63  }
0x153: {  	_ =	swait.ge [sflag:s31], $0x2800  }
0x154: {  	[sflag:s31] =	ssyncset.done $0x0  }
0x155: {  	s20 =	rddreg [dreg:$0xb];
	[sflag:s31] =	ssyncadd.s32 $0xFFFFD800  }
0x156: {  	[spmem:s2] =	stream.indirect.scatter.add.f32 [tilespmem:s26], [sflag:$0x5], $0x80, s20, s23, $0xb8;
	[tilespmem:$0x1F880] =	vst v63  }
0x157: {  	_ =	swait.ge [sflag:s21], $0x2800  }
0x158: {  	[sflag:s21] =	ssyncset.done $0x0  }
0x159: {  	s20 =	rddreg [dreg:$0xc];
	[sflag:s21] =	ssyncadd.s32 $0xFFFFD800  }
0x15a: {  	[tilespmem:s26], [sflag:$0x3] =	stream.indirect.gather [hbm4b:s4+s23], $0x80, s20, s23, $0xb8;
	[tilespmem:$0x1F880] =	vst v63  }
0x15b: {  	_ =	swait.ge [sflag:s0], $0x2800  }
0x15c: {  	[sflag:s0] =	ssyncset.done $0x0  }
0x15d: {  	s20 =	rddreg [dreg:$0xd];
	[sflag:s0] =	ssyncadd.s32 $0xFFFFD800  }
0x15e: {  	[spmem:s2] =	stream.indirect.scatter.add.f32 [tilespmem:s28], [sflag:$0x5], $0x80, s20, s23, $0xb8;
	[tilespmem:$0x1F880] =	vst v63  }
0x15f: {  	_ =	swait.ge [sflag:s21], $0x2800  }
0x160: {  	[sflag:s21] =	ssyncset.done $0x0  }
0x161: {  	s20 =	rddreg [dreg:$0xe];
	[sflag:s21] =	ssyncadd.s32 $0xFFFFD800  }
0x162: {  	[tilespmem:s28], [sflag:$0x4] =	stream.indirect.gather [hbm4b:s4+s23], $0x80, s20, s23, $0xb8;
	[tilespmem:$0x1F880] =	vst v63  }
0x163: {  	_ =	swait.ge [sflag:s29], $0x2800  }
0x164: {  	[sflag:s29] =	ssyncset.done $0x0  }
0x165: {  	s20 =	rddreg [dreg:$0xf];
	[sflag:s29] =	ssyncadd.s32 $0xFFFFD800  }
0x166: {  	[spmem:s2] =	stream.indirect.scatter.add.f32 [tilespmem:s24], [sflag:$0x5], $0x80, s20, s23, $0xb8;
	[tilespmem:$0x1F880] =	vst v63  }
0x167: {  	_ =	swait.ge [sflag:s21], $0x2800  }
0x168: {  	[sflag:s21] =	ssyncset.done $0x0  }
0x169: {  	s20 =	rddreg [dreg:$0x10];
	[sflag:s21] =	ssyncadd.s32 $0xFFFFD800  }
0x16a: {  	[tilespmem:s24], [sflag:$0x1] =	stream.indirect.gather [hbm4b:s4+s23], $0x80, s20, s23, $0xb8;
	[tilespmem:$0x1F880] =	vst v63  }
0x16b: {  	_ =	swait.ge [sflag:s30], $0x2800  }
0x16c: {  	[sflag:s30] =	ssyncset.done $0x0  }
0x16d: {  	s20 =	rddreg [dreg:$0x11];
	[sflag:s30] =	ssyncadd.s32 $0xFFFFD800  }
0x16e: {  	[spmem:s2] =	stream.indirect.scatter.add.f32 [tilespmem:s25], [sflag:$0x5], $0x80, s20, s23, $0xb8;
	[tilespmem:$0x1F880] =	vst v63  }
0x16f: {  	_ =	swait.ge [sflag:s21], $0x2800  }
0x170: {  	[sflag:s21] =	ssyncset.done $0x0  }
0x171: {  	s20 =	rddreg [dreg:$0x12];
	[sflag:s21] =	ssyncadd.s32 $0xFFFFD800  }
0x172: {  	[tilespmem:s25], [sflag:$0x2] =	stream.indirect.gather [hbm4b:s4+s23], $0x80, s20, s23, $0xb8;
	[tilespmem:$0x1F880] =	vst v63  }
0x173: {  	_ =	swait.ge [sflag:s31], $0x2800  }
0x174: {  	[sflag:s31] =	ssyncset.done $0x0  }
0x175: {  	s20 =	rddreg [dreg:$0x13];
	[sflag:s31] =	ssyncadd.s32 $0xFFFFD800  }
0x176: {  	[spmem:s2] =	stream.indirect.scatter.add.f32 [tilespmem:s26], [sflag:$0x5], $0x80, s20, s23, $0xb8;
	[tilespmem:$0x1F880] =	vst v63  }
0x177: {  	_ =	swait.ge [sflag:s21], $0x2800  }
0x178: {  	[sflag:s21] =	ssyncset.done $0x0  }
0x179: {  	s20 =	rddreg [dreg:$0x14];
	[sflag:s21] =	ssyncadd.s32 $0xFFFFD800  }
0x17a: {  	[tilespmem:s26], [sflag:$0x3] =	stream.indirect.gather [hbm4b:s4+s23], $0x80, s20, s23, $0xb8;
	[tilespmem:$0x1F880] =	vst v63  }
0x17b: {  	_ =	swait.ge [sflag:s0], $0x2800  }
0x17c: {  	[sflag:s0] =	ssyncset.done $0x0  }
0x17d: {  	s20 =	rddreg [dreg:$0x15];
	[sflag:s0] =	ssyncadd.s32 $0xFFFFD800  }
0x17e: {  	[spmem:s2] =	stream.indirect.scatter.add.f32 [tilespmem:s28], [sflag:$0x5], $0x80, s20, s23, $0xb8;
	[tilespmem:$0x1F880] =	vst v63  }
0x17f: {  	_ =	swait.ge [sflag:s21], $0x2800  }
0x180: {  	[sflag:s21] =	ssyncset.done $0x0  }
0x181: {  	s20 =	rddreg [dreg:$0x16];
	[sflag:s21] =	ssyncadd.s32 $0xFFFFD800  }
0x182: {  	[tilespmem:s28], [sflag:$0x4] =	stream.indirect.gather [hbm4b:s4+s23], $0x80, s20, s23, $0xb8;
	[tilespmem:$0x1F880] =	vst v63  }
0x183: {  	_ =	swait.ge [sflag:s29], $0x2800  }
0x184: {  	[sflag:s29] =	ssyncset.done $0x0  }
0x185: {  	s20 =	rddreg [dreg:$0x17];
	[sflag:s29] =	ssyncadd.s32 $0xFFFFD800  }
0x186: {  	[spmem:s2] =	stream.indirect.scatter.add.f32 [tilespmem:s24], [sflag:$0x5], $0x80, s20, s23, $0xb8;
	[tilespmem:$0x1F880] =	vst v63  }
0x187: {  	_ =	swait.ge [sflag:s21], $0x2800  }
0x188: {  	[sflag:s21] =	ssyncset.done $0x0  }
0x189: {  	s20 =	rddreg [dreg:$0x18];
	[sflag:s21] =	ssyncadd.s32 $0xFFFFD800  }
0x18a: {  	[tilespmem:s24], [sflag:$0x1] =	stream.indirect.gather [hbm4b:s4+s23], $0x80, s20, s23, $0xb8;
	[tilespmem:$0x1F880] =	vst v63  }
0x18b: {  	_ =	swait.ge [sflag:s30], $0x2800  }
0x18c: {  	[sflag:s30] =	ssyncset.done $0x0  }
0x18d: {  	s20 =	rddreg [dreg:$0x19];
	[sflag:s30] =	ssyncadd.s32 $0xFFFFD800  }
0x18e: {  	[spmem:s2] =	stream.indirect.scatter.add.f32 [tilespmem:s25], [sflag:$0x5], $0x80, s20, s23, $0xb8;
	[tilespmem:$0x1F880] =	vst v63  }
0x18f: {  	_ =	swait.ge [sflag:s21], $0x2800  }
0x190: {  	[sflag:s21] =	ssyncset.done $0x0  }
0x191: {  	s20 =	rddreg [dreg:$0x1a];
	[sflag:s21] =	ssyncadd.s32 $0xFFFFD800  }
0x192: {  	[tilespmem:s25], [sflag:$0x2] =	stream.indirect.gather [hbm4b:s4+s23], $0x80, s20, s23, $0xb8;
	[tilespmem:$0x1F880] =	vst v63  }
0x193: {  	_ =	swait.ge [sflag:s31], $0x2800  }
0x194: {  	[sflag:s31] =	ssyncset.done $0x0  }
0x195: {  	s20 =	rddreg [dreg:$0x1b];
	[sflag:s31] =	ssyncadd.s32 $0xFFFFD800  }
0x196: {  	[spmem:s2] =	stream.indirect.scatter.add.f32 [tilespmem:s26], [sflag:$0x5], $0x80, s20, s23, $0xb8;
	[tilespmem:$0x1F880] =	vst v63  }
0x197: {  	_ =	swait.ge [sflag:s21], $0x2800  }
0x198: {  	[sflag:s21] =	ssyncset.done $0x0  }
0x199: {  	s20 =	rddreg [dreg:$0x1c];
	[sflag:s21] =	ssyncadd.s32 $0xFFFFD800  }
0x19a: {  	[tilespmem:s26], [sflag:$0x3] =	stream.indirect.gather [hbm4b:s4+s23], $0x80, s20, s23, $0xb8;
	[tilespmem:$0x1F880] =	vst v63  }
0x19b: {  	_ =	swait.ge [sflag:s0], $0x2800  }
0x19c: {  	[sflag:s0] =	ssyncset.done $0x0  }
0x19d: {  	s20 =	rddreg [dreg:$0x1d];
	[sflag:s0] =	ssyncadd.s32 $0xFFFFD800  }
0x19e: {  	[spmem:s2] =	stream.indirect.scatter.add.f32 [tilespmem:s28], [sflag:$0x5], $0x80, s20, s23, $0xb8;
	[tilespmem:$0x1F880] =	vst v63  }
0x19f: {  	_ =	swait.ge [sflag:s21], $0x2800  }
0x1a0: {  	[sflag:s21] =	ssyncset.done $0x0  }
0x1a1: {  	s20 =	rddreg [dreg:$0x1e];
	[sflag:s21] =	ssyncadd.s32 $0xFFFFD800  }
0x1a2: {  	[tilespmem:s28], [sflag:$0x4] =	stream.indirect.gather [hbm4b:s4+s23], $0x80, s20, s23, $0xb8;
	[tilespmem:$0x1F880] =	vst v63  }
0x1a3: {  	_ =	swait.ge [sflag:s29], $0x2800  }
0x1a4: {  	[sflag:s29] =	ssyncset.done $0x0  }
0x1a5: {  	s20 =	rddreg [dreg:$0x1f];
	[sflag:s29] =	ssyncadd.s32 $0xFFFFD800  }
0x1a6: {  	[spmem:s2] =	stream.indirect.scatter.add.f32 [tilespmem:s24], [sflag:$0x5], $0x80, s20, s23, $0xb8;
	[tilespmem:$0x1F880] =	vst v63  }
0x1a7: {  	_ =	swait.ge [sflag:s21], $0x2800  }
0x1a8: {  	s20 =	sld [smem:$0x7F2]  }
0x1a9: {  	[sflag:s21] =	ssyncset.done $0x0  }
0x1aa: {  	[sflag:s21] =	ssyncadd.s32 $0xFFFFD800  }
0x1ab: {  	[tilespmem:s24], [sflag:$0x1] =	stream.indirect.gather [hbm4b:s4+s23], $0x80, s20, s23, $0xb8;
	[tilespmem:$0x1F880] =	vst v63  }
0x1ac: {  	_ =	swait.ge [sflag:s30], $0x2800  }
0x1ad: {  	s20 =	sld [smem:$0x7F4]  }
0x1ae: {  	[sflag:s30] =	ssyncset.done $0x0  }
0x1af: {  	[sflag:s30] =	ssyncadd.s32 $0xFFFFD800  }
0x1b0: {  	[spmem:s2] =	stream.indirect.scatter.add.f32 [tilespmem:s25], [sflag:$0x5], $0x80, s20, s23, $0xb8;
	[tilespmem:$0x1F880] =	vst v63  }
0x1b1: {  	_ =	swait.ge [sflag:s21], $0x2800  }
0x1b2: {  	s20 =	sld [smem:$0x7F6]  }
0x1b3: {  	[sflag:s21] =	ssyncset.done $0x0  }
0x1b4: {  	[sflag:s21] =	ssyncadd.s32 $0xFFFFD800  }
0x1b5: {  	[tilespmem:s25], [sflag:$0x2] =	stream.indirect.gather [hbm4b:s4+s23], $0x80, s20, s23, $0xb8;
	[tilespmem:$0x1F880] =	vst v63  }
0x1b6: {  	_ =	swait.ge [sflag:s31], $0x2800  }
0x1b7: {  	s20 =	sld [smem:$0x7F9]  }
0x1b8: {  	[sflag:s31] =	ssyncset.done $0x0  }
0x1b9: {  	[sflag:s31] =	ssyncadd.s32 $0xFFFFD800  }
0x1ba: {  	[spmem:s2] =	stream.indirect.scatter.add.f32 [tilespmem:s26], [sflag:$0x5], $0x80, s20, s23, $0xb8;
	[tilespmem:$0x1F880] =	vst v63  }
0x1bb: {  	_ =	swait.ge [sflag:s21], $0x2800  }
0x1bc: {  	s20 =	sld [smem:$0x7FA]  }
0x1bd: {  	[sflag:s21] =	ssyncset.done $0x0  }
0x1be: {  	[sflag:s21] =	ssyncadd.s32 $0xFFFFD800  }
0x1bf: {  	[tilespmem:s26], [sflag:$0x3] =	stream.indirect.gather [hbm4b:s4+s23], $0x80, s20, s23, $0xb8;
	[tilespmem:$0x1F880] =	vst v63  }
0x1c0: {  	_ =	swait.ge [sflag:s0], $0x2800  }
0x1c1: {  	s20 =	sld [smem:$0x7FB]  }
0x1c2: {  	[sflag:s0] =	ssyncset.done $0x0  }
0x1c3: {  	[sflag:s0] =	ssyncadd.s32 $0xFFFFD800  }
0x1c4: {  	[spmem:s2] =	stream.indirect.scatter.add.f32 [tilespmem:s28], [sflag:$0x5], $0x80, s20, s23, $0xb8;
	[tilespmem:$0x1F880] =	vst v63  }
0x1c5: {  	_ =	swait.ge [sflag:s21], $0x2800  }
0x1c6: {  	s20 =	sld [smem:$0x7FC]  }
0x1c7: {  	[sflag:s21] =	ssyncset.done $0x0  }
0x1c8: {  	[sflag:s21] =	ssyncadd.s32 $0xFFFFD800  }
0x1c9: {  	[tilespmem:s28], [sflag:$0x4] =	stream.indirect.gather [hbm4b:s4+s23], $0x80, s20, s23, $0xb8;
	[tilespmem:$0x1F880] =	vst v63  }
0x1ca: {  	_ =	swait.ge [sflag:s29], $0x2800  }
0x1cb: {  	s20 =	sld [smem:$0x7FD]  }
0x1cc: {  	[sflag:s29] =	ssyncset.done $0x0  }
0x1cd: {  	[sflag:s29] =	ssyncadd.s32 $0xFFFFD800  }
0x1ce: {  	[spmem:s2] =	stream.indirect.scatter.add.f32 [tilespmem:s24], [sflag:$0x5], $0x80, s20, s23, $0xb8;
	[tilespmem:$0x1F880] =	vst v63  }
0x1cf: {  	_ =	swait.ge [sflag:s21], $0x2800  }
0x1d0: {  	[sflag:s21] =	ssyncset.done $0x0  }
0x1d1: {  	[sflag:s21] =	ssyncadd.s32 $0xFFFFD800  }
0x1d2: {  	[tilespmem:s24], [sflag:$0x1] =	stream.indirect.gather [hbm4b:s4+s23], $0x80, s1, s23, $0xb8;
	[tilespmem:$0x1F880] =	vst v63  }
0x1d3: {  	_ =	swait.ge [sflag:s30], $0x2800  }
0x1d4: {  	[sflag:s30] =	ssyncset.done $0x0  }
0x1d5: {  	[sflag:s30] =	ssyncadd.s32 $0xFFFFD800  }
0x1d6: {  	[spmem:s2] =	stream.indirect.scatter.add.f32 [tilespmem:s25], [sflag:$0x5], $0x80, s6, s23, $0xb8;
	[tilespmem:$0x1F880] =	vst v63  }
0x1d7: {  	_ =	swait.ge [sflag:s21], $0x2800  }
0x1d8: {  	[sflag:s21] =	ssyncset.done $0x0  }
0x1d9: {  	[sflag:s21] =	ssyncadd.s32 $0xFFFFD800  }
0x1da: {  	[tilespmem:s25], [sflag:$0x2] =	stream.indirect.gather [hbm4b:s4+s23], $0x80, s7, s23, $0xb8;
	[tilespmem:$0x1F880] =	vst v63  }
0x1db: {  	_ =	swait.ge [sflag:s31], $0x2800  }
0x1dc: {  	[sflag:s31] =	ssyncset.done $0x0  }
0x1dd: {  	[sflag:s31] =	ssyncadd.s32 $0xFFFFD800  }
0x1de: {  	[spmem:s2] =	stream.indirect.scatter.add.f32 [tilespmem:s26], [sflag:$0x5], $0x80, s9, s23, $0xb8;
	[tilespmem:$0x1F880] =	vst v63  }
0x1df: {  	_ =	swait.ge [sflag:s21], $0x2800  }
0x1e0: {  	[sflag:s21] =	ssyncset.done $0x0  }
0x1e1: {  	[sflag:s21] =	ssyncadd.s32 $0xFFFFD800  }
0x1e2: {  	[tilespmem:s26], [sflag:$0x3] =	stream.indirect.gather [hbm4b:s4+s23], $0x80, s10, s23, $0xb8;
	[tilespmem:$0x1F880] =	vst v63  }
0x1e3: {  	_ =	swait.ge [sflag:s0], $0x2800  }
0x1e4: {  	[sflag:s0] =	ssyncset.done $0x0  }
0x1e5: {  	[sflag:s0] =	ssyncadd.s32 $0xFFFFD800  }
0x1e6: {  	[spmem:s2] =	stream.indirect.scatter.add.f32 [tilespmem:s28], [sflag:$0x5], $0x80, s11, s23, $0xb8;
	[tilespmem:$0x1F880] =	vst v63  }
0x1e7: {  	_ =	swait.ge [sflag:s21], $0x2800  }
0x1e8: {  	[sflag:s21] =	ssyncset.done $0x0  }
0x1e9: {  	[sflag:s21] =	ssyncadd.s32 $0xFFFFD800  }
0x1ea: {  	[tilespmem:s28], [sflag:$0x4] =	stream.indirect.gather [hbm4b:s4+s23], $0x80, s12, s23, $0xb8;
	[tilespmem:$0x1F880] =	vst v63  }
0x1eb: {  	_ =	swait.ge [sflag:s29], $0x2800  }
0x1ec: {  	[sflag:s29] =	ssyncset.done $0x0  }
0x1ed: {  	[sflag:s29] =	ssyncadd.s32 $0xFFFFD800  }
0x1ee: {  	[spmem:s2] =	stream.indirect.scatter.add.f32 [tilespmem:s24], [sflag:$0x5], $0x80, s13, s23, $0xb8;
	[tilespmem:$0x1F880] =	vst v63  }
0x1ef: {  	_ =	swait.ge [sflag:s21], $0x2800  }
0x1f0: {  	[sflag:s21] =	ssyncset.done $0x0  }
0x1f1: {  	[sflag:s21] =	ssyncadd.s32 $0xFFFFD800  }
0x1f2: {  	[tilespmem:s24], [sflag:$0x1] =	stream.indirect.gather [hbm4b:s4+s23], $0x80, s14, s23, $0xb8;
	[tilespmem:$0x1F880] =	vst v63  }
0x1f3: {  	_ =	swait.ge [sflag:s30], $0x2800  }
0x1f4: {  	[sflag:s30] =	ssyncset.done $0x0  }
0x1f5: {  	[sflag:s30] =	ssyncadd.s32 $0xFFFFD800  }
0x1f6: {  	[spmem:s2] =	stream.indirect.scatter.add.f32 [tilespmem:s25], [sflag:$0x5], $0x80, s5, s23, $0xb8;
	[tilespmem:$0x1F880] =	vst v63  }
0x1f7: {  	_ =	swait.ge [sflag:s21], $0x2800  }
0x1f8: {  	[sflag:s21] =	ssyncset.done $0x0  }
0x1f9: {  	[sflag:s21] =	ssyncadd.s32 $0xFFFFD800  }
0x1fa: {  	_ =	swait.ge [sflag:s31], $0x2800  }
0x1fb: {  	[sflag:s31] =	ssyncset.done $0x0  }
0x1fc: {  	[sflag:s31] =	ssyncadd.s32 $0xFFFFD800  }
0x1fd: {  	[spmem:s2] =	stream.indirect.scatter.add.f32 [tilespmem:s26], [sflag:$0x5], $0x80, s15, s23, $0xb8;
	[tilespmem:$0x1F880] =	vst v63  }
0x1fe: {  	_ =	swait.ge [sflag:s21], $0x2800  }
0x1ff: {  	[sflag:s21] =	ssyncset.done $0x0  }
0x200: {  	[sflag:s21] =	ssyncadd.s32 $0xFFFFD800  }
0x201: {  	_ =	swait.ge [sflag:s0], $0x2800  }
0x202: {  	[sflag:s0] =	ssyncset.done $0x0  }
0x203: {  	[sflag:s0] =	ssyncadd.s32 $0xFFFFD800  }
0x204: {  	[spmem:s2] =	stream.indirect.scatter.add.f32 [tilespmem:s28], [sflag:$0x5], $0x80, s16, s23, $0xb8;
	[tilespmem:$0x1F880] =	vst v63  }
0x205: {  	_ =	swait.ge [sflag:s21], $0x2800  }
0x206: {  	[sflag:s21] =	ssyncset.done $0x0  }
0x207: {  	[sflag:s21] =	ssyncadd.s32 $0xFFFFD800  }
0x208: {  	p5 =	sne.s32 s19, $0x800;
	_ =	swait.ge [sflag:s29], $0x2800  }
.Ltmp0:
0x209: {  	[sflag:s29] =	ssyncset.done $0x0;
	(pc) =	sbr.rel @p5 .LBB2_2-.Ltmp0, $4  }
0x20a: {  	[sflag:s29] =	ssyncadd.s32 $0xFFFFD800  }
0x20b: {  	[spmem:s2] =	stream.indirect.scatter.add.f32 [tilespmem:s24], [sflag:$0x5], $0x80, s17, s23, $0xb8;
	[tilespmem:$0x1F880] =	vst v63  }
0x20c: {  	_ =	swait.ge [sflag:s21], $0x2800  }
0x20d: {  	s19 =	sadd.s32 $0x200, s19;
	s20 =	rddreg [dreg:$0x4];
	[sflag:s21] =	ssyncset.done $0x0  }
0x20e: {  	[sflag:s21] =	ssyncadd.s32 $0xFFFFD800;
	s8 =	sadd.s32 s18, s20  }
0x20f: {  	[tilespmem:s3], [sflag:$0x5] =	stream.linear.gather [hbm4b:s8+s3], $0xC80, $0x38;
	[tilespmem:$0x1F880] =	vst v63  }
0x210: {  	_ =	swait.ge [sflag:s21], $0xC80  }
0x211: {  	s20 =	rddreg [dreg:$0x3];
	[sflag:s21] =	ssyncset.done $0x0  }
0x212: {  	[sflag:s21] =	ssyncadd.s32 $0xFFFFF380;
	s8 =	sadd.s32 s18, s20  }
0x213: {  	[tilespmem:s22], [sflag:$0x5] =	stream.linear.gather [hbm4b:s8+s3], $0xC80, $0x38;
	[tilespmem:$0x1F880] =	vst v63  }
0x214: {  	_ =	swait.ge [sflag:s21], $0xC80  }
0x215: {  	[sflag:s21] =	ssyncset.done $0x0  }
0x216: {  	[sflag:s21] =	ssyncadd.s32 $0xFFFFF380  }
0x217: {  	[tilespmem:s24], [sflag:$0x1] =	stream.indirect.gather [hbm4b:s4+s23], $0x80, s3, s23, $0xb8;
	[tilespmem:$0x1F880] =	vst v63  }
0x218: {  	s19 =	rddreg [dreg:$0x5]  }
0x219: {  	[tilespmem:s25], [sflag:$0x2] =	stream.indirect.gather [hbm4b:s4+s23], $0x80, s19, s23, $0xb8;
	[tilespmem:$0x1F880] =	vst v63  }
0x21a: {  	s20 =	rddreg [dreg:$0x6]  }
0x21b: {  	[tilespmem:s26], [sflag:$0x3] =	stream.indirect.gather [hbm4b:s4+s23], $0x80, s20, s23, $0xb8;
	[tilespmem:$0x1F880] =	vst v63  }
0x21c: {  	s19 =	rddreg [dreg:$0x7]  }
0x21d: {  	[tilespmem:s28], [sflag:$0x4] =	stream.indirect.gather [hbm4b:s4+s23], $0x80, s19, s23, $0xb8;
	[tilespmem:$0x1F880] =	vst v63  }
0x21e: {  	_ =	swait.ge [sflag:s29], $0x2800  }
0x21f: {  	[sflag:s29] =	ssyncset.done $0x0  }
0x220: {  	[sflag:s29] =	ssyncadd.s32 $0xFFFFD800  }
0x221: {  	[spmem:s2] =	stream.indirect.scatter.add.f32 [tilespmem:s24], [sflag:$0x5], $0x80, s22, s23, $0xb8;
	[tilespmem:$0x1F880] =	vst v63  }
0x222: {  	_ =	swait.ge [sflag:s21], $0x2800  }
0x223: {  	[sflag:s21] =	ssyncset.done $0x0  }
0x224: {  	s20 =	rddreg [dreg:$0x8];
	[sflag:s21] =	ssyncadd.s32 $0xFFFFD800  }
0x225: {  	[tilespmem:s24], [sflag:$0x1] =	stream.indirect.gather [hbm4b:s4+s23], $0x80, s20, s23, $0xb8;
	[tilespmem:$0x1F880] =	vst v63  }
0x226: {  	_ =	swait.ge [sflag:s30], $0x2800  }
0x227: {  	[sflag:s30] =	ssyncset.done $0x0  }
0x228: {  	s18 =	rddreg [dreg:$0x9];
	[sflag:s30] =	ssyncadd.s32 $0xFFFFD800  }
0x229: {  	[spmem:s2] =	stream.indirect.scatter.add.f32 [tilespmem:s25], [sflag:$0x5], $0x80, s18, s23, $0xb8;
	[tilespmem:$0x1F880] =	vst v63  }
0x22a: {  	_ =	swait.ge [sflag:s21], $0x2800  }
0x22b: {  	[sflag:s21] =	ssyncset.done $0x0  }
0x22c: {  	s19 =	rddreg [dreg:$0xa];
	[sflag:s21] =	ssyncadd.s32 $0xFFFFD800  }
0x22d: {  	[tilespmem:s25], [sflag:$0x2] =	stream.indirect.gather [hbm4b:s4+s23], $0x80, s19, s23, $0xb8;
	[tilespmem:$0x1F880] =	vst v63  }
0x22e: {  	_ =	swait.ge [sflag:s31], $0x2800  }
0x22f: {  	[sflag:s31] =	ssyncset.done $0x0  }
0x230: {  	s20 =	rddreg [dreg:$0xb];
	[sflag:s31] =	ssyncadd.s32 $0xFFFFD800  }
0x231: {  	[spmem:s2] =	stream.indirect.scatter.add.f32 [tilespmem:s26], [sflag:$0x5], $0x80, s20, s23, $0xb8;
	[tilespmem:$0x1F880] =	vst v63  }
0x232: {  	_ =	swait.ge [sflag:s21], $0x2800  }
0x233: {  	[sflag:s21] =	ssyncset.done $0x0  }
0x234: {  	s18 =	rddreg [dreg:$0xc];
	[sflag:s21] =	ssyncadd.s32 $0xFFFFD800  }
0x235: {  	[tilespmem:s26], [sflag:$0x3] =	stream.indirect.gather [hbm4b:s4+s23], $0x80, s18, s23, $0xb8;
	[tilespmem:$0x1F880] =	vst v63  }
0x236: {  	_ =	swait.ge [sflag:s0], $0x2800  }
0x237: {  	[sflag:s0] =	ssyncset.done $0x0  }
0x238: {  	s19 =	rddreg [dreg:$0xd];
	[sflag:s0] =	ssyncadd.s32 $0xFFFFD800  }
0x239: {  	[spmem:s2] =	stream.indirect.scatter.add.f32 [tilespmem:s28], [sflag:$0x5], $0x80, s19, s23, $0xb8;
	[tilespmem:$0x1F880] =	vst v63  }
0x23a: {  	_ =	swait.ge [sflag:s21], $0x2800  }
0x23b: {  	[sflag:s21] =	ssyncset.done $0x0  }
0x23c: {  	s20 =	rddreg [dreg:$0xe];
	[sflag:s21] =	ssyncadd.s32 $0xFFFFD800  }
0x23d: {  	[tilespmem:s28], [sflag:$0x4] =	stream.indirect.gather [hbm4b:s4+s23], $0x80, s20, s23, $0xb8;
	[tilespmem:$0x1F880] =	vst v63  }
0x23e: {  	_ =	swait.ge [sflag:s29], $0x2800  }
0x23f: {  	[sflag:s29] =	ssyncset.done $0x0  }
0x240: {  	s18 =	rddreg [dreg:$0xf];
	[sflag:s29] =	ssyncadd.s32 $0xFFFFD800  }
0x241: {  	[spmem:s2] =	stream.indirect.scatter.add.f32 [tilespmem:s24], [sflag:$0x5], $0x80, s18, s23, $0xb8;
	[tilespmem:$0x1F880] =	vst v63  }
0x242: {  	_ =	swait.ge [sflag:s21], $0x2800  }
0x243: {  	[sflag:s21] =	ssyncset.done $0x0  }
0x244: {  	s19 =	rddreg [dreg:$0x10];
	[sflag:s21] =	ssyncadd.s32 $0xFFFFD800  }
0x245: {  	[tilespmem:s24], [sflag:$0x1] =	stream.indirect.gather [hbm4b:s4+s23], $0x80, s19, s23, $0xb8;
	[tilespmem:$0x1F880] =	vst v63  }
0x246: {  	_ =	swait.ge [sflag:s30], $0x2800  }
0x247: {  	[sflag:s30] =	ssyncset.done $0x0  }
0x248: {  	s20 =	rddreg [dreg:$0x11];
	[sflag:s30] =	ssyncadd.s32 $0xFFFFD800  }
0x249: {  	[spmem:s2] =	stream.indirect.scatter.add.f32 [tilespmem:s25], [sflag:$0x5], $0x80, s20, s23, $0xb8;
	[tilespmem:$0x1F880] =	vst v63  }
0x24a: {  	_ =	swait.ge [sflag:s21], $0x2800  }
0x24b: {  	[sflag:s21] =	ssyncset.done $0x0  }
0x24c: {  	s18 =	rddreg [dreg:$0x12];
	[sflag:s21] =	ssyncadd.s32 $0xFFFFD800  }
0x24d: {  	[tilespmem:s25], [sflag:$0x2] =	stream.indirect.gather [hbm4b:s4+s23], $0x80, s18, s23, $0xb8;
	[tilespmem:$0x1F880] =	vst v63  }
0x24e: {  	_ =	swait.ge [sflag:s31], $0x2800  }
0x24f: {  	[sflag:s31] =	ssyncset.done $0x0  }
0x250: {  	s19 =	rddreg [dreg:$0x13];
	[sflag:s31] =	ssyncadd.s32 $0xFFFFD800  }
0x251: {  	[spmem:s2] =	stream.indirect.scatter.add.f32 [tilespmem:s26], [sflag:$0x5], $0x80, s19, s23, $0xb8;
	[tilespmem:$0x1F880] =	vst v63  }
0x252: {  	_ =	swait.ge [sflag:s21], $0x2800  }
0x253: {  	[sflag:s21] =	ssyncset.done $0x0  }
0x254: {  	s20 =	rddreg [dreg:$0x14];
	[sflag:s21] =	ssyncadd.s32 $0xFFFFD800  }
0x255: {  	[tilespmem:s26], [sflag:$0x3] =	stream.indirect.gather [hbm4b:s4+s23], $0x80, s20, s23, $0xb8;
	[tilespmem:$0x1F880] =	vst v63  }
0x256: {  	_ =	swait.ge [sflag:s0], $0x2800  }
0x257: {  	[sflag:s0] =	ssyncset.done $0x0  }
0x258: {  	s18 =	rddreg [dreg:$0x15];
	[sflag:s0] =	ssyncadd.s32 $0xFFFFD800  }
0x259: {  	[spmem:s2] =	stream.indirect.scatter.add.f32 [tilespmem:s28], [sflag:$0x5], $0x80, s18, s23, $0xb8;
	[tilespmem:$0x1F880] =	vst v63  }
0x25a: {  	_ =	swait.ge [sflag:s21], $0x2800  }
0x25b: {  	[sflag:s21] =	ssyncset.done $0x0  }
0x25c: {  	s19 =	rddreg [dreg:$0x16];
	[sflag:s21] =	ssyncadd.s32 $0xFFFFD800  }
0x25d: {  	[tilespmem:s28], [sflag:$0x4] =	stream.indirect.gather [hbm4b:s4+s23], $0x80, s19, s23, $0xb8;
	[tilespmem:$0x1F880] =	vst v63  }
0x25e: {  	_ =	swait.ge [sflag:s29], $0x2800  }
0x25f: {  	[sflag:s29] =	ssyncset.done $0x0  }
0x260: {  	s20 =	rddreg [dreg:$0x17];
	[sflag:s29] =	ssyncadd.s32 $0xFFFFD800  }
0x261: {  	[spmem:s2] =	stream.indirect.scatter.add.f32 [tilespmem:s24], [sflag:$0x5], $0x80, s20, s23, $0xb8;
	[tilespmem:$0x1F880] =	vst v63  }
0x262: {  	_ =	swait.ge [sflag:s21], $0x2800  }
0x263: {  	[sflag:s21] =	ssyncset.done $0x0  }
0x264: {  	s18 =	rddreg [dreg:$0x18];
	[sflag:s21] =	ssyncadd.s32 $0xFFFFD800  }
0x265: {  	[tilespmem:s24], [sflag:$0x1] =	stream.indirect.gather [hbm4b:s4+s23], $0x80, s18, s23, $0xb8;
	[tilespmem:$0x1F880] =	vst v63  }
0x266: {  	_ =	swait.ge [sflag:s30], $0x2800  }
0x267: {  	[sflag:s30] =	ssyncset.done $0x0  }
0x268: {  	s19 =	rddreg [dreg:$0x19];
	[sflag:s30] =	ssyncadd.s32 $0xFFFFD800  }
0x269: {  	[spmem:s2] =	stream.indirect.scatter.add.f32 [tilespmem:s25], [sflag:$0x5], $0x80, s19, s23, $0xb8;
	[tilespmem:$0x1F880] =	vst v63  }
0x26a: {  	_ =	swait.ge [sflag:s21], $0x2800  }
0x26b: {  	[sflag:s21] =	ssyncset.done $0x0  }
0x26c: {  	s20 =	rddreg [dreg:$0x1a];
	[sflag:s21] =	ssyncadd.s32 $0xFFFFD800  }
0x26d: {  	[tilespmem:s25], [sflag:$0x2] =	stream.indirect.gather [hbm4b:s4+s23], $0x80, s20, s23, $0xb8;
	[tilespmem:$0x1F880] =	vst v63  }
0x26e: {  	_ =	swait.ge [sflag:s31], $0x2800  }
0x26f: {  	[sflag:s31] =	ssyncset.done $0x0  }
0x270: {  	s18 =	rddreg [dreg:$0x1b];
	[sflag:s31] =	ssyncadd.s32 $0xFFFFD800  }
0x271: {  	[spmem:s2] =	stream.indirect.scatter.add.f32 [tilespmem:s26], [sflag:$0x5], $0x80, s18, s23, $0xb8;
	[tilespmem:$0x1F880] =	vst v63  }
0x272: {  	_ =	swait.ge [sflag:s21], $0x2800  }
0x273: {  	[sflag:s21] =	ssyncset.done $0x0  }
0x274: {  	s19 =	rddreg [dreg:$0x1c];
	[sflag:s21] =	ssyncadd.s32 $0xFFFFD800  }
0x275: {  	[tilespmem:s26], [sflag:$0x3] =	stream.indirect.gather [hbm4b:s4+s23], $0x80, s19, s23, $0xb8;
	[tilespmem:$0x1F880] =	vst v63  }
0x276: {  	_ =	swait.ge [sflag:s0], $0x2800  }
0x277: {  	[sflag:s0] =	ssyncset.done $0x0  }
0x278: {  	s20 =	rddreg [dreg:$0x1d];
	[sflag:s0] =	ssyncadd.s32 $0xFFFFD800  }
0x279: {  	[spmem:s2] =	stream.indirect.scatter.add.f32 [tilespmem:s28], [sflag:$0x5], $0x80, s20, s23, $0xb8;
	[tilespmem:$0x1F880] =	vst v63  }
0x27a: {  	_ =	swait.ge [sflag:s21], $0x2800  }
0x27b: {  	[sflag:s21] =	ssyncset.done $0x0  }
0x27c: {  	s18 =	rddreg [dreg:$0x1e];
	[sflag:s21] =	ssyncadd.s32 $0xFFFFD800  }
0x27d: {  	[tilespmem:s28], [sflag:$0x4] =	stream.indirect.gather [hbm4b:s4+s23], $0x80, s18, s23, $0xb8;
	[tilespmem:$0x1F880] =	vst v63  }
0x27e: {  	_ =	swait.ge [sflag:s29], $0x2800  }
0x27f: {  	[sflag:s29] =	ssyncset.done $0x0  }
0x280: {  	s19 =	rddreg [dreg:$0x1f];
	[sflag:s29] =	ssyncadd.s32 $0xFFFFD800  }
0x281: {  	[spmem:s2] =	stream.indirect.scatter.add.f32 [tilespmem:s24], [sflag:$0x5], $0x80, s19, s23, $0xb8;
	[tilespmem:$0x1F880] =	vst v63  }
0x282: {  	_ =	swait.ge [sflag:s21], $0x2800  }
0x283: {  	s20 =	sld [smem:$0x7F2]  }
0x284: {  	[sflag:s21] =	ssyncset.done $0x0  }
0x285: {  	[sflag:s21] =	ssyncadd.s32 $0xFFFFD800  }
0x286: {  	[tilespmem:s24], [sflag:$0x1] =	stream.indirect.gather [hbm4b:s4+s23], $0x80, s20, s23, $0xb8;
	[tilespmem:$0x1F880] =	vst v63  }
0x287: {  	_ =	swait.ge [sflag:s30], $0x2800  }
0x288: {  	s18 =	sld [smem:$0x7F4]  }
0x289: {  	[sflag:s30] =	ssyncset.done $0x0  }
0x28a: {  	[sflag:s30] =	ssyncadd.s32 $0xFFFFD800  }
0x28b: {  	[spmem:s2] =	stream.indirect.scatter.add.f32 [tilespmem:s25], [sflag:$0x5], $0x80, s18, s23, $0xb8;
	[tilespmem:$0x1F880] =	vst v63  }
0x28c: {  	_ =	swait.ge [sflag:s21], $0x2800  }
0x28d: {  	s19 =	sld [smem:$0x7F6]  }
0x28e: {  	[sflag:s21] =	ssyncset.done $0x0  }
0x28f: {  	[sflag:s21] =	ssyncadd.s32 $0xFFFFD800  }
0x290: {  	[tilespmem:s25], [sflag:$0x2] =	stream.indirect.gather [hbm4b:s4+s23], $0x80, s19, s23, $0xb8;
	[tilespmem:$0x1F880] =	vst v63  }
0x291: {  	_ =	swait.ge [sflag:s31], $0x2800  }
0x292: {  	s20 =	sld [smem:$0x7F9]  }
0x293: {  	[sflag:s31] =	ssyncset.done $0x0  }
0x294: {  	[sflag:s31] =	ssyncadd.s32 $0xFFFFD800  }
0x295: {  	[spmem:s2] =	stream.indirect.scatter.add.f32 [tilespmem:s26], [sflag:$0x5], $0x80, s20, s23, $0xb8;
	[tilespmem:$0x1F880] =	vst v63  }
0x296: {  	_ =	swait.ge [sflag:s21], $0x2800  }
0x297: {  	s18 =	sld [smem:$0x7FA]  }
0x298: {  	[sflag:s21] =	ssyncset.done $0x0  }
0x299: {  	[sflag:s21] =	ssyncadd.s32 $0xFFFFD800  }
0x29a: {  	[tilespmem:s26], [sflag:$0x3] =	stream.indirect.gather [hbm4b:s4+s23], $0x80, s18, s23, $0xb8;
	[tilespmem:$0x1F880] =	vst v63  }
0x29b: {  	_ =	swait.ge [sflag:s0], $0x2800  }
0x29c: {  	s19 =	sld [smem:$0x7FB]  }
0x29d: {  	[sflag:s0] =	ssyncset.done $0x0  }
0x29e: {  	[sflag:s0] =	ssyncadd.s32 $0xFFFFD800  }
0x29f: {  	[spmem:s2] =	stream.indirect.scatter.add.f32 [tilespmem:s28], [sflag:$0x5], $0x80, s19, s23, $0xb8;
	[tilespmem:$0x1F880] =	vst v63  }
0x2a0: {  	_ =	swait.ge [sflag:s21], $0x2800  }
0x2a1: {  	s20 =	sld [smem:$0x7FC]  }
0x2a2: {  	[sflag:s21] =	ssyncset.done $0x0  }
0x2a3: {  	[sflag:s21] =	ssyncadd.s32 $0xFFFFD800  }
0x2a4: {  	[tilespmem:s28], [sflag:$0x4] =	stream.indirect.gather [hbm4b:s4+s23], $0x80, s20, s23, $0xb8;
	[tilespmem:$0x1F880] =	vst v63  }
0x2a5: {  	_ =	swait.ge [sflag:s29], $0x2800  }
0x2a6: {  	s18 =	sld [smem:$0x7FD]  }
0x2a7: {  	[sflag:s29] =	ssyncset.done $0x0  }
0x2a8: {  	[sflag:s29] =	ssyncadd.s32 $0xFFFFD800  }
0x2a9: {  	[spmem:s2] =	stream.indirect.scatter.add.f32 [tilespmem:s24], [sflag:$0x5], $0x80, s18, s23, $0xb8;
	[tilespmem:$0x1F880] =	vst v63  }
0x2aa: {  	_ =	swait.ge [sflag:s21], $0x2800  }
0x2ab: {  	[sflag:s21] =	ssyncset.done $0x0  }
0x2ac: {  	[sflag:s21] =	ssyncadd.s32 $0xFFFFD800  }
0x2ad: {  	[tilespmem:s24], [sflag:$0x1] =	stream.indirect.gather [hbm4b:s4+s23], $0x80, s1, s23, $0xb8;
	[tilespmem:$0x1F880] =	vst v63  }
0x2ae: {  	_ =	swait.ge [sflag:s30], $0x2800  }
0x2af: {  	[sflag:s30] =	ssyncset.done $0x0  }
0x2b0: {  	[sflag:s30] =	ssyncadd.s32 $0xFFFFD800  }
0x2b1: {  	[spmem:s2] =	stream.indirect.scatter.add.f32 [tilespmem:s25], [sflag:$0x5], $0x80, s6, s23, $0xb8;
	[tilespmem:$0x1F880] =	vst v63  }
0x2b2: {  	_ =	swait.ge [sflag:s21], $0x2800  }
0x2b3: {  	[sflag:s21] =	ssyncset.done $0x0  }
0x2b4: {  	[sflag:s21] =	ssyncadd.s32 $0xFFFFD800  }
0x2b5: {  	[tilespmem:s25], [sflag:$0x2] =	stream.indirect.gather [hbm4b:s4+s23], $0x80, s7, s23, $0xb8;
	[tilespmem:$0x1F880] =	vst v63  }
0x2b6: {  	_ =	swait.ge [sflag:s31], $0x2800  }
0x2b7: {  	[sflag:s31] =	ssyncset.done $0x0  }
0x2b8: {  	[sflag:s31] =	ssyncadd.s32 $0xFFFFD800  }
0x2b9: {  	[spmem:s2] =	stream.indirect.scatter.add.f32 [tilespmem:s26], [sflag:$0x5], $0x80, s9, s23, $0xb8;
	[tilespmem:$0x1F880] =	vst v63  }
0x2ba: {  	_ =	swait.ge [sflag:s21], $0x2800  }
0x2bb: {  	[sflag:s21] =	ssyncset.done $0x0  }
0x2bc: {  	[sflag:s21] =	ssyncadd.s32 $0xFFFFD800  }
0x2bd: {  	[tilespmem:s26], [sflag:$0x3] =	stream.indirect.gather [hbm4b:s4+s23], $0x80, s10, s23, $0xb8;
	[tilespmem:$0x1F880] =	vst v63  }
0x2be: {  	_ =	swait.ge [sflag:s0], $0x2800  }
0x2bf: {  	[sflag:s0] =	ssyncset.done $0x0  }
0x2c0: {  	[sflag:s0] =	ssyncadd.s32 $0xFFFFD800  }
0x2c1: {  	[spmem:s2] =	stream.indirect.scatter.add.f32 [tilespmem:s28], [sflag:$0x5], $0x80, s11, s23, $0xb8;
	[tilespmem:$0x1F880] =	vst v63  }
0x2c2: {  	_ =	swait.ge [sflag:s21], $0x2800  }
0x2c3: {  	[sflag:s21] =	ssyncset.done $0x0  }
0x2c4: {  	[sflag:s21] =	ssyncadd.s32 $0xFFFFD800  }
0x2c5: {  	[tilespmem:s28], [sflag:$0x4] =	stream.indirect.gather [hbm4b:s4+s23], $0x80, s12, s23, $0xb8;
	[tilespmem:$0x1F880] =	vst v63  }
0x2c6: {  	_ =	swait.ge [sflag:s29], $0x2800  }
0x2c7: {  	[sflag:s29] =	ssyncset.done $0x0  }
0x2c8: {  	[sflag:s29] =	ssyncadd.s32 $0xFFFFD800  }
0x2c9: {  	[spmem:s2] =	stream.indirect.scatter.add.f32 [tilespmem:s24], [sflag:$0x5], $0x80, s13, s23, $0xb8;
	[tilespmem:$0x1F880] =	vst v63  }
0x2ca: {  	_ =	swait.ge [sflag:s21], $0x2800  }
0x2cb: {  	[sflag:s21] =	ssyncset.done $0x0  }
0x2cc: {  	[sflag:s21] =	ssyncadd.s32 $0xFFFFD800  }
0x2cd: {  	[tilespmem:s24], [sflag:$0x1] =	stream.indirect.gather [hbm4b:s4+s23], $0x80, s14, s23, $0xb8;
	[tilespmem:$0x1F880] =	vst v63  }
0x2ce: {  	_ =	swait.ge [sflag:s30], $0x2800  }
0x2cf: {  	[sflag:s30] =	ssyncset.done $0x0  }
0x2d0: {  	[sflag:s30] =	ssyncadd.s32 $0xFFFFD800  }
0x2d1: {  	[spmem:s2] =	stream.indirect.scatter.add.f32 [tilespmem:s25], [sflag:$0x5], $0x80, s5, s23, $0xb8;
	[tilespmem:$0x1F880] =	vst v63  }
0x2d2: {  	_ =	swait.ge [sflag:s21], $0x2800  }
0x2d3: {  	[sflag:s21] =	ssyncset.done $0x0  }
0x2d4: {  	[sflag:s21] =	ssyncadd.s32 $0xFFFFD800  }
0x2d5: {  	_ =	swait.ge [sflag:s31], $0x2800  }
0x2d6: {  	[sflag:s31] =	ssyncset.done $0x0  }
0x2d7: {  	[sflag:s31] =	ssyncadd.s32 $0xFFFFD800  }
0x2d8: {  	[spmem:s2] =	stream.indirect.scatter.add.f32 [tilespmem:s26], [sflag:$0x5], $0x80, s15, s23, $0xb8;
	[tilespmem:$0x1F880] =	vst v63  }
0x2d9: {  	_ =	swait.ge [sflag:s21], $0x2800  }
0x2da: {  	[sflag:s21] =	ssyncset.done $0x0  }
0x2db: {  	[sflag:s21] =	ssyncadd.s32 $0xFFFFD800  }
0x2dc: {  	_ =	swait.ge [sflag:s0], $0x2800  }
0x2dd: {  	[sflag:s0] =	ssyncset.done $0x0  }
0x2de: {  	[sflag:s0] =	ssyncadd.s32 $0xFFFFD800  }
0x2df: {  	[spmem:s2] =	stream.indirect.scatter.add.f32 [tilespmem:s28], [sflag:$0x5], $0x80, s16, s23, $0xb8;
	[tilespmem:$0x1F880] =	vst v63  }
0x2e0: {  	_ =	swait.ge [sflag:s21], $0x2800  }
0x2e1: {  	[sflag:s21] =	ssyncset.done $0x0  }
0x2e2: {  	[sflag:s21] =	ssyncadd.s32 $0xFFFFD800  }
0x2e3: {  	_ =	swait.ge [sflag:s29], $0x2800  }
0x2e4: {  	[sflag:s29] =	ssyncset.done $0x0  }
0x2e5: {  	[sflag:s29] =	ssyncadd.s32 $0xFFFFD800  }
0x2e6: {  	[spmem:s2] =	stream.indirect.scatter.add.f32 [tilespmem:s24], [sflag:$0x5], $0x80, s17, s23, $0xb8;
	[tilespmem:$0x1F880] =	vst v63  }
0x2e7: {  	_ =	swait.ge [sflag:s21], $0x2800  }
0x2e8: {  	[sflag:s21] =	ssyncset.done $0x0  }
0x2e9: {  	[sflag:s21] =	ssyncadd.s32 $0xFFFFD800  }
0x2ea: {  	[bflag:$0x0] =	sbarrier.arrive $0xFFFF  }
0x2eb: {  	s19 =	stileid.u32;
	s20 =	sld [smem:$0x7F0]  }
0x2ec: {  	s8 =	sshll.u32 s19, $0x6;
	s19 =	sld [smem:$0x7EA];
	_ =	sdelay $0x1  }
0x2ed: {  	s8 =	sor.u32 $0x1C05, s8;
	s18 =	sshrl.u32 s20, $0x3  }
0x2ee: {  	[hbm:s19], [sflag:s8] =	dma.local [spmem:s18], $0x2700  }
0x2ef: {  	_ =	swait.ge [sflag:s21], $0x2700  }
0x2f0: {  	s18 =	sld [smem:$0x7F7]  }
0x2f1: {  	s19 =	sld [smem:$0x7EB]  }
0x2f2: {  	[sflag:s21] =	ssyncset.done $0x0  }
0x2f3: {  	[sflag:s21] =	ssyncadd.s32 $0xFFFFD900;
	s18 =	sshrl.u32 @!p4 s18, $0x3  }
0x2f4: {  	[hbm:s19], [sflag:s8] =	dma.local @!p4 [spmem:s18], $0x100  }
0x2f5: {  	s8 =	simm.s32 @!p4 $0x5  }
0x2f6: {  	_ =	swait.ge @!p4 [sflag:s8], $0x100  }
0x2f7: {  	s18 =	sld [smem:$0x7E5]  }
0x2f8: {  	s20 =	sld [smem:$0x7EC];
	_ =	sdelay $0x1  }
0x2f9: {  	s19 =	sadd.s32 $0x1, s18  }
0x2fa: {  	p5 =	sne.s32 s19, s20  }
.Ltmp1:
0x2fb: {  	_ = 	snop;
	(pc) =	sbr.rel @p5 .LBB2_1-.Ltmp1, $3  }
0x2fc: {  	_ =	sdelay $0x1  }
0x2fd: {  	[sflag:s8] =	ssyncset.done @!p4 $0x0  }
0x2fe: {  	[sflag:s8] =	ssyncadd.s32 @!p4 $0xFFFFFF00  }
0x2ff: {  	_ =	sfence.sel $0x180000  }
0x300: {  	[bflag:$0x0] =	sbarrier.arrive $0xFFFF  }
0x301: {  	_ =	strace $0x9000004D  }
0x302: {  	[bflag:$0x2] =	sbarrier.arrive $0xFFFF  }
0x303: {  	s0 =	rddreg [dreg:$0x2]  }
0x304: {  	s0 =	sadd.s32 @!p4 $0x100000, s0  }
0x305: {  	[sflag:s0] =	ssyncadd.tile.s32 @!p4 $0x1;
	_ =	shalt  }
.Lfunc_end2:
_tile_overlayer_lowered:
.L_overlay_start_2:
0x306: {  	(tag) =	ssettag $0x2  }
0x307: {  	s0 =	rddreg [dreg:$0x0];
	s2 =	stileid.u32  }
0x308: {  	s1 =	rddreg [dreg:$0x1];
	p0 =	sne.s32 s2, $0x0  }
0x309: {  	s3 =	rddreg [dreg:$0x2];
	[bflag:$0x3] =	sbarrier.arrive $0xFFFF;
	s2 =	simm.s32 @!p0 $0x1C05  }
0x30a: {  	[timem:s3], [sflag:s2] =	dma.local @!p0 [hbm:s0], s1  }
0x30b: {  	s0 =	simm.s32 @!p0 $0x5  }
0x30c: {  	_ =	swait.ge @!p0 [sflag:s0], s1  }
0x30d: {  	s1 =	ssub.s32 @!p0 $0x0, s1;
	[sflag:s0] =	ssyncset.done @!p0 $0x0  }
0x30e: {  	[sflag:s0] =	ssyncadd.s32 @!p0 s1  }
0x30f: {  	[bflag:$0x3] =	sbarrier.arrive $0xFFFF  }
0x310: {  	_ =	shalt  }

// kernel: kernel.19.cloned.1.call-start
scs
__scs_entry_jumppad:
0x0: {  	(pc) =	sbr.rel $0x88, $3  }
0x1: {  	(tag) =	ssettag $0x0;
	lr =	simm.s32 $0x1  }
0x2: {  	[smem:$0x3F96] =	sst lr;
	_ =	strace $0xD0000000  }
0x3: {  	_ = 	snop  }
0x4: {  	_ = 	snop  }
0x5: {  	_ = 	snop  }
0x6: {  	_ = 	snop  }
0x7: {  	_ = 	snop  }
__scs_overlays_trampoline_lowered:
0x8: {  	[smem:$0x3FA5] =	sst s0  }
0x9: {  	[smem:$0x3FA6] =	sst s1  }
0xa: {  	[smem:$0x3FA7] =	sst s2  }
0xb: {  	[smem:$0x3FA8] =	sst s3  }
0xc: {  	[smem:$0x3FA9] =	sst s4  }
0xd: {  	[smem:$0x3FAA] =	sst s5  }
0xe: {  	[smem:$0x3FAB] =	sst s6  }
0xf: {  	[smem:$0x3FAC] =	sst s7  }
0x10: {  	[smem:$0x3FAD] =	sst s8  }
0x11: {  	[smem:$0x3FAE] =	sst s9;
	s0 =	simm.s32 @!p0 $0x0  }
0x12: {  	s1 =	sld [smem:$0x3F94];
	s0 =	simm.s32 @p0 $0x1  }
0x13: {  	[smem:$0x3FAF] =	sst s0;
	s0 =	simm.s32 @!p1 $0x0  }
0x14: {  	s2 =	sld [smem:$0x3F93];
	s0 =	simm.s32 @p1 $0x1  }
0x15: {  	[smem:$0x3FB0] =	sst s0;
	s0 =	simm.s32 @!p2 $0x0  }
0x16: {  	s3 =	sld [smem:$0x3FDB];
	s0 =	simm.s32 @p2 $0x1  }
0x17: {  	s4 =	simm.s32 $0x1BF5;
	[smem:$0x3FB2] =	sst s0  }
0x18: {  	s0 =	sld [smem:$0x3F95];
	_ =	swait.ge [sflag:s4], $0x0  }
0x19: {  	s7 =	sld [smem:$0x3F96]  }
0x1a: {  	s8 =	sadd.s32 $0xFFFFE003, lr  }
0x1b: {  	s9 =	sadd.s32 $0xFFFFFEF7, lr;
	s5 =	simm.s32 $0xFFFFFFFF;
	p2 =	slt.u32 s8, $0xFFFFF086  }
0x1c: {  	p1 =	slt.u32 s9, $0xF7A;
	s5 =	simm.s32 @!p2 $0x0  }
0x1d: {  	s5 =	simm.s32 @p1 $0x1;
	p0 =	seq.s32 s7, s2  }
0x1e: {  	s7 =	smul.u32 @!p0 $0xF7A, s2;
	p2 =	seq.s32 @!p0 s5, $0x0  }
0x1f: {  	s9 =	smul.u32 $0xF7A, s1;
	s8 =	simm.s32 @!p0 $0x1BF5;
	p2 =	por !p2, p0  }
0x20: {  	[sflag:s8] =	ssyncset.s32 @!p0 $0xFFFFF086;
	s6 =	sadd.s32 @!p0 s3, s7;
	s7 =	simm.s32 @!p0 $0x108  }
0x21: {  	s3 =	sadd.s32 s3, s9;
	s6 =	sadd.s32 @!p0 $0x88, s6;
	s7 =	simm.s32 @p2 $0x1082  }
0x22: {  	[simem:s7], [sflag:s8] =	dma.local @!p0 [hbm:s6], $0xF7A  }
0x23: {  	s9 =	sor.u32 $0xD0000000, s2;
	s6 =	simm.s32 $0x108;
	_ =	swait.ge @!p0 [sflag:s8], $0x0  }
0x24: {  	s3 =	sadd.s32 $0x88, s3;
	s6 =	simm.s32 @!p1 $0x1082;
	[sflag:s4] =	ssyncset.s32 $0xFFFFF086  }
0x25: {  	[simem:s6], [sflag:s4] =	dma.local [hbm:s3], $0xF7A  }
0x26: {  	[smem:$0x3F96] =	sst s1;
	(tag) =	ssettag s2;
	_ =	strace s9  }
0x27: {  	s1 =	sld [smem:$0x3FA6]  }
0x28: {  	s2 =	sld [smem:$0x3FA7]  }
0x29: {  	s4 =	sld [smem:$0x3FA9]  }
0x2a: {  	p0 =	seq.s32 s5, $0x0;
	s5 =	sld [smem:$0x3FAA]  }
0x2b: {  	s6 =	sld [smem:$0x3FAB]  }
0x2c: {  	s7 =	sld [smem:$0x3FAC]  }
0x2d: {  	s3 =	simm.s32 $0x108;
	s8 =	sld [smem:$0x3FAD]  }
0x2e: {  	s3 =	simm.s32 @!p0 $0x1082;
	s9 =	sld [smem:$0x3FAE]  }
0x2f: {  	lr =	sadd.s32 s0, s3;
	s0 =	sld [smem:$0x3FA5]  }
0x30: {  	s3 =	sld [smem:$0x3FA8]  }
0x31: {  	[smem:$0x3FB1] =	sst s10  }
0x32: {  	s10 =	sld [smem:$0x3FAF];
	_ =	sdelay $0x3  }
0x33: {  	p0 =	seq.s32 s10, $0x1;
	s10 =	sld [smem:$0x3FB1];
	_ =	sdelay $0x3  }
0x34: {  	[smem:$0x3FB1] =	sst s10  }
0x35: {  	s10 =	sld [smem:$0x3FB0];
	_ =	sdelay $0x3  }
0x36: {  	p1 =	seq.s32 s10, $0x1;
	s10 =	sld [smem:$0x3FB1];
	_ =	sdelay $0x3  }
0x37: {  	[smem:$0x3FB1] =	sst s10  }
0x38: {  	s10 =	sld [smem:$0x3FB2]  }
0x39: {  	_ = 	snop;
	(pc) =	sbr.ind lr, $3  }
0x3a: {  	_ = 	snop  }
0x3b: {  	_ = 	snop  }
0x3c: {  	p2 =	seq.s32 s10, $0x1;
	s10 =	sld [smem:$0x3FB1]  }
0x3d: {  	_ =	shalt  }
0x3e: {  	_ =	shalt  }
0x3f: {  	_ =	shalt  }
0x40: {  	_ =	shalt  }
0x41: {  	_ =	shalt  }
0x42: {  	_ =	shalt  }
0x43: {  	_ =	shalt  }
0x44: {  	_ =	shalt  }
0x45: {  	_ =	shalt  }
0x46: {  	_ =	shalt  }
0x47: {  	_ =	shalt  }
0x48: {  	_ =	shalt  }
0x49: {  	_ =	shalt  }
0x4a: {  	_ =	shalt  }
0x4b: {  	_ =	shalt  }
0x4c: {  	_ =	shalt  }
0x4d: {  	_ =	shalt  }
0x4e: {  	_ =	shalt  }
0x4f: {  	_ =	shalt  }
0x50: {  	_ =	shalt  }
0x51: {  	_ =	shalt  }
0x52: {  	_ =	shalt  }
0x53: {  	_ =	shalt  }
0x54: {  	_ =	shalt  }
0x55: {  	_ =	shalt  }
0x56: {  	_ =	shalt  }
0x57: {  	_ =	shalt  }
0x58: {  	_ =	shalt  }
0x59: {  	_ =	shalt  }
0x5a: {  	_ =	shalt  }
0x5b: {  	_ =	shalt  }
0x5c: {  	_ =	shalt  }
0x5d: {  	_ =	shalt  }
0x5e: {  	_ =	shalt  }
0x5f: {  	_ =	shalt  }
0x60: {  	_ =	shalt  }
0x61: {  	_ =	shalt  }
0x62: {  	_ =	shalt  }
0x63: {  	_ =	shalt  }
0x64: {  	_ =	shalt  }
0x65: {  	_ =	shalt  }
0x66: {  	_ =	shalt  }
0x67: {  	_ =	shalt  }
0x68: {  	_ =	shalt  }
0x69: {  	_ =	shalt  }
0x6a: {  	_ =	shalt  }
0x6b: {  	_ =	shalt  }
0x6c: {  	_ =	shalt  }
0x6d: {  	_ =	shalt  }
0x6e: {  	_ =	shalt  }
0x6f: {  	_ =	shalt  }
0x70: {  	_ =	shalt  }
0x71: {  	_ =	shalt  }
0x72: {  	_ =	shalt  }
0x73: {  	_ =	shalt  }
0x74: {  	_ =	shalt  }
0x75: {  	_ =	shalt  }
0x76: {  	_ =	shalt  }
0x77: {  	_ =	shalt  }
0x78: {  	_ =	shalt  }
0x79: {  	_ =	shalt  }
0x7a: {  	_ =	shalt  }
0x7b: {  	_ =	shalt  }
0x7c: {  	_ =	shalt  }
0x7d: {  	_ =	shalt  }
0x7e: {  	_ =	shalt  }
0x7f: {  	_ =	shalt  }
0x80: {  	_ =	shalt  }
0x81: {  	_ =	shalt  }
0x82: {  	_ =	shalt  }
0x83: {  	_ =	shalt  }
0x84: {  	_ =	shalt  }
0x85: {  	_ =	shalt  }
0x86: {  	_ =	shalt  }
0x87: {  	_ =	shalt  }
.Lfunc_end0:
.L_simem_size_0:
called_computation.3_lowered:
.L_overlay_start_0:
0x88: {  	s2 =	sld [smem:$0x3FD9]  }
0x89: {  	s3 =	sld [smem:$0x3FFE];
	_ =	sdelay $0x1  }
0x8a: {  	s1 =	srdreg.scid  }
0x8b: {  	s0 =	sand.u32 $0x1, s1  }
0x8c: {  	s16 =	sshll.u32 s0, $0xA;
	s2 =	sadd.s32 s3, s2  }
0x8d: {  	s2 =	sadd.s32 s2, s16  }
0x8e: {  	[smem:$0x3FBD] =	sst s2  }
0x8f: {  	_ = 	snop  }
0x90: {  	(tm) =	ssettm $0x1  }
0x91: {  	s17 =	sld [smem:$0x3FFB];
	_ =	sdelay $0x3  }
0x92: {  	_ =	strace s17  }
0x93: {  	s2 =	sld [smem:$0x3FFC];
	_ =	sdelay $0x3  }
0x94: {  	_ =	strace s2  }
0x95: {  	s2 =	sld [smem:$0x3FFD];
	_ =	sdelay $0x3  }
0x96: {  	_ =	strace s2  }
0x97: {  	_ =	strace $0x8FFFFFFF  }
0x98: {  	s18 =	sld [smem:$0x3FDB];
	_ =	sdelay $0x1  }
0x99: {  	s19 =	simm.s32 $_scs_section_size  }
0x9a: {  	s4 =	simm.s32 $_size__tile_overlayer_lowered;
	s5 =	simm.s32 $_tile_overlayer_lowered  }
0x9b: {  	s22 =	simm.s32 $0x1BFF;
	s21 =	sshll.u32 s5, $0x1;
	s2 =	sadd.s32 s19, s18  }
0x9c: {  	s6 =	simm.s32 $0x0;
	s20 =	sshll.u32 s4, $0x1;
	s4 =	sadd.s32 s21, s2  }
0x9d: {  	[timem:s6], [sflag:s22] =	dma.local [hbm:s4], s20  }
0x9e: {  	_ =	swait.ge [sflag:s22], s20  }
0x9f: {  	s3 =	ssub.s32 $0x0, s20;
	[sflag:s22] =	ssyncset.done $0x0  }
0xa0: {  	[sflag:s22] =	ssyncadd.s32 s3;
	_ =	sdelay $0x1  }
0xa1: {  	s23 =	simm.s32 $0x1B8B  }
0xa2: {  	_ =	swait.ge [sflag:s23], $0x1  }
0xa3: {  	[sflag:s23] =	ssyncset.done $0x0  }
0xa4: {  	s25 =	simm.s32 $0x1B8E;
	s24 =	sld [smem:$0x3FFE];
	[sflag:s23] =	ssyncadd.s32 $0xFFFFFFFF  }
0xa5: {  	s26 =	simm.s32 $execute0_lowered;
	[smem:$0x3FD2] =	sst s25  }
0xa6: {  	s4 =	sshll.u32 s26, $0x1;
	_ =	strace $0x8000004F;
	[dreg:$0x1] =	wrdreg $0xFFFFFFFF  }
0xa7: {  	s28 =	simm.s32 $_size_execute0_lowered;
	s2 =	sadd.s32 s2, s4;
	[dreg:$0x0] =	wrdreg $0x0  }
0xa8: {  	s4 =	sshll.u32 s28, $0x1;
	[dreg:$0x2] =	wrdreg s2  }
0xa9: {  	[dreg:$0x3] =	wrdreg s4  }
0xaa: {  	[dreg:$0x4] =	wrdreg $0xC0  }
0xab: {  	_ =	task [dreg:s6], $0x5FFFF  }
0xac: {  	[dreg:$0x1] =	wrdreg $0xFFFFFFFF  }
0xad: {  	[dreg:$0x0] =	wrdreg $0x60  }
0xae: {  	[dreg:$0x2] =	wrdreg s24  }
0xaf: {  	[dreg:$0x3] =	wrdreg $0x9  }
0xb0: {  	_ =	task.clear_ibuf [dreg:s6], $0x4FFFF;
	_ =	strace $0x9000004F  }
0xb1: {  	s29 =	simm.s32 $0x9;
	_ =	strace $0x80000051  }
0xb2: {  	_ =	swait.ge [sflag:s29], $0x1  }
0xb3: {  	[sflag:s29] =	ssyncadd.s32 $0xFFFFFFFF  }
0xb4: {  	_ =	strace $0x90000051  }
0xb5: {  	_ =	sfence  }
0xb6: {  	s30 =	sld [smem:$0x0];
	_ =	sdelay $0x2  }
0xb7: {  	s31 =	sshll.u32 s1, $0xD;
	s1 =	sshrl.u32 s1, $0x2  }
0xb8: {  	s3 =	sand.u32 $0x4000, s31;
	s1 =	sadd.s32 s1, s30  }
0xb9: {  	s0 =	sor.u32 s3, s0;
	s1 =	sshll.u32 s1, $0x11  }
0xba: {  	s0 =	sor.u32 s1, s0  }
0xbb: {  	s0 =	sadd.s32 $0x8F2B, s0  }
0xbc: {  	[sflag:s0] =	ssyncadd.remote.s32 $0x1  }
0xbd: {  	_ =	sfence.sel $0xFFFF  }
0xbe: {  	[dreg:$0x0] =	wrdreg $0xFFFFFFFF;
	(pc) =	sbr.abs _section_cstart, $3  }
0xbf: {  	[dreg:$0x1] =	wrdreg $0xFFFFFFFF  }
0xc0: {  	_ =	task.clear_ibuf [dreg:s6], $0x2FFFF;
	_ =	strace $0x9FFFFFFF  }
0xc1: {  	(tm) =	ssettm $0x7FFFFFFF  }
tec
execute0_lowered:
.L_overlay_start_1:
0x0: {  	(tag) =	ssettag $0x1  }
0x1: {  	s0 =	rddreg [dreg:$0x0];
	s2 =	simm.s32 $0x0  }
0x2: {  	s1 =	srdreg.scid;
	s10 =	stileid.u32;
	s14 =	simm.s32 $0x9  }
0x3: {  	s15 =	simm.s32 $0x4000;
	s16 =	simm.s32 $0x50;
	s17 =	simm.s32 $0x8000  }
0x4: {  	s19 =	simm.s32 $0xA800;
	s20 =	simm.s32 $0x1;
	s22 =	simm.s32 $0xD000  }
0x5: {  	s23 =	simm.s32 $0x2;
	s28 =	simm.s32 $0x5;
	s29 =	simm.s32 $0x3  }
0x6: {  	s30 =	simm.s32 $0x6;
	s31 =	simm.s32 $0x4;
	s18 =	simm.s32 $0x0  }
0x7: {  	[smem:$0x7FF] =	sst s2;
	s3 =	sadd.s32 $0x12E00, s0;
	s1 =	sand.u32 $0x1, s1  }
0x8: {  	s5 =	sshll.u32 s10, $0x1;
	s26 =	smul.u32 $0x4E200, s10;
	_ =	strace $0x80000050  }
0x9: {  	s5 =	sor.u32 s1, s5;
	s6 =	ssub.s32 $0x2, s1;
	s1 =	smul.u32 $0x27100, s1  }
0xa: {  	s4 =	sadd.s32 $0x3A000, s0;
	s7 =	sshll.u32 s5, $0xB;
	s9 =	smul.u32 $0x138800, s5  }
0xb: {  	s8 =	sshrl.u32 s6, $0x1;
	s7 =	sadd.s32 s7, s0;
	s0 =	sadd.s32 $0xEB000, s0  }
0xc: {  	s12 =	ssub.s32 s6, s8;
	s24 =	sadd.s32 $0xDB000, s7;
	s25 =	sshrl.u32 s9, $0x3  }
0xd: {  	s6 =	sadd.s32 $0x2E00, s7;
	s12 =	smax.u32 s12, $0x1;
	[dreg:$0x2] =	wrdreg s24  }
0xe: {  	s11 =	sadd.s32 s0, s25;
	s0 =	sadd.s32 s26, s0;
	s26 =	simm.s32 $0xF800  }
0xf: {  	s7 =	sadd.s32 $0x25800, s11;
	s8 =	sadd.s32 $0x25D00, s11;
	s9 =	sadd.s32 $0x26200, s11  }
0x10: {  	s10 =	sadd.s32 $0x26700, s11;
	s0 =	sadd.s32 s1, s0;
	s11 =	sadd.s32 $0x26C00, s11  }
0x11: {  	s1 =	simm.s32 $0x8;
	s13 =	sadd.s32 $0xF00, s0;
	s0 =	simm.s32 $0x7  }
.LBB2_1:
0x12: {  	s5 =	rddreg [dreg:$0x2]  }
0x13: {  	[tilespmem:s2], [sflag:$0x9] =	stream.linear.gather [hbm4b:s5+s2], $0x3E80, $0x38;
	[tilespmem:$0x12000] =	vst v63  }
0x14: {  	_ =	swait.ge [sflag:s14], $0x3E80  }
0x15: {  	[sflag:s14] =	ssyncset.done $0x0  }
0x16: {  	[sflag:s14] =	ssyncadd.s32 $0xFFFFC180  }
0x17: {  	[tilespmem:s15], [sflag:$0x9] =	stream.linear.gather [hbm4b:s6+s2], $0x3E80, $0x38;
	[tilespmem:$0x12000] =	vst v63  }
0x18: {  	_ =	swait.ge [sflag:s14], $0x3E80  }
0x19: {  	[sflag:s14] =	ssyncset.done $0x0  }
0x1a: {  	[sflag:s14] =	ssyncadd.s32 $0xFFFFC180  }
0x1b: {  	[tilespmem:s17], [sflag:$0x1] =	stream.indirect.gather [hbm4b:s3+s16], $0x80, s2, s16, $0xb8;
	[tilespmem:$0x12000] =	vst v63  }
0x1c: {  	s25 =	simm.s32 $0x80  }
0x1d: {  	[tilespmem:s19], [sflag:$0x2] =	stream.indirect.gather [hbm4b:s3+s16], $0x80, s25, s16, $0xb8;
	[tilespmem:$0x12000] =	vst v63  }
0x1e: {  	_ =	swait.ge [sflag:s20], $0x2800  }
0x1f: {  	[sflag:s20] =	ssyncset.done $0x0  }
0x20: {  	[sflag:s20] =	ssyncadd.s32 $0xFFFFD800  }
0x21: {  	[tilespmem:s17], [sflag:$0x5] =	stream.indirect.gather.add.f32 [hbm:s4], $0x80, s15, s16, $0xb8;
	[tilespmem:$0x12000] =	vst v63  }
0x22: {  	s21 =	simm.s32 $0x100  }
0x23: {  	[tilespmem:s22], [sflag:$0x3] =	stream.indirect.gather [hbm4b:s3+s16], $0x80, s21, s16, $0xb8;
	[tilespmem:$0x12000] =	vst v63  }
0x24: {  	_ =	swait.ge [sflag:s23], $0x2800  }
0x25: {  	[sflag:s23] =	ssyncset.done $0x0  }
0x26: {  	s24 =	simm.s32 $0x4080;
	[sflag:s23] =	ssyncadd.s32 $0xFFFFD800  }
0x27: {  	[tilespmem:s19], [sflag:$0x6] =	stream.indirect.gather.add.f32 [hbm:s4], $0x80, s24, s16, $0xb8;
	[tilespmem:$0x12000] =	vst v63  }
0x28: {  	s25 =	simm.s32 $0x180  }
0x29: {  	[tilespmem:s26], [sflag:$0x4] =	stream.indirect.gather [hbm4b:s3+s16], $0x80, s25, s16, $0xb8;
	[tilespmem:$0x12000] =	vst v63  }
0x2a: {  	_ =	swait.ge [sflag:s28], $0x2800  }
0x2b: {  	[sflag:s28] =	ssyncset.done $0x0  }
0x2c: {  	s21 =	sadd.s32 $0xFFFFF100, s13;
	[sflag:s28] =	ssyncadd.s32 $0xFFFFD800  }
0x2d: {  	[hbm4b:s21+s2] =	stream.linear.scatter [tilespmem:s17], [sflag:$0x9], $0x2800, $0x38;
	[tilespmem:$0x12000] =	vst v63  }
0x2e: {  	_ =	swait.ge [sflag:s14], $0x2800  }
0x2f: {  	[sflag:s14] =	ssyncset.done $0x0  }
0x30: {  	s5 =	simm.s32 $0x200;
	[sflag:s14] =	ssyncadd.s32 $0xFFFFD800  }
0x31: {  	[tilespmem:s17], [sflag:$0x1] =	stream.indirect.gather [hbm4b:s3+s16], $0x80, s5, s16, $0xb8;
	[tilespmem:$0x12000] =	vst v63  }
0x32: {  	_ =	swait.ge [sflag:s29], $0x2800  }
0x33: {  	[sflag:s29] =	ssyncset.done $0x0  }
0x34: {  	s24 =	simm.s32 $0x4100;
	[sflag:s29] =	ssyncadd.s32 $0xFFFFD800  }
0x35: {  	[tilespmem:s22], [sflag:$0x7] =	stream.indirect.gather.add.f32 [hbm:s4], $0x80, s24, s16, $0xb8;
	[tilespmem:$0x12000] =	vst v63  }
0x36: {  	_ =	swait.ge [sflag:s30], $0x2800  }
0x37: {  	[sflag:s30] =	ssyncset.done $0x0  }
0x38: {  	s25 =	sadd.s32 $0xFFFFF600, s13;
	[sflag:s30] =	ssyncadd.s32 $0xFFFFD800  }
0x39: {  	[hbm4b:s25+s2] =	stream.linear.scatter [tilespmem:s19], [sflag:$0x9], $0x2800, $0x38;
	[tilespmem:$0x12000] =	vst v63  }
0x3a: {  	_ =	swait.ge [sflag:s14], $0x2800  }
0x3b: {  	[sflag:s14] =	ssyncset.done $0x0  }
0x3c: {  	s5 =	simm.s32 $0x280;
	[sflag:s14] =	ssyncadd.s32 $0xFFFFD800  }
0x3d: {  	[tilespmem:s19], [sflag:$0x2] =	stream.indirect.gather [hbm4b:s3+s16], $0x80, s5, s16, $0xb8;
	[tilespmem:$0x12000] =	vst v63  }
0x3e: {  	_ =	swait.ge [sflag:s31], $0x2800  }
0x3f: {  	[sflag:s31] =	ssyncset.done $0x0  }
0x40: {  	s24 =	simm.s32 $0x4180;
	[sflag:s31] =	ssyncadd.s32 $0xFFFFD800  }
0x41: {  	[tilespmem:s26], [sflag:$0x8] =	stream.indirect.gather.add.f32 [hbm:s4], $0x80, s24, s16, $0xb8;
	[tilespmem:$0x12000] =	vst v63  }
0x42: {  	_ =	swait.ge [sflag:s0], $0x2800  }
0x43: {  	[sflag:s0] =	ssyncset.done $0x0  }
0x44: {  	s25 =	sadd.s32 $0xFFFFFB00, s13;
	[sflag:s0] =	ssyncadd.s32 $0xFFFFD800  }
0x45: {  	[hbm4b:s25+s2] =	stream.linear.scatter [tilespmem:s22], [sflag:$0x9], $0x2800, $0x38;
	[tilespmem:$0x12000] =	vst v63  }
0x46: {  	_ =	swait.ge [sflag:s14], $0x2800  }
0x47: {  	[sflag:s14] =	ssyncset.done $0x0  }
0x48: {  	s5 =	simm.s32 $0x300;
	[sflag:s14] =	ssyncadd.s32 $0xFFFFD800  }
0x49: {  	[tilespmem:s22], [sflag:$0x3] =	stream.indirect.gather [hbm4b:s3+s16], $0x80, s5, s16, $0xb8;
	[tilespmem:$0x12000] =	vst v63  }
0x4a: {  	_ =	swait.ge [sflag:s20], $0x2800  }
0x4b: {  	[sflag:s20] =	ssyncset.done $0x0  }
0x4c: {  	s24 =	simm.s32 $0x4200;
	[sflag:s20] =	ssyncadd.s32 $0xFFFFD800  }
0x4d: {  	[tilespmem:s17], [sflag:$0x5] =	stream.indirect.gather.add.f32 [hbm:s4], $0x80, s24, s16, $0xb8;
	[tilespmem:$0x12000] =	vst v63  }
0x4e: {  	_ =	swait.ge [sflag:s1], $0x2800  }
0x4f: {  	[sflag:s1] =	ssyncset.done $0x0  }
0x50: {  	[sflag:s1] =	ssyncadd.s32 $0xFFFFD800  }
0x51: {  	[hbm4b:s13+s2] =	stream.linear.scatter [tilespmem:s26], [sflag:$0x9], $0x2800, $0x38;
	[tilespmem:$0x12000] =	vst v63  }
0x52: {  	_ =	swait.ge [sflag:s14], $0x2800  }
0x53: {  	[sflag:s14] =	ssyncset.done $0x0  }
0x54: {  	s25 =	simm.s32 $0x380;
	[sflag:s14] =	ssyncadd.s32 $0xFFFFD800  }
0x55: {  	[tilespmem:s26], [sflag:$0x4] =	stream.indirect.gather [hbm4b:s3+s16], $0x80, s25, s16, $0xb8;
	[tilespmem:$0x12000] =	vst v63  }
0x56: {  	_ =	swait.ge [sflag:s23], $0x2800  }
0x57: {  	s21 =	simm.s32 $0x800;
	[sflag:s23] =	ssyncset.done $0x0  }
0x58: {  	s24 =	sadd.s32 $0x1400, s13;
	s25 =	simm.s32 $0x4280;
	[sflag:s23] =	ssyncadd.s32 $0xFFFFD800  }
.LBB2_2:
0x59: {  	[tilespmem:s19], [sflag:$0x6] =	stream.indirect.gather.add.f32 [hbm:s4], $0x80, s25, s16, $0xb8;
	[tilespmem:$0x12000] =	vst v63  }
0x5a: {  	s25 =	smov.u32 s21  }
0x5b: {  	p0 =	sne.s32 s21, $0xE800;
	s21 =	sadd.s32 $0x800, s21;
	_ =	swait.ge [sflag:s28], $0x2800  }
0x5c: {  	[sflag:s28] =	ssyncset.done $0x0  }
0x5d: {  	s5 =	sadd.s32 $0xFFFFF100, s24;
	[sflag:s28] =	ssyncadd.s32 $0xFFFFD800  }
0x5e: {  	[hbm4b:s5+s2] =	stream.linear.scatter [tilespmem:s17], [sflag:$0x9], $0x2800, $0x38;
	[tilespmem:$0x12000] =	vst v63  }
0x5f: {  	_ =	swait.ge [sflag:s14], $0x2800  }
0x60: {  	s25 =	sshra.s32 s25, $0x2;
	[sflag:s14] =	ssyncset.done $0x0  }
0x61: {  	s5 =	sadd.s32 $0x200, s25;
	[sflag:s14] =	ssyncadd.s32 $0xFFFFD800  }
0x62: {  	[tilespmem:s17], [sflag:$0x1] =	stream.indirect.gather [hbm4b:s3+s16], $0x80, s5, s16, $0xb8;
	[tilespmem:$0x12000] =	vst v63  }
0x63: {  	_ =	swait.ge [sflag:s29], $0x2800  }
0x64: {  	[sflag:s29] =	ssyncset.done $0x0  }
0x65: {  	s5 =	sadd.s32 $0x4100, s25;
	[sflag:s29] =	ssyncadd.s32 $0xFFFFD800  }
0x66: {  	[tilespmem:s22], [sflag:$0x7] =	stream.indirect.gather.add.f32 [hbm:s4], $0x80, s5, s16, $0xb8;
	[tilespmem:$0x12000] =	vst v63  }
0x67: {  	_ =	swait.ge [sflag:s30], $0x2800  }
0x68: {  	[sflag:s30] =	ssyncset.done $0x0  }
0x69: {  	s5 =	sadd.s32 $0xFFFFF600, s24;
	[sflag:s30] =	ssyncadd.s32 $0xFFFFD800  }
0x6a: {  	[hbm4b:s5+s2] =	stream.linear.scatter [tilespmem:s19], [sflag:$0x9], $0x2800, $0x38;
	[tilespmem:$0x12000] =	vst v63  }
0x6b: {  	_ =	swait.ge [sflag:s14], $0x2800  }
0x6c: {  	[sflag:s14] =	ssyncset.done $0x0  }
0x6d: {  	s5 =	sadd.s32 $0x280, s25;
	[sflag:s14] =	ssyncadd.s32 $0xFFFFD800  }
0x6e: {  	[tilespmem:s19], [sflag:$0x2] =	stream.indirect.gather [hbm4b:s3+s16], $0x80, s5, s16, $0xb8;
	[tilespmem:$0x12000] =	vst v63  }
0x6f: {  	_ =	swait.ge [sflag:s31], $0x2800  }
0x70: {  	[sflag:s31] =	ssyncset.done $0x0  }
0x71: {  	s5 =	sadd.s32 $0x4180, s25;
	[sflag:s31] =	ssyncadd.s32 $0xFFFFD800  }
0x72: {  	[tilespmem:s26], [sflag:$0x8] =	stream.indirect.gather.add.f32 [hbm:s4], $0x80, s5, s16, $0xb8;
	[tilespmem:$0x12000] =	vst v63  }
0x73: {  	_ =	swait.ge [sflag:s0], $0x2800  }
0x74: {  	[sflag:s0] =	ssyncset.done $0x0  }
0x75: {  	s5 =	sadd.s32 $0xFFFFFB00, s24;
	[sflag:s0] =	ssyncadd.s32 $0xFFFFD800  }
0x76: {  	[hbm4b:s5+s2] =	stream.linear.scatter [tilespmem:s22], [sflag:$0x9], $0x2800, $0x38;
	[tilespmem:$0x12000] =	vst v63  }
0x77: {  	_ =	swait.ge [sflag:s14], $0x2800  }
0x78: {  	[sflag:s14] =	ssyncset.done $0x0  }
0x79: {  	s5 =	sadd.s32 $0x300, s25;
	[sflag:s14] =	ssyncadd.s32 $0xFFFFD800  }
0x7a: {  	[tilespmem:s22], [sflag:$0x3] =	stream.indirect.gather [hbm4b:s3+s16], $0x80, s5, s16, $0xb8;
	[tilespmem:$0x12000] =	vst v63  }
0x7b: {  	_ =	swait.ge [sflag:s20], $0x2800  }
0x7c: {  	[sflag:s20] =	ssyncset.done $0x0  }
0x7d: {  	s5 =	sadd.s32 $0x4200, s25;
	[sflag:s20] =	ssyncadd.s32 $0xFFFFD800  }
0x7e: {  	[tilespmem:s17], [sflag:$0x5] =	stream.indirect.gather.add.f32 [hbm:s4], $0x80, s5, s16, $0xb8;
	[tilespmem:$0x12000] =	vst v63  }
0x7f: {  	_ =	swait.ge [sflag:s1], $0x2800  }
0x80: {  	[sflag:s1] =	ssyncset.done $0x0  }
0x81: {  	[sflag:s1] =	ssyncadd.s32 $0xFFFFD800  }
0x82: {  	[hbm4b:s24+s2] =	stream.linear.scatter [tilespmem:s26], [sflag:$0x9], $0x2800, $0x38;
	[tilespmem:$0x12000] =	vst v63  }
0x83: {  	_ =	swait.ge [sflag:s14], $0x2800  }
0x84: {  	[sflag:s14] =	ssyncset.done $0x0  }
.Ltmp0:
0x85: {  	s5 =	sadd.s32 $0x380, s25;
	[sflag:s14] =	ssyncadd.s32 $0xFFFFD800;
	(pc) =	sbr.rel @p0 .LBB2_2-.Ltmp0, $4  }
0x86: {  	[tilespmem:s26], [sflag:$0x4] =	stream.indirect.gather [hbm4b:s3+s16], $0x80, s5, s16, $0xb8;
	[tilespmem:$0x12000] =	vst v63  }
0x87: {  	_ =	swait.ge [sflag:s23], $0x2800  }
0x88: {  	[sflag:s23] =	ssyncset.done $0x0  }
0x89: {  	s25 =	sadd.s32 $0x4280, s25;
	s24 =	sadd.s32 $0x1400, s24;
	[sflag:s23] =	ssyncadd.s32 $0xFFFFD800  }
0x8a: {  	[tilespmem:s19], [sflag:$0x6] =	stream.indirect.gather.add.f32 [hbm:s4], $0x80, s25, s16, $0xb8;
	[tilespmem:$0x12000] =	vst v63  }
0x8b: {  	_ =	swait.ge [sflag:s28], $0x2800  }
0x8c: {  	[sflag:s28] =	ssyncset.done $0x0  }
0x8d: {  	[sflag:s28] =	ssyncadd.s32 $0xFFFFD800  }
0x8e: {  	[hbm4b:s7+s2] =	stream.linear.scatter [tilespmem:s17], [sflag:$0x9], $0x2800, $0x38;
	[tilespmem:$0x12000] =	vst v63  }
0x8f: {  	_ =	swait.ge [sflag:s14], $0x2800  }
0x90: {  	[sflag:s14] =	ssyncset.done $0x0  }
0x91: {  	s5 =	simm.s32 $0x3E00;
	[sflag:s14] =	ssyncadd.s32 $0xFFFFD800  }
0x92: {  	[tilespmem:s17], [sflag:$0x1] =	stream.indirect.gather [hbm4b:s3+s16], $0x80, s5, s16, $0xb8;
	[tilespmem:$0x12000] =	vst v63  }
0x93: {  	_ =	swait.ge [sflag:s29], $0x2800  }
0x94: {  	[sflag:s29] =	ssyncset.done $0x0  }
0x95: {  	s21 =	simm.s32 $0x7D00;
	[sflag:s29] =	ssyncadd.s32 $0xFFFFD800  }
0x96: {  	[tilespmem:s22], [sflag:$0x7] =	stream.indirect.gather.add.f32 [hbm:s4], $0x80, s21, s16, $0xb8;
	[tilespmem:$0x12000] =	vst v63  }
0x97: {  	_ =	swait.ge [sflag:s30], $0x2800  }
0x98: {  	[sflag:s30] =	ssyncset.done $0x0  }
0x99: {  	[sflag:s30] =	ssyncadd.s32 $0xFFFFD800  }
0x9a: {  	[hbm4b:s8+s2] =	stream.linear.scatter [tilespmem:s19], [sflag:$0x9], $0x2800, $0x38;
	[tilespmem:$0x12000] =	vst v63  }
0x9b: {  	_ =	swait.ge [sflag:s14], $0x2800  }
0x9c: {  	[sflag:s14] =	ssyncset.done $0x0  }
0x9d: {  	[sflag:s14] =	ssyncadd.s32 $0xFFFFD800  }
0x9e: {  	_ =	swait.ge [sflag:s31], $0x2800  }
0x9f: {  	[sflag:s31] =	ssyncset.done $0x0  }
0xa0: {  	s24 =	simm.s32 $0x7D80;
	[sflag:s31] =	ssyncadd.s32 $0xFFFFD800  }
0xa1: {  	[tilespmem:s26], [sflag:$0x8] =	stream.indirect.gather.add.f32 [hbm:s4], $0x80, s24, s16, $0xb8;
	[tilespmem:$0x12000] =	vst v63  }
0xa2: {  	_ =	swait.ge [sflag:s0], $0x2800  }
0xa3: {  	[sflag:s0] =	ssyncset.done $0x0  }
0xa4: {  	[sflag:s0] =	ssyncadd.s32 $0xFFFFD800  }
0xa5: {  	[hbm4b:s9+s2] =	stream.linear.scatter [tilespmem:s22], [sflag:$0x9], $0x2800, $0x38;
	[tilespmem:$0x12000] =	vst v63  }
0xa6: {  	_ =	swait.ge [sflag:s14], $0x2800  }
0xa7: {  	[sflag:s14] =	ssyncset.done $0x0  }
0xa8: {  	[sflag:s14] =	ssyncadd.s32 $0xFFFFD800  }
0xa9: {  	_ =	swait.ge [sflag:s20], $0x2800  }
0xaa: {  	[sflag:s20] =	ssyncset.done $0x0  }
0xab: {  	s25 =	simm.s32 $0x7E00;
	[sflag:s20] =	ssyncadd.s32 $0xFFFFD800  }
0xac: {  	[tilespmem:s17], [sflag:$0x5] =	stream.indirect.gather.add.f32 [hbm:s4], $0x80, s25, s16, $0xb8;
	[tilespmem:$0x12000] =	vst v63  }
0xad: {  	_ =	swait.ge [sflag:s1], $0x2800  }
0xae: {  	[sflag:s1] =	ssyncset.done $0x0  }
0xaf: {  	[sflag:s1] =	ssyncadd.s32 $0xFFFFD800  }
0xb0: {  	[hbm4b:s10+s2] =	stream.linear.scatter [tilespmem:s26], [sflag:$0x9], $0x2800, $0x38;
	[tilespmem:$0x12000] =	vst v63  }
0xb1: {  	_ =	swait.ge [sflag:s14], $0x2800  }
0xb2: {  	[sflag:s14] =	ssyncset.done $0x0  }
0xb3: {  	[sflag:s14] =	ssyncadd.s32 $0xFFFFD800  }
0xb4: {  	s18 =	sadd.s32 $0x1, s18;
	_ =	swait.ge [sflag:s28], $0x2800  }
0xb5: {  	p0 =	sne.s32 s18, s12;
	[sflag:s28] =	ssyncset.done $0x0  }
.Ltmp1:
0xb6: {  	[sflag:s28] =	ssyncadd.s32 $0xFFFFD800;
	(pc) =	sbr.rel @p0 .LBB2_1-.Ltmp1, $4  }
0xb7: {  	[hbm4b:s11+s2] =	stream.linear.scatter [tilespmem:s17], [sflag:$0x9], $0x2800, $0x38;
	[tilespmem:$0x12000] =	vst v63  }
0xb8: {  	_ =	swait.ge [sflag:s14], $0x2800  }
0xb9: {  	[sflag:s14] =	ssyncset.done $0x0  }
0xba: {  	[sflag:s14] =	ssyncadd.s32 $0xFFFFD800  }
0xbb: {  	_ =	sfence.sel $0x180000  }
0xbc: {  	[bflag:$0x0] =	sbarrier.arrive $0xFFFF  }
0xbd: {  	_ =	strace $0x90000050  }
0xbe: {  	s0 =	stileid.u32;
	[bflag:$0x2] =	sbarrier.arrive $0xFFFF  }
0xbf: {  	p0 =	sne.s32 s0, $0x0;
	s0 =	rddreg [dreg:$0x1]  }
0xc0: {  	s0 =	sadd.s32 @!p0 $0x100000, s0  }
0xc1: {  	[sflag:s0] =	ssyncadd.tile.s32 @!p0 $0x1;
	_ =	shalt  }
.Lfunc_end2:
_tile_overlayer_lowered:
.L_overlay_start_2:
0xc2: {  	(tag) =	ssettag $0x2  }
0xc3: {  	s0 =	rddreg [dreg:$0x0];
	s2 =	stileid.u32  }
0xc4: {  	s1 =	rddreg [dreg:$0x1];
	p0 =	sne.s32 s2, $0x0  }
0xc5: {  	s3 =	rddreg [dreg:$0x2];
	[bflag:$0x3] =	sbarrier.arrive $0xFFFF;
	s2 =	simm.s32 @!p0 $0x1C09  }
0xc6: {  	[timem:s3], [sflag:s2] =	dma.local @!p0 [hbm:s0], s1  }
0xc7: {  	s0 =	simm.s32 @!p0 $0x9  }
0xc8: {  	_ =	swait.ge @!p0 [sflag:s0], s1  }
0xc9: {  	s1 =	ssub.s32 @!p0 $0x0, s1;
	[sflag:s0] =	ssyncset.done @!p0 $0x0  }
0xca: {  	[sflag:s0] =	ssyncadd.s32 @!p0 s1  }
0xcb: {  	[bflag:$0x3] =	sbarrier.arrive $0xFFFF  }
0xcc: {  	_ =	shalt  }

</sc_bundles>
